<compile_context>
chip_gen: v7x
topology: tpu7x:2x2x1
jax: 0.10.2.dev20260603
libtpu: 0.0.44.dev20260713+nightly
codegen_flags: <defaults>
</compile_context>

<pallas_src>
import functools

import jax
import jax.numpy as jnp
from jax import lax
from jax.experimental import pallas as pl
from jax.experimental.pallas import tpu as pltpu
from jax.experimental.pallas import tpu_sc as plsc

N = 10000
D = 128
E = 320000

N_PAD = 10240
NC, NS = 2, 16
W = NC * NS
CH = 128
EPW = 10240
NCH = EPW // CH
E_PAD = W * EPW
RPT = N_PAD // NS
CHA = 64
NBUF = 4
NCHA = EPW // CHA

_mesh = plsc.VectorSubcoreMesh(core_axis_name="c", subcore_axis_name="s",
                               num_cores=NC, num_subcores=NS)


def _sc_agg_body(*refs):
    (g_hbm, pk_hbm, z_hbm,
     out_hbm,
     pk_v, acc_sh) = refs[:6]
    srcs = refs[6:6 + NBUF]
    dsts = refs[6 + NBUF:6 + 2 * NBUF]
    rows = refs[6 + 2 * NBUF:6 + 3 * NBUF]
    sems = refs[6 + 3 * NBUF:6 + 4 * NBUF]

    cc = lax.axis_index("c")
    ss = lax.axis_index("s")
    wid = cc * NS + ss
    r0 = ss * RPT

    pltpu.sync_copy(z_hbm, acc_sh.at[pl.ds(r0, RPT)])
    pltpu.sync_copy(pk_hbm.at[wid], pk_v)

    bufs = tuple(zip(srcs, dsts, rows, sems))

    def unpack(c, src_c, dst_c):
        for k in range(CHA // 16):
            v = pk_v[pl.ds(c * CHA + k * 16, 16)]
            src_c[pl.ds(k * 16, 16)] = v & 16383
            dst_c[0, pl.ds(k * 16, 16)] = v >> 14

    for b, (src_c, dst_c, rows_v, sem) in enumerate(bufs):
        unpack(b, src_c, dst_c)
        pltpu.async_copy(g_hbm.at[src_c], rows_v, sem)
    plsc.subcore_barrier()

    def chunk(j, carry):
        for b, (src_c, dst_c, rows_v, sem) in enumerate(bufs):
            c = NBUF * j + b
            pltpu.make_async_copy(g_hbm.at[src_c], rows_v, sem).wait()
            pltpu.sync_copy(rows_v, acc_sh.at[dst_c.at[0]], add=True)
            nxt = c + NBUF

            @pl.when(nxt < NCHA)
            def _():
                unpack(nxt, src_c, dst_c)
                pltpu.async_copy(g_hbm.at[src_c], rows_v, sem)
        return carry

    lax.fori_loop(0, NCHA // NBUF, chunk, 0)
    plsc.subcore_barrier()

    pltpu.sync_copy(acc_sh.at[pl.ds(r0, RPT)],
                    out_hbm.at[cc, pl.ds(r0, RPT)])


def _sc_cnt_body(*refs):
    (pk_hbm, z_hbm, ones_hbm,
     cnt_hbm,
     pk_v, dst_v, ones_v, cnt_sh) = refs

    cc = lax.axis_index("c")
    ss = lax.axis_index("s")
    wid = cc * NS + ss
    r0 = ss * RPT

    pltpu.sync_copy(z_hbm, cnt_sh.at[pl.ds(r0, RPT)])
    pltpu.sync_copy(pk_hbm.at[wid], pk_v)
    pltpu.sync_copy(ones_hbm, ones_v)

    def unpack(i, carry):
        for k in range(CH // 16):
            v = pk_v[pl.ds(i * CH + k * 16, 16)]
            dst_v[i, pl.ds(k * 16, 16)] = v >> 14
        return carry

    lax.fori_loop(0, NCH, unpack, 0)
    plsc.subcore_barrier()

    def chunk(i, carry):
        pltpu.sync_copy(ones_v, cnt_sh.at[dst_v.at[i]], add=True)
        return carry

    lax.fori_loop(0, NCH, chunk, 0)
    plsc.subcore_barrier()
    pltpu.sync_copy(cnt_sh.at[pl.ds(r0, RPT)],
                    cnt_hbm.at[cc, pl.ds(r0, RPT)])


_sc_cnt = pl.kernel(
    _sc_cnt_body,
    out_type=jax.ShapeDtypeStruct((NC, N_PAD, D), jnp.float32),
    mesh=_mesh,
    scratch_types=[
        pltpu.VMEM((EPW,), jnp.int32),
        pltpu.VMEM((NCH, CH), jnp.int32),
        pltpu.VMEM((CH, D), jnp.float32),
        pltpu.VMEM_SHARED((N_PAD, D), jnp.float32),
    ],
)

_sc_agg = pl.kernel(
    _sc_agg_body,
    out_type=jax.ShapeDtypeStruct((NC, N_PAD, D), jnp.float32),
    mesh=_mesh,
    scratch_types=(
        [pltpu.VMEM((EPW,), jnp.int32),
         pltpu.VMEM_SHARED((N_PAD, D), jnp.float32)]
        + [pltpu.VMEM((CHA,), jnp.int32)] * NBUF
        + [pltpu.VMEM((1, CHA), jnp.int32)] * NBUF
        + [pltpu.VMEM((CHA, D), jnp.float32)] * NBUF
        + [pltpu.SemaphoreType.DMA] * NBUF
    ),
)



BM = 1024
GRID = N_PAD // BM


def _tc_pre_body(x_ref, wl_ref, wr_ref, b_ref, g_ref, r_ref):
    h = x_ref[...]
    g_ref[...] = jnp.dot(h, wl_ref[...], preferred_element_type=jnp.float32)
    r_ref[...] = (jnp.dot(h, wr_ref[...], preferred_element_type=jnp.float32)
                  + b_ref[...])


def _tc_mid_body(s_ref, cnt_ref, rp_ref, wl_ref, wr_ref, b_ref, g_ref, r_ref):
    s = s_ref[0] + s_ref[1]
    c = cnt_ref[0] + cnt_ref[1]
    inv = 1.0 / jnp.maximum(c, 1.0)
    h = jnp.maximum(s * inv[:, None] + rp_ref[...], 0.0)
    g_ref[...] = jnp.dot(h, wl_ref[...], preferred_element_type=jnp.float32)
    r_ref[...] = (jnp.dot(h, wr_ref[...], preferred_element_type=jnp.float32)
                  + b_ref[...])


def _tc_fin_body(s_ref, cnt_ref, rp_ref, wlin_ref, blin_ref, o_ref):
    s = s_ref[0] + s_ref[1]
    c = cnt_ref[0] + cnt_ref[1]
    inv = 1.0 / jnp.maximum(c, 1.0)
    h = jnp.maximum(s * inv[:, None] + rp_ref[...], 0.0)
    o_ref[...] = (jnp.dot(h, wlin_ref[...], preferred_element_type=jnp.float32)
                  + blin_ref[...])


_w_spec = pl.BlockSpec((D, D), lambda i: (0, 0))
_b_spec = pl.BlockSpec((1, D), lambda i: (0, 0))
_row_spec = pl.BlockSpec((BM, D), lambda i: (i, 0))
_s_spec = pl.BlockSpec((NC, BM, D), lambda i: (0, i, 0))
_c_spec = pl.BlockSpec((NC, BM), lambda i: (0, i))

_tc_pre = pl.pallas_call(
    _tc_pre_body,
    grid=(GRID,),
    in_specs=[_row_spec, _w_spec, _w_spec, _b_spec],
    out_specs=[_row_spec, _row_spec],
    out_shape=[jax.ShapeDtypeStruct((N_PAD, D), jnp.float32)] * 2,
)

_tc_mid = pl.pallas_call(
    _tc_mid_body,
    grid=(GRID,),
    in_specs=[_s_spec, _c_spec, _row_spec, _w_spec, _w_spec, _b_spec],
    out_specs=[_row_spec, _row_spec],
    out_shape=[jax.ShapeDtypeStruct((N_PAD, D), jnp.float32)] * 2,
)

_tc_fin = pl.pallas_call(
    _tc_fin_body,
    grid=(GRID,),
    in_specs=[_s_spec, _c_spec, _row_spec, _w_spec, _b_spec],
    out_specs=_row_spec,
    out_shape=jax.ShapeDtypeStruct((N_PAD, D), jnp.float32),
)


def kernel(x, edge_index, Wl0, Wr0, b0, Wl1, Wr1, b1, Wl2, Wr2, b2,
           Wlin, blin):
    x_p = jnp.pad(x, ((0, N_PAD - N), (0, 0)))
    fill = N + jnp.arange(E_PAD - E, dtype=jnp.int32) % (N_PAD - N)
    src = jnp.concatenate([edge_index[0], fill])
    dst = jnp.concatenate([edge_index[1], fill])
    pk = (src | (dst << 14)).reshape(W, EPW)

    zeros = jnp.zeros((RPT, D), jnp.float32)
    ones = jnp.ones((CH, D), jnp.float32)

    g0, r0 = _tc_pre(x_p, Wl0, Wr0, b0.reshape(1, D))
    cnt128 = _sc_cnt(pk, zeros, ones)
    s0 = _sc_agg(g0, pk, zeros)
    cnt = cnt128[:, :, 0]
    g1, r1 = _tc_mid(s0, cnt, r0, Wl1, Wr1, b1.reshape(1, D))
    s1 = _sc_agg(g1, pk, zeros)
    g2, r2 = _tc_mid(s1, cnt, r1, Wl2, Wr2, b2.reshape(1, D))
    s2 = _sc_agg(g2, pk, zeros)
    out = _tc_fin(s2, cnt, r2, Wlin, blin.reshape(1, D))
    return out[:N]

# --- scband reference (transcript-rebuilt; emitter-appended) ---
"""Pipeline reference for scband-graph-sage-17944373363178 (READ-ONLY COPY).

The authoritative reference and input builder live on the scoring server;
editing this copy changes nothing except your own understanding.
"""

import jax, jax.numpy as jnp
import numpy as np

N = 10000
E = 320000
D_IN = 128
D_H = 128
D_OUT = 128
K = 2  # number of extra hidden SAGE layers (total convs = K + 1)


def setup_inputs(seed: int = 0) -> dict:
    key = jax.random.key(seed)
    ks = jax.random.split(key, 2 + 3 * (K + 1) + 2)
    inp = {}
    inp["x"] = jax.random.normal(ks[0], (N, D_IN), dtype=jnp.float32)
    inp["edge_index"] = jax.random.randint(ks[1], (2, E), 0, N, dtype=jnp.int32)
    dims = [(D_IN, D_H)] + [(D_H, D_H)] * K
    j = 2
    for i, (di, do) in enumerate(dims):
        inp[f"Wl{i}"] = jax.random.normal(ks[j], (di, do), dtype=jnp.float32) * 0.05; j += 1
        inp[f"Wr{i}"] = jax.random.normal(ks[j], (di, do), dtype=jnp.float32) * 0.05; j += 1
        inp[f"b{i}"] = jnp.zeros((do,), dtype=jnp.float32); j += 1
    inp["Wlin"] = jax.random.normal(ks[j], (D_H, D_OUT), dtype=jnp.float32) * 0.05; j += 1
    inp["blin"] = jnp.zeros((D_OUT,), dtype=jnp.float32)
    return inp


def _sage_conv(x, edge_index, Wl, Wr, b):
    # PyG SAGEConv(aggr='mean'): out = lin_l(mean_{j in N(i)} x_j) + lin_r(x_i)
    src = edge_index[0]
    dst = edge_index[1]
    msg = x[src]  # gather source node features per edge
    agg = jax.ops.segment_sum(msg, dst, num_segments=x.shape[0])
    cnt = jax.ops.segment_sum(jnp.ones((edge_index.shape[1],), x.dtype), dst, num_segments=x.shape[0])
    mean = agg / jnp.maximum(cnt, 1.0)[:, None]
    return mean @ Wl + x @ Wr + b


def reference(x, edge_index, Wl0, Wr0, b0, Wl1, Wr1, b1, Wl2, Wr2, b2, Wlin, blin):
    h = x
    for (Wl, Wr, b) in ((Wl0, Wr0, b0), (Wl1, Wr1, b1), (Wl2, Wr2, b2)):
        h = jax.nn.relu(_sage_conv(h, edge_index, Wl, Wr, b))
    return h @ Wlin + blin

if __name__ == "__main__":
    import jax
    _d = setup_inputs()
    print(jax.jit(kernel)(*tuple(_d.values())))

</pallas_src>

<mosaic_0001>
#map = affine_map<(d0, d1) -> (0, 0)>
#map1 = affine_map<(d0, d1) -> (0, 0, 0)>
module attributes {stable_mosaic.version = 14 : i64} {
  func.func @_sc_cnt_body(%arg0: i32, %arg1: i32, %arg2: memref<32x10240xi32, #tpu.memory_space<hbm>>, %arg3: memref<640x128xf32, #tpu.memory_space<hbm>>, %arg4: memref<128x128xf32, #tpu.memory_space<hbm>>, %arg5: memref<2x10240x128xf32, #tpu.memory_space<hbm>>, %arg6: memref<10240xi32, #tpu.memory_space<vmem>>, %arg7: memref<80x128xi32, #tpu.memory_space<vmem>>, %arg8: memref<128x128xf32, #tpu.memory_space<vmem>>, %arg9: memref<10240x128xf32, #tpu.memory_space<vmem_shared>>) attributes {dimension_semantics = [#tpu.dimension_semantics<core_parallel>, #tpu.dimension_semantics<subcore_parallel>], iteration_bounds = array<i64: 2, 16>, scalar_prefetch = 0 : i64, scratch_operands = 4 : i64, tpu.core_type = #tpu.core_type<sc_vector_subcore>, window_params = [{transform_indices = #map}, {transform_indices = #map}, {transform_indices = #map}, {transform_indices = #map1}]} {
    %mul3A = arith.constant 16 : i32
    %mul3A_0 = arith.muli %arg0, %mul3A : i32
    %add3A = arith.addi %mul3A_0, %arg1 : i32
    %mul3A_1 = arith.constant 640 : i32
    %mul3A_2 = arith.muli %arg1, %mul3A_1 : i32
    "tpu.region"() ({
      %run_scoped3A = tpu.sem_alloc : memref<!tpu.dma_semaphore, #tpu.memory_space<semaphore_mem>>
      %dma_start3A = arith.constant 0 : i32
      %dma_start3A_15 = tpu.memref_slice %arg9[%mul3A_2, %dma_start3A] : memref<10240x128xf32, #tpu.memory_space<vmem_shared>> -> memref<640x128xf32, #tpu.memory_space<vmem_shared>>
      tpu.enqueue_dma source(%arg3 : memref<640x128xf32, #tpu.memory_space<hbm>>) target(%dma_start3A_15 : memref<640x128xf32, #tpu.memory_space<vmem_shared>>) target_semaphore(%run_scoped3A : memref<!tpu.dma_semaphore, #tpu.memory_space<semaphore_mem>>)
      %dma_wait3A = arith.constant 0 : i32
      %dma_wait3A_16 = tpu.memref_slice %arg9[%mul3A_2, %dma_wait3A] : memref<10240x128xf32, #tpu.memory_space<vmem_shared>> -> memref<640x128xf32, #tpu.memory_space<vmem_shared>>
      tpu.wait_dma2 semaphore(%run_scoped3A : memref<!tpu.dma_semaphore, #tpu.memory_space<semaphore_mem>>) src(%arg3 : memref<640x128xf32, #tpu.memory_space<hbm>>) dst(%dma_wait3A_16 : memref<640x128xf32, #tpu.memory_space<vmem_shared>>)
      tpu.yield
    }) : () -> ()
    "tpu.region"() ({
      %run_scoped3A = tpu.sem_alloc : memref<!tpu.dma_semaphore, #tpu.memory_space<semaphore_mem>>
      %dma_start3A = arith.constant 0 : i32
      %dma_start3A_15 = tpu.memref_slice %arg2[%add3A, %dma_start3A] : memref<32x10240xi32, #tpu.memory_space<hbm>> -> memref<1x10240xi32, #tpu.memory_space<hbm>>
      %dma_start3A_16 = tpu.memref_squeeze %dma_start3A_15 : memref<1x10240xi32, #tpu.memory_space<hbm>> -> memref<10240xi32, #tpu.memory_space<hbm>>
      %dma_start3A_17 = arith.constant 0 : i32
      %dma_start3A_18 = tpu.memref_slice %arg2[%add3A, %dma_start3A_17] : memref<32x10240xi32, #tpu.memory_space<hbm>> -> memref<1x10240xi32, #tpu.memory_space<hbm>>
      %dma_start3A_19 = tpu.memref_squeeze %dma_start3A_18 : memref<1x10240xi32, #tpu.memory_space<hbm>> -> memref<10240xi32, #tpu.memory_space<hbm>>
      tpu.enqueue_dma source(%dma_start3A_19 : memref<10240xi32, #tpu.memory_space<hbm>>) target(%arg6 : memref<10240xi32, #tpu.memory_space<vmem>>) target_semaphore(%run_scoped3A : memref<!tpu.dma_semaphore, #tpu.memory_space<semaphore_mem>>)
      %dma_wait3A = arith.constant 0 : i32
      %dma_wait3A_20 = tpu.memref_slice %arg2[%add3A, %dma_wait3A] : memref<32x10240xi32, #tpu.memory_space<hbm>> -> memref<1x10240xi32, #tpu.memory_space<hbm>>
      %dma_wait3A_21 = tpu.memref_squeeze %dma_wait3A_20 : memref<1x10240xi32, #tpu.memory_space<hbm>> -> memref<10240xi32, #tpu.memory_space<hbm>>
      %dma_wait3A_22 = arith.constant 0 : i32
      %dma_wait3A_23 = tpu.memref_slice %arg2[%add3A, %dma_wait3A_22] : memref<32x10240xi32, #tpu.memory_space<hbm>> -> memref<1x10240xi32, #tpu.memory_space<hbm>>
      %dma_wait3A_24 = tpu.memref_squeeze %dma_wait3A_23 : memref<1x10240xi32, #tpu.memory_space<hbm>> -> memref<10240xi32, #tpu.memory_space<hbm>>
      tpu.wait_dma2 semaphore(%run_scoped3A : memref<!tpu.dma_semaphore, #tpu.memory_space<semaphore_mem>>) src(%dma_wait3A_24 : memref<10240xi32, #tpu.memory_space<hbm>>) dst(%arg6 : memref<10240xi32, #tpu.memory_space<vmem>>)
      tpu.yield
    }) : () -> ()
    "tpu.region"() ({
      %run_scoped3A = tpu.sem_alloc : memref<!tpu.dma_semaphore, #tpu.memory_space<semaphore_mem>>
      tpu.enqueue_dma source(%arg4 : memref<128x128xf32, #tpu.memory_space<hbm>>) target(%arg8 : memref<128x128xf32, #tpu.memory_space<vmem>>) target_semaphore(%run_scoped3A : memref<!tpu.dma_semaphore, #tpu.memory_space<semaphore_mem>>)
      tpu.wait_dma2 semaphore(%run_scoped3A : memref<!tpu.dma_semaphore, #tpu.memory_space<semaphore_mem>>) src(%arg4 : memref<128x128xf32, #tpu.memory_space<hbm>>) dst(%arg8 : memref<128x128xf32, #tpu.memory_space<vmem>>)
      tpu.yield
    }) : () -> ()
    %scan3A = arith.constant 0 : i32
    %scan3A_3 = arith.constant 0 : i32
    %scan3A_4 = arith.constant 80 : i32
    %scan3A_5 = arith.addi %scan3A_3, %scan3A_4 : i32
    %scan3A_6 = arith.constant 1 : i32
    scf.for %scan3A_15 = %scan3A_3 to %scan3A_5 step %scan3A_6  : i32 {
      %mul3A_16 = arith.constant 128 : i32
      %mul3A_17 = arith.muli %scan3A_15, %mul3A_16 : i32
      %add3A_18 = arith.constant 0 : i32
      %add3A_19 = arith.addi %mul3A_17, %add3A_18 : i32
      %get3A = arith.index_cast %add3A_19 : i32 to index
      %get3A_20 = tpu.vector_load %arg6[%get3A] {strides = array<i32>} : memref<10240xi32, #tpu.memory_space<vmem>>, vector<16xi32>,
      %get3A_21 = vector.shape_cast %get3A_20 : vector<16xi32> to vector<16xi32>
      %shift_right_arithmetic3A = arith.constant 14 : i32
      %shift_right_arithmetic3A_22 = vector.broadcast %shift_right_arithmetic3A : i32 to vector<16xi32>
      %shift_right_arithmetic3A_23 = arith.shrsi %get3A_21, %shift_right_arithmetic3A_22 : vector<16xi32>
      %swap3A = arith.index_cast %scan3A_15 : i32 to index
      %swap3A_24 = arith.constant 0 : index
      %swap3A_25 = tpu.vector_load %arg7[%swap3A, %swap3A_24] {strides = array<i32>} : memref<80x128xi32, #tpu.memory_space<vmem>>, vector<1x16xi32>,
      %swap3A_26 = vector.shape_cast %swap3A_25 : vector<1x16xi32> to vector<16xi32>
      %swap3A_27 = vector.shape_cast %shift_right_arithmetic3A_23 : vector<16xi32> to vector<1x16xi32>
      tpu.vector_store %arg7[%swap3A, %swap3A_24], %swap3A_27 {strides = array<i32>} : memref<80x128xi32, #tpu.memory_space<vmem>>, vector<1x16xi32>,
      %mul3A_28 = arith.constant 128 : i32
      %mul3A_29 = arith.muli %scan3A_15, %mul3A_28 : i32
      %add3A_30 = arith.constant 16 : i32
      %add3A_31 = arith.addi %mul3A_29, %add3A_30 : i32
      %get3A_32 = arith.index_cast %add3A_31 : i32 to index
      %get3A_33 = tpu.vector_load %arg6[%get3A_32] {strides = array<i32>} : memref<10240xi32, #tpu.memory_space<vmem>>, vector<16xi32>,
      %get3A_34 = vector.shape_cast %get3A_33 : vector<16xi32> to vector<16xi32>
      %shift_right_arithmetic3A_35 = arith.constant 14 : i32
      %shift_right_arithmetic3A_36 = vector.broadcast %shift_right_arithmetic3A_35 : i32 to vector<16xi32>
      %shift_right_arithmetic3A_37 = arith.shrsi %get3A_34, %shift_right_arithmetic3A_36 : vector<16xi32>
      %swap3A_38 = arith.index_cast %scan3A_15 : i32 to index
      %swap3A_39 = arith.constant 16 : index
      %swap3A_40 = tpu.vector_load %arg7[%swap3A_38, %swap3A_39] {strides = array<i32>} : memref<80x128xi32, #tpu.memory_space<vmem>>, vector<1x16xi32>,
      %swap3A_41 = vector.shape_cast %swap3A_40 : vector<1x16xi32> to vector<16xi32>
      %swap3A_42 = vector.shape_cast %shift_right_arithmetic3A_37 : vector<16xi32> to vector<1x16xi32>
      tpu.vector_store %arg7[%swap3A_38, %swap3A_39], %swap3A_42 {strides = array<i32>} : memref<80x128xi32, #tpu.memory_space<vmem>>, vector<1x16xi32>,
      %mul3A_43 = arith.constant 128 : i32
      %mul3A_44 = arith.muli %scan3A_15, %mul3A_43 : i32
      %add3A_45 = arith.constant 32 : i32
      %add3A_46 = arith.addi %mul3A_44, %add3A_45 : i32
      %get3A_47 = arith.index_cast %add3A_46 : i32 to index
      %get3A_48 = tpu.vector_load %arg6[%get3A_47] {strides = array<i32>} : memref<10240xi32, #tpu.memory_space<vmem>>, vector<16xi32>,
      %get3A_49 = vector.shape_cast %get3A_48 : vector<16xi32> to vector<16xi32>
      %shift_right_arithmetic3A_50 = arith.constant 14 : i32
      %shift_right_arithmetic3A_51 = vector.broadcast %shift_right_arithmetic3A_50 : i32 to vector<16xi32>
      %shift_right_arithmetic3A_52 = arith.shrsi %get3A_49, %shift_right_arithmetic3A_51 : vector<16xi32>
      %swap3A_53 = arith.index_cast %scan3A_15 : i32 to index
      %swap3A_54 = arith.constant 32 : index
      %swap3A_55 = tpu.vector_load %arg7[%swap3A_53, %swap3A_54] {strides = array<i32>} : memref<80x128xi32, #tpu.memory_space<vmem>>, vector<1x16xi32>,
      %swap3A_56 = vector.shape_cast %swap3A_55 : vector<1x16xi32> to vector<16xi32>
      %swap3A_57 = vector.shape_cast %shift_right_arithmetic3A_52 : vector<16xi32> to vector<1x16xi32>
      tpu.vector_store %arg7[%swap3A_53, %swap3A_54], %swap3A_57 {strides = array<i32>} : memref<80x128xi32, #tpu.memory_space<vmem>>, vector<1x16xi32>,
      %mul3A_58 = arith.constant 128 : i32
      %mul3A_59 = arith.muli %scan3A_15, %mul3A_58 : i32
      %add3A_60 = arith.constant 48 : i32
      %add3A_61 = arith.addi %mul3A_59, %add3A_60 : i32
      %get3A_62 = arith.index_cast %add3A_61 : i32 to index
      %get3A_63 = tpu.vector_load %arg6[%get3A_62] {strides = array<i32>} : memref<10240xi32, #tpu.memory_space<vmem>>, vector<16xi32>,
      %get3A_64 = vector.shape_cast %get3A_63 : vector<16xi32> to vector<16xi32>
      %shift_right_arithmetic3A_65 = arith.constant 14 : i32
      %shift_right_arithmetic3A_66 = vector.broadcast %shift_right_arithmetic3A_65 : i32 to vector<16xi32>
      %shift_right_arithmetic3A_67 = arith.shrsi %get3A_64, %shift_right_arithmetic3A_66 : vector<16xi32>
      %swap3A_68 = arith.index_cast %scan3A_15 : i32 to index
      %swap3A_69 = arith.constant 48 : index
      %swap3A_70 = tpu.vector_load %arg7[%swap3A_68, %swap3A_69] {strides = array<i32>} : memref<80x128xi32, #tpu.memory_space<vmem>>, vector<1x16xi32>,
      %swap3A_71 = vector.shape_cast %swap3A_70 : vector<1x16xi32> to vector<16xi32>
      %swap3A_72 = vector.shape_cast %shift_right_arithmetic3A_67 : vector<16xi32> to vector<1x16xi32>
      tpu.vector_store %arg7[%swap3A_68, %swap3A_69], %swap3A_72 {strides = array<i32>} : memref<80x128xi32, #tpu.memory_space<vmem>>, vector<1x16xi32>,
      %mul3A_73 = arith.constant 128 : i32
      %mul3A_74 = arith.muli %scan3A_15, %mul3A_73 : i32
      %add3A_75 = arith.constant 64 : i32
      %add3A_76 = arith.addi %mul3A_74, %add3A_75 : i32
      %get3A_77 = arith.index_cast %add3A_76 : i32 to index
      %get3A_78 = tpu.vector_load %arg6[%get3A_77] {strides = array<i32>} : memref<10240xi32, #tpu.memory_space<vmem>>, vector<16xi32>,
      %get3A_79 = vector.shape_cast %get3A_78 : vector<16xi32> to vector<16xi32>
      %shift_right_arithmetic3A_80 = arith.constant 14 : i32
      %shift_right_arithmetic3A_81 = vector.broadcast %shift_right_arithmetic3A_80 : i32 to vector<16xi32>
      %shift_right_arithmetic3A_82 = arith.shrsi %get3A_79, %shift_right_arithmetic3A_81 : vector<16xi32>
      %swap3A_83 = arith.index_cast %scan3A_15 : i32 to index
      %swap3A_84 = arith.constant 64 : index
      %swap3A_85 = tpu.vector_load %arg7[%swap3A_83, %swap3A_84] {strides = array<i32>} : memref<80x128xi32, #tpu.memory_space<vmem>>, vector<1x16xi32>,
      %swap3A_86 = vector.shape_cast %swap3A_85 : vector<1x16xi32> to vector<16xi32>
      %swap3A_87 = vector.shape_cast %shift_right_arithmetic3A_82 : vector<16xi32> to vector<1x16xi32>
      tpu.vector_store %arg7[%swap3A_83, %swap3A_84], %swap3A_87 {strides = array<i32>} : memref<80x128xi32, #tpu.memory_space<vmem>>, vector<1x16xi32>,
      %mul3A_88 = arith.constant 128 : i32
      %mul3A_89 = arith.muli %scan3A_15, %mul3A_88 : i32
      %add3A_90 = arith.constant 80 : i32
      %add3A_91 = arith.addi %mul3A_89, %add3A_90 : i32
      %get3A_92 = arith.index_cast %add3A_91 : i32 to index
      %get3A_93 = tpu.vector_load %arg6[%get3A_92] {strides = array<i32>} : memref<10240xi32, #tpu.memory_space<vmem>>, vector<16xi32>,
      %get3A_94 = vector.shape_cast %get3A_93 : vector<16xi32> to vector<16xi32>
      %shift_right_arithmetic3A_95 = arith.constant 14 : i32
      %shift_right_arithmetic3A_96 = vector.broadcast %shift_right_arithmetic3A_95 : i32 to vector<16xi32>
      %shift_right_arithmetic3A_97 = arith.shrsi %get3A_94, %shift_right_arithmetic3A_96 : vector<16xi32>
      %swap3A_98 = arith.index_cast %scan3A_15 : i32 to index
      %swap3A_99 = arith.constant 80 : index
      %swap3A_100 = tpu.vector_load %arg7[%swap3A_98, %swap3A_99] {strides = array<i32>} : memref<80x128xi32, #tpu.memory_space<vmem>>, vector<1x16xi32>,
      %swap3A_101 = vector.shape_cast %swap3A_100 : vector<1x16xi32> to vector<16xi32>
      %swap3A_102 = vector.shape_cast %shift_right_arithmetic3A_97 : vector<16xi32> to vector<1x16xi32>
      tpu.vector_store %arg7[%swap3A_98, %swap3A_99], %swap3A_102 {strides = array<i32>} : memref<80x128xi32, #tpu.memory_space<vmem>>, vector<1x16xi32>,
      %mul3A_103 = arith.constant 128 : i32
      %mul3A_104 = arith.muli %scan3A_15, %mul3A_103 : i32
      %add3A_105 = arith.constant 96 : i32
      %add3A_106 = arith.addi %mul3A_104, %add3A_105 : i32
      %get3A_107 = arith.index_cast %add3A_106 : i32 to index
      %get3A_108 = tpu.vector_load %arg6[%get3A_107] {strides = array<i32>} : memref<10240xi32, #tpu.memory_space<vmem>>, vector<16xi32>,
      %get3A_109 = vector.shape_cast %get3A_108 : vector<16xi32> to vector<16xi32>
      %shift_right_arithmetic3A_110 = arith.constant 14 : i32
      %shift_right_arithmetic3A_111 = vector.broadcast %shift_right_arithmetic3A_110 : i32 to vector<16xi32>
      %shift_right_arithmetic3A_112 = arith.shrsi %get3A_109, %shift_right_arithmetic3A_111 : vector<16xi32>
      %swap3A_113 = arith.index_cast %scan3A_15 : i32 to index
      %swap3A_114 = arith.constant 96 : index
      %swap3A_115 = tpu.vector_load %arg7[%swap3A_113, %swap3A_114] {strides = array<i32>} : memref<80x128xi32, #tpu.memory_space<vmem>>, vector<1x16xi32>,
      %swap3A_116 = vector.shape_cast %swap3A_115 : vector<1x16xi32> to vector<16xi32>
      %swap3A_117 = vector.shape_cast %shift_right_arithmetic3A_112 : vector<16xi32> to vector<1x16xi32>
      tpu.vector_store %arg7[%swap3A_113, %swap3A_114], %swap3A_117 {strides = array<i32>} : memref<80x128xi32, #tpu.memory_space<vmem>>, vector<1x16xi32>,
      %mul3A_118 = arith.constant 128 : i32
      %mul3A_119 = arith.muli %scan3A_15, %mul3A_118 : i32
      %add3A_120 = arith.constant 112 : i32
      %add3A_121 = arith.addi %mul3A_119, %add3A_120 : i32
      %get3A_122 = arith.index_cast %add3A_121 : i32 to index
      %get3A_123 = tpu.vector_load %arg6[%get3A_122] {strides = array<i32>} : memref<10240xi32, #tpu.memory_space<vmem>>, vector<16xi32>,
      %get3A_124 = vector.shape_cast %get3A_123 : vector<16xi32> to vector<16xi32>
      %shift_right_arithmetic3A_125 = arith.constant 14 : i32
      %shift_right_arithmetic3A_126 = vector.broadcast %shift_right_arithmetic3A_125 : i32 to vector<16xi32>
      %shift_right_arithmetic3A_127 = arith.shrsi %get3A_124, %shift_right_arithmetic3A_126 : vector<16xi32>
      %swap3A_128 = arith.index_cast %scan3A_15 : i32 to index
      %swap3A_129 = arith.constant 112 : index
      %swap3A_130 = tpu.vector_load %arg7[%swap3A_128, %swap3A_129] {strides = array<i32>} : memref<80x128xi32, #tpu.memory_space<vmem>>, vector<1x16xi32>,
      %swap3A_131 = vector.shape_cast %swap3A_130 : vector<1x16xi32> to vector<16xi32>
      %swap3A_132 = vector.shape_cast %shift_right_arithmetic3A_127 : vector<16xi32> to vector<1x16xi32>
      tpu.vector_store %arg7[%swap3A_128, %swap3A_129], %swap3A_132 {strides = array<i32>} : memref<80x128xi32, #tpu.memory_space<vmem>>, vector<1x16xi32>,
    }
    %scan3A_7 = arith.constant 80 : i32
    %barrier3A = arith.constant 0 : index
    tpu.barrier barrier_id(%barrier3A)
    %scan3A_8 = arith.constant 0 : i32
    %scan3A_9 = arith.constant 0 : i32
    %scan3A_10 = arith.constant 80 : i32
    %scan3A_11 = arith.addi %scan3A_9, %scan3A_10 : i32
    %scan3A_12 = arith.constant 1 : i32
    scf.for %scan3A_15 = %scan3A_9 to %scan3A_11 step %scan3A_12  : i32 {
      "tpu.region"() ({
        %run_scoped3A = tpu.sem_alloc : memref<!tpu.dma_semaphore, #tpu.memory_space<semaphore_mem>>
        %dma_start3A = arith.constant 0 : i32
        %dma_start3A_16 = tpu.memref_slice %arg7[%scan3A_15, %dma_start3A] : memref<80x128xi32, #tpu.memory_space<vmem>> -> memref<1x128xi32, #tpu.memory_space<vmem>>
        %dma_start3A_17 = tpu.memref_squeeze %dma_start3A_16 : memref<1x128xi32, #tpu.memory_space<vmem>> -> memref<128xi32, #tpu.memory_space<vmem>>
        %dma_start3A_18 = arith.constant 0 : i32
        %dma_start3A_19 = arith.constant 0 : i32
        %dma_start3A_20 = tpu.memref_slice %arg9[%dma_start3A_18, %dma_start3A_19] : memref<10240x128xf32, #tpu.memory_space<vmem_shared>> -> memref<10240x128xf32, #tpu.memory_space<vmem_shared>>
        tpu.enqueue_indirect_dma source(%arg8 : memref<128x128xf32, #tpu.memory_space<vmem>>) target(%dma_start3A_20 : memref<10240x128xf32, #tpu.memory_space<vmem_shared>>) offsets(%dma_start3A_17 : memref<128xi32, #tpu.memory_space<vmem>>) semaphore(%run_scoped3A : memref<!tpu.dma_semaphore, #tpu.memory_space<semaphore_mem>>) {add = true}
        %dma_wait3A = arith.constant 0 : i32
        %dma_wait3A_21 = tpu.memref_slice %arg7[%scan3A_15, %dma_wait3A] : memref<80x128xi32, #tpu.memory_space<vmem>> -> memref<1x128xi32, #tpu.memory_space<vmem>>
        %dma_wait3A_22 = tpu.memref_squeeze %dma_wait3A_21 : memref<1x128xi32, #tpu.memory_space<vmem>> -> memref<128xi32, #tpu.memory_space<vmem>>
        %dma_wait3A_23 = arith.constant 0 : i32
        %dma_wait3A_24 = arith.constant 0 : i32
        %dma_wait3A_25 = tpu.memref_slice %arg9[%dma_wait3A_23, %dma_wait3A_24] : memref<10240x128xf32, #tpu.memory_space<vmem_shared>> -> memref<10240x128xf32, #tpu.memory_space<vmem_shared>>
        tpu.wait_indirect_dma semaphore(%run_scoped3A : memref<!tpu.dma_semaphore, #tpu.memory_space<semaphore_mem>>) src(%arg8 : memref<128x128xf32, #tpu.memory_space<vmem>>) dst(%dma_wait3A_25 : memref<10240x128xf32, #tpu.memory_space<vmem_shared>>)
        tpu.yield
      }) : () -> ()
    }
    %scan3A_13 = arith.constant 80 : i32
    %barrier3A_14 = arith.constant 0 : index
    tpu.barrier barrier_id(%barrier3A_14)
    "tpu.region"() ({
      %run_scoped3A = tpu.sem_alloc : memref<!tpu.dma_semaphore, #tpu.memory_space<semaphore_mem>>
      %dma_start3A = arith.constant 0 : i32
      %dma_start3A_15 = tpu.memref_slice %arg5[%arg0, %mul3A_2, %dma_start3A] : memref<2x10240x128xf32, #tpu.memory_space<hbm>> -> memref<1x640x128xf32, #tpu.memory_space<hbm>>
      %dma_start3A_16 = tpu.memref_squeeze %dma_start3A_15 : memref<1x640x128xf32, #tpu.memory_space<hbm>> -> memref<640x128xf32, #tpu.memory_space<hbm>>
      %dma_start3A_17 = arith.constant 0 : i32
      %dma_start3A_18 = tpu.memref_slice %arg9[%mul3A_2, %dma_start3A_17] : memref<10240x128xf32, #tpu.memory_space<vmem_shared>> -> memref<640x128xf32, #tpu.memory_space<vmem_shared>>
      tpu.enqueue_dma source(%dma_start3A_18 : memref<640x128xf32, #tpu.memory_space<vmem_shared>>) target(%dma_start3A_16 : memref<640x128xf32, #tpu.memory_space<hbm>>) target_semaphore(%run_scoped3A : memref<!tpu.dma_semaphore, #tpu.memory_space<semaphore_mem>>)
      %dma_wait3A = arith.constant 0 : i32
      %dma_wait3A_19 = tpu.memref_slice %arg5[%arg0, %mul3A_2, %dma_wait3A] : memref<2x10240x128xf32, #tpu.memory_space<hbm>> -> memref<1x640x128xf32, #tpu.memory_space<hbm>>
      %dma_wait3A_20 = tpu.memref_squeeze %dma_wait3A_19 : memref<1x640x128xf32, #tpu.memory_space<hbm>> -> memref<640x128xf32, #tpu.memory_space<hbm>>
      %dma_wait3A_21 = arith.constant 0 : i32
      %dma_wait3A_22 = tpu.memref_slice %arg9[%mul3A_2, %dma_wait3A_21] : memref<10240x128xf32, #tpu.memory_space<vmem_shared>> -> memref<640x128xf32, #tpu.memory_space<vmem_shared>>
      tpu.wait_dma2 semaphore(%run_scoped3A : memref<!tpu.dma_semaphore, #tpu.memory_space<semaphore_mem>>) src(%dma_wait3A_22 : memref<640x128xf32, #tpu.memory_space<vmem_shared>>) dst(%dma_wait3A_20 : memref<640x128xf32, #tpu.memory_space<hbm>>)
      tpu.yield
    }) : () -> ()
    return
  }
}

#map = affine_map<(d0, d1) -> (0, 0)>
#map1 = affine_map<(d0, d1) -> (0, 0, 0)>
module attributes {stable_mosaic.version = 14 : i64} {
  func.func @_sc_agg_body(%arg0: i32, %arg1: i32, %arg2: memref<10240x128xf32, #tpu.memory_space<hbm>>, %arg3: memref<32x10240xi32, #tpu.memory_space<hbm>>, %arg4: memref<640x128xf32, #tpu.memory_space<hbm>>, %arg5: memref<2x10240x128xf32, #tpu.memory_space<hbm>>, %arg6: memref<10240xi32, #tpu.memory_space<vmem>>, %arg7: memref<10240x128xf32, #tpu.memory_space<vmem_shared>>, %arg8: memref<64xi32, #tpu.memory_space<vmem>>, %arg9: memref<64xi32, #tpu.memory_space<vmem>>, %arg10: memref<64xi32, #tpu.memory_space<vmem>>, %arg11: memref<64xi32, #tpu.memory_space<vmem>>, %arg12: memref<1x64xi32, #tpu.memory_space<vmem>>, %arg13: memref<1x64xi32, #tpu.memory_space<vmem>>, %arg14: memref<1x64xi32, #tpu.memory_space<vmem>>, %arg15: memref<1x64xi32, #tpu.memory_space<vmem>>, %arg16: memref<64x128xf32, #tpu.memory_space<vmem>>, %arg17: memref<64x128xf32, #tpu.memory_space<vmem>>, %arg18: memref<64x128xf32, #tpu.memory_space<vmem>>, %arg19: memref<64x128xf32, #tpu.memory_space<vmem>>, %arg20: memref<!tpu.dma_semaphore, #tpu.memory_space<semaphore_mem>>, %arg21: memref<!tpu.dma_semaphore, #tpu.memory_space<semaphore_mem>>, %arg22: memref<!tpu.dma_semaphore, #tpu.memory_space<semaphore_mem>>, %arg23: memref<!tpu.dma_semaphore, #tpu.memory_space<semaphore_mem>>) attributes {dimension_semantics = [#tpu.dimension_semantics<core_parallel>, #tpu.dimension_semantics<subcore_parallel>], iteration_bounds = array<i64: 2, 16>, scalar_prefetch = 0 : i64, scratch_operands = 18 : i64, tpu.core_type = #tpu.core_type<sc_vector_subcore>, window_params = [{transform_indices = #map}, {transform_indices = #map}, {transform_indices = #map}, {transform_indices = #map1}]} {
    %mul3A = arith.constant 16 : i32
    %mul3A_0 = arith.muli %arg0, %mul3A : i32
    %add3A = arith.addi %mul3A_0, %arg1 : i32
    %mul3A_1 = arith.constant 640 : i32
    %mul3A_2 = arith.muli %arg1, %mul3A_1 : i32
    "tpu.region"() ({
      %run_scoped3A = tpu.sem_alloc : memref<!tpu.dma_semaphore, #tpu.memory_space<semaphore_mem>>
      %dma_start3A_320 = arith.constant 0 : i32
      %dma_start3A_321 = tpu.memref_slice %arg7[%mul3A_2, %dma_start3A_320] : memref<10240x128xf32, #tpu.memory_space<vmem_shared>> -> memref<640x128xf32, #tpu.memory_space<vmem_shared>>
      tpu.enqueue_dma source(%arg4 : memref<640x128xf32, #tpu.memory_space<hbm>>) target(%dma_start3A_321 : memref<640x128xf32, #tpu.memory_space<vmem_shared>>) target_semaphore(%run_scoped3A : memref<!tpu.dma_semaphore, #tpu.memory_space<semaphore_mem>>)
      %dma_wait3A = arith.constant 0 : i32
      %dma_wait3A_322 = tpu.memref_slice %arg7[%mul3A_2, %dma_wait3A] : memref<10240x128xf32, #tpu.memory_space<vmem_shared>> -> memref<640x128xf32, #tpu.memory_space<vmem_shared>>
      tpu.wait_dma2 semaphore(%run_scoped3A : memref<!tpu.dma_semaphore, #tpu.memory_space<semaphore_mem>>) src(%arg4 : memref<640x128xf32, #tpu.memory_space<hbm>>) dst(%dma_wait3A_322 : memref<640x128xf32, #tpu.memory_space<vmem_shared>>)
      tpu.yield
    }) : () -> ()
    "tpu.region"() ({
      %run_scoped3A = tpu.sem_alloc : memref<!tpu.dma_semaphore, #tpu.memory_space<semaphore_mem>>
      %dma_start3A_320 = arith.constant 0 : i32
      %dma_start3A_321 = tpu.memref_slice %arg3[%add3A, %dma_start3A_320] : memref<32x10240xi32, #tpu.memory_space<hbm>> -> memref<1x10240xi32, #tpu.memory_space<hbm>>
      %dma_start3A_322 = tpu.memref_squeeze %dma_start3A_321 : memref<1x10240xi32, #tpu.memory_space<hbm>> -> memref<10240xi32, #tpu.memory_space<hbm>>
      %dma_start3A_323 = arith.constant 0 : i32
      %dma_start3A_324 = tpu.memref_slice %arg3[%add3A, %dma_start3A_323] : memref<32x10240xi32, #tpu.memory_space<hbm>> -> memref<1x10240xi32, #tpu.memory_space<hbm>>
      %dma_start3A_325 = tpu.memref_squeeze %dma_start3A_324 : memref<1x10240xi32, #tpu.memory_space<hbm>> -> memref<10240xi32, #tpu.memory_space<hbm>>
      tpu.enqueue_dma source(%dma_start3A_325 : memref<10240xi32, #tpu.memory_space<hbm>>) target(%arg6 : memref<10240xi32, #tpu.memory_space<vmem>>) target_semaphore(%run_scoped3A : memref<!tpu.dma_semaphore, #tpu.memory_space<semaphore_mem>>)
      %dma_wait3A = arith.constant 0 : i32
      %dma_wait3A_326 = tpu.memref_slice %arg3[%add3A, %dma_wait3A] : memref<32x10240xi32, #tpu.memory_space<hbm>> -> memref<1x10240xi32, #tpu.memory_space<hbm>>
      %dma_wait3A_327 = tpu.memref_squeeze %dma_wait3A_326 : memref<1x10240xi32, #tpu.memory_space<hbm>> -> memref<10240xi32, #tpu.memory_space<hbm>>
      %dma_wait3A_328 = arith.constant 0 : i32
      %dma_wait3A_329 = tpu.memref_slice %arg3[%add3A, %dma_wait3A_328] : memref<32x10240xi32, #tpu.memory_space<hbm>> -> memref<1x10240xi32, #tpu.memory_space<hbm>>
      %dma_wait3A_330 = tpu.memref_squeeze %dma_wait3A_329 : memref<1x10240xi32, #tpu.memory_space<hbm>> -> memref<10240xi32, #tpu.memory_space<hbm>>
      tpu.wait_dma2 semaphore(%run_scoped3A : memref<!tpu.dma_semaphore, #tpu.memory_space<semaphore_mem>>) src(%dma_wait3A_330 : memref<10240xi32, #tpu.memory_space<hbm>>) dst(%arg6 : memref<10240xi32, #tpu.memory_space<vmem>>)
      tpu.yield
    }) : () -> ()
    %get3A = arith.constant 0 : index
    %get3A_3 = tpu.vector_load %arg6[%get3A] {strides = array<i32>} : memref<10240xi32, #tpu.memory_space<vmem>>, vector<16xi32>,
    %get3A_4 = vector.shape_cast %get3A_3 : vector<16xi32> to vector<16xi32>
    %and3A = arith.constant 16383 : i32
    %and3A_5 = vector.broadcast %and3A : i32 to vector<16xi32>
    %and3A_6 = arith.andi %get3A_4, %and3A_5 : vector<16xi32>
    %swap3A = arith.constant 0 : index
    %swap3A_7 = tpu.vector_load %arg8[%swap3A] {strides = array<i32>} : memref<64xi32, #tpu.memory_space<vmem>>, vector<16xi32>,
    %swap3A_8 = vector.shape_cast %swap3A_7 : vector<16xi32> to vector<16xi32>
    %swap3A_9 = vector.shape_cast %and3A_6 : vector<16xi32> to vector<16xi32>
    tpu.vector_store %arg8[%swap3A], %swap3A_9 {strides = array<i32>} : memref<64xi32, #tpu.memory_space<vmem>>, vector<16xi32>,
    %shift_right_arithmetic3A = arith.constant 14 : i32
    %shift_right_arithmetic3A_10 = vector.broadcast %shift_right_arithmetic3A : i32 to vector<16xi32>
    %shift_right_arithmetic3A_11 = arith.shrsi %get3A_4, %shift_right_arithmetic3A_10 : vector<16xi32>
    %swap3A_12 = arith.constant 0 : i32
    %swap3A_13 = arith.index_cast %swap3A_12 : i32 to index
    %swap3A_14 = arith.constant 0 : index
    %swap3A_15 = tpu.vector_load %arg12[%swap3A_13, %swap3A_14] {strides = array<i32>} : memref<1x64xi32, #tpu.memory_space<vmem>>, vector<1x16xi32>,
    %swap3A_16 = vector.shape_cast %swap3A_15 : vector<1x16xi32> to vector<16xi32>
    %swap3A_17 = vector.shape_cast %shift_right_arithmetic3A_11 : vector<16xi32> to vector<1x16xi32>
    tpu.vector_store %arg12[%swap3A_13, %swap3A_14], %swap3A_17 {strides = array<i32>} : memref<1x64xi32, #tpu.memory_space<vmem>>, vector<1x16xi32>,
    %get3A_18 = arith.constant 16 : index
    %get3A_19 = tpu.vector_load %arg6[%get3A_18] {strides = array<i32>} : memref<10240xi32, #tpu.memory_space<vmem>>, vector<16xi32>,
    %get3A_20 = vector.shape_cast %get3A_19 : vector<16xi32> to vector<16xi32>
    %and3A_21 = arith.constant 16383 : i32
    %and3A_22 = vector.broadcast %and3A_21 : i32 to vector<16xi32>
    %and3A_23 = arith.andi %get3A_20, %and3A_22 : vector<16xi32>
    %swap3A_24 = arith.constant 16 : index
    %swap3A_25 = tpu.vector_load %arg8[%swap3A_24] {strides = array<i32>} : memref<64xi32, #tpu.memory_space<vmem>>, vector<16xi32>,
    %swap3A_26 = vector.shape_cast %swap3A_25 : vector<16xi32> to vector<16xi32>
    %swap3A_27 = vector.shape_cast %and3A_23 : vector<16xi32> to vector<16xi32>
    tpu.vector_store %arg8[%swap3A_24], %swap3A_27 {strides = array<i32>} : memref<64xi32, #tpu.memory_space<vmem>>, vector<16xi32>,
    %shift_right_arithmetic3A_28 = arith.constant 14 : i32
    %shift_right_arithmetic3A_29 = vector.broadcast %shift_right_arithmetic3A_28 : i32 to vector<16xi32>
    %shift_right_arithmetic3A_30 = arith.shrsi %get3A_20, %shift_right_arithmetic3A_29 : vector<16xi32>
    %swap3A_31 = arith.constant 0 : i32
    %swap3A_32 = arith.index_cast %swap3A_31 : i32 to index
    %swap3A_33 = arith.constant 16 : index
    %swap3A_34 = tpu.vector_load %arg12[%swap3A_32, %swap3A_33] {strides = array<i32>} : memref<1x64xi32, #tpu.memory_space<vmem>>, vector<1x16xi32>,
    %swap3A_35 = vector.shape_cast %swap3A_34 : vector<1x16xi32> to vector<16xi32>
    %swap3A_36 = vector.shape_cast %shift_right_arithmetic3A_30 : vector<16xi32> to vector<1x16xi32>
    tpu.vector_store %arg12[%swap3A_32, %swap3A_33], %swap3A_36 {strides = array<i32>} : memref<1x64xi32, #tpu.memory_space<vmem>>, vector<1x16xi32>,
    %get3A_37 = arith.constant 32 : index
    %get3A_38 = tpu.vector_load %arg6[%get3A_37] {strides = array<i32>} : memref<10240xi32, #tpu.memory_space<vmem>>, vector<16xi32>,
    %get3A_39 = vector.shape_cast %get3A_38 : vector<16xi32> to vector<16xi32>
    %and3A_40 = arith.constant 16383 : i32
    %and3A_41 = vector.broadcast %and3A_40 : i32 to vector<16xi32>
    %and3A_42 = arith.andi %get3A_39, %and3A_41 : vector<16xi32>
    %swap3A_43 = arith.constant 32 : index
    %swap3A_44 = tpu.vector_load %arg8[%swap3A_43] {strides = array<i32>} : memref<64xi32, #tpu.memory_space<vmem>>, vector<16xi32>,
    %swap3A_45 = vector.shape_cast %swap3A_44 : vector<16xi32> to vector<16xi32>
    %swap3A_46 = vector.shape_cast %and3A_42 : vector<16xi32> to vector<16xi32>
    tpu.vector_store %arg8[%swap3A_43], %swap3A_46 {strides = array<i32>} : memref<64xi32, #tpu.memory_space<vmem>>, vector<16xi32>,
    %shift_right_arithmetic3A_47 = arith.constant 14 : i32
    %shift_right_arithmetic3A_48 = vector.broadcast %shift_right_arithmetic3A_47 : i32 to vector<16xi32>
    %shift_right_arithmetic3A_49 = arith.shrsi %get3A_39, %shift_right_arithmetic3A_48 : vector<16xi32>
    %swap3A_50 = arith.constant 0 : i32
    %swap3A_51 = arith.index_cast %swap3A_50 : i32 to index
    %swap3A_52 = arith.constant 32 : index
    %swap3A_53 = tpu.vector_load %arg12[%swap3A_51, %swap3A_52] {strides = array<i32>} : memref<1x64xi32, #tpu.memory_space<vmem>>, vector<1x16xi32>,
    %swap3A_54 = vector.shape_cast %swap3A_53 : vector<1x16xi32> to vector<16xi32>
    %swap3A_55 = vector.shape_cast %shift_right_arithmetic3A_49 : vector<16xi32> to vector<1x16xi32>
    tpu.vector_store %arg12[%swap3A_51, %swap3A_52], %swap3A_55 {strides = array<i32>} : memref<1x64xi32, #tpu.memory_space<vmem>>, vector<1x16xi32>,
    %get3A_56 = arith.constant 48 : index
    %get3A_57 = tpu.vector_load %arg6[%get3A_56] {strides = array<i32>} : memref<10240xi32, #tpu.memory_space<vmem>>, vector<16xi32>,
    %get3A_58 = vector.shape_cast %get3A_57 : vector<16xi32> to vector<16xi32>
    %and3A_59 = arith.constant 16383 : i32
    %and3A_60 = vector.broadcast %and3A_59 : i32 to vector<16xi32>
    %and3A_61 = arith.andi %get3A_58, %and3A_60 : vector<16xi32>
    %swap3A_62 = arith.constant 48 : index
    %swap3A_63 = tpu.vector_load %arg8[%swap3A_62] {strides = array<i32>} : memref<64xi32, #tpu.memory_space<vmem>>, vector<16xi32>,
    %swap3A_64 = vector.shape_cast %swap3A_63 : vector<16xi32> to vector<16xi32>
    %swap3A_65 = vector.shape_cast %and3A_61 : vector<16xi32> to vector<16xi32>
    tpu.vector_store %arg8[%swap3A_62], %swap3A_65 {strides = array<i32>} : memref<64xi32, #tpu.memory_space<vmem>>, vector<16xi32>,
    %shift_right_arithmetic3A_66 = arith.constant 14 : i32
    %shift_right_arithmetic3A_67 = vector.broadcast %shift_right_arithmetic3A_66 : i32 to vector<16xi32>
    %shift_right_arithmetic3A_68 = arith.shrsi %get3A_58, %shift_right_arithmetic3A_67 : vector<16xi32>
    %swap3A_69 = arith.constant 0 : i32
    %swap3A_70 = arith.index_cast %swap3A_69 : i32 to index
    %swap3A_71 = arith.constant 48 : index
    %swap3A_72 = tpu.vector_load %arg12[%swap3A_70, %swap3A_71] {strides = array<i32>} : memref<1x64xi32, #tpu.memory_space<vmem>>, vector<1x16xi32>,
    %swap3A_73 = vector.shape_cast %swap3A_72 : vector<1x16xi32> to vector<16xi32>
    %swap3A_74 = vector.shape_cast %shift_right_arithmetic3A_68 : vector<16xi32> to vector<1x16xi32>
    tpu.vector_store %arg12[%swap3A_70, %swap3A_71], %swap3A_74 {strides = array<i32>} : memref<1x64xi32, #tpu.memory_space<vmem>>, vector<1x16xi32>,
    %dma_start3A = arith.constant 0 : i32
    %dma_start3A_75 = arith.constant 0 : i32
    %dma_start3A_76 = tpu.memref_slice %arg2[%dma_start3A, %dma_start3A_75] : memref<10240x128xf32, #tpu.memory_space<hbm>> -> memref<10240x128xf32, #tpu.memory_space<hbm>>
    tpu.enqueue_indirect_dma source(%dma_start3A_76 : memref<10240x128xf32, #tpu.memory_space<hbm>>) target(%arg16 : memref<64x128xf32, #tpu.memory_space<vmem>>) offsets(%arg8 : memref<64xi32, #tpu.memory_space<vmem>>) semaphore(%arg20 : memref<!tpu.dma_semaphore, #tpu.memory_space<semaphore_mem>>)
    %get3A_77 = arith.constant 64 : index
    %get3A_78 = tpu.vector_load %arg6[%get3A_77] {strides = array<i32>} : memref<10240xi32, #tpu.memory_space<vmem>>, vector<16xi32>,
    %get3A_79 = vector.shape_cast %get3A_78 : vector<16xi32> to vector<16xi32>
    %and3A_80 = arith.constant 16383 : i32
    %and3A_81 = vector.broadcast %and3A_80 : i32 to vector<16xi32>
    %and3A_82 = arith.andi %get3A_79, %and3A_81 : vector<16xi32>
    %swap3A_83 = arith.constant 0 : index
    %swap3A_84 = tpu.vector_load %arg9[%swap3A_83] {strides = array<i32>} : memref<64xi32, #tpu.memory_space<vmem>>, vector<16xi32>,
    %swap3A_85 = vector.shape_cast %swap3A_84 : vector<16xi32> to vector<16xi32>
    %swap3A_86 = vector.shape_cast %and3A_82 : vector<16xi32> to vector<16xi32>
    tpu.vector_store %arg9[%swap3A_83], %swap3A_86 {strides = array<i32>} : memref<64xi32, #tpu.memory_space<vmem>>, vector<16xi32>,
    %shift_right_arithmetic3A_87 = arith.constant 14 : i32
    %shift_right_arithmetic3A_88 = vector.broadcast %shift_right_arithmetic3A_87 : i32 to vector<16xi32>
    %shift_right_arithmetic3A_89 = arith.shrsi %get3A_79, %shift_right_arithmetic3A_88 : vector<16xi32>
    %swap3A_90 = arith.constant 0 : i32
    %swap3A_91 = arith.index_cast %swap3A_90 : i32 to index
    %swap3A_92 = arith.constant 0 : index
    %swap3A_93 = tpu.vector_load %arg13[%swap3A_91, %swap3A_92] {strides = array<i32>} : memref<1x64xi32, #tpu.memory_space<vmem>>, vector<1x16xi32>,
    %swap3A_94 = vector.shape_cast %swap3A_93 : vector<1x16xi32> to vector<16xi32>
    %swap3A_95 = vector.shape_cast %shift_right_arithmetic3A_89 : vector<16xi32> to vector<1x16xi32>
    tpu.vector_store %arg13[%swap3A_91, %swap3A_92], %swap3A_95 {strides = array<i32>} : memref<1x64xi32, #tpu.memory_space<vmem>>, vector<1x16xi32>,
    %get3A_96 = arith.constant 80 : index
    %get3A_97 = tpu.vector_load %arg6[%get3A_96] {strides = array<i32>} : memref<10240xi32, #tpu.memory_space<vmem>>, vector<16xi32>,
    %get3A_98 = vector.shape_cast %get3A_97 : vector<16xi32> to vector<16xi32>
    %and3A_99 = arith.constant 16383 : i32
    %and3A_100 = vector.broadcast %and3A_99 : i32 to vector<16xi32>
    %and3A_101 = arith.andi %get3A_98, %and3A_100 : vector<16xi32>
    %swap3A_102 = arith.constant 16 : index
    %swap3A_103 = tpu.vector_load %arg9[%swap3A_102] {strides = array<i32>} : memref<64xi32, #tpu.memory_space<vmem>>, vector<16xi32>,
    %swap3A_104 = vector.shape_cast %swap3A_103 : vector<16xi32> to vector<16xi32>
    %swap3A_105 = vector.shape_cast %and3A_101 : vector<16xi32> to vector<16xi32>
    tpu.vector_store %arg9[%swap3A_102], %swap3A_105 {strides = array<i32>} : memref<64xi32, #tpu.memory_space<vmem>>, vector<16xi32>,
    %shift_right_arithmetic3A_106 = arith.constant 14 : i32
    %shift_right_arithmetic3A_107 = vector.broadcast %shift_right_arithmetic3A_106 : i32 to vector<16xi32>
    %shift_right_arithmetic3A_108 = arith.shrsi %get3A_98, %shift_right_arithmetic3A_107 : vector<16xi32>
    %swap3A_109 = arith.constant 0 : i32
    %swap3A_110 = arith.index_cast %swap3A_109 : i32 to index
    %swap3A_111 = arith.constant 16 : index
    %swap3A_112 = tpu.vector_load %arg13[%swap3A_110, %swap3A_111] {strides = array<i32>} : memref<1x64xi32, #tpu.memory_space<vmem>>, vector<1x16xi32>,
    %swap3A_113 = vector.shape_cast %swap3A_112 : vector<1x16xi32> to vector<16xi32>
    %swap3A_114 = vector.shape_cast %shift_right_arithmetic3A_108 : vector<16xi32> to vector<1x16xi32>
    tpu.vector_store %arg13[%swap3A_110, %swap3A_111], %swap3A_114 {strides = array<i32>} : memref<1x64xi32, #tpu.memory_space<vmem>>, vector<1x16xi32>,
    %get3A_115 = arith.constant 96 : index
    %get3A_116 = tpu.vector_load %arg6[%get3A_115] {strides = array<i32>} : memref<10240xi32, #tpu.memory_space<vmem>>, vector<16xi32>,
    %get3A_117 = vector.shape_cast %get3A_116 : vector<16xi32> to vector<16xi32>
    %and3A_118 = arith.constant 16383 : i32
    %and3A_119 = vector.broadcast %and3A_118 : i32 to vector<16xi32>
    %and3A_120 = arith.andi %get3A_117, %and3A_119 : vector<16xi32>
    %swap3A_121 = arith.constant 32 : index
    %swap3A_122 = tpu.vector_load %arg9[%swap3A_121] {strides = array<i32>} : memref<64xi32, #tpu.memory_space<vmem>>, vector<16xi32>,
    %swap3A_123 = vector.shape_cast %swap3A_122 : vector<16xi32> to vector<16xi32>
    %swap3A_124 = vector.shape_cast %and3A_120 : vector<16xi32> to vector<16xi32>
    tpu.vector_store %arg9[%swap3A_121], %swap3A_124 {strides = array<i32>} : memref<64xi32, #tpu.memory_space<vmem>>, vector<16xi32>,
    %shift_right_arithmetic3A_125 = arith.constant 14 : i32
    %shift_right_arithmetic3A_126 = vector.broadcast %shift_right_arithmetic3A_125 : i32 to vector<16xi32>
    %shift_right_arithmetic3A_127 = arith.shrsi %get3A_117, %shift_right_arithmetic3A_126 : vector<16xi32>
    %swap3A_128 = arith.constant 0 : i32
    %swap3A_129 = arith.index_cast %swap3A_128 : i32 to index
    %swap3A_130 = arith.constant 32 : index
    %swap3A_131 = tpu.vector_load %arg13[%swap3A_129, %swap3A_130] {strides = array<i32>} : memref<1x64xi32, #tpu.memory_space<vmem>>, vector<1x16xi32>,
    %swap3A_132 = vector.shape_cast %swap3A_131 : vector<1x16xi32> to vector<16xi32>
    %swap3A_133 = vector.shape_cast %shift_right_arithmetic3A_127 : vector<16xi32> to vector<1x16xi32>
    tpu.vector_store %arg13[%swap3A_129, %swap3A_130], %swap3A_133 {strides = array<i32>} : memref<1x64xi32, #tpu.memory_space<vmem>>, vector<1x16xi32>,
    %get3A_134 = arith.constant 112 : index
    %get3A_135 = tpu.vector_load %arg6[%get3A_134] {strides = array<i32>} : memref<10240xi32, #tpu.memory_space<vmem>>, vector<16xi32>,
    %get3A_136 = vector.shape_cast %get3A_135 : vector<16xi32> to vector<16xi32>
    %and3A_137 = arith.constant 16383 : i32
    %and3A_138 = vector.broadcast %and3A_137 : i32 to vector<16xi32>
    %and3A_139 = arith.andi %get3A_136, %and3A_138 : vector<16xi32>
    %swap3A_140 = arith.constant 48 : index
    %swap3A_141 = tpu.vector_load %arg9[%swap3A_140] {strides = array<i32>} : memref<64xi32, #tpu.memory_space<vmem>>, vector<16xi32>,
    %swap3A_142 = vector.shape_cast %swap3A_141 : vector<16xi32> to vector<16xi32>
    %swap3A_143 = vector.shape_cast %and3A_139 : vector<16xi32> to vector<16xi32>
    tpu.vector_store %arg9[%swap3A_140], %swap3A_143 {strides = array<i32>} : memref<64xi32, #tpu.memory_space<vmem>>, vector<16xi32>,
    %shift_right_arithmetic3A_144 = arith.constant 14 : i32
    %shift_right_arithmetic3A_145 = vector.broadcast %shift_right_arithmetic3A_144 : i32 to vector<16xi32>
    %shift_right_arithmetic3A_146 = arith.shrsi %get3A_136, %shift_right_arithmetic3A_145 : vector<16xi32>
    %swap3A_147 = arith.constant 0 : i32
    %swap3A_148 = arith.index_cast %swap3A_147 : i32 to index
    %swap3A_149 = arith.constant 48 : index
    %swap3A_150 = tpu.vector_load %arg13[%swap3A_148, %swap3A_149] {strides = array<i32>} : memref<1x64xi32, #tpu.memory_space<vmem>>, vector<1x16xi32>,
    %swap3A_151 = vector.shape_cast %swap3A_150 : vector<1x16xi32> to vector<16xi32>
    %swap3A_152 = vector.shape_cast %shift_right_arithmetic3A_146 : vector<16xi32> to vector<1x16xi32>
    tpu.vector_store %arg13[%swap3A_148, %swap3A_149], %swap3A_152 {strides = array<i32>} : memref<1x64xi32, #tpu.memory_space<vmem>>, vector<1x16xi32>,
    %dma_start3A_153 = arith.constant 0 : i32
    %dma_start3A_154 = arith.constant 0 : i32
    %dma_start3A_155 = tpu.memref_slice %arg2[%dma_start3A_153, %dma_start3A_154] : memref<10240x128xf32, #tpu.memory_space<hbm>> -> memref<10240x128xf32, #tpu.memory_space<hbm>>
    tpu.enqueue_indirect_dma source(%dma_start3A_155 : memref<10240x128xf32, #tpu.memory_space<hbm>>) target(%arg17 : memref<64x128xf32, #tpu.memory_space<vmem>>) offsets(%arg9 : memref<64xi32, #tpu.memory_space<vmem>>) semaphore(%arg21 : memref<!tpu.dma_semaphore, #tpu.memory_space<semaphore_mem>>)
    %get3A_156 = arith.constant 128 : index
    %get3A_157 = tpu.vector_load %arg6[%get3A_156] {strides = array<i32>} : memref<10240xi32, #tpu.memory_space<vmem>>, vector<16xi32>,
    %get3A_158 = vector.shape_cast %get3A_157 : vector<16xi32> to vector<16xi32>
    %and3A_159 = arith.constant 16383 : i32
    %and3A_160 = vector.broadcast %and3A_159 : i32 to vector<16xi32>
    %and3A_161 = arith.andi %get3A_158, %and3A_160 : vector<16xi32>
    %swap3A_162 = arith.constant 0 : index
    %swap3A_163 = tpu.vector_load %arg10[%swap3A_162] {strides = array<i32>} : memref<64xi32, #tpu.memory_space<vmem>>, vector<16xi32>,
    %swap3A_164 = vector.shape_cast %swap3A_163 : vector<16xi32> to vector<16xi32>
    %swap3A_165 = vector.shape_cast %and3A_161 : vector<16xi32> to vector<16xi32>
    tpu.vector_store %arg10[%swap3A_162], %swap3A_165 {strides = array<i32>} : memref<64xi32, #tpu.memory_space<vmem>>, vector<16xi32>,
    %shift_right_arithmetic3A_166 = arith.constant 14 : i32
    %shift_right_arithmetic3A_167 = vector.broadcast %shift_right_arithmetic3A_166 : i32 to vector<16xi32>
    %shift_right_arithmetic3A_168 = arith.shrsi %get3A_158, %shift_right_arithmetic3A_167 : vector<16xi32>
    %swap3A_169 = arith.constant 0 : i32
    %swap3A_170 = arith.index_cast %swap3A_169 : i32 to index
    %swap3A_171 = arith.constant 0 : index
    %swap3A_172 = tpu.vector_load %arg14[%swap3A_170, %swap3A_171] {strides = array<i32>} : memref<1x64xi32, #tpu.memory_space<vmem>>, vector<1x16xi32>,
    %swap3A_173 = vector.shape_cast %swap3A_172 : vector<1x16xi32> to vector<16xi32>
    %swap3A_174 = vector.shape_cast %shift_right_arithmetic3A_168 : vector<16xi32> to vector<1x16xi32>
    tpu.vector_store %arg14[%swap3A_170, %swap3A_171], %swap3A_174 {strides = array<i32>} : memref<1x64xi32, #tpu.memory_space<vmem>>, vector<1x16xi32>,
    %get3A_175 = arith.constant 144 : index
    %get3A_176 = tpu.vector_load %arg6[%get3A_175] {strides = array<i32>} : memref<10240xi32, #tpu.memory_space<vmem>>, vector<16xi32>,
    %get3A_177 = vector.shape_cast %get3A_176 : vector<16xi32> to vector<16xi32>
    %and3A_178 = arith.constant 16383 : i32
    %and3A_179 = vector.broadcast %and3A_178 : i32 to vector<16xi32>
    %and3A_180 = arith.andi %get3A_177, %and3A_179 : vector<16xi32>
    %swap3A_181 = arith.constant 16 : index
    %swap3A_182 = tpu.vector_load %arg10[%swap3A_181] {strides = array<i32>} : memref<64xi32, #tpu.memory_space<vmem>>, vector<16xi32>,
    %swap3A_183 = vector.shape_cast %swap3A_182 : vector<16xi32> to vector<16xi32>
    %swap3A_184 = vector.shape_cast %and3A_180 : vector<16xi32> to vector<16xi32>
    tpu.vector_store %arg10[%swap3A_181], %swap3A_184 {strides = array<i32>} : memref<64xi32, #tpu.memory_space<vmem>>, vector<16xi32>,
    %shift_right_arithmetic3A_185 = arith.constant 14 : i32
    %shift_right_arithmetic3A_186 = vector.broadcast %shift_right_arithmetic3A_185 : i32 to vector<16xi32>
    %shift_right_arithmetic3A_187 = arith.shrsi %get3A_177, %shift_right_arithmetic3A_186 : vector<16xi32>
    %swap3A_188 = arith.constant 0 : i32
    %swap3A_189 = arith.index_cast %swap3A_188 : i32 to index
    %swap3A_190 = arith.constant 16 : index
    %swap3A_191 = tpu.vector_load %arg14[%swap3A_189, %swap3A_190] {strides = array<i32>} : memref<1x64xi32, #tpu.memory_space<vmem>>, vector<1x16xi32>,
    %swap3A_192 = vector.shape_cast %swap3A_191 : vector<1x16xi32> to vector<16xi32>
    %swap3A_193 = vector.shape_cast %shift_right_arithmetic3A_187 : vector<16xi32> to vector<1x16xi32>
    tpu.vector_store %arg14[%swap3A_189, %swap3A_190], %swap3A_193 {strides = array<i32>} : memref<1x64xi32, #tpu.memory_space<vmem>>, vector<1x16xi32>,
    %get3A_194 = arith.constant 160 : index
    %get3A_195 = tpu.vector_load %arg6[%get3A_194] {strides = array<i32>} : memref<10240xi32, #tpu.memory_space<vmem>>, vector<16xi32>,
    %get3A_196 = vector.shape_cast %get3A_195 : vector<16xi32> to vector<16xi32>
    %and3A_197 = arith.constant 16383 : i32
    %and3A_198 = vector.broadcast %and3A_197 : i32 to vector<16xi32>
    %and3A_199 = arith.andi %get3A_196, %and3A_198 : vector<16xi32>
    %swap3A_200 = arith.constant 32 : index
    %swap3A_201 = tpu.vector_load %arg10[%swap3A_200] {strides = array<i32>} : memref<64xi32, #tpu.memory_space<vmem>>, vector<16xi32>,
    %swap3A_202 = vector.shape_cast %swap3A_201 : vector<16xi32> to vector<16xi32>
    %swap3A_203 = vector.shape_cast %and3A_199 : vector<16xi32> to vector<16xi32>
    tpu.vector_store %arg10[%swap3A_200], %swap3A_203 {strides = array<i32>} : memref<64xi32, #tpu.memory_space<vmem>>, vector<16xi32>,
    %shift_right_arithmetic3A_204 = arith.constant 14 : i32
    %shift_right_arithmetic3A_205 = vector.broadcast %shift_right_arithmetic3A_204 : i32 to vector<16xi32>
    %shift_right_arithmetic3A_206 = arith.shrsi %get3A_196, %shift_right_arithmetic3A_205 : vector<16xi32>
    %swap3A_207 = arith.constant 0 : i32
    %swap3A_208 = arith.index_cast %swap3A_207 : i32 to index
    %swap3A_209 = arith.constant 32 : index
    %swap3A_210 = tpu.vector_load %arg14[%swap3A_208, %swap3A_209] {strides = array<i32>} : memref<1x64xi32, #tpu.memory_space<vmem>>, vector<1x16xi32>,
    %swap3A_211 = vector.shape_cast %swap3A_210 : vector<1x16xi32> to vector<16xi32>
    %swap3A_212 = vector.shape_cast %shift_right_arithmetic3A_206 : vector<16xi32> to vector<1x16xi32>
    tpu.vector_store %arg14[%swap3A_208, %swap3A_209], %swap3A_212 {strides = array<i32>} : memref<1x64xi32, #tpu.memory_space<vmem>>, vector<1x16xi32>,
    %get3A_213 = arith.constant 176 : index
    %get3A_214 = tpu.vector_load %arg6[%get3A_213] {strides = array<i32>} : memref<10240xi32, #tpu.memory_space<vmem>>, vector<16xi32>,
    %get3A_215 = vector.shape_cast %get3A_214 : vector<16xi32> to vector<16xi32>
    %and3A_216 = arith.constant 16383 : i32
    %and3A_217 = vector.broadcast %and3A_216 : i32 to vector<16xi32>
    %and3A_218 = arith.andi %get3A_215, %and3A_217 : vector<16xi32>
    %swap3A_219 = arith.constant 48 : index
    %swap3A_220 = tpu.vector_load %arg10[%swap3A_219] {strides = array<i32>} : memref<64xi32, #tpu.memory_space<vmem>>, vector<16xi32>,
    %swap3A_221 = vector.shape_cast %swap3A_220 : vector<16xi32> to vector<16xi32>
    %swap3A_222 = vector.shape_cast %and3A_218 : vector<16xi32> to vector<16xi32>
    tpu.vector_store %arg10[%swap3A_219], %swap3A_222 {strides = array<i32>} : memref<64xi32, #tpu.memory_space<vmem>>, vector<16xi32>,
    %shift_right_arithmetic3A_223 = arith.constant 14 : i32
    %shift_right_arithmetic3A_224 = vector.broadcast %shift_right_arithmetic3A_223 : i32 to vector<16xi32>
    %shift_right_arithmetic3A_225 = arith.shrsi %get3A_215, %shift_right_arithmetic3A_224 : vector<16xi32>
    %swap3A_226 = arith.constant 0 : i32
    %swap3A_227 = arith.index_cast %swap3A_226 : i32 to index
    %swap3A_228 = arith.constant 48 : index
    %swap3A_229 = tpu.vector_load %arg14[%swap3A_227, %swap3A_228] {strides = array<i32>} : memref<1x64xi32, #tpu.memory_space<vmem>>, vector<1x16xi32>,
    %swap3A_230 = vector.shape_cast %swap3A_229 : vector<1x16xi32> to vector<16xi32>
    %swap3A_231 = vector.shape_cast %shift_right_arithmetic3A_225 : vector<16xi32> to vector<1x16xi32>
    tpu.vector_store %arg14[%swap3A_227, %swap3A_228], %swap3A_231 {strides = array<i32>} : memref<1x64xi32, #tpu.memory_space<vmem>>, vector<1x16xi32>,
    %dma_start3A_232 = arith.constant 0 : i32
    %dma_start3A_233 = arith.constant 0 : i32
    %dma_start3A_234 = tpu.memref_slice %arg2[%dma_start3A_232, %dma_start3A_233] : memref<10240x128xf32, #tpu.memory_space<hbm>> -> memref<10240x128xf32, #tpu.memory_space<hbm>>
    tpu.enqueue_indirect_dma source(%dma_start3A_234 : memref<10240x128xf32, #tpu.memory_space<hbm>>) target(%arg18 : memref<64x128xf32, #tpu.memory_space<vmem>>) offsets(%arg10 : memref<64xi32, #tpu.memory_space<vmem>>) semaphore(%arg22 : memref<!tpu.dma_semaphore, #tpu.memory_space<semaphore_mem>>)
    %get3A_235 = arith.constant 192 : index
    %get3A_236 = tpu.vector_load %arg6[%get3A_235] {strides = array<i32>} : memref<10240xi32, #tpu.memory_space<vmem>>, vector<16xi32>,
    %get3A_237 = vector.shape_cast %get3A_236 : vector<16xi32> to vector<16xi32>
    %and3A_238 = arith.constant 16383 : i32
    %and3A_239 = vector.broadcast %and3A_238 : i32 to vector<16xi32>
    %and3A_240 = arith.andi %get3A_237, %and3A_239 : vector<16xi32>
    %swap3A_241 = arith.constant 0 : index
    %swap3A_242 = tpu.vector_load %arg11[%swap3A_241] {strides = array<i32>} : memref<64xi32, #tpu.memory_space<vmem>>, vector<16xi32>,
    %swap3A_243 = vector.shape_cast %swap3A_242 : vector<16xi32> to vector<16xi32>
    %swap3A_244 = vector.shape_cast %and3A_240 : vector<16xi32> to vector<16xi32>
    tpu.vector_store %arg11[%swap3A_241], %swap3A_244 {strides = array<i32>} : memref<64xi32, #tpu.memory_space<vmem>>, vector<16xi32>,
    %shift_right_arithmetic3A_245 = arith.constant 14 : i32
    %shift_right_arithmetic3A_246 = vector.broadcast %shift_right_arithmetic3A_245 : i32 to vector<16xi32>
    %shift_right_arithmetic3A_247 = arith.shrsi %get3A_237, %shift_right_arithmetic3A_246 : vector<16xi32>
    %swap3A_248 = arith.constant 0 : i32
    %swap3A_249 = arith.index_cast %swap3A_248 : i32 to index
    %swap3A_250 = arith.constant 0 : index
    %swap3A_251 = tpu.vector_load %arg15[%swap3A_249, %swap3A_250] {strides = array<i32>} : memref<1x64xi32, #tpu.memory_space<vmem>>, vector<1x16xi32>,
    %swap3A_252 = vector.shape_cast %swap3A_251 : vector<1x16xi32> to vector<16xi32>
    %swap3A_253 = vector.shape_cast %shift_right_arithmetic3A_247 : vector<16xi32> to vector<1x16xi32>
    tpu.vector_store %arg15[%swap3A_249, %swap3A_250], %swap3A_253 {strides = array<i32>} : memref<1x64xi32, #tpu.memory_space<vmem>>, vector<1x16xi32>,
    %get3A_254 = arith.constant 208 : index
    %get3A_255 = tpu.vector_load %arg6[%get3A_254] {strides = array<i32>} : memref<10240xi32, #tpu.memory_space<vmem>>, vector<16xi32>,
    %get3A_256 = vector.shape_cast %get3A_255 : vector<16xi32> to vector<16xi32>
    %and3A_257 = arith.constant 16383 : i32
    %and3A_258 = vector.broadcast %and3A_257 : i32 to vector<16xi32>
    %and3A_259 = arith.andi %get3A_256, %and3A_258 : vector<16xi32>
    %swap3A_260 = arith.constant 16 : index
    %swap3A_261 = tpu.vector_load %arg11[%swap3A_260] {strides = array<i32>} : memref<64xi32, #tpu.memory_space<vmem>>, vector<16xi32>,
    %swap3A_262 = vector.shape_cast %swap3A_261 : vector<16xi32> to vector<16xi32>
    %swap3A_263 = vector.shape_cast %and3A_259 : vector<16xi32> to vector<16xi32>
    tpu.vector_store %arg11[%swap3A_260], %swap3A_263 {strides = array<i32>} : memref<64xi32, #tpu.memory_space<vmem>>, vector<16xi32>,
    %shift_right_arithmetic3A_264 = arith.constant 14 : i32
    %shift_right_arithmetic3A_265 = vector.broadcast %shift_right_arithmetic3A_264 : i32 to vector<16xi32>
    %shift_right_arithmetic3A_266 = arith.shrsi %get3A_256, %shift_right_arithmetic3A_265 : vector<16xi32>
    %swap3A_267 = arith.constant 0 : i32
    %swap3A_268 = arith.index_cast %swap3A_267 : i32 to index
    %swap3A_269 = arith.constant 16 : index
    %swap3A_270 = tpu.vector_load %arg15[%swap3A_268, %swap3A_269] {strides = array<i32>} : memref<1x64xi32, #tpu.memory_space<vmem>>, vector<1x16xi32>,
    %swap3A_271 = vector.shape_cast %swap3A_270 : vector<1x16xi32> to vector<16xi32>
    %swap3A_272 = vector.shape_cast %shift_right_arithmetic3A_266 : vector<16xi32> to vector<1x16xi32>
    tpu.vector_store %arg15[%swap3A_268, %swap3A_269], %swap3A_272 {strides = array<i32>} : memref<1x64xi32, #tpu.memory_space<vmem>>, vector<1x16xi32>,
    %get3A_273 = arith.constant 224 : index
    %get3A_274 = tpu.vector_load %arg6[%get3A_273] {strides = array<i32>} : memref<10240xi32, #tpu.memory_space<vmem>>, vector<16xi32>,
    %get3A_275 = vector.shape_cast %get3A_274 : vector<16xi32> to vector<16xi32>
    %and3A_276 = arith.constant 16383 : i32
    %and3A_277 = vector.broadcast %and3A_276 : i32 to vector<16xi32>
    %and3A_278 = arith.andi %get3A_275, %and3A_277 : vector<16xi32>
    %swap3A_279 = arith.constant 32 : index
    %swap3A_280 = tpu.vector_load %arg11[%swap3A_279] {strides = array<i32>} : memref<64xi32, #tpu.memory_space<vmem>>, vector<16xi32>,
    %swap3A_281 = vector.shape_cast %swap3A_280 : vector<16xi32> to vector<16xi32>
    %swap3A_282 = vector.shape_cast %and3A_278 : vector<16xi32> to vector<16xi32>
    tpu.vector_store %arg11[%swap3A_279], %swap3A_282 {strides = array<i32>} : memref<64xi32, #tpu.memory_space<vmem>>, vector<16xi32>,
    %shift_right_arithmetic3A_283 = arith.constant 14 : i32
    %shift_right_arithmetic3A_284 = vector.broadcast %shift_right_arithmetic3A_283 : i32 to vector<16xi32>
    %shift_right_arithmetic3A_285 = arith.shrsi %get3A_275, %shift_right_arithmetic3A_284 : vector<16xi32>
    %swap3A_286 = arith.constant 0 : i32
    %swap3A_287 = arith.index_cast %swap3A_286 : i32 to index
    %swap3A_288 = arith.constant 32 : index
    %swap3A_289 = tpu.vector_load %arg15[%swap3A_287, %swap3A_288] {strides = array<i32>} : memref<1x64xi32, #tpu.memory_space<vmem>>, vector<1x16xi32>,
    %swap3A_290 = vector.shape_cast %swap3A_289 : vector<1x16xi32> to vector<16xi32>
    %swap3A_291 = vector.shape_cast %shift_right_arithmetic3A_285 : vector<16xi32> to vector<1x16xi32>
    tpu.vector_store %arg15[%swap3A_287, %swap3A_288], %swap3A_291 {strides = array<i32>} : memref<1x64xi32, #tpu.memory_space<vmem>>, vector<1x16xi32>,
    %get3A_292 = arith.constant 240 : index
    %get3A_293 = tpu.vector_load %arg6[%get3A_292] {strides = array<i32>} : memref<10240xi32, #tpu.memory_space<vmem>>, vector<16xi32>,
    %get3A_294 = vector.shape_cast %get3A_293 : vector<16xi32> to vector<16xi32>
    %and3A_295 = arith.constant 16383 : i32
    %and3A_296 = vector.broadcast %and3A_295 : i32 to vector<16xi32>
    %and3A_297 = arith.andi %get3A_294, %and3A_296 : vector<16xi32>
    %swap3A_298 = arith.constant 48 : index
    %swap3A_299 = tpu.vector_load %arg11[%swap3A_298] {strides = array<i32>} : memref<64xi32, #tpu.memory_space<vmem>>, vector<16xi32>,
    %swap3A_300 = vector.shape_cast %swap3A_299 : vector<16xi32> to vector<16xi32>
    %swap3A_301 = vector.shape_cast %and3A_297 : vector<16xi32> to vector<16xi32>
    tpu.vector_store %arg11[%swap3A_298], %swap3A_301 {strides = array<i32>} : memref<64xi32, #tpu.memory_space<vmem>>, vector<16xi32>,
    %shift_right_arithmetic3A_302 = arith.constant 14 : i32
    %shift_right_arithmetic3A_303 = vector.broadcast %shift_right_arithmetic3A_302 : i32 to vector<16xi32>
    %shift_right_arithmetic3A_304 = arith.shrsi %get3A_294, %shift_right_arithmetic3A_303 : vector<16xi32>
    %swap3A_305 = arith.constant 0 : i32
    %swap3A_306 = arith.index_cast %swap3A_305 : i32 to index
    %swap3A_307 = arith.constant 48 : index
    %swap3A_308 = tpu.vector_load %arg15[%swap3A_306, %swap3A_307] {strides = array<i32>} : memref<1x64xi32, #tpu.memory_space<vmem>>, vector<1x16xi32>,
    %swap3A_309 = vector.shape_cast %swap3A_308 : vector<1x16xi32> to vector<16xi32>
    %swap3A_310 = vector.shape_cast %shift_right_arithmetic3A_304 : vector<16xi32> to vector<1x16xi32>
    tpu.vector_store %arg15[%swap3A_306, %swap3A_307], %swap3A_310 {strides = array<i32>} : memref<1x64xi32, #tpu.memory_space<vmem>>, vector<1x16xi32>,
    %dma_start3A_311 = arith.constant 0 : i32
    %dma_start3A_312 = arith.constant 0 : i32
    %dma_start3A_313 = tpu.memref_slice %arg2[%dma_start3A_311, %dma_start3A_312] : memref<10240x128xf32, #tpu.memory_space<hbm>> -> memref<10240x128xf32, #tpu.memory_space<hbm>>
    tpu.enqueue_indirect_dma source(%dma_start3A_313 : memref<10240x128xf32, #tpu.memory_space<hbm>>) target(%arg19 : memref<64x128xf32, #tpu.memory_space<vmem>>) offsets(%arg11 : memref<64xi32, #tpu.memory_space<vmem>>) semaphore(%arg23 : memref<!tpu.dma_semaphore, #tpu.memory_space<semaphore_mem>>)
    %barrier3A = arith.constant 0 : index
    tpu.barrier barrier_id(%barrier3A)
    %scan3A = arith.constant 0 : i32
    %scan3A_314 = arith.constant 0 : i32
    %scan3A_315 = arith.constant 40 : i32
    %scan3A_316 = arith.addi %scan3A_314, %scan3A_315 : i32
    %scan3A_317 = arith.constant 1 : i32
    scf.for %scan3A_320 = %scan3A_314 to %scan3A_316 step %scan3A_317  : i32 {
      %mul3A_321 = arith.constant 4 : i32
      %mul3A_322 = arith.muli %mul3A_321, %scan3A_320 : i32
      %add3A_323 = arith.constant 0 : i32
      %add3A_324 = arith.addi %mul3A_322, %add3A_323 : i32
      %dma_wait3A = arith.constant 0 : i32
      %dma_wait3A_325 = arith.constant 0 : i32
      %dma_wait3A_326 = tpu.memref_slice %arg2[%dma_wait3A, %dma_wait3A_325] : memref<10240x128xf32, #tpu.memory_space<hbm>> -> memref<10240x128xf32, #tpu.memory_space<hbm>>
      tpu.wait_indirect_dma semaphore(%arg20 : memref<!tpu.dma_semaphore, #tpu.memory_space<semaphore_mem>>) src(%dma_wait3A_326 : memref<10240x128xf32, #tpu.memory_space<hbm>>) dst(%arg16 : memref<64x128xf32, #tpu.memory_space<vmem>>)
      %run_scoped3A = arith.constant 0 : i32
      "tpu.region"() ({
        %run_scoped3A_376 = tpu.sem_alloc : memref<!tpu.dma_semaphore, #tpu.memory_space<semaphore_mem>>
        %dma_start3A_377 = arith.constant 0 : i32
        %dma_start3A_378 = tpu.memref_slice %arg12[%run_scoped3A, %dma_start3A_377] : memref<1x64xi32, #tpu.memory_space<vmem>> -> memref<1x64xi32, #tpu.memory_space<vmem>>
        %dma_start3A_379 = tpu.memref_squeeze %dma_start3A_378 : memref<1x64xi32, #tpu.memory_space<vmem>> -> memref<64xi32, #tpu.memory_space<vmem>>
        %dma_start3A_380 = arith.constant 0 : i32
        %dma_start3A_381 = arith.constant 0 : i32
        %dma_start3A_382 = tpu.memref_slice %arg7[%dma_start3A_380, %dma_start3A_381] : memref<10240x128xf32, #tpu.memory_space<vmem_shared>> -> memref<10240x128xf32, #tpu.memory_space<vmem_shared>>
        tpu.enqueue_indirect_dma source(%arg16 : memref<64x128xf32, #tpu.memory_space<vmem>>) target(%dma_start3A_382 : memref<10240x128xf32, #tpu.memory_space<vmem_shared>>) offsets(%dma_start3A_379 : memref<64xi32, #tpu.memory_space<vmem>>) semaphore(%run_scoped3A_376 : memref<!tpu.dma_semaphore, #tpu.memory_space<semaphore_mem>>) {add = true}
        %dma_wait3A_383 = arith.constant 0 : i32
        %dma_wait3A_384 = tpu.memref_slice %arg12[%run_scoped3A, %dma_wait3A_383] : memref<1x64xi32, #tpu.memory_space<vmem>> -> memref<1x64xi32, #tpu.memory_space<vmem>>
        %dma_wait3A_385 = tpu.memref_squeeze %dma_wait3A_384 : memref<1x64xi32, #tpu.memory_space<vmem>> -> memref<64xi32, #tpu.memory_space<vmem>>
        %dma_wait3A_386 = arith.constant 0 : i32
        %dma_wait3A_387 = arith.constant 0 : i32
        %dma_wait3A_388 = tpu.memref_slice %arg7[%dma_wait3A_386, %dma_wait3A_387] : memref<10240x128xf32, #tpu.memory_space<vmem_shared>> -> memref<10240x128xf32, #tpu.memory_space<vmem_shared>>
        tpu.wait_indirect_dma semaphore(%run_scoped3A_376 : memref<!tpu.dma_semaphore, #tpu.memory_space<semaphore_mem>>) src(%arg16 : memref<64x128xf32, #tpu.memory_space<vmem>>) dst(%dma_wait3A_388 : memref<10240x128xf32, #tpu.memory_space<vmem_shared>>)
        tpu.yield
      }) : () -> ()
      %add3A_327 = arith.constant 4 : i32
      %add3A_328 = arith.addi %add3A_324, %add3A_327 : i32
      %lt3A = arith.constant 160 : i32
      %lt3A_329 = arith.cmpi slt, %add3A_328, %lt3A : i32
      %convert_element_type3A = arith.extui %lt3A_329 : i1 to i32
      %cond3A = arith.constant 0 : i32
      %cond3A_330 = arith.cmpi ne, %convert_element_type3A, %cond3A : i32
      scf.if %cond3A_330 {
        %mul3A_376 = arith.constant 64 : i32
        %mul3A_377 = arith.muli %add3A_328, %mul3A_376 : i32
        %add3A_378 = arith.constant 0 : i32
        %add3A_379 = arith.addi %mul3A_377, %add3A_378 : i32
        %get3A_380 = arith.index_cast %add3A_379 : i32 to index
        %get3A_381 = tpu.vector_load %arg6[%get3A_380] {strides = array<i32>} : memref<10240xi32, #tpu.memory_space<vmem>>, vector<16xi32>,
        %get3A_382 = vector.shape_cast %get3A_381 : vector<16xi32> to vector<16xi32>
        %and3A_383 = arith.constant 16383 : i32
        %and3A_384 = vector.broadcast %and3A_383 : i32 to vector<16xi32>
        %and3A_385 = arith.andi %get3A_382, %and3A_384 : vector<16xi32>
        %swap3A_386 = arith.constant 0 : index
        %swap3A_387 = tpu.vector_load %arg8[%swap3A_386] {strides = array<i32>} : memref<64xi32, #tpu.memory_space<vmem>>, vector<16xi32>,
        %swap3A_388 = vector.shape_cast %swap3A_387 : vector<16xi32> to vector<16xi32>
        %swap3A_389 = vector.shape_cast %and3A_385 : vector<16xi32> to vector<16xi32>
        tpu.vector_store %arg8[%swap3A_386], %swap3A_389 {strides = array<i32>} : memref<64xi32, #tpu.memory_space<vmem>>, vector<16xi32>,
        %shift_right_arithmetic3A_390 = arith.constant 14 : i32
        %shift_right_arithmetic3A_391 = vector.broadcast %shift_right_arithmetic3A_390 : i32 to vector<16xi32>
        %shift_right_arithmetic3A_392 = arith.shrsi %get3A_382, %shift_right_arithmetic3A_391 : vector<16xi32>
        %swap3A_393 = arith.constant 0 : i32
        %swap3A_394 = arith.index_cast %swap3A_393 : i32 to index
        %swap3A_395 = arith.constant 0 : index
        %swap3A_396 = tpu.vector_load %arg12[%swap3A_394, %swap3A_395] {strides = array<i32>} : memref<1x64xi32, #tpu.memory_space<vmem>>, vector<1x16xi32>,
        %swap3A_397 = vector.shape_cast %swap3A_396 : vector<1x16xi32> to vector<16xi32>
        %swap3A_398 = vector.shape_cast %shift_right_arithmetic3A_392 : vector<16xi32> to vector<1x16xi32>
        tpu.vector_store %arg12[%swap3A_394, %swap3A_395], %swap3A_398 {strides = array<i32>} : memref<1x64xi32, #tpu.memory_space<vmem>>, vector<1x16xi32>,
        %mul3A_399 = arith.constant 64 : i32
        %mul3A_400 = arith.muli %add3A_328, %mul3A_399 : i32
        %add3A_401 = arith.constant 16 : i32
        %add3A_402 = arith.addi %mul3A_400, %add3A_401 : i32
        %get3A_403 = arith.index_cast %add3A_402 : i32 to index
        %get3A_404 = tpu.vector_load %arg6[%get3A_403] {strides = array<i32>} : memref<10240xi32, #tpu.memory_space<vmem>>, vector<16xi32>,
        %get3A_405 = vector.shape_cast %get3A_404 : vector<16xi32> to vector<16xi32>
        %and3A_406 = arith.constant 16383 : i32
        %and3A_407 = vector.broadcast %and3A_406 : i32 to vector<16xi32>
        %and3A_408 = arith.andi %get3A_405, %and3A_407 : vector<16xi32>
        %swap3A_409 = arith.constant 16 : index
        %swap3A_410 = tpu.vector_load %arg8[%swap3A_409] {strides = array<i32>} : memref<64xi32, #tpu.memory_space<vmem>>, vector<16xi32>,
        %swap3A_411 = vector.shape_cast %swap3A_410 : vector<16xi32> to vector<16xi32>
        %swap3A_412 = vector.shape_cast %and3A_408 : vector<16xi32> to vector<16xi32>
        tpu.vector_store %arg8[%swap3A_409], %swap3A_412 {strides = array<i32>} : memref<64xi32, #tpu.memory_space<vmem>>, vector<16xi32>,
        %shift_right_arithmetic3A_413 = arith.constant 14 : i32
        %shift_right_arithmetic3A_414 = vector.broadcast %shift_right_arithmetic3A_413 : i32 to vector<16xi32>
        %shift_right_arithmetic3A_415 = arith.shrsi %get3A_405, %shift_right_arithmetic3A_414 : vector<16xi32>
        %swap3A_416 = arith.constant 0 : i32
        %swap3A_417 = arith.index_cast %swap3A_416 : i32 to index
        %swap3A_418 = arith.constant 16 : index
        %swap3A_419 = tpu.vector_load %arg12[%swap3A_417, %swap3A_418] {strides = array<i32>} : memref<1x64xi32, #tpu.memory_space<vmem>>, vector<1x16xi32>,
        %swap3A_420 = vector.shape_cast %swap3A_419 : vector<1x16xi32> to vector<16xi32>
        %swap3A_421 = vector.shape_cast %shift_right_arithmetic3A_415 : vector<16xi32> to vector<1x16xi32>
        tpu.vector_store %arg12[%swap3A_417, %swap3A_418], %swap3A_421 {strides = array<i32>} : memref<1x64xi32, #tpu.memory_space<vmem>>, vector<1x16xi32>,
        %mul3A_422 = arith.constant 64 : i32
        %mul3A_423 = arith.muli %add3A_328, %mul3A_422 : i32
        %add3A_424 = arith.constant 32 : i32
        %add3A_425 = arith.addi %mul3A_423, %add3A_424 : i32
        %get3A_426 = arith.index_cast %add3A_425 : i32 to index
        %get3A_427 = tpu.vector_load %arg6[%get3A_426] {strides = array<i32>} : memref<10240xi32, #tpu.memory_space<vmem>>, vector<16xi32>,
        %get3A_428 = vector.shape_cast %get3A_427 : vector<16xi32> to vector<16xi32>
        %and3A_429 = arith.constant 16383 : i32
        %and3A_430 = vector.broadcast %and3A_429 : i32 to vector<16xi32>
        %and3A_431 = arith.andi %get3A_428, %and3A_430 : vector<16xi32>
        %swap3A_432 = arith.constant 32 : index
        %swap3A_433 = tpu.vector_load %arg8[%swap3A_432] {strides = array<i32>} : memref<64xi32, #tpu.memory_space<vmem>>, vector<16xi32>,
        %swap3A_434 = vector.shape_cast %swap3A_433 : vector<16xi32> to vector<16xi32>
        %swap3A_435 = vector.shape_cast %and3A_431 : vector<16xi32> to vector<16xi32>
        tpu.vector_store %arg8[%swap3A_432], %swap3A_435 {strides = array<i32>} : memref<64xi32, #tpu.memory_space<vmem>>, vector<16xi32>,
        %shift_right_arithmetic3A_436 = arith.constant 14 : i32
        %shift_right_arithmetic3A_437 = vector.broadcast %shift_right_arithmetic3A_436 : i32 to vector<16xi32>
        %shift_right_arithmetic3A_438 = arith.shrsi %get3A_428, %shift_right_arithmetic3A_437 : vector<16xi32>
        %swap3A_439 = arith.constant 0 : i32
        %swap3A_440 = arith.index_cast %swap3A_439 : i32 to index
        %swap3A_441 = arith.constant 32 : index
        %swap3A_442 = tpu.vector_load %arg12[%swap3A_440, %swap3A_441] {strides = array<i32>} : memref<1x64xi32, #tpu.memory_space<vmem>>, vector<1x16xi32>,
        %swap3A_443 = vector.shape_cast %swap3A_442 : vector<1x16xi32> to vector<16xi32>
        %swap3A_444 = vector.shape_cast %shift_right_arithmetic3A_438 : vector<16xi32> to vector<1x16xi32>
        tpu.vector_store %arg12[%swap3A_440, %swap3A_441], %swap3A_444 {strides = array<i32>} : memref<1x64xi32, #tpu.memory_space<vmem>>, vector<1x16xi32>,
        %mul3A_445 = arith.constant 64 : i32
        %mul3A_446 = arith.muli %add3A_328, %mul3A_445 : i32
        %add3A_447 = arith.constant 48 : i32
        %add3A_448 = arith.addi %mul3A_446, %add3A_447 : i32
        %get3A_449 = arith.index_cast %add3A_448 : i32 to index
        %get3A_450 = tpu.vector_load %arg6[%get3A_449] {strides = array<i32>} : memref<10240xi32, #tpu.memory_space<vmem>>, vector<16xi32>,
        %get3A_451 = vector.shape_cast %get3A_450 : vector<16xi32> to vector<16xi32>
        %and3A_452 = arith.constant 16383 : i32
        %and3A_453 = vector.broadcast %and3A_452 : i32 to vector<16xi32>
        %and3A_454 = arith.andi %get3A_451, %and3A_453 : vector<16xi32>
        %swap3A_455 = arith.constant 48 : index
        %swap3A_456 = tpu.vector_load %arg8[%swap3A_455] {strides = array<i32>} : memref<64xi32, #tpu.memory_space<vmem>>, vector<16xi32>,
        %swap3A_457 = vector.shape_cast %swap3A_456 : vector<16xi32> to vector<16xi32>
        %swap3A_458 = vector.shape_cast %and3A_454 : vector<16xi32> to vector<16xi32>
        tpu.vector_store %arg8[%swap3A_455], %swap3A_458 {strides = array<i32>} : memref<64xi32, #tpu.memory_space<vmem>>, vector<16xi32>,
        %shift_right_arithmetic3A_459 = arith.constant 14 : i32
        %shift_right_arithmetic3A_460 = vector.broadcast %shift_right_arithmetic3A_459 : i32 to vector<16xi32>
        %shift_right_arithmetic3A_461 = arith.shrsi %get3A_451, %shift_right_arithmetic3A_460 : vector<16xi32>
        %swap3A_462 = arith.constant 0 : i32
        %swap3A_463 = arith.index_cast %swap3A_462 : i32 to index
        %swap3A_464 = arith.constant 48 : index
        %swap3A_465 = tpu.vector_load %arg12[%swap3A_463, %swap3A_464] {strides = array<i32>} : memref<1x64xi32, #tpu.memory_space<vmem>>, vector<1x16xi32>,
        %swap3A_466 = vector.shape_cast %swap3A_465 : vector<1x16xi32> to vector<16xi32>
        %swap3A_467 = vector.shape_cast %shift_right_arithmetic3A_461 : vector<16xi32> to vector<1x16xi32>
        tpu.vector_store %arg12[%swap3A_463, %swap3A_464], %swap3A_467 {strides = array<i32>} : memref<1x64xi32, #tpu.memory_space<vmem>>, vector<1x16xi32>,
        %dma_start3A_468 = arith.constant 0 : i32
        %dma_start3A_469 = arith.constant 0 : i32
        %dma_start3A_470 = tpu.memref_slice %arg2[%dma_start3A_468, %dma_start3A_469] : memref<10240x128xf32, #tpu.memory_space<hbm>> -> memref<10240x128xf32, #tpu.memory_space<hbm>>
        tpu.enqueue_indirect_dma source(%dma_start3A_470 : memref<10240x128xf32, #tpu.memory_space<hbm>>) target(%arg16 : memref<64x128xf32, #tpu.memory_space<vmem>>) offsets(%arg8 : memref<64xi32, #tpu.memory_space<vmem>>) semaphore(%arg20 : memref<!tpu.dma_semaphore, #tpu.memory_space<semaphore_mem>>)
      } else {
      }
      %mul3A_331 = arith.constant 4 : i32
      %mul3A_332 = arith.muli %mul3A_331, %scan3A_320 : i32
      %add3A_333 = arith.constant 1 : i32
      %add3A_334 = arith.addi %mul3A_332, %add3A_333 : i32
      %dma_wait3A_335 = arith.constant 0 : i32
      %dma_wait3A_336 = arith.constant 0 : i32
      %dma_wait3A_337 = tpu.memref_slice %arg2[%dma_wait3A_335, %dma_wait3A_336] : memref<10240x128xf32, #tpu.memory_space<hbm>> -> memref<10240x128xf32, #tpu.memory_space<hbm>>
      tpu.wait_indirect_dma semaphore(%arg21 : memref<!tpu.dma_semaphore, #tpu.memory_space<semaphore_mem>>) src(%dma_wait3A_337 : memref<10240x128xf32, #tpu.memory_space<hbm>>) dst(%arg17 : memref<64x128xf32, #tpu.memory_space<vmem>>)
      %run_scoped3A_338 = arith.constant 0 : i32
      "tpu.region"() ({
        %run_scoped3A_376 = tpu.sem_alloc : memref<!tpu.dma_semaphore, #tpu.memory_space<semaphore_mem>>
        %dma_start3A_377 = arith.constant 0 : i32
        %dma_start3A_378 = tpu.memref_slice %arg13[%run_scoped3A_338, %dma_start3A_377] : memref<1x64xi32, #tpu.memory_space<vmem>> -> memref<1x64xi32, #tpu.memory_space<vmem>>
        %dma_start3A_379 = tpu.memref_squeeze %dma_start3A_378 : memref<1x64xi32, #tpu.memory_space<vmem>> -> memref<64xi32, #tpu.memory_space<vmem>>
        %dma_start3A_380 = arith.constant 0 : i32
        %dma_start3A_381 = arith.constant 0 : i32
        %dma_start3A_382 = tpu.memref_slice %arg7[%dma_start3A_380, %dma_start3A_381] : memref<10240x128xf32, #tpu.memory_space<vmem_shared>> -> memref<10240x128xf32, #tpu.memory_space<vmem_shared>>
        tpu.enqueue_indirect_dma source(%arg17 : memref<64x128xf32, #tpu.memory_space<vmem>>) target(%dma_start3A_382 : memref<10240x128xf32, #tpu.memory_space<vmem_shared>>) offsets(%dma_start3A_379 : memref<64xi32, #tpu.memory_space<vmem>>) semaphore(%run_scoped3A_376 : memref<!tpu.dma_semaphore, #tpu.memory_space<semaphore_mem>>) {add = true}
        %dma_wait3A_383 = arith.constant 0 : i32
        %dma_wait3A_384 = tpu.memref_slice %arg13[%run_scoped3A_338, %dma_wait3A_383] : memref<1x64xi32, #tpu.memory_space<vmem>> -> memref<1x64xi32, #tpu.memory_space<vmem>>
        %dma_wait3A_385 = tpu.memref_squeeze %dma_wait3A_384 : memref<1x64xi32, #tpu.memory_space<vmem>> -> memref<64xi32, #tpu.memory_space<vmem>>
        %dma_wait3A_386 = arith.constant 0 : i32
        %dma_wait3A_387 = arith.constant 0 : i32
        %dma_wait3A_388 = tpu.memref_slice %arg7[%dma_wait3A_386, %dma_wait3A_387] : memref<10240x128xf32, #tpu.memory_space<vmem_shared>> -> memref<10240x128xf32, #tpu.memory_space<vmem_shared>>
        tpu.wait_indirect_dma semaphore(%run_scoped3A_376 : memref<!tpu.dma_semaphore, #tpu.memory_space<semaphore_mem>>) src(%arg17 : memref<64x128xf32, #tpu.memory_space<vmem>>) dst(%dma_wait3A_388 : memref<10240x128xf32, #tpu.memory_space<vmem_shared>>)
        tpu.yield
      }) : () -> ()
      %add3A_339 = arith.constant 4 : i32
      %add3A_340 = arith.addi %add3A_334, %add3A_339 : i32
      %lt3A_341 = arith.constant 160 : i32
      %lt3A_342 = arith.cmpi slt, %add3A_340, %lt3A_341 : i32
      %convert_element_type3A_343 = arith.extui %lt3A_342 : i1 to i32
      %cond3A_344 = arith.constant 0 : i32
      %cond3A_345 = arith.cmpi ne, %convert_element_type3A_343, %cond3A_344 : i32
      scf.if %cond3A_345 {
        %mul3A_376 = arith.constant 64 : i32
        %mul3A_377 = arith.muli %add3A_340, %mul3A_376 : i32
        %add3A_378 = arith.constant 0 : i32
        %add3A_379 = arith.addi %mul3A_377, %add3A_378 : i32
        %get3A_380 = arith.index_cast %add3A_379 : i32 to index
        %get3A_381 = tpu.vector_load %arg6[%get3A_380] {strides = array<i32>} : memref<10240xi32, #tpu.memory_space<vmem>>, vector<16xi32>,
        %get3A_382 = vector.shape_cast %get3A_381 : vector<16xi32> to vector<16xi32>
        %and3A_383 = arith.constant 16383 : i32
        %and3A_384 = vector.broadcast %and3A_383 : i32 to vector<16xi32>
        %and3A_385 = arith.andi %get3A_382, %and3A_384 : vector<16xi32>
        %swap3A_386 = arith.constant 0 : index
        %swap3A_387 = tpu.vector_load %arg9[%swap3A_386] {strides = array<i32>} : memref<64xi32, #tpu.memory_space<vmem>>, vector<16xi32>,
        %swap3A_388 = vector.shape_cast %swap3A_387 : vector<16xi32> to vector<16xi32>
        %swap3A_389 = vector.shape_cast %and3A_385 : vector<16xi32> to vector<16xi32>
        tpu.vector_store %arg9[%swap3A_386], %swap3A_389 {strides = array<i32>} : memref<64xi32, #tpu.memory_space<vmem>>, vector<16xi32>,
        %shift_right_arithmetic3A_390 = arith.constant 14 : i32
        %shift_right_arithmetic3A_391 = vector.broadcast %shift_right_arithmetic3A_390 : i32 to vector<16xi32>
        %shift_right_arithmetic3A_392 = arith.shrsi %get3A_382, %shift_right_arithmetic3A_391 : vector<16xi32>
        %swap3A_393 = arith.constant 0 : i32
        %swap3A_394 = arith.index_cast %swap3A_393 : i32 to index
        %swap3A_395 = arith.constant 0 : index
        %swap3A_396 = tpu.vector_load %arg13[%swap3A_394, %swap3A_395] {strides = array<i32>} : memref<1x64xi32, #tpu.memory_space<vmem>>, vector<1x16xi32>,
        %swap3A_397 = vector.shape_cast %swap3A_396 : vector<1x16xi32> to vector<16xi32>
        %swap3A_398 = vector.shape_cast %shift_right_arithmetic3A_392 : vector<16xi32> to vector<1x16xi32>
        tpu.vector_store %arg13[%swap3A_394, %swap3A_395], %swap3A_398 {strides = array<i32>} : memref<1x64xi32, #tpu.memory_space<vmem>>, vector<1x16xi32>,
        %mul3A_399 = arith.constant 64 : i32
        %mul3A_400 = arith.muli %add3A_340, %mul3A_399 : i32
        %add3A_401 = arith.constant 16 : i32
        %add3A_402 = arith.addi %mul3A_400, %add3A_401 : i32
        %get3A_403 = arith.index_cast %add3A_402 : i32 to index
        %get3A_404 = tpu.vector_load %arg6[%get3A_403] {strides = array<i32>} : memref<10240xi32, #tpu.memory_space<vmem>>, vector<16xi32>,
        %get3A_405 = vector.shape_cast %get3A_404 : vector<16xi32> to vector<16xi32>
        %and3A_406 = arith.constant 16383 : i32
        %and3A_407 = vector.broadcast %and3A_406 : i32 to vector<16xi32>
        %and3A_408 = arith.andi %get3A_405, %and3A_407 : vector<16xi32>
        %swap3A_409 = arith.constant 16 : index
        %swap3A_410 = tpu.vector_load %arg9[%swap3A_409] {strides = array<i32>} : memref<64xi32, #tpu.memory_space<vmem>>, vector<16xi32>,
        %swap3A_411 = vector.shape_cast %swap3A_410 : vector<16xi32> to vector<16xi32>
        %swap3A_412 = vector.shape_cast %and3A_408 : vector<16xi32> to vector<16xi32>
        tpu.vector_store %arg9[%swap3A_409], %swap3A_412 {strides = array<i32>} : memref<64xi32, #tpu.memory_space<vmem>>, vector<16xi32>,
        %shift_right_arithmetic3A_413 = arith.constant 14 : i32
        %shift_right_arithmetic3A_414 = vector.broadcast %shift_right_arithmetic3A_413 : i32 to vector<16xi32>
        %shift_right_arithmetic3A_415 = arith.shrsi %get3A_405, %shift_right_arithmetic3A_414 : vector<16xi32>
        %swap3A_416 = arith.constant 0 : i32
        %swap3A_417 = arith.index_cast %swap3A_416 : i32 to index
        %swap3A_418 = arith.constant 16 : index
        %swap3A_419 = tpu.vector_load %arg13[%swap3A_417, %swap3A_418] {strides = array<i32>} : memref<1x64xi32, #tpu.memory_space<vmem>>, vector<1x16xi32>,
        %swap3A_420 = vector.shape_cast %swap3A_419 : vector<1x16xi32> to vector<16xi32>
        %swap3A_421 = vector.shape_cast %shift_right_arithmetic3A_415 : vector<16xi32> to vector<1x16xi32>
        tpu.vector_store %arg13[%swap3A_417, %swap3A_418], %swap3A_421 {strides = array<i32>} : memref<1x64xi32, #tpu.memory_space<vmem>>, vector<1x16xi32>,
        %mul3A_422 = arith.constant 64 : i32
        %mul3A_423 = arith.muli %add3A_340, %mul3A_422 : i32
        %add3A_424 = arith.constant 32 : i32
        %add3A_425 = arith.addi %mul3A_423, %add3A_424 : i32
        %get3A_426 = arith.index_cast %add3A_425 : i32 to index
        %get3A_427 = tpu.vector_load %arg6[%get3A_426] {strides = array<i32>} : memref<10240xi32, #tpu.memory_space<vmem>>, vector<16xi32>,
        %get3A_428 = vector.shape_cast %get3A_427 : vector<16xi32> to vector<16xi32>
        %and3A_429 = arith.constant 16383 : i32
        %and3A_430 = vector.broadcast %and3A_429 : i32 to vector<16xi32>
        %and3A_431 = arith.andi %get3A_428, %and3A_430 : vector<16xi32>
        %swap3A_432 = arith.constant 32 : index
        %swap3A_433 = tpu.vector_load %arg9[%swap3A_432] {strides = array<i32>} : memref<64xi32, #tpu.memory_space<vmem>>, vector<16xi32>,
        %swap3A_434 = vector.shape_cast %swap3A_433 : vector<16xi32> to vector<16xi32>
        %swap3A_435 = vector.shape_cast %and3A_431 : vector<16xi32> to vector<16xi32>
        tpu.vector_store %arg9[%swap3A_432], %swap3A_435 {strides = array<i32>} : memref<64xi32, #tpu.memory_space<vmem>>, vector<16xi32>,
        %shift_right_arithmetic3A_436 = arith.constant 14 : i32
        %shift_right_arithmetic3A_437 = vector.broadcast %shift_right_arithmetic3A_436 : i32 to vector<16xi32>
        %shift_right_arithmetic3A_438 = arith.shrsi %get3A_428, %shift_right_arithmetic3A_437 : vector<16xi32>
        %swap3A_439 = arith.constant 0 : i32
        %swap3A_440 = arith.index_cast %swap3A_439 : i32 to index
        %swap3A_441 = arith.constant 32 : index
        %swap3A_442 = tpu.vector_load %arg13[%swap3A_440, %swap3A_441] {strides = array<i32>} : memref<1x64xi32, #tpu.memory_space<vmem>>, vector<1x16xi32>,
        %swap3A_443 = vector.shape_cast %swap3A_442 : vector<1x16xi32> to vector<16xi32>
        %swap3A_444 = vector.shape_cast %shift_right_arithmetic3A_438 : vector<16xi32> to vector<1x16xi32>
        tpu.vector_store %arg13[%swap3A_440, %swap3A_441], %swap3A_444 {strides = array<i32>} : memref<1x64xi32, #tpu.memory_space<vmem>>, vector<1x16xi32>,
        %mul3A_445 = arith.constant 64 : i32
        %mul3A_446 = arith.muli %add3A_340, %mul3A_445 : i32
        %add3A_447 = arith.constant 48 : i32
        %add3A_448 = arith.addi %mul3A_446, %add3A_447 : i32
        %get3A_449 = arith.index_cast %add3A_448 : i32 to index
        %get3A_450 = tpu.vector_load %arg6[%get3A_449] {strides = array<i32>} : memref<10240xi32, #tpu.memory_space<vmem>>, vector<16xi32>,
        %get3A_451 = vector.shape_cast %get3A_450 : vector<16xi32> to vector<16xi32>
        %and3A_452 = arith.constant 16383 : i32
        %and3A_453 = vector.broadcast %and3A_452 : i32 to vector<16xi32>
        %and3A_454 = arith.andi %get3A_451, %and3A_453 : vector<16xi32>
        %swap3A_455 = arith.constant 48 : index
        %swap3A_456 = tpu.vector_load %arg9[%swap3A_455] {strides = array<i32>} : memref<64xi32, #tpu.memory_space<vmem>>, vector<16xi32>,
        %swap3A_457 = vector.shape_cast %swap3A_456 : vector<16xi32> to vector<16xi32>
        %swap3A_458 = vector.shape_cast %and3A_454 : vector<16xi32> to vector<16xi32>
        tpu.vector_store %arg9[%swap3A_455], %swap3A_458 {strides = array<i32>} : memref<64xi32, #tpu.memory_space<vmem>>, vector<16xi32>,
        %shift_right_arithmetic3A_459 = arith.constant 14 : i32
        %shift_right_arithmetic3A_460 = vector.broadcast %shift_right_arithmetic3A_459 : i32 to vector<16xi32>
        %shift_right_arithmetic3A_461 = arith.shrsi %get3A_451, %shift_right_arithmetic3A_460 : vector<16xi32>
        %swap3A_462 = arith.constant 0 : i32
        %swap3A_463 = arith.index_cast %swap3A_462 : i32 to index
        %swap3A_464 = arith.constant 48 : index
        %swap3A_465 = tpu.vector_load %arg13[%swap3A_463, %swap3A_464] {strides = array<i32>} : memref<1x64xi32, #tpu.memory_space<vmem>>, vector<1x16xi32>,
        %swap3A_466 = vector.shape_cast %swap3A_465 : vector<1x16xi32> to vector<16xi32>
        %swap3A_467 = vector.shape_cast %shift_right_arithmetic3A_461 : vector<16xi32> to vector<1x16xi32>
        tpu.vector_store %arg13[%swap3A_463, %swap3A_464], %swap3A_467 {strides = array<i32>} : memref<1x64xi32, #tpu.memory_space<vmem>>, vector<1x16xi32>,
        %dma_start3A_468 = arith.constant 0 : i32
        %dma_start3A_469 = arith.constant 0 : i32
        %dma_start3A_470 = tpu.memref_slice %arg2[%dma_start3A_468, %dma_start3A_469] : memref<10240x128xf32, #tpu.memory_space<hbm>> -> memref<10240x128xf32, #tpu.memory_space<hbm>>
        tpu.enqueue_indirect_dma source(%dma_start3A_470 : memref<10240x128xf32, #tpu.memory_space<hbm>>) target(%arg17 : memref<64x128xf32, #tpu.memory_space<vmem>>) offsets(%arg9 : memref<64xi32, #tpu.memory_space<vmem>>) semaphore(%arg21 : memref<!tpu.dma_semaphore, #tpu.memory_space<semaphore_mem>>)
      } else {
      }
      %mul3A_346 = arith.constant 4 : i32
      %mul3A_347 = arith.muli %mul3A_346, %scan3A_320 : i32
      %add3A_348 = arith.constant 2 : i32
      %add3A_349 = arith.addi %mul3A_347, %add3A_348 : i32
      %dma_wait3A_350 = arith.constant 0 : i32
      %dma_wait3A_351 = arith.constant 0 : i32
      %dma_wait3A_352 = tpu.memref_slice %arg2[%dma_wait3A_350, %dma_wait3A_351] : memref<10240x128xf32, #tpu.memory_space<hbm>> -> memref<10240x128xf32, #tpu.memory_space<hbm>>
      tpu.wait_indirect_dma semaphore(%arg22 : memref<!tpu.dma_semaphore, #tpu.memory_space<semaphore_mem>>) src(%dma_wait3A_352 : memref<10240x128xf32, #tpu.memory_space<hbm>>) dst(%arg18 : memref<64x128xf32, #tpu.memory_space<vmem>>)
      %run_scoped3A_353 = arith.constant 0 : i32
      "tpu.region"() ({
        %run_scoped3A_376 = tpu.sem_alloc : memref<!tpu.dma_semaphore, #tpu.memory_space<semaphore_mem>>
        %dma_start3A_377 = arith.constant 0 : i32
        %dma_start3A_378 = tpu.memref_slice %arg14[%run_scoped3A_353, %dma_start3A_377] : memref<1x64xi32, #tpu.memory_space<vmem>> -> memref<1x64xi32, #tpu.memory_space<vmem>>
        %dma_start3A_379 = tpu.memref_squeeze %dma_start3A_378 : memref<1x64xi32, #tpu.memory_space<vmem>> -> memref<64xi32, #tpu.memory_space<vmem>>
        %dma_start3A_380 = arith.constant 0 : i32
        %dma_start3A_381 = arith.constant 0 : i32
        %dma_start3A_382 = tpu.memref_slice %arg7[%dma_start3A_380, %dma_start3A_381] : memref<10240x128xf32, #tpu.memory_space<vmem_shared>> -> memref<10240x128xf32, #tpu.memory_space<vmem_shared>>
        tpu.enqueue_indirect_dma source(%arg18 : memref<64x128xf32, #tpu.memory_space<vmem>>) target(%dma_start3A_382 : memref<10240x128xf32, #tpu.memory_space<vmem_shared>>) offsets(%dma_start3A_379 : memref<64xi32, #tpu.memory_space<vmem>>) semaphore(%run_scoped3A_376 : memref<!tpu.dma_semaphore, #tpu.memory_space<semaphore_mem>>) {add = true}
        %dma_wait3A_383 = arith.constant 0 : i32
        %dma_wait3A_384 = tpu.memref_slice %arg14[%run_scoped3A_353, %dma_wait3A_383] : memref<1x64xi32, #tpu.memory_space<vmem>> -> memref<1x64xi32, #tpu.memory_space<vmem>>
        %dma_wait3A_385 = tpu.memref_squeeze %dma_wait3A_384 : memref<1x64xi32, #tpu.memory_space<vmem>> -> memref<64xi32, #tpu.memory_space<vmem>>
        %dma_wait3A_386 = arith.constant 0 : i32
        %dma_wait3A_387 = arith.constant 0 : i32
        %dma_wait3A_388 = tpu.memref_slice %arg7[%dma_wait3A_386, %dma_wait3A_387] : memref<10240x128xf32, #tpu.memory_space<vmem_shared>> -> memref<10240x128xf32, #tpu.memory_space<vmem_shared>>
        tpu.wait_indirect_dma semaphore(%run_scoped3A_376 : memref<!tpu.dma_semaphore, #tpu.memory_space<semaphore_mem>>) src(%arg18 : memref<64x128xf32, #tpu.memory_space<vmem>>) dst(%dma_wait3A_388 : memref<10240x128xf32, #tpu.memory_space<vmem_shared>>)
        tpu.yield
      }) : () -> ()
      %add3A_354 = arith.constant 4 : i32
      %add3A_355 = arith.addi %add3A_349, %add3A_354 : i32
      %lt3A_356 = arith.constant 160 : i32
      %lt3A_357 = arith.cmpi slt, %add3A_355, %lt3A_356 : i32
      %convert_element_type3A_358 = arith.extui %lt3A_357 : i1 to i32
      %cond3A_359 = arith.constant 0 : i32
      %cond3A_360 = arith.cmpi ne, %convert_element_type3A_358, %cond3A_359 : i32
      scf.if %cond3A_360 {
        %mul3A_376 = arith.constant 64 : i32
        %mul3A_377 = arith.muli %add3A_355, %mul3A_376 : i32
        %add3A_378 = arith.constant 0 : i32
        %add3A_379 = arith.addi %mul3A_377, %add3A_378 : i32
        %get3A_380 = arith.index_cast %add3A_379 : i32 to index
        %get3A_381 = tpu.vector_load %arg6[%get3A_380] {strides = array<i32>} : memref<10240xi32, #tpu.memory_space<vmem>>, vector<16xi32>,
        %get3A_382 = vector.shape_cast %get3A_381 : vector<16xi32> to vector<16xi32>
        %and3A_383 = arith.constant 16383 : i32
        %and3A_384 = vector.broadcast %and3A_383 : i32 to vector<16xi32>
        %and3A_385 = arith.andi %get3A_382, %and3A_384 : vector<16xi32>
        %swap3A_386 = arith.constant 0 : index
        %swap3A_387 = tpu.vector_load %arg10[%swap3A_386] {strides = array<i32>} : memref<64xi32, #tpu.memory_space<vmem>>, vector<16xi32>,
        %swap3A_388 = vector.shape_cast %swap3A_387 : vector<16xi32> to vector<16xi32>
        %swap3A_389 = vector.shape_cast %and3A_385 : vector<16xi32> to vector<16xi32>
        tpu.vector_store %arg10[%swap3A_386], %swap3A_389 {strides = array<i32>} : memref<64xi32, #tpu.memory_space<vmem>>, vector<16xi32>,
        %shift_right_arithmetic3A_390 = arith.constant 14 : i32
        %shift_right_arithmetic3A_391 = vector.broadcast %shift_right_arithmetic3A_390 : i32 to vector<16xi32>
        %shift_right_arithmetic3A_392 = arith.shrsi %get3A_382, %shift_right_arithmetic3A_391 : vector<16xi32>
        %swap3A_393 = arith.constant 0 : i32
        %swap3A_394 = arith.index_cast %swap3A_393 : i32 to index
        %swap3A_395 = arith.constant 0 : index
        %swap3A_396 = tpu.vector_load %arg14[%swap3A_394, %swap3A_395] {strides = array<i32>} : memref<1x64xi32, #tpu.memory_space<vmem>>, vector<1x16xi32>,
        %swap3A_397 = vector.shape_cast %swap3A_396 : vector<1x16xi32> to vector<16xi32>
        %swap3A_398 = vector.shape_cast %shift_right_arithmetic3A_392 : vector<16xi32> to vector<1x16xi32>
        tpu.vector_store %arg14[%swap3A_394, %swap3A_395], %swap3A_398 {strides = array<i32>} : memref<1x64xi32, #tpu.memory_space<vmem>>, vector<1x16xi32>,
        %mul3A_399 = arith.constant 64 : i32
        %mul3A_400 = arith.muli %add3A_355, %mul3A_399 : i32
        %add3A_401 = arith.constant 16 : i32
        %add3A_402 = arith.addi %mul3A_400, %add3A_401 : i32
        %get3A_403 = arith.index_cast %add3A_402 : i32 to index
        %get3A_404 = tpu.vector_load %arg6[%get3A_403] {strides = array<i32>} : memref<10240xi32, #tpu.memory_space<vmem>>, vector<16xi32>,
        %get3A_405 = vector.shape_cast %get3A_404 : vector<16xi32> to vector<16xi32>
        %and3A_406 = arith.constant 16383 : i32
        %and3A_407 = vector.broadcast %and3A_406 : i32 to vector<16xi32>
        %and3A_408 = arith.andi %get3A_405, %and3A_407 : vector<16xi32>
        %swap3A_409 = arith.constant 16 : index
        %swap3A_410 = tpu.vector_load %arg10[%swap3A_409] {strides = array<i32>} : memref<64xi32, #tpu.memory_space<vmem>>, vector<16xi32>,
        %swap3A_411 = vector.shape_cast %swap3A_410 : vector<16xi32> to vector<16xi32>
        %swap3A_412 = vector.shape_cast %and3A_408 : vector<16xi32> to vector<16xi32>
        tpu.vector_store %arg10[%swap3A_409], %swap3A_412 {strides = array<i32>} : memref<64xi32, #tpu.memory_space<vmem>>, vector<16xi32>,
        %shift_right_arithmetic3A_413 = arith.constant 14 : i32
        %shift_right_arithmetic3A_414 = vector.broadcast %shift_right_arithmetic3A_413 : i32 to vector<16xi32>
        %shift_right_arithmetic3A_415 = arith.shrsi %get3A_405, %shift_right_arithmetic3A_414 : vector<16xi32>
        %swap3A_416 = arith.constant 0 : i32
        %swap3A_417 = arith.index_cast %swap3A_416 : i32 to index
        %swap3A_418 = arith.constant 16 : index
        %swap3A_419 = tpu.vector_load %arg14[%swap3A_417, %swap3A_418] {strides = array<i32>} : memref<1x64xi32, #tpu.memory_space<vmem>>, vector<1x16xi32>,
        %swap3A_420 = vector.shape_cast %swap3A_419 : vector<1x16xi32> to vector<16xi32>
        %swap3A_421 = vector.shape_cast %shift_right_arithmetic3A_415 : vector<16xi32> to vector<1x16xi32>
        tpu.vector_store %arg14[%swap3A_417, %swap3A_418], %swap3A_421 {strides = array<i32>} : memref<1x64xi32, #tpu.memory_space<vmem>>, vector<1x16xi32>,
        %mul3A_422 = arith.constant 64 : i32
        %mul3A_423 = arith.muli %add3A_355, %mul3A_422 : i32
        %add3A_424 = arith.constant 32 : i32
        %add3A_425 = arith.addi %mul3A_423, %add3A_424 : i32
        %get3A_426 = arith.index_cast %add3A_425 : i32 to index
        %get3A_427 = tpu.vector_load %arg6[%get3A_426] {strides = array<i32>} : memref<10240xi32, #tpu.memory_space<vmem>>, vector<16xi32>,
        %get3A_428 = vector.shape_cast %get3A_427 : vector<16xi32> to vector<16xi32>
        %and3A_429 = arith.constant 16383 : i32
        %and3A_430 = vector.broadcast %and3A_429 : i32 to vector<16xi32>
        %and3A_431 = arith.andi %get3A_428, %and3A_430 : vector<16xi32>
        %swap3A_432 = arith.constant 32 : index
        %swap3A_433 = tpu.vector_load %arg10[%swap3A_432] {strides = array<i32>} : memref<64xi32, #tpu.memory_space<vmem>>, vector<16xi32>,
        %swap3A_434 = vector.shape_cast %swap3A_433 : vector<16xi32> to vector<16xi32>
        %swap3A_435 = vector.shape_cast %and3A_431 : vector<16xi32> to vector<16xi32>
        tpu.vector_store %arg10[%swap3A_432], %swap3A_435 {strides = array<i32>} : memref<64xi32, #tpu.memory_space<vmem>>, vector<16xi32>,
        %shift_right_arithmetic3A_436 = arith.constant 14 : i32
        %shift_right_arithmetic3A_437 = vector.broadcast %shift_right_arithmetic3A_436 : i32 to vector<16xi32>
        %shift_right_arithmetic3A_438 = arith.shrsi %get3A_428, %shift_right_arithmetic3A_437 : vector<16xi32>
        %swap3A_439 = arith.constant 0 : i32
        %swap3A_440 = arith.index_cast %swap3A_439 : i32 to index
        %swap3A_441 = arith.constant 32 : index
        %swap3A_442 = tpu.vector_load %arg14[%swap3A_440, %swap3A_441] {strides = array<i32>} : memref<1x64xi32, #tpu.memory_space<vmem>>, vector<1x16xi32>,
        %swap3A_443 = vector.shape_cast %swap3A_442 : vector<1x16xi32> to vector<16xi32>
        %swap3A_444 = vector.shape_cast %shift_right_arithmetic3A_438 : vector<16xi32> to vector<1x16xi32>
        tpu.vector_store %arg14[%swap3A_440, %swap3A_441], %swap3A_444 {strides = array<i32>} : memref<1x64xi32, #tpu.memory_space<vmem>>, vector<1x16xi32>,
        %mul3A_445 = arith.constant 64 : i32
        %mul3A_446 = arith.muli %add3A_355, %mul3A_445 : i32
        %add3A_447 = arith.constant 48 : i32
        %add3A_448 = arith.addi %mul3A_446, %add3A_447 : i32
        %get3A_449 = arith.index_cast %add3A_448 : i32 to index
        %get3A_450 = tpu.vector_load %arg6[%get3A_449] {strides = array<i32>} : memref<10240xi32, #tpu.memory_space<vmem>>, vector<16xi32>,
        %get3A_451 = vector.shape_cast %get3A_450 : vector<16xi32> to vector<16xi32>
        %and3A_452 = arith.constant 16383 : i32
        %and3A_453 = vector.broadcast %and3A_452 : i32 to vector<16xi32>
        %and3A_454 = arith.andi %get3A_451, %and3A_453 : vector<16xi32>
        %swap3A_455 = arith.constant 48 : index
        %swap3A_456 = tpu.vector_load %arg10[%swap3A_455] {strides = array<i32>} : memref<64xi32, #tpu.memory_space<vmem>>, vector<16xi32>,
        %swap3A_457 = vector.shape_cast %swap3A_456 : vector<16xi32> to vector<16xi32>
        %swap3A_458 = vector.shape_cast %and3A_454 : vector<16xi32> to vector<16xi32>
        tpu.vector_store %arg10[%swap3A_455], %swap3A_458 {strides = array<i32>} : memref<64xi32, #tpu.memory_space<vmem>>, vector<16xi32>,
        %shift_right_arithmetic3A_459 = arith.constant 14 : i32
        %shift_right_arithmetic3A_460 = vector.broadcast %shift_right_arithmetic3A_459 : i32 to vector<16xi32>
        %shift_right_arithmetic3A_461 = arith.shrsi %get3A_451, %shift_right_arithmetic3A_460 : vector<16xi32>
        %swap3A_462 = arith.constant 0 : i32
        %swap3A_463 = arith.index_cast %swap3A_462 : i32 to index
        %swap3A_464 = arith.constant 48 : index
        %swap3A_465 = tpu.vector_load %arg14[%swap3A_463, %swap3A_464] {strides = array<i32>} : memref<1x64xi32, #tpu.memory_space<vmem>>, vector<1x16xi32>,
        %swap3A_466 = vector.shape_cast %swap3A_465 : vector<1x16xi32> to vector<16xi32>
        %swap3A_467 = vector.shape_cast %shift_right_arithmetic3A_461 : vector<16xi32> to vector<1x16xi32>
        tpu.vector_store %arg14[%swap3A_463, %swap3A_464], %swap3A_467 {strides = array<i32>} : memref<1x64xi32, #tpu.memory_space<vmem>>, vector<1x16xi32>,
        %dma_start3A_468 = arith.constant 0 : i32
        %dma_start3A_469 = arith.constant 0 : i32
        %dma_start3A_470 = tpu.memref_slice %arg2[%dma_start3A_468, %dma_start3A_469] : memref<10240x128xf32, #tpu.memory_space<hbm>> -> memref<10240x128xf32, #tpu.memory_space<hbm>>
        tpu.enqueue_indirect_dma source(%dma_start3A_470 : memref<10240x128xf32, #tpu.memory_space<hbm>>) target(%arg18 : memref<64x128xf32, #tpu.memory_space<vmem>>) offsets(%arg10 : memref<64xi32, #tpu.memory_space<vmem>>) semaphore(%arg22 : memref<!tpu.dma_semaphore, #tpu.memory_space<semaphore_mem>>)
      } else {
      }
      %mul3A_361 = arith.constant 4 : i32
      %mul3A_362 = arith.muli %mul3A_361, %scan3A_320 : i32
      %add3A_363 = arith.constant 3 : i32
      %add3A_364 = arith.addi %mul3A_362, %add3A_363 : i32
      %dma_wait3A_365 = arith.constant 0 : i32
      %dma_wait3A_366 = arith.constant 0 : i32
      %dma_wait3A_367 = tpu.memref_slice %arg2[%dma_wait3A_365, %dma_wait3A_366] : memref<10240x128xf32, #tpu.memory_space<hbm>> -> memref<10240x128xf32, #tpu.memory_space<hbm>>
      tpu.wait_indirect_dma semaphore(%arg23 : memref<!tpu.dma_semaphore, #tpu.memory_space<semaphore_mem>>) src(%dma_wait3A_367 : memref<10240x128xf32, #tpu.memory_space<hbm>>) dst(%arg19 : memref<64x128xf32, #tpu.memory_space<vmem>>)
      %run_scoped3A_368 = arith.constant 0 : i32
      "tpu.region"() ({
        %run_scoped3A_376 = tpu.sem_alloc : memref<!tpu.dma_semaphore, #tpu.memory_space<semaphore_mem>>
        %dma_start3A_377 = arith.constant 0 : i32
        %dma_start3A_378 = tpu.memref_slice %arg15[%run_scoped3A_368, %dma_start3A_377] : memref<1x64xi32, #tpu.memory_space<vmem>> -> memref<1x64xi32, #tpu.memory_space<vmem>>
        %dma_start3A_379 = tpu.memref_squeeze %dma_start3A_378 : memref<1x64xi32, #tpu.memory_space<vmem>> -> memref<64xi32, #tpu.memory_space<vmem>>
        %dma_start3A_380 = arith.constant 0 : i32
        %dma_start3A_381 = arith.constant 0 : i32
        %dma_start3A_382 = tpu.memref_slice %arg7[%dma_start3A_380, %dma_start3A_381] : memref<10240x128xf32, #tpu.memory_space<vmem_shared>> -> memref<10240x128xf32, #tpu.memory_space<vmem_shared>>
        tpu.enqueue_indirect_dma source(%arg19 : memref<64x128xf32, #tpu.memory_space<vmem>>) target(%dma_start3A_382 : memref<10240x128xf32, #tpu.memory_space<vmem_shared>>) offsets(%dma_start3A_379 : memref<64xi32, #tpu.memory_space<vmem>>) semaphore(%run_scoped3A_376 : memref<!tpu.dma_semaphore, #tpu.memory_space<semaphore_mem>>) {add = true}
        %dma_wait3A_383 = arith.constant 0 : i32
        %dma_wait3A_384 = tpu.memref_slice %arg15[%run_scoped3A_368, %dma_wait3A_383] : memref<1x64xi32, #tpu.memory_space<vmem>> -> memref<1x64xi32, #tpu.memory_space<vmem>>
        %dma_wait3A_385 = tpu.memref_squeeze %dma_wait3A_384 : memref<1x64xi32, #tpu.memory_space<vmem>> -> memref<64xi32, #tpu.memory_space<vmem>>
        %dma_wait3A_386 = arith.constant 0 : i32
        %dma_wait3A_387 = arith.constant 0 : i32
        %dma_wait3A_388 = tpu.memref_slice %arg7[%dma_wait3A_386, %dma_wait3A_387] : memref<10240x128xf32, #tpu.memory_space<vmem_shared>> -> memref<10240x128xf32, #tpu.memory_space<vmem_shared>>
        tpu.wait_indirect_dma semaphore(%run_scoped3A_376 : memref<!tpu.dma_semaphore, #tpu.memory_space<semaphore_mem>>) src(%arg19 : memref<64x128xf32, #tpu.memory_space<vmem>>) dst(%dma_wait3A_388 : memref<10240x128xf32, #tpu.memory_space<vmem_shared>>)
        tpu.yield
      }) : () -> ()
      %add3A_369 = arith.constant 4 : i32
      %add3A_370 = arith.addi %add3A_364, %add3A_369 : i32
      %lt3A_371 = arith.constant 160 : i32
      %lt3A_372 = arith.cmpi slt, %add3A_370, %lt3A_371 : i32
      %convert_element_type3A_373 = arith.extui %lt3A_372 : i1 to i32
      %cond3A_374 = arith.constant 0 : i32
      %cond3A_375 = arith.cmpi ne, %convert_element_type3A_373, %cond3A_374 : i32
      scf.if %cond3A_375 {
        %mul3A_376 = arith.constant 64 : i32
        %mul3A_377 = arith.muli %add3A_370, %mul3A_376 : i32
        %add3A_378 = arith.constant 0 : i32
        %add3A_379 = arith.addi %mul3A_377, %add3A_378 : i32
        %get3A_380 = arith.index_cast %add3A_379 : i32 to index
        %get3A_381 = tpu.vector_load %arg6[%get3A_380] {strides = array<i32>} : memref<10240xi32, #tpu.memory_space<vmem>>, vector<16xi32>,
        %get3A_382 = vector.shape_cast %get3A_381 : vector<16xi32> to vector<16xi32>
        %and3A_383 = arith.constant 16383 : i32
        %and3A_384 = vector.broadcast %and3A_383 : i32 to vector<16xi32>
        %and3A_385 = arith.andi %get3A_382, %and3A_384 : vector<16xi32>
        %swap3A_386 = arith.constant 0 : index
        %swap3A_387 = tpu.vector_load %arg11[%swap3A_386] {strides = array<i32>} : memref<64xi32, #tpu.memory_space<vmem>>, vector<16xi32>,
        %swap3A_388 = vector.shape_cast %swap3A_387 : vector<16xi32> to vector<16xi32>
        %swap3A_389 = vector.shape_cast %and3A_385 : vector<16xi32> to vector<16xi32>
        tpu.vector_store %arg11[%swap3A_386], %swap3A_389 {strides = array<i32>} : memref<64xi32, #tpu.memory_space<vmem>>, vector<16xi32>,
        %shift_right_arithmetic3A_390 = arith.constant 14 : i32
        %shift_right_arithmetic3A_391 = vector.broadcast %shift_right_arithmetic3A_390 : i32 to vector<16xi32>
        %shift_right_arithmetic3A_392 = arith.shrsi %get3A_382, %shift_right_arithmetic3A_391 : vector<16xi32>
        %swap3A_393 = arith.constant 0 : i32
        %swap3A_394 = arith.index_cast %swap3A_393 : i32 to index
        %swap3A_395 = arith.constant 0 : index
        %swap3A_396 = tpu.vector_load %arg15[%swap3A_394, %swap3A_395] {strides = array<i32>} : memref<1x64xi32, #tpu.memory_space<vmem>>, vector<1x16xi32>,
        %swap3A_397 = vector.shape_cast %swap3A_396 : vector<1x16xi32> to vector<16xi32>
        %swap3A_398 = vector.shape_cast %shift_right_arithmetic3A_392 : vector<16xi32> to vector<1x16xi32>
        tpu.vector_store %arg15[%swap3A_394, %swap3A_395], %swap3A_398 {strides = array<i32>} : memref<1x64xi32, #tpu.memory_space<vmem>>, vector<1x16xi32>,
        %mul3A_399 = arith.constant 64 : i32
        %mul3A_400 = arith.muli %add3A_370, %mul3A_399 : i32
        %add3A_401 = arith.constant 16 : i32
        %add3A_402 = arith.addi %mul3A_400, %add3A_401 : i32
        %get3A_403 = arith.index_cast %add3A_402 : i32 to index
        %get3A_404 = tpu.vector_load %arg6[%get3A_403] {strides = array<i32>} : memref<10240xi32, #tpu.memory_space<vmem>>, vector<16xi32>,
        %get3A_405 = vector.shape_cast %get3A_404 : vector<16xi32> to vector<16xi32>
        %and3A_406 = arith.constant 16383 : i32
        %and3A_407 = vector.broadcast %and3A_406 : i32 to vector<16xi32>
        %and3A_408 = arith.andi %get3A_405, %and3A_407 : vector<16xi32>
        %swap3A_409 = arith.constant 16 : index
        %swap3A_410 = tpu.vector_load %arg11[%swap3A_409] {strides = array<i32>} : memref<64xi32, #tpu.memory_space<vmem>>, vector<16xi32>,
        %swap3A_411 = vector.shape_cast %swap3A_410 : vector<16xi32> to vector<16xi32>
        %swap3A_412 = vector.shape_cast %and3A_408 : vector<16xi32> to vector<16xi32>
        tpu.vector_store %arg11[%swap3A_409], %swap3A_412 {strides = array<i32>} : memref<64xi32, #tpu.memory_space<vmem>>, vector<16xi32>,
        %shift_right_arithmetic3A_413 = arith.constant 14 : i32
        %shift_right_arithmetic3A_414 = vector.broadcast %shift_right_arithmetic3A_413 : i32 to vector<16xi32>
        %shift_right_arithmetic3A_415 = arith.shrsi %get3A_405, %shift_right_arithmetic3A_414 : vector<16xi32>
        %swap3A_416 = arith.constant 0 : i32
        %swap3A_417 = arith.index_cast %swap3A_416 : i32 to index
        %swap3A_418 = arith.constant 16 : index
        %swap3A_419 = tpu.vector_load %arg15[%swap3A_417, %swap3A_418] {strides = array<i32>} : memref<1x64xi32, #tpu.memory_space<vmem>>, vector<1x16xi32>,
        %swap3A_420 = vector.shape_cast %swap3A_419 : vector<1x16xi32> to vector<16xi32>
        %swap3A_421 = vector.shape_cast %shift_right_arithmetic3A_415 : vector<16xi32> to vector<1x16xi32>
        tpu.vector_store %arg15[%swap3A_417, %swap3A_418], %swap3A_421 {strides = array<i32>} : memref<1x64xi32, #tpu.memory_space<vmem>>, vector<1x16xi32>,
        %mul3A_422 = arith.constant 64 : i32
        %mul3A_423 = arith.muli %add3A_370, %mul3A_422 : i32
        %add3A_424 = arith.constant 32 : i32
        %add3A_425 = arith.addi %mul3A_423, %add3A_424 : i32
        %get3A_426 = arith.index_cast %add3A_425 : i32 to index
        %get3A_427 = tpu.vector_load %arg6[%get3A_426] {strides = array<i32>} : memref<10240xi32, #tpu.memory_space<vmem>>, vector<16xi32>,
        %get3A_428 = vector.shape_cast %get3A_427 : vector<16xi32> to vector<16xi32>
        %and3A_429 = arith.constant 16383 : i32
        %and3A_430 = vector.broadcast %and3A_429 : i32 to vector<16xi32>
        %and3A_431 = arith.andi %get3A_428, %and3A_430 : vector<16xi32>
        %swap3A_432 = arith.constant 32 : index
        %swap3A_433 = tpu.vector_load %arg11[%swap3A_432] {strides = array<i32>} : memref<64xi32, #tpu.memory_space<vmem>>, vector<16xi32>,
        %swap3A_434 = vector.shape_cast %swap3A_433 : vector<16xi32> to vector<16xi32>
        %swap3A_435 = vector.shape_cast %and3A_431 : vector<16xi32> to vector<16xi32>
        tpu.vector_store %arg11[%swap3A_432], %swap3A_435 {strides = array<i32>} : memref<64xi32, #tpu.memory_space<vmem>>, vector<16xi32>,
        %shift_right_arithmetic3A_436 = arith.constant 14 : i32
        %shift_right_arithmetic3A_437 = vector.broadcast %shift_right_arithmetic3A_436 : i32 to vector<16xi32>
        %shift_right_arithmetic3A_438 = arith.shrsi %get3A_428, %shift_right_arithmetic3A_437 : vector<16xi32>
        %swap3A_439 = arith.constant 0 : i32
        %swap3A_440 = arith.index_cast %swap3A_439 : i32 to index
        %swap3A_441 = arith.constant 32 : index
        %swap3A_442 = tpu.vector_load %arg15[%swap3A_440, %swap3A_441] {strides = array<i32>} : memref<1x64xi32, #tpu.memory_space<vmem>>, vector<1x16xi32>,
        %swap3A_443 = vector.shape_cast %swap3A_442 : vector<1x16xi32> to vector<16xi32>
        %swap3A_444 = vector.shape_cast %shift_right_arithmetic3A_438 : vector<16xi32> to vector<1x16xi32>
        tpu.vector_store %arg15[%swap3A_440, %swap3A_441], %swap3A_444 {strides = array<i32>} : memref<1x64xi32, #tpu.memory_space<vmem>>, vector<1x16xi32>,
        %mul3A_445 = arith.constant 64 : i32
        %mul3A_446 = arith.muli %add3A_370, %mul3A_445 : i32
        %add3A_447 = arith.constant 48 : i32
        %add3A_448 = arith.addi %mul3A_446, %add3A_447 : i32
        %get3A_449 = arith.index_cast %add3A_448 : i32 to index
        %get3A_450 = tpu.vector_load %arg6[%get3A_449] {strides = array<i32>} : memref<10240xi32, #tpu.memory_space<vmem>>, vector<16xi32>,
        %get3A_451 = vector.shape_cast %get3A_450 : vector<16xi32> to vector<16xi32>
        %and3A_452 = arith.constant 16383 : i32
        %and3A_453 = vector.broadcast %and3A_452 : i32 to vector<16xi32>
        %and3A_454 = arith.andi %get3A_451, %and3A_453 : vector<16xi32>
        %swap3A_455 = arith.constant 48 : index
        %swap3A_456 = tpu.vector_load %arg11[%swap3A_455] {strides = array<i32>} : memref<64xi32, #tpu.memory_space<vmem>>, vector<16xi32>,
        %swap3A_457 = vector.shape_cast %swap3A_456 : vector<16xi32> to vector<16xi32>
        %swap3A_458 = vector.shape_cast %and3A_454 : vector<16xi32> to vector<16xi32>
        tpu.vector_store %arg11[%swap3A_455], %swap3A_458 {strides = array<i32>} : memref<64xi32, #tpu.memory_space<vmem>>, vector<16xi32>,
        %shift_right_arithmetic3A_459 = arith.constant 14 : i32
        %shift_right_arithmetic3A_460 = vector.broadcast %shift_right_arithmetic3A_459 : i32 to vector<16xi32>
        %shift_right_arithmetic3A_461 = arith.shrsi %get3A_451, %shift_right_arithmetic3A_460 : vector<16xi32>
        %swap3A_462 = arith.constant 0 : i32
        %swap3A_463 = arith.index_cast %swap3A_462 : i32 to index
        %swap3A_464 = arith.constant 48 : index
        %swap3A_465 = tpu.vector_load %arg15[%swap3A_463, %swap3A_464] {strides = array<i32>} : memref<1x64xi32, #tpu.memory_space<vmem>>, vector<1x16xi32>,
        %swap3A_466 = vector.shape_cast %swap3A_465 : vector<1x16xi32> to vector<16xi32>
        %swap3A_467 = vector.shape_cast %shift_right_arithmetic3A_461 : vector<16xi32> to vector<1x16xi32>
        tpu.vector_store %arg15[%swap3A_463, %swap3A_464], %swap3A_467 {strides = array<i32>} : memref<1x64xi32, #tpu.memory_space<vmem>>, vector<1x16xi32>,
        %dma_start3A_468 = arith.constant 0 : i32
        %dma_start3A_469 = arith.constant 0 : i32
        %dma_start3A_470 = tpu.memref_slice %arg2[%dma_start3A_468, %dma_start3A_469] : memref<10240x128xf32, #tpu.memory_space<hbm>> -> memref<10240x128xf32, #tpu.memory_space<hbm>>
        tpu.enqueue_indirect_dma source(%dma_start3A_470 : memref<10240x128xf32, #tpu.memory_space<hbm>>) target(%arg19 : memref<64x128xf32, #tpu.memory_space<vmem>>) offsets(%arg11 : memref<64xi32, #tpu.memory_space<vmem>>) semaphore(%arg23 : memref<!tpu.dma_semaphore, #tpu.memory_space<semaphore_mem>>)
      } else {
      }
    }
    %scan3A_318 = arith.constant 40 : i32
    %barrier3A_319 = arith.constant 0 : index
    tpu.barrier barrier_id(%barrier3A_319)
    "tpu.region"() ({
      %run_scoped3A = tpu.sem_alloc : memref<!tpu.dma_semaphore, #tpu.memory_space<semaphore_mem>>
      %dma_start3A_320 = arith.constant 0 : i32
      %dma_start3A_321 = tpu.memref_slice %arg5[%arg0, %mul3A_2, %dma_start3A_320] : memref<2x10240x128xf32, #tpu.memory_space<hbm>> -> memref<1x640x128xf32, #tpu.memory_space<hbm>>
      %dma_start3A_322 = tpu.memref_squeeze %dma_start3A_321 : memref<1x640x128xf32, #tpu.memory_space<hbm>> -> memref<640x128xf32, #tpu.memory_space<hbm>>
      %dma_start3A_323 = arith.constant 0 : i32
      %dma_start3A_324 = tpu.memref_slice %arg7[%mul3A_2, %dma_start3A_323] : memref<10240x128xf32, #tpu.memory_space<vmem_shared>> -> memref<640x128xf32, #tpu.memory_space<vmem_shared>>
      tpu.enqueue_dma source(%dma_start3A_324 : memref<640x128xf32, #tpu.memory_space<vmem_shared>>) target(%dma_start3A_322 : memref<640x128xf32, #tpu.memory_space<hbm>>) target_semaphore(%run_scoped3A : memref<!tpu.dma_semaphore, #tpu.memory_space<semaphore_mem>>)
      %dma_wait3A = arith.constant 0 : i32
      %dma_wait3A_325 = tpu.memref_slice %arg5[%arg0, %mul3A_2, %dma_wait3A] : memref<2x10240x128xf32, #tpu.memory_space<hbm>> -> memref<1x640x128xf32, #tpu.memory_space<hbm>>
      %dma_wait3A_326 = tpu.memref_squeeze %dma_wait3A_325 : memref<1x640x128xf32, #tpu.memory_space<hbm>> -> memref<640x128xf32, #tpu.memory_space<hbm>>
      %dma_wait3A_327 = arith.constant 0 : i32
      %dma_wait3A_328 = tpu.memref_slice %arg7[%mul3A_2, %dma_wait3A_327] : memref<10240x128xf32, #tpu.memory_space<vmem_shared>> -> memref<640x128xf32, #tpu.memory_space<vmem_shared>>
      tpu.wait_dma2 semaphore(%run_scoped3A : memref<!tpu.dma_semaphore, #tpu.memory_space<semaphore_mem>>) src(%dma_wait3A_328 : memref<640x128xf32, #tpu.memory_space<vmem_shared>>) dst(%dma_wait3A_326 : memref<640x128xf32, #tpu.memory_space<hbm>>)
      tpu.yield
    }) : () -> ()
    return
  }
}

#map = affine_map<(d0, d1) -> (0, 0)>
#map1 = affine_map<(d0, d1) -> (0, 0, 0)>
module attributes {stable_mosaic.version = 14 : i64} {
  func.func @_sc_agg_body(%arg0: i32, %arg1: i32, %arg2: memref<10240x128xf32, #tpu.memory_space<hbm>>, %arg3: memref<32x10240xi32, #tpu.memory_space<hbm>>, %arg4: memref<640x128xf32, #tpu.memory_space<hbm>>, %arg5: memref<2x10240x128xf32, #tpu.memory_space<hbm>>, %arg6: memref<10240xi32, #tpu.memory_space<vmem>>, %arg7: memref<10240x128xf32, #tpu.memory_space<vmem_shared>>, %arg8: memref<64xi32, #tpu.memory_space<vmem>>, %arg9: memref<64xi32, #tpu.memory_space<vmem>>, %arg10: memref<64xi32, #tpu.memory_space<vmem>>, %arg11: memref<64xi32, #tpu.memory_space<vmem>>, %arg12: memref<1x64xi32, #tpu.memory_space<vmem>>, %arg13: memref<1x64xi32, #tpu.memory_space<vmem>>, %arg14: memref<1x64xi32, #tpu.memory_space<vmem>>, %arg15: memref<1x64xi32, #tpu.memory_space<vmem>>, %arg16: memref<64x128xf32, #tpu.memory_space<vmem>>, %arg17: memref<64x128xf32, #tpu.memory_space<vmem>>, %arg18: memref<64x128xf32, #tpu.memory_space<vmem>>, %arg19: memref<64x128xf32, #tpu.memory_space<vmem>>, %arg20: memref<!tpu.dma_semaphore, #tpu.memory_space<semaphore_mem>>, %arg21: memref<!tpu.dma_semaphore, #tpu.memory_space<semaphore_mem>>, %arg22: memref<!tpu.dma_semaphore, #tpu.memory_space<semaphore_mem>>, %arg23: memref<!tpu.dma_semaphore, #tpu.memory_space<semaphore_mem>>) attributes {dimension_semantics = [#tpu.dimension_semantics<core_parallel>, #tpu.dimension_semantics<subcore_parallel>], iteration_bounds = array<i64: 2, 16>, scalar_prefetch = 0 : i64, scratch_operands = 18 : i64, tpu.core_type = #tpu.core_type<sc_vector_subcore>, window_params = [{transform_indices = #map}, {transform_indices = #map}, {transform_indices = #map}, {transform_indices = #map1}]} {
    %mul3A = arith.constant 16 : i32
    %mul3A_0 = arith.muli %arg0, %mul3A : i32
    %add3A = arith.addi %mul3A_0, %arg1 : i32
    %mul3A_1 = arith.constant 640 : i32
    %mul3A_2 = arith.muli %arg1, %mul3A_1 : i32
    "tpu.region"() ({
      %run_scoped3A = tpu.sem_alloc : memref<!tpu.dma_semaphore, #tpu.memory_space<semaphore_mem>>
      %dma_start3A_320 = arith.constant 0 : i32
      %dma_start3A_321 = tpu.memref_slice %arg7[%mul3A_2, %dma_start3A_320] : memref<10240x128xf32, #tpu.memory_space<vmem_shared>> -> memref<640x128xf32, #tpu.memory_space<vmem_shared>>
      tpu.enqueue_dma source(%arg4 : memref<640x128xf32, #tpu.memory_space<hbm>>) target(%dma_start3A_321 : memref<640x128xf32, #tpu.memory_space<vmem_shared>>) target_semaphore(%run_scoped3A : memref<!tpu.dma_semaphore, #tpu.memory_space<semaphore_mem>>)
      %dma_wait3A = arith.constant 0 : i32
      %dma_wait3A_322 = tpu.memref_slice %arg7[%mul3A_2, %dma_wait3A] : memref<10240x128xf32, #tpu.memory_space<vmem_shared>> -> memref<640x128xf32, #tpu.memory_space<vmem_shared>>
      tpu.wait_dma2 semaphore(%run_scoped3A : memref<!tpu.dma_semaphore, #tpu.memory_space<semaphore_mem>>) src(%arg4 : memref<640x128xf32, #tpu.memory_space<hbm>>) dst(%dma_wait3A_322 : memref<640x128xf32, #tpu.memory_space<vmem_shared>>)
      tpu.yield
    }) : () -> ()
    "tpu.region"() ({
      %run_scoped3A = tpu.sem_alloc : memref<!tpu.dma_semaphore, #tpu.memory_space<semaphore_mem>>
      %dma_start3A_320 = arith.constant 0 : i32
      %dma_start3A_321 = tpu.memref_slice %arg3[%add3A, %dma_start3A_320] : memref<32x10240xi32, #tpu.memory_space<hbm>> -> memref<1x10240xi32, #tpu.memory_space<hbm>>
      %dma_start3A_322 = tpu.memref_squeeze %dma_start3A_321 : memref<1x10240xi32, #tpu.memory_space<hbm>> -> memref<10240xi32, #tpu.memory_space<hbm>>
      %dma_start3A_323 = arith.constant 0 : i32
      %dma_start3A_324 = tpu.memref_slice %arg3[%add3A, %dma_start3A_323] : memref<32x10240xi32, #tpu.memory_space<hbm>> -> memref<1x10240xi32, #tpu.memory_space<hbm>>
      %dma_start3A_325 = tpu.memref_squeeze %dma_start3A_324 : memref<1x10240xi32, #tpu.memory_space<hbm>> -> memref<10240xi32, #tpu.memory_space<hbm>>
      tpu.enqueue_dma source(%dma_start3A_325 : memref<10240xi32, #tpu.memory_space<hbm>>) target(%arg6 : memref<10240xi32, #tpu.memory_space<vmem>>) target_semaphore(%run_scoped3A : memref<!tpu.dma_semaphore, #tpu.memory_space<semaphore_mem>>)
      %dma_wait3A = arith.constant 0 : i32
      %dma_wait3A_326 = tpu.memref_slice %arg3[%add3A, %dma_wait3A] : memref<32x10240xi32, #tpu.memory_space<hbm>> -> memref<1x10240xi32, #tpu.memory_space<hbm>>
      %dma_wait3A_327 = tpu.memref_squeeze %dma_wait3A_326 : memref<1x10240xi32, #tpu.memory_space<hbm>> -> memref<10240xi32, #tpu.memory_space<hbm>>
      %dma_wait3A_328 = arith.constant 0 : i32
      %dma_wait3A_329 = tpu.memref_slice %arg3[%add3A, %dma_wait3A_328] : memref<32x10240xi32, #tpu.memory_space<hbm>> -> memref<1x10240xi32, #tpu.memory_space<hbm>>
      %dma_wait3A_330 = tpu.memref_squeeze %dma_wait3A_329 : memref<1x10240xi32, #tpu.memory_space<hbm>> -> memref<10240xi32, #tpu.memory_space<hbm>>
      tpu.wait_dma2 semaphore(%run_scoped3A : memref<!tpu.dma_semaphore, #tpu.memory_space<semaphore_mem>>) src(%dma_wait3A_330 : memref<10240xi32, #tpu.memory_space<hbm>>) dst(%arg6 : memref<10240xi32, #tpu.memory_space<vmem>>)
      tpu.yield
    }) : () -> ()
    %get3A = arith.constant 0 : index
    %get3A_3 = tpu.vector_load %arg6[%get3A] {strides = array<i32>} : memref<10240xi32, #tpu.memory_space<vmem>>, vector<16xi32>,
    %get3A_4 = vector.shape_cast %get3A_3 : vector<16xi32> to vector<16xi32>
    %and3A = arith.constant 16383 : i32
    %and3A_5 = vector.broadcast %and3A : i32 to vector<16xi32>
    %and3A_6 = arith.andi %get3A_4, %and3A_5 : vector<16xi32>
    %swap3A = arith.constant 0 : index
    %swap3A_7 = tpu.vector_load %arg8[%swap3A] {strides = array<i32>} : memref<64xi32, #tpu.memory_space<vmem>>, vector<16xi32>,
    %swap3A_8 = vector.shape_cast %swap3A_7 : vector<16xi32> to vector<16xi32>
    %swap3A_9 = vector.shape_cast %and3A_6 : vector<16xi32> to vector<16xi32>
    tpu.vector_store %arg8[%swap3A], %swap3A_9 {strides = array<i32>} : memref<64xi32, #tpu.memory_space<vmem>>, vector<16xi32>,
    %shift_right_arithmetic3A = arith.constant 14 : i32
    %shift_right_arithmetic3A_10 = vector.broadcast %shift_right_arithmetic3A : i32 to vector<16xi32>
    %shift_right_arithmetic3A_11 = arith.shrsi %get3A_4, %shift_right_arithmetic3A_10 : vector<16xi32>
    %swap3A_12 = arith.constant 0 : i32
    %swap3A_13 = arith.index_cast %swap3A_12 : i32 to index
    %swap3A_14 = arith.constant 0 : index
    %swap3A_15 = tpu.vector_load %arg12[%swap3A_13, %swap3A_14] {strides = array<i32>} : memref<1x64xi32, #tpu.memory_space<vmem>>, vector<1x16xi32>,
    %swap3A_16 = vector.shape_cast %swap3A_15 : vector<1x16xi32> to vector<16xi32>
    %swap3A_17 = vector.shape_cast %shift_right_arithmetic3A_11 : vector<16xi32> to vector<1x16xi32>
    tpu.vector_store %arg12[%swap3A_13, %swap3A_14], %swap3A_17 {strides = array<i32>} : memref<1x64xi32, #tpu.memory_space<vmem>>, vector<1x16xi32>,
    %get3A_18 = arith.constant 16 : index
    %get3A_19 = tpu.vector_load %arg6[%get3A_18] {strides = array<i32>} : memref<10240xi32, #tpu.memory_space<vmem>>, vector<16xi32>,
    %get3A_20 = vector.shape_cast %get3A_19 : vector<16xi32> to vector<16xi32>
    %and3A_21 = arith.constant 16383 : i32
    %and3A_22 = vector.broadcast %and3A_21 : i32 to vector<16xi32>
    %and3A_23 = arith.andi %get3A_20, %and3A_22 : vector<16xi32>
    %swap3A_24 = arith.constant 16 : index
    %swap3A_25 = tpu.vector_load %arg8[%swap3A_24] {strides = array<i32>} : memref<64xi32, #tpu.memory_space<vmem>>, vector<16xi32>,
    %swap3A_26 = vector.shape_cast %swap3A_25 : vector<16xi32> to vector<16xi32>
    %swap3A_27 = vector.shape_cast %and3A_23 : vector<16xi32> to vector<16xi32>
    tpu.vector_store %arg8[%swap3A_24], %swap3A_27 {strides = array<i32>} : memref<64xi32, #tpu.memory_space<vmem>>, vector<16xi32>,
    %shift_right_arithmetic3A_28 = arith.constant 14 : i32
    %shift_right_arithmetic3A_29 = vector.broadcast %shift_right_arithmetic3A_28 : i32 to vector<16xi32>
    %shift_right_arithmetic3A_30 = arith.shrsi %get3A_20, %shift_right_arithmetic3A_29 : vector<16xi32>
    %swap3A_31 = arith.constant 0 : i32
    %swap3A_32 = arith.index_cast %swap3A_31 : i32 to index
    %swap3A_33 = arith.constant 16 : index
    %swap3A_34 = tpu.vector_load %arg12[%swap3A_32, %swap3A_33] {strides = array<i32>} : memref<1x64xi32, #tpu.memory_space<vmem>>, vector<1x16xi32>,
    %swap3A_35 = vector.shape_cast %swap3A_34 : vector<1x16xi32> to vector<16xi32>
    %swap3A_36 = vector.shape_cast %shift_right_arithmetic3A_30 : vector<16xi32> to vector<1x16xi32>
    tpu.vector_store %arg12[%swap3A_32, %swap3A_33], %swap3A_36 {strides = array<i32>} : memref<1x64xi32, #tpu.memory_space<vmem>>, vector<1x16xi32>,
    %get3A_37 = arith.constant 32 : index
    %get3A_38 = tpu.vector_load %arg6[%get3A_37] {strides = array<i32>} : memref<10240xi32, #tpu.memory_space<vmem>>, vector<16xi32>,
    %get3A_39 = vector.shape_cast %get3A_38 : vector<16xi32> to vector<16xi32>
    %and3A_40 = arith.constant 16383 : i32
    %and3A_41 = vector.broadcast %and3A_40 : i32 to vector<16xi32>
    %and3A_42 = arith.andi %get3A_39, %and3A_41 : vector<16xi32>
    %swap3A_43 = arith.constant 32 : index
    %swap3A_44 = tpu.vector_load %arg8[%swap3A_43] {strides = array<i32>} : memref<64xi32, #tpu.memory_space<vmem>>, vector<16xi32>,
    %swap3A_45 = vector.shape_cast %swap3A_44 : vector<16xi32> to vector<16xi32>
    %swap3A_46 = vector.shape_cast %and3A_42 : vector<16xi32> to vector<16xi32>
    tpu.vector_store %arg8[%swap3A_43], %swap3A_46 {strides = array<i32>} : memref<64xi32, #tpu.memory_space<vmem>>, vector<16xi32>,
    %shift_right_arithmetic3A_47 = arith.constant 14 : i32
    %shift_right_arithmetic3A_48 = vector.broadcast %shift_right_arithmetic3A_47 : i32 to vector<16xi32>
    %shift_right_arithmetic3A_49 = arith.shrsi %get3A_39, %shift_right_arithmetic3A_48 : vector<16xi32>
    %swap3A_50 = arith.constant 0 : i32
    %swap3A_51 = arith.index_cast %swap3A_50 : i32 to index
    %swap3A_52 = arith.constant 32 : index
    %swap3A_53 = tpu.vector_load %arg12[%swap3A_51, %swap3A_52] {strides = array<i32>} : memref<1x64xi32, #tpu.memory_space<vmem>>, vector<1x16xi32>,
    %swap3A_54 = vector.shape_cast %swap3A_53 : vector<1x16xi32> to vector<16xi32>
    %swap3A_55 = vector.shape_cast %shift_right_arithmetic3A_49 : vector<16xi32> to vector<1x16xi32>
    tpu.vector_store %arg12[%swap3A_51, %swap3A_52], %swap3A_55 {strides = array<i32>} : memref<1x64xi32, #tpu.memory_space<vmem>>, vector<1x16xi32>,
    %get3A_56 = arith.constant 48 : index
    %get3A_57 = tpu.vector_load %arg6[%get3A_56] {strides = array<i32>} : memref<10240xi32, #tpu.memory_space<vmem>>, vector<16xi32>,
    %get3A_58 = vector.shape_cast %get3A_57 : vector<16xi32> to vector<16xi32>
    %and3A_59 = arith.constant 16383 : i32
    %and3A_60 = vector.broadcast %and3A_59 : i32 to vector<16xi32>
    %and3A_61 = arith.andi %get3A_58, %and3A_60 : vector<16xi32>
    %swap3A_62 = arith.constant 48 : index
    %swap3A_63 = tpu.vector_load %arg8[%swap3A_62] {strides = array<i32>} : memref<64xi32, #tpu.memory_space<vmem>>, vector<16xi32>,
    %swap3A_64 = vector.shape_cast %swap3A_63 : vector<16xi32> to vector<16xi32>
    %swap3A_65 = vector.shape_cast %and3A_61 : vector<16xi32> to vector<16xi32>
    tpu.vector_store %arg8[%swap3A_62], %swap3A_65 {strides = array<i32>} : memref<64xi32, #tpu.memory_space<vmem>>, vector<16xi32>,
    %shift_right_arithmetic3A_66 = arith.constant 14 : i32
    %shift_right_arithmetic3A_67 = vector.broadcast %shift_right_arithmetic3A_66 : i32 to vector<16xi32>
    %shift_right_arithmetic3A_68 = arith.shrsi %get3A_58, %shift_right_arithmetic3A_67 : vector<16xi32>
    %swap3A_69 = arith.constant 0 : i32
    %swap3A_70 = arith.index_cast %swap3A_69 : i32 to index
    %swap3A_71 = arith.constant 48 : index
    %swap3A_72 = tpu.vector_load %arg12[%swap3A_70, %swap3A_71] {strides = array<i32>} : memref<1x64xi32, #tpu.memory_space<vmem>>, vector<1x16xi32>,
    %swap3A_73 = vector.shape_cast %swap3A_72 : vector<1x16xi32> to vector<16xi32>
    %swap3A_74 = vector.shape_cast %shift_right_arithmetic3A_68 : vector<16xi32> to vector<1x16xi32>
    tpu.vector_store %arg12[%swap3A_70, %swap3A_71], %swap3A_74 {strides = array<i32>} : memref<1x64xi32, #tpu.memory_space<vmem>>, vector<1x16xi32>,
    %dma_start3A = arith.constant 0 : i32
    %dma_start3A_75 = arith.constant 0 : i32
    %dma_start3A_76 = tpu.memref_slice %arg2[%dma_start3A, %dma_start3A_75] : memref<10240x128xf32, #tpu.memory_space<hbm>> -> memref<10240x128xf32, #tpu.memory_space<hbm>>
    tpu.enqueue_indirect_dma source(%dma_start3A_76 : memref<10240x128xf32, #tpu.memory_space<hbm>>) target(%arg16 : memref<64x128xf32, #tpu.memory_space<vmem>>) offsets(%arg8 : memref<64xi32, #tpu.memory_space<vmem>>) semaphore(%arg20 : memref<!tpu.dma_semaphore, #tpu.memory_space<semaphore_mem>>)
    %get3A_77 = arith.constant 64 : index
    %get3A_78 = tpu.vector_load %arg6[%get3A_77] {strides = array<i32>} : memref<10240xi32, #tpu.memory_space<vmem>>, vector<16xi32>,
    %get3A_79 = vector.shape_cast %get3A_78 : vector<16xi32> to vector<16xi32>
    %and3A_80 = arith.constant 16383 : i32
    %and3A_81 = vector.broadcast %and3A_80 : i32 to vector<16xi32>
    %and3A_82 = arith.andi %get3A_79, %and3A_81 : vector<16xi32>
    %swap3A_83 = arith.constant 0 : index
    %swap3A_84 = tpu.vector_load %arg9[%swap3A_83] {strides = array<i32>} : memref<64xi32, #tpu.memory_space<vmem>>, vector<16xi32>,
    %swap3A_85 = vector.shape_cast %swap3A_84 : vector<16xi32> to vector<16xi32>
    %swap3A_86 = vector.shape_cast %and3A_82 : vector<16xi32> to vector<16xi32>
    tpu.vector_store %arg9[%swap3A_83], %swap3A_86 {strides = array<i32>} : memref<64xi32, #tpu.memory_space<vmem>>, vector<16xi32>,
    %shift_right_arithmetic3A_87 = arith.constant 14 : i32
    %shift_right_arithmetic3A_88 = vector.broadcast %shift_right_arithmetic3A_87 : i32 to vector<16xi32>
    %shift_right_arithmetic3A_89 = arith.shrsi %get3A_79, %shift_right_arithmetic3A_88 : vector<16xi32>
    %swap3A_90 = arith.constant 0 : i32
    %swap3A_91 = arith.index_cast %swap3A_90 : i32 to index
    %swap3A_92 = arith.constant 0 : index
    %swap3A_93 = tpu.vector_load %arg13[%swap3A_91, %swap3A_92] {strides = array<i32>} : memref<1x64xi32, #tpu.memory_space<vmem>>, vector<1x16xi32>,
    %swap3A_94 = vector.shape_cast %swap3A_93 : vector<1x16xi32> to vector<16xi32>
    %swap3A_95 = vector.shape_cast %shift_right_arithmetic3A_89 : vector<16xi32> to vector<1x16xi32>
    tpu.vector_store %arg13[%swap3A_91, %swap3A_92], %swap3A_95 {strides = array<i32>} : memref<1x64xi32, #tpu.memory_space<vmem>>, vector<1x16xi32>,
    %get3A_96 = arith.constant 80 : index
    %get3A_97 = tpu.vector_load %arg6[%get3A_96] {strides = array<i32>} : memref<10240xi32, #tpu.memory_space<vmem>>, vector<16xi32>,
    %get3A_98 = vector.shape_cast %get3A_97 : vector<16xi32> to vector<16xi32>
    %and3A_99 = arith.constant 16383 : i32
    %and3A_100 = vector.broadcast %and3A_99 : i32 to vector<16xi32>
    %and3A_101 = arith.andi %get3A_98, %and3A_100 : vector<16xi32>
    %swap3A_102 = arith.constant 16 : index
    %swap3A_103 = tpu.vector_load %arg9[%swap3A_102] {strides = array<i32>} : memref<64xi32, #tpu.memory_space<vmem>>, vector<16xi32>,
    %swap3A_104 = vector.shape_cast %swap3A_103 : vector<16xi32> to vector<16xi32>
    %swap3A_105 = vector.shape_cast %and3A_101 : vector<16xi32> to vector<16xi32>
    tpu.vector_store %arg9[%swap3A_102], %swap3A_105 {strides = array<i32>} : memref<64xi32, #tpu.memory_space<vmem>>, vector<16xi32>,
    %shift_right_arithmetic3A_106 = arith.constant 14 : i32
    %shift_right_arithmetic3A_107 = vector.broadcast %shift_right_arithmetic3A_106 : i32 to vector<16xi32>
    %shift_right_arithmetic3A_108 = arith.shrsi %get3A_98, %shift_right_arithmetic3A_107 : vector<16xi32>
    %swap3A_109 = arith.constant 0 : i32
    %swap3A_110 = arith.index_cast %swap3A_109 : i32 to index
    %swap3A_111 = arith.constant 16 : index
    %swap3A_112 = tpu.vector_load %arg13[%swap3A_110, %swap3A_111] {strides = array<i32>} : memref<1x64xi32, #tpu.memory_space<vmem>>, vector<1x16xi32>,
    %swap3A_113 = vector.shape_cast %swap3A_112 : vector<1x16xi32> to vector<16xi32>
    %swap3A_114 = vector.shape_cast %shift_right_arithmetic3A_108 : vector<16xi32> to vector<1x16xi32>
    tpu.vector_store %arg13[%swap3A_110, %swap3A_111], %swap3A_114 {strides = array<i32>} : memref<1x64xi32, #tpu.memory_space<vmem>>, vector<1x16xi32>,
    %get3A_115 = arith.constant 96 : index
    %get3A_116 = tpu.vector_load %arg6[%get3A_115] {strides = array<i32>} : memref<10240xi32, #tpu.memory_space<vmem>>, vector<16xi32>,
    %get3A_117 = vector.shape_cast %get3A_116 : vector<16xi32> to vector<16xi32>
    %and3A_118 = arith.constant 16383 : i32
    %and3A_119 = vector.broadcast %and3A_118 : i32 to vector<16xi32>
    %and3A_120 = arith.andi %get3A_117, %and3A_119 : vector<16xi32>
    %swap3A_121 = arith.constant 32 : index
    %swap3A_122 = tpu.vector_load %arg9[%swap3A_121] {strides = array<i32>} : memref<64xi32, #tpu.memory_space<vmem>>, vector<16xi32>,
    %swap3A_123 = vector.shape_cast %swap3A_122 : vector<16xi32> to vector<16xi32>
    %swap3A_124 = vector.shape_cast %and3A_120 : vector<16xi32> to vector<16xi32>
    tpu.vector_store %arg9[%swap3A_121], %swap3A_124 {strides = array<i32>} : memref<64xi32, #tpu.memory_space<vmem>>, vector<16xi32>,
    %shift_right_arithmetic3A_125 = arith.constant 14 : i32
    %shift_right_arithmetic3A_126 = vector.broadcast %shift_right_arithmetic3A_125 : i32 to vector<16xi32>
    %shift_right_arithmetic3A_127 = arith.shrsi %get3A_117, %shift_right_arithmetic3A_126 : vector<16xi32>
    %swap3A_128 = arith.constant 0 : i32
    %swap3A_129 = arith.index_cast %swap3A_128 : i32 to index
    %swap3A_130 = arith.constant 32 : index
    %swap3A_131 = tpu.vector_load %arg13[%swap3A_129, %swap3A_130] {strides = array<i32>} : memref<1x64xi32, #tpu.memory_space<vmem>>, vector<1x16xi32>,
    %swap3A_132 = vector.shape_cast %swap3A_131 : vector<1x16xi32> to vector<16xi32>
    %swap3A_133 = vector.shape_cast %shift_right_arithmetic3A_127 : vector<16xi32> to vector<1x16xi32>
    tpu.vector_store %arg13[%swap3A_129, %swap3A_130], %swap3A_133 {strides = array<i32>} : memref<1x64xi32, #tpu.memory_space<vmem>>, vector<1x16xi32>,
    %get3A_134 = arith.constant 112 : index
    %get3A_135 = tpu.vector_load %arg6[%get3A_134] {strides = array<i32>} : memref<10240xi32, #tpu.memory_space<vmem>>, vector<16xi32>,
    %get3A_136 = vector.shape_cast %get3A_135 : vector<16xi32> to vector<16xi32>
    %and3A_137 = arith.constant 16383 : i32
    %and3A_138 = vector.broadcast %and3A_137 : i32 to vector<16xi32>
    %and3A_139 = arith.andi %get3A_136, %and3A_138 : vector<16xi32>
    %swap3A_140 = arith.constant 48 : index
    %swap3A_141 = tpu.vector_load %arg9[%swap3A_140] {strides = array<i32>} : memref<64xi32, #tpu.memory_space<vmem>>, vector<16xi32>,
    %swap3A_142 = vector.shape_cast %swap3A_141 : vector<16xi32> to vector<16xi32>
    %swap3A_143 = vector.shape_cast %and3A_139 : vector<16xi32> to vector<16xi32>
    tpu.vector_store %arg9[%swap3A_140], %swap3A_143 {strides = array<i32>} : memref<64xi32, #tpu.memory_space<vmem>>, vector<16xi32>,
    %shift_right_arithmetic3A_144 = arith.constant 14 : i32
    %shift_right_arithmetic3A_145 = vector.broadcast %shift_right_arithmetic3A_144 : i32 to vector<16xi32>
    %shift_right_arithmetic3A_146 = arith.shrsi %get3A_136, %shift_right_arithmetic3A_145 : vector<16xi32>
    %swap3A_147 = arith.constant 0 : i32
    %swap3A_148 = arith.index_cast %swap3A_147 : i32 to index
    %swap3A_149 = arith.constant 48 : index
    %swap3A_150 = tpu.vector_load %arg13[%swap3A_148, %swap3A_149] {strides = array<i32>} : memref<1x64xi32, #tpu.memory_space<vmem>>, vector<1x16xi32>,
    %swap3A_151 = vector.shape_cast %swap3A_150 : vector<1x16xi32> to vector<16xi32>
    %swap3A_152 = vector.shape_cast %shift_right_arithmetic3A_146 : vector<16xi32> to vector<1x16xi32>
    tpu.vector_store %arg13[%swap3A_148, %swap3A_149], %swap3A_152 {strides = array<i32>} : memref<1x64xi32, #tpu.memory_space<vmem>>, vector<1x16xi32>,
    %dma_start3A_153 = arith.constant 0 : i32
    %dma_start3A_154 = arith.constant 0 : i32
    %dma_start3A_155 = tpu.memref_slice %arg2[%dma_start3A_153, %dma_start3A_154] : memref<10240x128xf32, #tpu.memory_space<hbm>> -> memref<10240x128xf32, #tpu.memory_space<hbm>>
    tpu.enqueue_indirect_dma source(%dma_start3A_155 : memref<10240x128xf32, #tpu.memory_space<hbm>>) target(%arg17 : memref<64x128xf32, #tpu.memory_space<vmem>>) offsets(%arg9 : memref<64xi32, #tpu.memory_space<vmem>>) semaphore(%arg21 : memref<!tpu.dma_semaphore, #tpu.memory_space<semaphore_mem>>)
    %get3A_156 = arith.constant 128 : index
    %get3A_157 = tpu.vector_load %arg6[%get3A_156] {strides = array<i32>} : memref<10240xi32, #tpu.memory_space<vmem>>, vector<16xi32>,
    %get3A_158 = vector.shape_cast %get3A_157 : vector<16xi32> to vector<16xi32>
    %and3A_159 = arith.constant 16383 : i32
    %and3A_160 = vector.broadcast %and3A_159 : i32 to vector<16xi32>
    %and3A_161 = arith.andi %get3A_158, %and3A_160 : vector<16xi32>
    %swap3A_162 = arith.constant 0 : index
    %swap3A_163 = tpu.vector_load %arg10[%swap3A_162] {strides = array<i32>} : memref<64xi32, #tpu.memory_space<vmem>>, vector<16xi32>,
    %swap3A_164 = vector.shape_cast %swap3A_163 : vector<16xi32> to vector<16xi32>
    %swap3A_165 = vector.shape_cast %and3A_161 : vector<16xi32> to vector<16xi32>
    tpu.vector_store %arg10[%swap3A_162], %swap3A_165 {strides = array<i32>} : memref<64xi32, #tpu.memory_space<vmem>>, vector<16xi32>,
    %shift_right_arithmetic3A_166 = arith.constant 14 : i32
    %shift_right_arithmetic3A_167 = vector.broadcast %shift_right_arithmetic3A_166 : i32 to vector<16xi32>
    %shift_right_arithmetic3A_168 = arith.shrsi %get3A_158, %shift_right_arithmetic3A_167 : vector<16xi32>
    %swap3A_169 = arith.constant 0 : i32
    %swap3A_170 = arith.index_cast %swap3A_169 : i32 to index
    %swap3A_171 = arith.constant 0 : index
    %swap3A_172 = tpu.vector_load %arg14[%swap3A_170, %swap3A_171] {strides = array<i32>} : memref<1x64xi32, #tpu.memory_space<vmem>>, vector<1x16xi32>,
    %swap3A_173 = vector.shape_cast %swap3A_172 : vector<1x16xi32> to vector<16xi32>
    %swap3A_174 = vector.shape_cast %shift_right_arithmetic3A_168 : vector<16xi32> to vector<1x16xi32>
    tpu.vector_store %arg14[%swap3A_170, %swap3A_171], %swap3A_174 {strides = array<i32>} : memref<1x64xi32, #tpu.memory_space<vmem>>, vector<1x16xi32>,
    %get3A_175 = arith.constant 144 : index
    %get3A_176 = tpu.vector_load %arg6[%get3A_175] {strides = array<i32>} : memref<10240xi32, #tpu.memory_space<vmem>>, vector<16xi32>,
    %get3A_177 = vector.shape_cast %get3A_176 : vector<16xi32> to vector<16xi32>
    %and3A_178 = arith.constant 16383 : i32
    %and3A_179 = vector.broadcast %and3A_178 : i32 to vector<16xi32>
    %and3A_180 = arith.andi %get3A_177, %and3A_179 : vector<16xi32>
    %swap3A_181 = arith.constant 16 : index
    %swap3A_182 = tpu.vector_load %arg10[%swap3A_181] {strides = array<i32>} : memref<64xi32, #tpu.memory_space<vmem>>, vector<16xi32>,
    %swap3A_183 = vector.shape_cast %swap3A_182 : vector<16xi32> to vector<16xi32>
    %swap3A_184 = vector.shape_cast %and3A_180 : vector<16xi32> to vector<16xi32>
    tpu.vector_store %arg10[%swap3A_181], %swap3A_184 {strides = array<i32>} : memref<64xi32, #tpu.memory_space<vmem>>, vector<16xi32>,
    %shift_right_arithmetic3A_185 = arith.constant 14 : i32
    %shift_right_arithmetic3A_186 = vector.broadcast %shift_right_arithmetic3A_185 : i32 to vector<16xi32>
    %shift_right_arithmetic3A_187 = arith.shrsi %get3A_177, %shift_right_arithmetic3A_186 : vector<16xi32>
    %swap3A_188 = arith.constant 0 : i32
    %swap3A_189 = arith.index_cast %swap3A_188 : i32 to index
    %swap3A_190 = arith.constant 16 : index
    %swap3A_191 = tpu.vector_load %arg14[%swap3A_189, %swap3A_190] {strides = array<i32>} : memref<1x64xi32, #tpu.memory_space<vmem>>, vector<1x16xi32>,
    %swap3A_192 = vector.shape_cast %swap3A_191 : vector<1x16xi32> to vector<16xi32>
    %swap3A_193 = vector.shape_cast %shift_right_arithmetic3A_187 : vector<16xi32> to vector<1x16xi32>
    tpu.vector_store %arg14[%swap3A_189, %swap3A_190], %swap3A_193 {strides = array<i32>} : memref<1x64xi32, #tpu.memory_space<vmem>>, vector<1x16xi32>,
    %get3A_194 = arith.constant 160 : index
    %get3A_195 = tpu.vector_load %arg6[%get3A_194] {strides = array<i32>} : memref<10240xi32, #tpu.memory_space<vmem>>, vector<16xi32>,
    %get3A_196 = vector.shape_cast %get3A_195 : vector<16xi32> to vector<16xi32>
    %and3A_197 = arith.constant 16383 : i32
    %and3A_198 = vector.broadcast %and3A_197 : i32 to vector<16xi32>
    %and3A_199 = arith.andi %get3A_196, %and3A_198 : vector<16xi32>
    %swap3A_200 = arith.constant 32 : index
    %swap3A_201 = tpu.vector_load %arg10[%swap3A_200] {strides = array<i32>} : memref<64xi32, #tpu.memory_space<vmem>>, vector<16xi32>,
    %swap3A_202 = vector.shape_cast %swap3A_201 : vector<16xi32> to vector<16xi32>
    %swap3A_203 = vector.shape_cast %and3A_199 : vector<16xi32> to vector<16xi32>
    tpu.vector_store %arg10[%swap3A_200], %swap3A_203 {strides = array<i32>} : memref<64xi32, #tpu.memory_space<vmem>>, vector<16xi32>,
    %shift_right_arithmetic3A_204 = arith.constant 14 : i32
    %shift_right_arithmetic3A_205 = vector.broadcast %shift_right_arithmetic3A_204 : i32 to vector<16xi32>
    %shift_right_arithmetic3A_206 = arith.shrsi %get3A_196, %shift_right_arithmetic3A_205 : vector<16xi32>
    %swap3A_207 = arith.constant 0 : i32
    %swap3A_208 = arith.index_cast %swap3A_207 : i32 to index
    %swap3A_209 = arith.constant 32 : index
    %swap3A_210 = tpu.vector_load %arg14[%swap3A_208, %swap3A_209] {strides = array<i32>} : memref<1x64xi32, #tpu.memory_space<vmem>>, vector<1x16xi32>,
    %swap3A_211 = vector.shape_cast %swap3A_210 : vector<1x16xi32> to vector<16xi32>
    %swap3A_212 = vector.shape_cast %shift_right_arithmetic3A_206 : vector<16xi32> to vector<1x16xi32>
    tpu.vector_store %arg14[%swap3A_208, %swap3A_209], %swap3A_212 {strides = array<i32>} : memref<1x64xi32, #tpu.memory_space<vmem>>, vector<1x16xi32>,
    %get3A_213 = arith.constant 176 : index
    %get3A_214 = tpu.vector_load %arg6[%get3A_213] {strides = array<i32>} : memref<10240xi32, #tpu.memory_space<vmem>>, vector<16xi32>,
    %get3A_215 = vector.shape_cast %get3A_214 : vector<16xi32> to vector<16xi32>
    %and3A_216 = arith.constant 16383 : i32
    %and3A_217 = vector.broadcast %and3A_216 : i32 to vector<16xi32>
    %and3A_218 = arith.andi %get3A_215, %and3A_217 : vector<16xi32>
    %swap3A_219 = arith.constant 48 : index
    %swap3A_220 = tpu.vector_load %arg10[%swap3A_219] {strides = array<i32>} : memref<64xi32, #tpu.memory_space<vmem>>, vector<16xi32>,
    %swap3A_221 = vector.shape_cast %swap3A_220 : vector<16xi32> to vector<16xi32>
    %swap3A_222 = vector.shape_cast %and3A_218 : vector<16xi32> to vector<16xi32>
    tpu.vector_store %arg10[%swap3A_219], %swap3A_222 {strides = array<i32>} : memref<64xi32, #tpu.memory_space<vmem>>, vector<16xi32>,
    %shift_right_arithmetic3A_223 = arith.constant 14 : i32
    %shift_right_arithmetic3A_224 = vector.broadcast %shift_right_arithmetic3A_223 : i32 to vector<16xi32>
    %shift_right_arithmetic3A_225 = arith.shrsi %get3A_215, %shift_right_arithmetic3A_224 : vector<16xi32>
    %swap3A_226 = arith.constant 0 : i32
    %swap3A_227 = arith.index_cast %swap3A_226 : i32 to index
    %swap3A_228 = arith.constant 48 : index
    %swap3A_229 = tpu.vector_load %arg14[%swap3A_227, %swap3A_228] {strides = array<i32>} : memref<1x64xi32, #tpu.memory_space<vmem>>, vector<1x16xi32>,
    %swap3A_230 = vector.shape_cast %swap3A_229 : vector<1x16xi32> to vector<16xi32>
    %swap3A_231 = vector.shape_cast %shift_right_arithmetic3A_225 : vector<16xi32> to vector<1x16xi32>
    tpu.vector_store %arg14[%swap3A_227, %swap3A_228], %swap3A_231 {strides = array<i32>} : memref<1x64xi32, #tpu.memory_space<vmem>>, vector<1x16xi32>,
    %dma_start3A_232 = arith.constant 0 : i32
    %dma_start3A_233 = arith.constant 0 : i32
    %dma_start3A_234 = tpu.memref_slice %arg2[%dma_start3A_232, %dma_start3A_233] : memref<10240x128xf32, #tpu.memory_space<hbm>> -> memref<10240x128xf32, #tpu.memory_space<hbm>>
    tpu.enqueue_indirect_dma source(%dma_start3A_234 : memref<10240x128xf32, #tpu.memory_space<hbm>>) target(%arg18 : memref<64x128xf32, #tpu.memory_space<vmem>>) offsets(%arg10 : memref<64xi32, #tpu.memory_space<vmem>>) semaphore(%arg22 : memref<!tpu.dma_semaphore, #tpu.memory_space<semaphore_mem>>)
    %get3A_235 = arith.constant 192 : index
    %get3A_236 = tpu.vector_load %arg6[%get3A_235] {strides = array<i32>} : memref<10240xi32, #tpu.memory_space<vmem>>, vector<16xi32>,
    %get3A_237 = vector.shape_cast %get3A_236 : vector<16xi32> to vector<16xi32>
    %and3A_238 = arith.constant 16383 : i32
    %and3A_239 = vector.broadcast %and3A_238 : i32 to vector<16xi32>
    %and3A_240 = arith.andi %get3A_237, %and3A_239 : vector<16xi32>
    %swap3A_241 = arith.constant 0 : index
    %swap3A_242 = tpu.vector_load %arg11[%swap3A_241] {strides = array<i32>} : memref<64xi32, #tpu.memory_space<vmem>>, vector<16xi32>,
    %swap3A_243 = vector.shape_cast %swap3A_242 : vector<16xi32> to vector<16xi32>
    %swap3A_244 = vector.shape_cast %and3A_240 : vector<16xi32> to vector<16xi32>
    tpu.vector_store %arg11[%swap3A_241], %swap3A_244 {strides = array<i32>} : memref<64xi32, #tpu.memory_space<vmem>>, vector<16xi32>,
    %shift_right_arithmetic3A_245 = arith.constant 14 : i32
    %shift_right_arithmetic3A_246 = vector.broadcast %shift_right_arithmetic3A_245 : i32 to vector<16xi32>
    %shift_right_arithmetic3A_247 = arith.shrsi %get3A_237, %shift_right_arithmetic3A_246 : vector<16xi32>
    %swap3A_248 = arith.constant 0 : i32
    %swap3A_249 = arith.index_cast %swap3A_248 : i32 to index
    %swap3A_250 = arith.constant 0 : index
    %swap3A_251 = tpu.vector_load %arg15[%swap3A_249, %swap3A_250] {strides = array<i32>} : memref<1x64xi32, #tpu.memory_space<vmem>>, vector<1x16xi32>,
    %swap3A_252 = vector.shape_cast %swap3A_251 : vector<1x16xi32> to vector<16xi32>
    %swap3A_253 = vector.shape_cast %shift_right_arithmetic3A_247 : vector<16xi32> to vector<1x16xi32>
    tpu.vector_store %arg15[%swap3A_249, %swap3A_250], %swap3A_253 {strides = array<i32>} : memref<1x64xi32, #tpu.memory_space<vmem>>, vector<1x16xi32>,
    %get3A_254 = arith.constant 208 : index
    %get3A_255 = tpu.vector_load %arg6[%get3A_254] {strides = array<i32>} : memref<10240xi32, #tpu.memory_space<vmem>>, vector<16xi32>,
    %get3A_256 = vector.shape_cast %get3A_255 : vector<16xi32> to vector<16xi32>
    %and3A_257 = arith.constant 16383 : i32
    %and3A_258 = vector.broadcast %and3A_257 : i32 to vector<16xi32>
    %and3A_259 = arith.andi %get3A_256, %and3A_258 : vector<16xi32>
    %swap3A_260 = arith.constant 16 : index
    %swap3A_261 = tpu.vector_load %arg11[%swap3A_260] {strides = array<i32>} : memref<64xi32, #tpu.memory_space<vmem>>, vector<16xi32>,
    %swap3A_262 = vector.shape_cast %swap3A_261 : vector<16xi32> to vector<16xi32>
    %swap3A_263 = vector.shape_cast %and3A_259 : vector<16xi32> to vector<16xi32>
    tpu.vector_store %arg11[%swap3A_260], %swap3A_263 {strides = array<i32>} : memref<64xi32, #tpu.memory_space<vmem>>, vector<16xi32>,
    %shift_right_arithmetic3A_264 = arith.constant 14 : i32
    %shift_right_arithmetic3A_265 = vector.broadcast %shift_right_arithmetic3A_264 : i32 to vector<16xi32>
    %shift_right_arithmetic3A_266 = arith.shrsi %get3A_256, %shift_right_arithmetic3A_265 : vector<16xi32>
    %swap3A_267 = arith.constant 0 : i32
    %swap3A_268 = arith.index_cast %swap3A_267 : i32 to index
    %swap3A_269 = arith.constant 16 : index
    %swap3A_270 = tpu.vector_load %arg15[%swap3A_268, %swap3A_269] {strides = array<i32>} : memref<1x64xi32, #tpu.memory_space<vmem>>, vector<1x16xi32>,
    %swap3A_271 = vector.shape_cast %swap3A_270 : vector<1x16xi32> to vector<16xi32>
    %swap3A_272 = vector.shape_cast %shift_right_arithmetic3A_266 : vector<16xi32> to vector<1x16xi32>
    tpu.vector_store %arg15[%swap3A_268, %swap3A_269], %swap3A_272 {strides = array<i32>} : memref<1x64xi32, #tpu.memory_space<vmem>>, vector<1x16xi32>,
    %get3A_273 = arith.constant 224 : index
    %get3A_274 = tpu.vector_load %arg6[%get3A_273] {strides = array<i32>} : memref<10240xi32, #tpu.memory_space<vmem>>, vector<16xi32>,
    %get3A_275 = vector.shape_cast %get3A_274 : vector<16xi32> to vector<16xi32>
    %and3A_276 = arith.constant 16383 : i32
    %and3A_277 = vector.broadcast %and3A_276 : i32 to vector<16xi32>
    %and3A_278 = arith.andi %get3A_275, %and3A_277 : vector<16xi32>
    %swap3A_279 = arith.constant 32 : index
    %swap3A_280 = tpu.vector_load %arg11[%swap3A_279] {strides = array<i32>} : memref<64xi32, #tpu.memory_space<vmem>>, vector<16xi32>,
    %swap3A_281 = vector.shape_cast %swap3A_280 : vector<16xi32> to vector<16xi32>
    %swap3A_282 = vector.shape_cast %and3A_278 : vector<16xi32> to vector<16xi32>
    tpu.vector_store %arg11[%swap3A_279], %swap3A_282 {strides = array<i32>} : memref<64xi32, #tpu.memory_space<vmem>>, vector<16xi32>,
    %shift_right_arithmetic3A_283 = arith.constant 14 : i32
    %shift_right_arithmetic3A_284 = vector.broadcast %shift_right_arithmetic3A_283 : i32 to vector<16xi32>
    %shift_right_arithmetic3A_285 = arith.shrsi %get3A_275, %shift_right_arithmetic3A_284 : vector<16xi32>
    %swap3A_286 = arith.constant 0 : i32
    %swap3A_287 = arith.index_cast %swap3A_286 : i32 to index
    %swap3A_288 = arith.constant 32 : index
    %swap3A_289 = tpu.vector_load %arg15[%swap3A_287, %swap3A_288] {strides = array<i32>} : memref<1x64xi32, #tpu.memory_space<vmem>>, vector<1x16xi32>,
    %swap3A_290 = vector.shape_cast %swap3A_289 : vector<1x16xi32> to vector<16xi32>
    %swap3A_291 = vector.shape_cast %shift_right_arithmetic3A_285 : vector<16xi32> to vector<1x16xi32>
    tpu.vector_store %arg15[%swap3A_287, %swap3A_288], %swap3A_291 {strides = array<i32>} : memref<1x64xi32, #tpu.memory_space<vmem>>, vector<1x16xi32>,
    %get3A_292 = arith.constant 240 : index
    %get3A_293 = tpu.vector_load %arg6[%get3A_292] {strides = array<i32>} : memref<10240xi32, #tpu.memory_space<vmem>>, vector<16xi32>,
    %get3A_294 = vector.shape_cast %get3A_293 : vector<16xi32> to vector<16xi32>
    %and3A_295 = arith.constant 16383 : i32
    %and3A_296 = vector.broadcast %and3A_295 : i32 to vector<16xi32>
    %and3A_297 = arith.andi %get3A_294, %and3A_296 : vector<16xi32>
    %swap3A_298 = arith.constant 48 : index
    %swap3A_299 = tpu.vector_load %arg11[%swap3A_298] {strides = array<i32>} : memref<64xi32, #tpu.memory_space<vmem>>, vector<16xi32>,
    %swap3A_300 = vector.shape_cast %swap3A_299 : vector<16xi32> to vector<16xi32>
    %swap3A_301 = vector.shape_cast %and3A_297 : vector<16xi32> to vector<16xi32>
    tpu.vector_store %arg11[%swap3A_298], %swap3A_301 {strides = array<i32>} : memref<64xi32, #tpu.memory_space<vmem>>, vector<16xi32>,
    %shift_right_arithmetic3A_302 = arith.constant 14 : i32
    %shift_right_arithmetic3A_303 = vector.broadcast %shift_right_arithmetic3A_302 : i32 to vector<16xi32>
    %shift_right_arithmetic3A_304 = arith.shrsi %get3A_294, %shift_right_arithmetic3A_303 : vector<16xi32>
    %swap3A_305 = arith.constant 0 : i32
    %swap3A_306 = arith.index_cast %swap3A_305 : i32 to index
    %swap3A_307 = arith.constant 48 : index
    %swap3A_308 = tpu.vector_load %arg15[%swap3A_306, %swap3A_307] {strides = array<i32>} : memref<1x64xi32, #tpu.memory_space<vmem>>, vector<1x16xi32>,
    %swap3A_309 = vector.shape_cast %swap3A_308 : vector<1x16xi32> to vector<16xi32>
    %swap3A_310 = vector.shape_cast %shift_right_arithmetic3A_304 : vector<16xi32> to vector<1x16xi32>
    tpu.vector_store %arg15[%swap3A_306, %swap3A_307], %swap3A_310 {strides = array<i32>} : memref<1x64xi32, #tpu.memory_space<vmem>>, vector<1x16xi32>,
    %dma_start3A_311 = arith.constant 0 : i32
    %dma_start3A_312 = arith.constant 0 : i32
    %dma_start3A_313 = tpu.memref_slice %arg2[%dma_start3A_311, %dma_start3A_312] : memref<10240x128xf32, #tpu.memory_space<hbm>> -> memref<10240x128xf32, #tpu.memory_space<hbm>>
    tpu.enqueue_indirect_dma source(%dma_start3A_313 : memref<10240x128xf32, #tpu.memory_space<hbm>>) target(%arg19 : memref<64x128xf32, #tpu.memory_space<vmem>>) offsets(%arg11 : memref<64xi32, #tpu.memory_space<vmem>>) semaphore(%arg23 : memref<!tpu.dma_semaphore, #tpu.memory_space<semaphore_mem>>)
    %barrier3A = arith.constant 0 : index
    tpu.barrier barrier_id(%barrier3A)
    %scan3A = arith.constant 0 : i32
    %scan3A_314 = arith.constant 0 : i32
    %scan3A_315 = arith.constant 40 : i32
    %scan3A_316 = arith.addi %scan3A_314, %scan3A_315 : i32
    %scan3A_317 = arith.constant 1 : i32
    scf.for %scan3A_320 = %scan3A_314 to %scan3A_316 step %scan3A_317  : i32 {
      %mul3A_321 = arith.constant 4 : i32
      %mul3A_322 = arith.muli %mul3A_321, %scan3A_320 : i32
      %add3A_323 = arith.constant 0 : i32
      %add3A_324 = arith.addi %mul3A_322, %add3A_323 : i32
      %dma_wait3A = arith.constant 0 : i32
      %dma_wait3A_325 = arith.constant 0 : i32
      %dma_wait3A_326 = tpu.memref_slice %arg2[%dma_wait3A, %dma_wait3A_325] : memref<10240x128xf32, #tpu.memory_space<hbm>> -> memref<10240x128xf32, #tpu.memory_space<hbm>>
      tpu.wait_indirect_dma semaphore(%arg20 : memref<!tpu.dma_semaphore, #tpu.memory_space<semaphore_mem>>) src(%dma_wait3A_326 : memref<10240x128xf32, #tpu.memory_space<hbm>>) dst(%arg16 : memref<64x128xf32, #tpu.memory_space<vmem>>)
      %run_scoped3A = arith.constant 0 : i32
      "tpu.region"() ({
        %run_scoped3A_376 = tpu.sem_alloc : memref<!tpu.dma_semaphore, #tpu.memory_space<semaphore_mem>>
        %dma_start3A_377 = arith.constant 0 : i32
        %dma_start3A_378 = tpu.memref_slice %arg12[%run_scoped3A, %dma_start3A_377] : memref<1x64xi32, #tpu.memory_space<vmem>> -> memref<1x64xi32, #tpu.memory_space<vmem>>
        %dma_start3A_379 = tpu.memref_squeeze %dma_start3A_378 : memref<1x64xi32, #tpu.memory_space<vmem>> -> memref<64xi32, #tpu.memory_space<vmem>>
        %dma_start3A_380 = arith.constant 0 : i32
        %dma_start3A_381 = arith.constant 0 : i32
        %dma_start3A_382 = tpu.memref_slice %arg7[%dma_start3A_380, %dma_start3A_381] : memref<10240x128xf32, #tpu.memory_space<vmem_shared>> -> memref<10240x128xf32, #tpu.memory_space<vmem_shared>>
        tpu.enqueue_indirect_dma source(%arg16 : memref<64x128xf32, #tpu.memory_space<vmem>>) target(%dma_start3A_382 : memref<10240x128xf32, #tpu.memory_space<vmem_shared>>) offsets(%dma_start3A_379 : memref<64xi32, #tpu.memory_space<vmem>>) semaphore(%run_scoped3A_376 : memref<!tpu.dma_semaphore, #tpu.memory_space<semaphore_mem>>) {add = true}
        %dma_wait3A_383 = arith.constant 0 : i32
        %dma_wait3A_384 = tpu.memref_slice %arg12[%run_scoped3A, %dma_wait3A_383] : memref<1x64xi32, #tpu.memory_space<vmem>> -> memref<1x64xi32, #tpu.memory_space<vmem>>
        %dma_wait3A_385 = tpu.memref_squeeze %dma_wait3A_384 : memref<1x64xi32, #tpu.memory_space<vmem>> -> memref<64xi32, #tpu.memory_space<vmem>>
        %dma_wait3A_386 = arith.constant 0 : i32
        %dma_wait3A_387 = arith.constant 0 : i32
        %dma_wait3A_388 = tpu.memref_slice %arg7[%dma_wait3A_386, %dma_wait3A_387] : memref<10240x128xf32, #tpu.memory_space<vmem_shared>> -> memref<10240x128xf32, #tpu.memory_space<vmem_shared>>
        tpu.wait_indirect_dma semaphore(%run_scoped3A_376 : memref<!tpu.dma_semaphore, #tpu.memory_space<semaphore_mem>>) src(%arg16 : memref<64x128xf32, #tpu.memory_space<vmem>>) dst(%dma_wait3A_388 : memref<10240x128xf32, #tpu.memory_space<vmem_shared>>)
        tpu.yield
      }) : () -> ()
      %add3A_327 = arith.constant 4 : i32
      %add3A_328 = arith.addi %add3A_324, %add3A_327 : i32
      %lt3A = arith.constant 160 : i32
      %lt3A_329 = arith.cmpi slt, %add3A_328, %lt3A : i32
      %convert_element_type3A = arith.extui %lt3A_329 : i1 to i32
      %cond3A = arith.constant 0 : i32
      %cond3A_330 = arith.cmpi ne, %convert_element_type3A, %cond3A : i32
      scf.if %cond3A_330 {
        %mul3A_376 = arith.constant 64 : i32
        %mul3A_377 = arith.muli %add3A_328, %mul3A_376 : i32
        %add3A_378 = arith.constant 0 : i32
        %add3A_379 = arith.addi %mul3A_377, %add3A_378 : i32
        %get3A_380 = arith.index_cast %add3A_379 : i32 to index
        %get3A_381 = tpu.vector_load %arg6[%get3A_380] {strides = array<i32>} : memref<10240xi32, #tpu.memory_space<vmem>>, vector<16xi32>,
        %get3A_382 = vector.shape_cast %get3A_381 : vector<16xi32> to vector<16xi32>
        %and3A_383 = arith.constant 16383 : i32
        %and3A_384 = vector.broadcast %and3A_383 : i32 to vector<16xi32>
        %and3A_385 = arith.andi %get3A_382, %and3A_384 : vector<16xi32>
        %swap3A_386 = arith.constant 0 : index
        %swap3A_387 = tpu.vector_load %arg8[%swap3A_386] {strides = array<i32>} : memref<64xi32, #tpu.memory_space<vmem>>, vector<16xi32>,
        %swap3A_388 = vector.shape_cast %swap3A_387 : vector<16xi32> to vector<16xi32>
        %swap3A_389 = vector.shape_cast %and3A_385 : vector<16xi32> to vector<16xi32>
        tpu.vector_store %arg8[%swap3A_386], %swap3A_389 {strides = array<i32>} : memref<64xi32, #tpu.memory_space<vmem>>, vector<16xi32>,
        %shift_right_arithmetic3A_390 = arith.constant 14 : i32
        %shift_right_arithmetic3A_391 = vector.broadcast %shift_right_arithmetic3A_390 : i32 to vector<16xi32>
        %shift_right_arithmetic3A_392 = arith.shrsi %get3A_382, %shift_right_arithmetic3A_391 : vector<16xi32>
        %swap3A_393 = arith.constant 0 : i32
        %swap3A_394 = arith.index_cast %swap3A_393 : i32 to index
        %swap3A_395 = arith.constant 0 : index
        %swap3A_396 = tpu.vector_load %arg12[%swap3A_394, %swap3A_395] {strides = array<i32>} : memref<1x64xi32, #tpu.memory_space<vmem>>, vector<1x16xi32>,
        %swap3A_397 = vector.shape_cast %swap3A_396 : vector<1x16xi32> to vector<16xi32>
        %swap3A_398 = vector.shape_cast %shift_right_arithmetic3A_392 : vector<16xi32> to vector<1x16xi32>
        tpu.vector_store %arg12[%swap3A_394, %swap3A_395], %swap3A_398 {strides = array<i32>} : memref<1x64xi32, #tpu.memory_space<vmem>>, vector<1x16xi32>,
        %mul3A_399 = arith.constant 64 : i32
        %mul3A_400 = arith.muli %add3A_328, %mul3A_399 : i32
        %add3A_401 = arith.constant 16 : i32
        %add3A_402 = arith.addi %mul3A_400, %add3A_401 : i32
        %get3A_403 = arith.index_cast %add3A_402 : i32 to index
        %get3A_404 = tpu.vector_load %arg6[%get3A_403] {strides = array<i32>} : memref<10240xi32, #tpu.memory_space<vmem>>, vector<16xi32>,
        %get3A_405 = vector.shape_cast %get3A_404 : vector<16xi32> to vector<16xi32>
        %and3A_406 = arith.constant 16383 : i32
        %and3A_407 = vector.broadcast %and3A_406 : i32 to vector<16xi32>
        %and3A_408 = arith.andi %get3A_405, %and3A_407 : vector<16xi32>
        %swap3A_409 = arith.constant 16 : index
        %swap3A_410 = tpu.vector_load %arg8[%swap3A_409] {strides = array<i32>} : memref<64xi32, #tpu.memory_space<vmem>>, vector<16xi32>,
        %swap3A_411 = vector.shape_cast %swap3A_410 : vector<16xi32> to vector<16xi32>
        %swap3A_412 = vector.shape_cast %and3A_408 : vector<16xi32> to vector<16xi32>
        tpu.vector_store %arg8[%swap3A_409], %swap3A_412 {strides = array<i32>} : memref<64xi32, #tpu.memory_space<vmem>>, vector<16xi32>,
        %shift_right_arithmetic3A_413 = arith.constant 14 : i32
        %shift_right_arithmetic3A_414 = vector.broadcast %shift_right_arithmetic3A_413 : i32 to vector<16xi32>
        %shift_right_arithmetic3A_415 = arith.shrsi %get3A_405, %shift_right_arithmetic3A_414 : vector<16xi32>
        %swap3A_416 = arith.constant 0 : i32
        %swap3A_417 = arith.index_cast %swap3A_416 : i32 to index
        %swap3A_418 = arith.constant 16 : index
        %swap3A_419 = tpu.vector_load %arg12[%swap3A_417, %swap3A_418] {strides = array<i32>} : memref<1x64xi32, #tpu.memory_space<vmem>>, vector<1x16xi32>,
        %swap3A_420 = vector.shape_cast %swap3A_419 : vector<1x16xi32> to vector<16xi32>
        %swap3A_421 = vector.shape_cast %shift_right_arithmetic3A_415 : vector<16xi32> to vector<1x16xi32>
        tpu.vector_store %arg12[%swap3A_417, %swap3A_418], %swap3A_421 {strides = array<i32>} : memref<1x64xi32, #tpu.memory_space<vmem>>, vector<1x16xi32>,
        %mul3A_422 = arith.constant 64 : i32
        %mul3A_423 = arith.muli %add3A_328, %mul3A_422 : i32
        %add3A_424 = arith.constant 32 : i32
        %add3A_425 = arith.addi %mul3A_423, %add3A_424 : i32
        %get3A_426 = arith.index_cast %add3A_425 : i32 to index
        %get3A_427 = tpu.vector_load %arg6[%get3A_426] {strides = array<i32>} : memref<10240xi32, #tpu.memory_space<vmem>>, vector<16xi32>,
        %get3A_428 = vector.shape_cast %get3A_427 : vector<16xi32> to vector<16xi32>
        %and3A_429 = arith.constant 16383 : i32
        %and3A_430 = vector.broadcast %and3A_429 : i32 to vector<16xi32>
        %and3A_431 = arith.andi %get3A_428, %and3A_430 : vector<16xi32>
        %swap3A_432 = arith.constant 32 : index
        %swap3A_433 = tpu.vector_load %arg8[%swap3A_432] {strides = array<i32>} : memref<64xi32, #tpu.memory_space<vmem>>, vector<16xi32>,
        %swap3A_434 = vector.shape_cast %swap3A_433 : vector<16xi32> to vector<16xi32>
        %swap3A_435 = vector.shape_cast %and3A_431 : vector<16xi32> to vector<16xi32>
        tpu.vector_store %arg8[%swap3A_432], %swap3A_435 {strides = array<i32>} : memref<64xi32, #tpu.memory_space<vmem>>, vector<16xi32>,
        %shift_right_arithmetic3A_436 = arith.constant 14 : i32
        %shift_right_arithmetic3A_437 = vector.broadcast %shift_right_arithmetic3A_436 : i32 to vector<16xi32>
        %shift_right_arithmetic3A_438 = arith.shrsi %get3A_428, %shift_right_arithmetic3A_437 : vector<16xi32>
        %swap3A_439 = arith.constant 0 : i32
        %swap3A_440 = arith.index_cast %swap3A_439 : i32 to index
        %swap3A_441 = arith.constant 32 : index
        %swap3A_442 = tpu.vector_load %arg12[%swap3A_440, %swap3A_441] {strides = array<i32>} : memref<1x64xi32, #tpu.memory_space<vmem>>, vector<1x16xi32>,
        %swap3A_443 = vector.shape_cast %swap3A_442 : vector<1x16xi32> to vector<16xi32>
        %swap3A_444 = vector.shape_cast %shift_right_arithmetic3A_438 : vector<16xi32> to vector<1x16xi32>
        tpu.vector_store %arg12[%swap3A_440, %swap3A_441], %swap3A_444 {strides = array<i32>} : memref<1x64xi32, #tpu.memory_space<vmem>>, vector<1x16xi32>,
        %mul3A_445 = arith.constant 64 : i32
        %mul3A_446 = arith.muli %add3A_328, %mul3A_445 : i32
        %add3A_447 = arith.constant 48 : i32
        %add3A_448 = arith.addi %mul3A_446, %add3A_447 : i32
        %get3A_449 = arith.index_cast %add3A_448 : i32 to index
        %get3A_450 = tpu.vector_load %arg6[%get3A_449] {strides = array<i32>} : memref<10240xi32, #tpu.memory_space<vmem>>, vector<16xi32>,
        %get3A_451 = vector.shape_cast %get3A_450 : vector<16xi32> to vector<16xi32>
        %and3A_452 = arith.constant 16383 : i32
        %and3A_453 = vector.broadcast %and3A_452 : i32 to vector<16xi32>
        %and3A_454 = arith.andi %get3A_451, %and3A_453 : vector<16xi32>
        %swap3A_455 = arith.constant 48 : index
        %swap3A_456 = tpu.vector_load %arg8[%swap3A_455] {strides = array<i32>} : memref<64xi32, #tpu.memory_space<vmem>>, vector<16xi32>,
        %swap3A_457 = vector.shape_cast %swap3A_456 : vector<16xi32> to vector<16xi32>
        %swap3A_458 = vector.shape_cast %and3A_454 : vector<16xi32> to vector<16xi32>
        tpu.vector_store %arg8[%swap3A_455], %swap3A_458 {strides = array<i32>} : memref<64xi32, #tpu.memory_space<vmem>>, vector<16xi32>,
        %shift_right_arithmetic3A_459 = arith.constant 14 : i32
        %shift_right_arithmetic3A_460 = vector.broadcast %shift_right_arithmetic3A_459 : i32 to vector<16xi32>
        %shift_right_arithmetic3A_461 = arith.shrsi %get3A_451, %shift_right_arithmetic3A_460 : vector<16xi32>
        %swap3A_462 = arith.constant 0 : i32
        %swap3A_463 = arith.index_cast %swap3A_462 : i32 to index
        %swap3A_464 = arith.constant 48 : index
        %swap3A_465 = tpu.vector_load %arg12[%swap3A_463, %swap3A_464] {strides = array<i32>} : memref<1x64xi32, #tpu.memory_space<vmem>>, vector<1x16xi32>,
        %swap3A_466 = vector.shape_cast %swap3A_465 : vector<1x16xi32> to vector<16xi32>
        %swap3A_467 = vector.shape_cast %shift_right_arithmetic3A_461 : vector<16xi32> to vector<1x16xi32>
        tpu.vector_store %arg12[%swap3A_463, %swap3A_464], %swap3A_467 {strides = array<i32>} : memref<1x64xi32, #tpu.memory_space<vmem>>, vector<1x16xi32>,
        %dma_start3A_468 = arith.constant 0 : i32
        %dma_start3A_469 = arith.constant 0 : i32
        %dma_start3A_470 = tpu.memref_slice %arg2[%dma_start3A_468, %dma_start3A_469] : memref<10240x128xf32, #tpu.memory_space<hbm>> -> memref<10240x128xf32, #tpu.memory_space<hbm>>
        tpu.enqueue_indirect_dma source(%dma_start3A_470 : memref<10240x128xf32, #tpu.memory_space<hbm>>) target(%arg16 : memref<64x128xf32, #tpu.memory_space<vmem>>) offsets(%arg8 : memref<64xi32, #tpu.memory_space<vmem>>) semaphore(%arg20 : memref<!tpu.dma_semaphore, #tpu.memory_space<semaphore_mem>>)
      } else {
      }
      %mul3A_331 = arith.constant 4 : i32
      %mul3A_332 = arith.muli %mul3A_331, %scan3A_320 : i32
      %add3A_333 = arith.constant 1 : i32
      %add3A_334 = arith.addi %mul3A_332, %add3A_333 : i32
      %dma_wait3A_335 = arith.constant 0 : i32
      %dma_wait3A_336 = arith.constant 0 : i32
      %dma_wait3A_337 = tpu.memref_slice %arg2[%dma_wait3A_335, %dma_wait3A_336] : memref<10240x128xf32, #tpu.memory_space<hbm>> -> memref<10240x128xf32, #tpu.memory_space<hbm>>
      tpu.wait_indirect_dma semaphore(%arg21 : memref<!tpu.dma_semaphore, #tpu.memory_space<semaphore_mem>>) src(%dma_wait3A_337 : memref<10240x128xf32, #tpu.memory_space<hbm>>) dst(%arg17 : memref<64x128xf32, #tpu.memory_space<vmem>>)
      %run_scoped3A_338 = arith.constant 0 : i32
      "tpu.region"() ({
        %run_scoped3A_376 = tpu.sem_alloc : memref<!tpu.dma_semaphore, #tpu.memory_space<semaphore_mem>>
        %dma_start3A_377 = arith.constant 0 : i32
        %dma_start3A_378 = tpu.memref_slice %arg13[%run_scoped3A_338, %dma_start3A_377] : memref<1x64xi32, #tpu.memory_space<vmem>> -> memref<1x64xi32, #tpu.memory_space<vmem>>
        %dma_start3A_379 = tpu.memref_squeeze %dma_start3A_378 : memref<1x64xi32, #tpu.memory_space<vmem>> -> memref<64xi32, #tpu.memory_space<vmem>>
        %dma_start3A_380 = arith.constant 0 : i32
        %dma_start3A_381 = arith.constant 0 : i32
        %dma_start3A_382 = tpu.memref_slice %arg7[%dma_start3A_380, %dma_start3A_381] : memref<10240x128xf32, #tpu.memory_space<vmem_shared>> -> memref<10240x128xf32, #tpu.memory_space<vmem_shared>>
        tpu.enqueue_indirect_dma source(%arg17 : memref<64x128xf32, #tpu.memory_space<vmem>>) target(%dma_start3A_382 : memref<10240x128xf32, #tpu.memory_space<vmem_shared>>) offsets(%dma_start3A_379 : memref<64xi32, #tpu.memory_space<vmem>>) semaphore(%run_scoped3A_376 : memref<!tpu.dma_semaphore, #tpu.memory_space<semaphore_mem>>) {add = true}
        %dma_wait3A_383 = arith.constant 0 : i32
        %dma_wait3A_384 = tpu.memref_slice %arg13[%run_scoped3A_338, %dma_wait3A_383] : memref<1x64xi32, #tpu.memory_space<vmem>> -> memref<1x64xi32, #tpu.memory_space<vmem>>
        %dma_wait3A_385 = tpu.memref_squeeze %dma_wait3A_384 : memref<1x64xi32, #tpu.memory_space<vmem>> -> memref<64xi32, #tpu.memory_space<vmem>>
        %dma_wait3A_386 = arith.constant 0 : i32
        %dma_wait3A_387 = arith.constant 0 : i32
        %dma_wait3A_388 = tpu.memref_slice %arg7[%dma_wait3A_386, %dma_wait3A_387] : memref<10240x128xf32, #tpu.memory_space<vmem_shared>> -> memref<10240x128xf32, #tpu.memory_space<vmem_shared>>
        tpu.wait_indirect_dma semaphore(%run_scoped3A_376 : memref<!tpu.dma_semaphore, #tpu.memory_space<semaphore_mem>>) src(%arg17 : memref<64x128xf32, #tpu.memory_space<vmem>>) dst(%dma_wait3A_388 : memref<10240x128xf32, #tpu.memory_space<vmem_shared>>)
        tpu.yield
      }) : () -> ()
      %add3A_339 = arith.constant 4 : i32
      %add3A_340 = arith.addi %add3A_334, %add3A_339 : i32
      %lt3A_341 = arith.constant 160 : i32
      %lt3A_342 = arith.cmpi slt, %add3A_340, %lt3A_341 : i32
      %convert_element_type3A_343 = arith.extui %lt3A_342 : i1 to i32
      %cond3A_344 = arith.constant 0 : i32
      %cond3A_345 = arith.cmpi ne, %convert_element_type3A_343, %cond3A_344 : i32
      scf.if %cond3A_345 {
        %mul3A_376 = arith.constant 64 : i32
        %mul3A_377 = arith.muli %add3A_340, %mul3A_376 : i32
        %add3A_378 = arith.constant 0 : i32
        %add3A_379 = arith.addi %mul3A_377, %add3A_378 : i32
        %get3A_380 = arith.index_cast %add3A_379 : i32 to index
        %get3A_381 = tpu.vector_load %arg6[%get3A_380] {strides = array<i32>} : memref<10240xi32, #tpu.memory_space<vmem>>, vector<16xi32>,
        %get3A_382 = vector.shape_cast %get3A_381 : vector<16xi32> to vector<16xi32>
        %and3A_383 = arith.constant 16383 : i32
        %and3A_384 = vector.broadcast %and3A_383 : i32 to vector<16xi32>
        %and3A_385 = arith.andi %get3A_382, %and3A_384 : vector<16xi32>
        %swap3A_386 = arith.constant 0 : index
        %swap3A_387 = tpu.vector_load %arg9[%swap3A_386] {strides = array<i32>} : memref<64xi32, #tpu.memory_space<vmem>>, vector<16xi32>,
        %swap3A_388 = vector.shape_cast %swap3A_387 : vector<16xi32> to vector<16xi32>
        %swap3A_389 = vector.shape_cast %and3A_385 : vector<16xi32> to vector<16xi32>
        tpu.vector_store %arg9[%swap3A_386], %swap3A_389 {strides = array<i32>} : memref<64xi32, #tpu.memory_space<vmem>>, vector<16xi32>,
        %shift_right_arithmetic3A_390 = arith.constant 14 : i32
        %shift_right_arithmetic3A_391 = vector.broadcast %shift_right_arithmetic3A_390 : i32 to vector<16xi32>
        %shift_right_arithmetic3A_392 = arith.shrsi %get3A_382, %shift_right_arithmetic3A_391 : vector<16xi32>
        %swap3A_393 = arith.constant 0 : i32
        %swap3A_394 = arith.index_cast %swap3A_393 : i32 to index
        %swap3A_395 = arith.constant 0 : index
        %swap3A_396 = tpu.vector_load %arg13[%swap3A_394, %swap3A_395] {strides = array<i32>} : memref<1x64xi32, #tpu.memory_space<vmem>>, vector<1x16xi32>,
        %swap3A_397 = vector.shape_cast %swap3A_396 : vector<1x16xi32> to vector<16xi32>
        %swap3A_398 = vector.shape_cast %shift_right_arithmetic3A_392 : vector<16xi32> to vector<1x16xi32>
        tpu.vector_store %arg13[%swap3A_394, %swap3A_395], %swap3A_398 {strides = array<i32>} : memref<1x64xi32, #tpu.memory_space<vmem>>, vector<1x16xi32>,
        %mul3A_399 = arith.constant 64 : i32
        %mul3A_400 = arith.muli %add3A_340, %mul3A_399 : i32
        %add3A_401 = arith.constant 16 : i32
        %add3A_402 = arith.addi %mul3A_400, %add3A_401 : i32
        %get3A_403 = arith.index_cast %add3A_402 : i32 to index
        %get3A_404 = tpu.vector_load %arg6[%get3A_403] {strides = array<i32>} : memref<10240xi32, #tpu.memory_space<vmem>>, vector<16xi32>,
        %get3A_405 = vector.shape_cast %get3A_404 : vector<16xi32> to vector<16xi32>
        %and3A_406 = arith.constant 16383 : i32
        %and3A_407 = vector.broadcast %and3A_406 : i32 to vector<16xi32>
        %and3A_408 = arith.andi %get3A_405, %and3A_407 : vector<16xi32>
        %swap3A_409 = arith.constant 16 : index
        %swap3A_410 = tpu.vector_load %arg9[%swap3A_409] {strides = array<i32>} : memref<64xi32, #tpu.memory_space<vmem>>, vector<16xi32>,
        %swap3A_411 = vector.shape_cast %swap3A_410 : vector<16xi32> to vector<16xi32>
        %swap3A_412 = vector.shape_cast %and3A_408 : vector<16xi32> to vector<16xi32>
        tpu.vector_store %arg9[%swap3A_409], %swap3A_412 {strides = array<i32>} : memref<64xi32, #tpu.memory_space<vmem>>, vector<16xi32>,
        %shift_right_arithmetic3A_413 = arith.constant 14 : i32
        %shift_right_arithmetic3A_414 = vector.broadcast %shift_right_arithmetic3A_413 : i32 to vector<16xi32>
        %shift_right_arithmetic3A_415 = arith.shrsi %get3A_405, %shift_right_arithmetic3A_414 : vector<16xi32>
        %swap3A_416 = arith.constant 0 : i32
        %swap3A_417 = arith.index_cast %swap3A_416 : i32 to index
        %swap3A_418 = arith.constant 16 : index
        %swap3A_419 = tpu.vector_load %arg13[%swap3A_417, %swap3A_418] {strides = array<i32>} : memref<1x64xi32, #tpu.memory_space<vmem>>, vector<1x16xi32>,
        %swap3A_420 = vector.shape_cast %swap3A_419 : vector<1x16xi32> to vector<16xi32>
        %swap3A_421 = vector.shape_cast %shift_right_arithmetic3A_415 : vector<16xi32> to vector<1x16xi32>
        tpu.vector_store %arg13[%swap3A_417, %swap3A_418], %swap3A_421 {strides = array<i32>} : memref<1x64xi32, #tpu.memory_space<vmem>>, vector<1x16xi32>,
        %mul3A_422 = arith.constant 64 : i32
        %mul3A_423 = arith.muli %add3A_340, %mul3A_422 : i32
        %add3A_424 = arith.constant 32 : i32
        %add3A_425 = arith.addi %mul3A_423, %add3A_424 : i32
        %get3A_426 = arith.index_cast %add3A_425 : i32 to index
        %get3A_427 = tpu.vector_load %arg6[%get3A_426] {strides = array<i32>} : memref<10240xi32, #tpu.memory_space<vmem>>, vector<16xi32>,
        %get3A_428 = vector.shape_cast %get3A_427 : vector<16xi32> to vector<16xi32>
        %and3A_429 = arith.constant 16383 : i32
        %and3A_430 = vector.broadcast %and3A_429 : i32 to vector<16xi32>
        %and3A_431 = arith.andi %get3A_428, %and3A_430 : vector<16xi32>
        %swap3A_432 = arith.constant 32 : index
        %swap3A_433 = tpu.vector_load %arg9[%swap3A_432] {strides = array<i32>} : memref<64xi32, #tpu.memory_space<vmem>>, vector<16xi32>,
        %swap3A_434 = vector.shape_cast %swap3A_433 : vector<16xi32> to vector<16xi32>
        %swap3A_435 = vector.shape_cast %and3A_431 : vector<16xi32> to vector<16xi32>
        tpu.vector_store %arg9[%swap3A_432], %swap3A_435 {strides = array<i32>} : memref<64xi32, #tpu.memory_space<vmem>>, vector<16xi32>,
        %shift_right_arithmetic3A_436 = arith.constant 14 : i32
        %shift_right_arithmetic3A_437 = vector.broadcast %shift_right_arithmetic3A_436 : i32 to vector<16xi32>
        %shift_right_arithmetic3A_438 = arith.shrsi %get3A_428, %shift_right_arithmetic3A_437 : vector<16xi32>
        %swap3A_439 = arith.constant 0 : i32
        %swap3A_440 = arith.index_cast %swap3A_439 : i32 to index
        %swap3A_441 = arith.constant 32 : index
        %swap3A_442 = tpu.vector_load %arg13[%swap3A_440, %swap3A_441] {strides = array<i32>} : memref<1x64xi32, #tpu.memory_space<vmem>>, vector<1x16xi32>,
        %swap3A_443 = vector.shape_cast %swap3A_442 : vector<1x16xi32> to vector<16xi32>
        %swap3A_444 = vector.shape_cast %shift_right_arithmetic3A_438 : vector<16xi32> to vector<1x16xi32>
        tpu.vector_store %arg13[%swap3A_440, %swap3A_441], %swap3A_444 {strides = array<i32>} : memref<1x64xi32, #tpu.memory_space<vmem>>, vector<1x16xi32>,
        %mul3A_445 = arith.constant 64 : i32
        %mul3A_446 = arith.muli %add3A_340, %mul3A_445 : i32
        %add3A_447 = arith.constant 48 : i32
        %add3A_448 = arith.addi %mul3A_446, %add3A_447 : i32
        %get3A_449 = arith.index_cast %add3A_448 : i32 to index
        %get3A_450 = tpu.vector_load %arg6[%get3A_449] {strides = array<i32>} : memref<10240xi32, #tpu.memory_space<vmem>>, vector<16xi32>,
        %get3A_451 = vector.shape_cast %get3A_450 : vector<16xi32> to vector<16xi32>
        %and3A_452 = arith.constant 16383 : i32
        %and3A_453 = vector.broadcast %and3A_452 : i32 to vector<16xi32>
        %and3A_454 = arith.andi %get3A_451, %and3A_453 : vector<16xi32>
        %swap3A_455 = arith.constant 48 : index
        %swap3A_456 = tpu.vector_load %arg9[%swap3A_455] {strides = array<i32>} : memref<64xi32, #tpu.memory_space<vmem>>, vector<16xi32>,
        %swap3A_457 = vector.shape_cast %swap3A_456 : vector<16xi32> to vector<16xi32>
        %swap3A_458 = vector.shape_cast %and3A_454 : vector<16xi32> to vector<16xi32>
        tpu.vector_store %arg9[%swap3A_455], %swap3A_458 {strides = array<i32>} : memref<64xi32, #tpu.memory_space<vmem>>, vector<16xi32>,
        %shift_right_arithmetic3A_459 = arith.constant 14 : i32
        %shift_right_arithmetic3A_460 = vector.broadcast %shift_right_arithmetic3A_459 : i32 to vector<16xi32>
        %shift_right_arithmetic3A_461 = arith.shrsi %get3A_451, %shift_right_arithmetic3A_460 : vector<16xi32>
        %swap3A_462 = arith.constant 0 : i32
        %swap3A_463 = arith.index_cast %swap3A_462 : i32 to index
        %swap3A_464 = arith.constant 48 : index
        %swap3A_465 = tpu.vector_load %arg13[%swap3A_463, %swap3A_464] {strides = array<i32>} : memref<1x64xi32, #tpu.memory_space<vmem>>, vector<1x16xi32>,
        %swap3A_466 = vector.shape_cast %swap3A_465 : vector<1x16xi32> to vector<16xi32>
        %swap3A_467 = vector.shape_cast %shift_right_arithmetic3A_461 : vector<16xi32> to vector<1x16xi32>
        tpu.vector_store %arg13[%swap3A_463, %swap3A_464], %swap3A_467 {strides = array<i32>} : memref<1x64xi32, #tpu.memory_space<vmem>>, vector<1x16xi32>,
        %dma_start3A_468 = arith.constant 0 : i32
        %dma_start3A_469 = arith.constant 0 : i32
        %dma_start3A_470 = tpu.memref_slice %arg2[%dma_start3A_468, %dma_start3A_469] : memref<10240x128xf32, #tpu.memory_space<hbm>> -> memref<10240x128xf32, #tpu.memory_space<hbm>>
        tpu.enqueue_indirect_dma source(%dma_start3A_470 : memref<10240x128xf32, #tpu.memory_space<hbm>>) target(%arg17 : memref<64x128xf32, #tpu.memory_space<vmem>>) offsets(%arg9 : memref<64xi32, #tpu.memory_space<vmem>>) semaphore(%arg21 : memref<!tpu.dma_semaphore, #tpu.memory_space<semaphore_mem>>)
      } else {
      }
      %mul3A_346 = arith.constant 4 : i32
      %mul3A_347 = arith.muli %mul3A_346, %scan3A_320 : i32
      %add3A_348 = arith.constant 2 : i32
      %add3A_349 = arith.addi %mul3A_347, %add3A_348 : i32
      %dma_wait3A_350 = arith.constant 0 : i32
      %dma_wait3A_351 = arith.constant 0 : i32
      %dma_wait3A_352 = tpu.memref_slice %arg2[%dma_wait3A_350, %dma_wait3A_351] : memref<10240x128xf32, #tpu.memory_space<hbm>> -> memref<10240x128xf32, #tpu.memory_space<hbm>>
      tpu.wait_indirect_dma semaphore(%arg22 : memref<!tpu.dma_semaphore, #tpu.memory_space<semaphore_mem>>) src(%dma_wait3A_352 : memref<10240x128xf32, #tpu.memory_space<hbm>>) dst(%arg18 : memref<64x128xf32, #tpu.memory_space<vmem>>)
      %run_scoped3A_353 = arith.constant 0 : i32
      "tpu.region"() ({
        %run_scoped3A_376 = tpu.sem_alloc : memref<!tpu.dma_semaphore, #tpu.memory_space<semaphore_mem>>
        %dma_start3A_377 = arith.constant 0 : i32
        %dma_start3A_378 = tpu.memref_slice %arg14[%run_scoped3A_353, %dma_start3A_377] : memref<1x64xi32, #tpu.memory_space<vmem>> -> memref<1x64xi32, #tpu.memory_space<vmem>>
        %dma_start3A_379 = tpu.memref_squeeze %dma_start3A_378 : memref<1x64xi32, #tpu.memory_space<vmem>> -> memref<64xi32, #tpu.memory_space<vmem>>
        %dma_start3A_380 = arith.constant 0 : i32
        %dma_start3A_381 = arith.constant 0 : i32
        %dma_start3A_382 = tpu.memref_slice %arg7[%dma_start3A_380, %dma_start3A_381] : memref<10240x128xf32, #tpu.memory_space<vmem_shared>> -> memref<10240x128xf32, #tpu.memory_space<vmem_shared>>
        tpu.enqueue_indirect_dma source(%arg18 : memref<64x128xf32, #tpu.memory_space<vmem>>) target(%dma_start3A_382 : memref<10240x128xf32, #tpu.memory_space<vmem_shared>>) offsets(%dma_start3A_379 : memref<64xi32, #tpu.memory_space<vmem>>) semaphore(%run_scoped3A_376 : memref<!tpu.dma_semaphore, #tpu.memory_space<semaphore_mem>>) {add = true}
        %dma_wait3A_383 = arith.constant 0 : i32
        %dma_wait3A_384 = tpu.memref_slice %arg14[%run_scoped3A_353, %dma_wait3A_383] : memref<1x64xi32, #tpu.memory_space<vmem>> -> memref<1x64xi32, #tpu.memory_space<vmem>>
        %dma_wait3A_385 = tpu.memref_squeeze %dma_wait3A_384 : memref<1x64xi32, #tpu.memory_space<vmem>> -> memref<64xi32, #tpu.memory_space<vmem>>
        %dma_wait3A_386 = arith.constant 0 : i32
        %dma_wait3A_387 = arith.constant 0 : i32
        %dma_wait3A_388 = tpu.memref_slice %arg7[%dma_wait3A_386, %dma_wait3A_387] : memref<10240x128xf32, #tpu.memory_space<vmem_shared>> -> memref<10240x128xf32, #tpu.memory_space<vmem_shared>>
        tpu.wait_indirect_dma semaphore(%run_scoped3A_376 : memref<!tpu.dma_semaphore, #tpu.memory_space<semaphore_mem>>) src(%arg18 : memref<64x128xf32, #tpu.memory_space<vmem>>) dst(%dma_wait3A_388 : memref<10240x128xf32, #tpu.memory_space<vmem_shared>>)
        tpu.yield
      }) : () -> ()
      %add3A_354 = arith.constant 4 : i32
      %add3A_355 = arith.addi %add3A_349, %add3A_354 : i32
      %lt3A_356 = arith.constant 160 : i32
      %lt3A_357 = arith.cmpi slt, %add3A_355, %lt3A_356 : i32
      %convert_element_type3A_358 = arith.extui %lt3A_357 : i1 to i32
      %cond3A_359 = arith.constant 0 : i32
      %cond3A_360 = arith.cmpi ne, %convert_element_type3A_358, %cond3A_359 : i32
      scf.if %cond3A_360 {
        %mul3A_376 = arith.constant 64 : i32
        %mul3A_377 = arith.muli %add3A_355, %mul3A_376 : i32
        %add3A_378 = arith.constant 0 : i32
        %add3A_379 = arith.addi %mul3A_377, %add3A_378 : i32
        %get3A_380 = arith.index_cast %add3A_379 : i32 to index
        %get3A_381 = tpu.vector_load %arg6[%get3A_380] {strides = array<i32>} : memref<10240xi32, #tpu.memory_space<vmem>>, vector<16xi32>,
        %get3A_382 = vector.shape_cast %get3A_381 : vector<16xi32> to vector<16xi32>
        %and3A_383 = arith.constant 16383 : i32
        %and3A_384 = vector.broadcast %and3A_383 : i32 to vector<16xi32>
        %and3A_385 = arith.andi %get3A_382, %and3A_384 : vector<16xi32>
        %swap3A_386 = arith.constant 0 : index
        %swap3A_387 = tpu.vector_load %arg10[%swap3A_386] {strides = array<i32>} : memref<64xi32, #tpu.memory_space<vmem>>, vector<16xi32>,
        %swap3A_388 = vector.shape_cast %swap3A_387 : vector<16xi32> to vector<16xi32>
        %swap3A_389 = vector.shape_cast %and3A_385 : vector<16xi32> to vector<16xi32>
        tpu.vector_store %arg10[%swap3A_386], %swap3A_389 {strides = array<i32>} : memref<64xi32, #tpu.memory_space<vmem>>, vector<16xi32>,
        %shift_right_arithmetic3A_390 = arith.constant 14 : i32
        %shift_right_arithmetic3A_391 = vector.broadcast %shift_right_arithmetic3A_390 : i32 to vector<16xi32>
        %shift_right_arithmetic3A_392 = arith.shrsi %get3A_382, %shift_right_arithmetic3A_391 : vector<16xi32>
        %swap3A_393 = arith.constant 0 : i32
        %swap3A_394 = arith.index_cast %swap3A_393 : i32 to index
        %swap3A_395 = arith.constant 0 : index
        %swap3A_396 = tpu.vector_load %arg14[%swap3A_394, %swap3A_395] {strides = array<i32>} : memref<1x64xi32, #tpu.memory_space<vmem>>, vector<1x16xi32>,
        %swap3A_397 = vector.shape_cast %swap3A_396 : vector<1x16xi32> to vector<16xi32>
        %swap3A_398 = vector.shape_cast %shift_right_arithmetic3A_392 : vector<16xi32> to vector<1x16xi32>
        tpu.vector_store %arg14[%swap3A_394, %swap3A_395], %swap3A_398 {strides = array<i32>} : memref<1x64xi32, #tpu.memory_space<vmem>>, vector<1x16xi32>,
        %mul3A_399 = arith.constant 64 : i32
        %mul3A_400 = arith.muli %add3A_355, %mul3A_399 : i32
        %add3A_401 = arith.constant 16 : i32
        %add3A_402 = arith.addi %mul3A_400, %add3A_401 : i32
        %get3A_403 = arith.index_cast %add3A_402 : i32 to index
        %get3A_404 = tpu.vector_load %arg6[%get3A_403] {strides = array<i32>} : memref<10240xi32, #tpu.memory_space<vmem>>, vector<16xi32>,
        %get3A_405 = vector.shape_cast %get3A_404 : vector<16xi32> to vector<16xi32>
        %and3A_406 = arith.constant 16383 : i32
        %and3A_407 = vector.broadcast %and3A_406 : i32 to vector<16xi32>
        %and3A_408 = arith.andi %get3A_405, %and3A_407 : vector<16xi32>
        %swap3A_409 = arith.constant 16 : index
        %swap3A_410 = tpu.vector_load %arg10[%swap3A_409] {strides = array<i32>} : memref<64xi32, #tpu.memory_space<vmem>>, vector<16xi32>,
        %swap3A_411 = vector.shape_cast %swap3A_410 : vector<16xi32> to vector<16xi32>
        %swap3A_412 = vector.shape_cast %and3A_408 : vector<16xi32> to vector<16xi32>
        tpu.vector_store %arg10[%swap3A_409], %swap3A_412 {strides = array<i32>} : memref<64xi32, #tpu.memory_space<vmem>>, vector<16xi32>,
        %shift_right_arithmetic3A_413 = arith.constant 14 : i32
        %shift_right_arithmetic3A_414 = vector.broadcast %shift_right_arithmetic3A_413 : i32 to vector<16xi32>
        %shift_right_arithmetic3A_415 = arith.shrsi %get3A_405, %shift_right_arithmetic3A_414 : vector<16xi32>
        %swap3A_416 = arith.constant 0 : i32
        %swap3A_417 = arith.index_cast %swap3A_416 : i32 to index
        %swap3A_418 = arith.constant 16 : index
        %swap3A_419 = tpu.vector_load %arg14[%swap3A_417, %swap3A_418] {strides = array<i32>} : memref<1x64xi32, #tpu.memory_space<vmem>>, vector<1x16xi32>,
        %swap3A_420 = vector.shape_cast %swap3A_419 : vector<1x16xi32> to vector<16xi32>
        %swap3A_421 = vector.shape_cast %shift_right_arithmetic3A_415 : vector<16xi32> to vector<1x16xi32>
        tpu.vector_store %arg14[%swap3A_417, %swap3A_418], %swap3A_421 {strides = array<i32>} : memref<1x64xi32, #tpu.memory_space<vmem>>, vector<1x16xi32>,
        %mul3A_422 = arith.constant 64 : i32
        %mul3A_423 = arith.muli %add3A_355, %mul3A_422 : i32
        %add3A_424 = arith.constant 32 : i32
        %add3A_425 = arith.addi %mul3A_423, %add3A_424 : i32
        %get3A_426 = arith.index_cast %add3A_425 : i32 to index
        %get3A_427 = tpu.vector_load %arg6[%get3A_426] {strides = array<i32>} : memref<10240xi32, #tpu.memory_space<vmem>>, vector<16xi32>,
        %get3A_428 = vector.shape_cast %get3A_427 : vector<16xi32> to vector<16xi32>
        %and3A_429 = arith.constant 16383 : i32
        %and3A_430 = vector.broadcast %and3A_429 : i32 to vector<16xi32>
        %and3A_431 = arith.andi %get3A_428, %and3A_430 : vector<16xi32>
        %swap3A_432 = arith.constant 32 : index
        %swap3A_433 = tpu.vector_load %arg10[%swap3A_432] {strides = array<i32>} : memref<64xi32, #tpu.memory_space<vmem>>, vector<16xi32>,
        %swap3A_434 = vector.shape_cast %swap3A_433 : vector<16xi32> to vector<16xi32>
        %swap3A_435 = vector.shape_cast %and3A_431 : vector<16xi32> to vector<16xi32>
        tpu.vector_store %arg10[%swap3A_432], %swap3A_435 {strides = array<i32>} : memref<64xi32, #tpu.memory_space<vmem>>, vector<16xi32>,
        %shift_right_arithmetic3A_436 = arith.constant 14 : i32
        %shift_right_arithmetic3A_437 = vector.broadcast %shift_right_arithmetic3A_436 : i32 to vector<16xi32>
        %shift_right_arithmetic3A_438 = arith.shrsi %get3A_428, %shift_right_arithmetic3A_437 : vector<16xi32>
        %swap3A_439 = arith.constant 0 : i32
        %swap3A_440 = arith.index_cast %swap3A_439 : i32 to index
        %swap3A_441 = arith.constant 32 : index
        %swap3A_442 = tpu.vector_load %arg14[%swap3A_440, %swap3A_441] {strides = array<i32>} : memref<1x64xi32, #tpu.memory_space<vmem>>, vector<1x16xi32>,
        %swap3A_443 = vector.shape_cast %swap3A_442 : vector<1x16xi32> to vector<16xi32>
        %swap3A_444 = vector.shape_cast %shift_right_arithmetic3A_438 : vector<16xi32> to vector<1x16xi32>
        tpu.vector_store %arg14[%swap3A_440, %swap3A_441], %swap3A_444 {strides = array<i32>} : memref<1x64xi32, #tpu.memory_space<vmem>>, vector<1x16xi32>,
        %mul3A_445 = arith.constant 64 : i32
        %mul3A_446 = arith.muli %add3A_355, %mul3A_445 : i32
        %add3A_447 = arith.constant 48 : i32
        %add3A_448 = arith.addi %mul3A_446, %add3A_447 : i32
        %get3A_449 = arith.index_cast %add3A_448 : i32 to index
        %get3A_450 = tpu.vector_load %arg6[%get3A_449] {strides = array<i32>} : memref<10240xi32, #tpu.memory_space<vmem>>, vector<16xi32>,
        %get3A_451 = vector.shape_cast %get3A_450 : vector<16xi32> to vector<16xi32>
        %and3A_452 = arith.constant 16383 : i32
        %and3A_453 = vector.broadcast %and3A_452 : i32 to vector<16xi32>
        %and3A_454 = arith.andi %get3A_451, %and3A_453 : vector<16xi32>
        %swap3A_455 = arith.constant 48 : index
        %swap3A_456 = tpu.vector_load %arg10[%swap3A_455] {strides = array<i32>} : memref<64xi32, #tpu.memory_space<vmem>>, vector<16xi32>,
        %swap3A_457 = vector.shape_cast %swap3A_456 : vector<16xi32> to vector<16xi32>
        %swap3A_458 = vector.shape_cast %and3A_454 : vector<16xi32> to vector<16xi32>
        tpu.vector_store %arg10[%swap3A_455], %swap3A_458 {strides = array<i32>} : memref<64xi32, #tpu.memory_space<vmem>>, vector<16xi32>,
        %shift_right_arithmetic3A_459 = arith.constant 14 : i32
        %shift_right_arithmetic3A_460 = vector.broadcast %shift_right_arithmetic3A_459 : i32 to vector<16xi32>
        %shift_right_arithmetic3A_461 = arith.shrsi %get3A_451, %shift_right_arithmetic3A_460 : vector<16xi32>
        %swap3A_462 = arith.constant 0 : i32
        %swap3A_463 = arith.index_cast %swap3A_462 : i32 to index
        %swap3A_464 = arith.constant 48 : index
        %swap3A_465 = tpu.vector_load %arg14[%swap3A_463, %swap3A_464] {strides = array<i32>} : memref<1x64xi32, #tpu.memory_space<vmem>>, vector<1x16xi32>,
        %swap3A_466 = vector.shape_cast %swap3A_465 : vector<1x16xi32> to vector<16xi32>
        %swap3A_467 = vector.shape_cast %shift_right_arithmetic3A_461 : vector<16xi32> to vector<1x16xi32>
        tpu.vector_store %arg14[%swap3A_463, %swap3A_464], %swap3A_467 {strides = array<i32>} : memref<1x64xi32, #tpu.memory_space<vmem>>, vector<1x16xi32>,
        %dma_start3A_468 = arith.constant 0 : i32
        %dma_start3A_469 = arith.constant 0 : i32
        %dma_start3A_470 = tpu.memref_slice %arg2[%dma_start3A_468, %dma_start3A_469] : memref<10240x128xf32, #tpu.memory_space<hbm>> -> memref<10240x128xf32, #tpu.memory_space<hbm>>
        tpu.enqueue_indirect_dma source(%dma_start3A_470 : memref<10240x128xf32, #tpu.memory_space<hbm>>) target(%arg18 : memref<64x128xf32, #tpu.memory_space<vmem>>) offsets(%arg10 : memref<64xi32, #tpu.memory_space<vmem>>) semaphore(%arg22 : memref<!tpu.dma_semaphore, #tpu.memory_space<semaphore_mem>>)
      } else {
      }
      %mul3A_361 = arith.constant 4 : i32
      %mul3A_362 = arith.muli %mul3A_361, %scan3A_320 : i32
      %add3A_363 = arith.constant 3 : i32
      %add3A_364 = arith.addi %mul3A_362, %add3A_363 : i32
      %dma_wait3A_365 = arith.constant 0 : i32
      %dma_wait3A_366 = arith.constant 0 : i32
      %dma_wait3A_367 = tpu.memref_slice %arg2[%dma_wait3A_365, %dma_wait3A_366] : memref<10240x128xf32, #tpu.memory_space<hbm>> -> memref<10240x128xf32, #tpu.memory_space<hbm>>
      tpu.wait_indirect_dma semaphore(%arg23 : memref<!tpu.dma_semaphore, #tpu.memory_space<semaphore_mem>>) src(%dma_wait3A_367 : memref<10240x128xf32, #tpu.memory_space<hbm>>) dst(%arg19 : memref<64x128xf32, #tpu.memory_space<vmem>>)
      %run_scoped3A_368 = arith.constant 0 : i32
      "tpu.region"() ({
        %run_scoped3A_376 = tpu.sem_alloc : memref<!tpu.dma_semaphore, #tpu.memory_space<semaphore_mem>>
        %dma_start3A_377 = arith.constant 0 : i32
        %dma_start3A_378 = tpu.memref_slice %arg15[%run_scoped3A_368, %dma_start3A_377] : memref<1x64xi32, #tpu.memory_space<vmem>> -> memref<1x64xi32, #tpu.memory_space<vmem>>
        %dma_start3A_379 = tpu.memref_squeeze %dma_start3A_378 : memref<1x64xi32, #tpu.memory_space<vmem>> -> memref<64xi32, #tpu.memory_space<vmem>>
        %dma_start3A_380 = arith.constant 0 : i32
        %dma_start3A_381 = arith.constant 0 : i32
        %dma_start3A_382 = tpu.memref_slice %arg7[%dma_start3A_380, %dma_start3A_381] : memref<10240x128xf32, #tpu.memory_space<vmem_shared>> -> memref<10240x128xf32, #tpu.memory_space<vmem_shared>>
        tpu.enqueue_indirect_dma source(%arg19 : memref<64x128xf32, #tpu.memory_space<vmem>>) target(%dma_start3A_382 : memref<10240x128xf32, #tpu.memory_space<vmem_shared>>) offsets(%dma_start3A_379 : memref<64xi32, #tpu.memory_space<vmem>>) semaphore(%run_scoped3A_376 : memref<!tpu.dma_semaphore, #tpu.memory_space<semaphore_mem>>) {add = true}
        %dma_wait3A_383 = arith.constant 0 : i32
        %dma_wait3A_384 = tpu.memref_slice %arg15[%run_scoped3A_368, %dma_wait3A_383] : memref<1x64xi32, #tpu.memory_space<vmem>> -> memref<1x64xi32, #tpu.memory_space<vmem>>
        %dma_wait3A_385 = tpu.memref_squeeze %dma_wait3A_384 : memref<1x64xi32, #tpu.memory_space<vmem>> -> memref<64xi32, #tpu.memory_space<vmem>>
        %dma_wait3A_386 = arith.constant 0 : i32
        %dma_wait3A_387 = arith.constant 0 : i32
        %dma_wait3A_388 = tpu.memref_slice %arg7[%dma_wait3A_386, %dma_wait3A_387] : memref<10240x128xf32, #tpu.memory_space<vmem_shared>> -> memref<10240x128xf32, #tpu.memory_space<vmem_shared>>
        tpu.wait_indirect_dma semaphore(%run_scoped3A_376 : memref<!tpu.dma_semaphore, #tpu.memory_space<semaphore_mem>>) src(%arg19 : memref<64x128xf32, #tpu.memory_space<vmem>>) dst(%dma_wait3A_388 : memref<10240x128xf32, #tpu.memory_space<vmem_shared>>)
        tpu.yield
      }) : () -> ()
      %add3A_369 = arith.constant 4 : i32
      %add3A_370 = arith.addi %add3A_364, %add3A_369 : i32
      %lt3A_371 = arith.constant 160 : i32
      %lt3A_372 = arith.cmpi slt, %add3A_370, %lt3A_371 : i32
      %convert_element_type3A_373 = arith.extui %lt3A_372 : i1 to i32
      %cond3A_374 = arith.constant 0 : i32
      %cond3A_375 = arith.cmpi ne, %convert_element_type3A_373, %cond3A_374 : i32
      scf.if %cond3A_375 {
        %mul3A_376 = arith.constant 64 : i32
        %mul3A_377 = arith.muli %add3A_370, %mul3A_376 : i32
        %add3A_378 = arith.constant 0 : i32
        %add3A_379 = arith.addi %mul3A_377, %add3A_378 : i32
        %get3A_380 = arith.index_cast %add3A_379 : i32 to index
        %get3A_381 = tpu.vector_load %arg6[%get3A_380] {strides = array<i32>} : memref<10240xi32, #tpu.memory_space<vmem>>, vector<16xi32>,
        %get3A_382 = vector.shape_cast %get3A_381 : vector<16xi32> to vector<16xi32>
        %and3A_383 = arith.constant 16383 : i32
        %and3A_384 = vector.broadcast %and3A_383 : i32 to vector<16xi32>
        %and3A_385 = arith.andi %get3A_382, %and3A_384 : vector<16xi32>
        %swap3A_386 = arith.constant 0 : index
        %swap3A_387 = tpu.vector_load %arg11[%swap3A_386] {strides = array<i32>} : memref<64xi32, #tpu.memory_space<vmem>>, vector<16xi32>,
        %swap3A_388 = vector.shape_cast %swap3A_387 : vector<16xi32> to vector<16xi32>
        %swap3A_389 = vector.shape_cast %and3A_385 : vector<16xi32> to vector<16xi32>
        tpu.vector_store %arg11[%swap3A_386], %swap3A_389 {strides = array<i32>} : memref<64xi32, #tpu.memory_space<vmem>>, vector<16xi32>,
        %shift_right_arithmetic3A_390 = arith.constant 14 : i32
        %shift_right_arithmetic3A_391 = vector.broadcast %shift_right_arithmetic3A_390 : i32 to vector<16xi32>
        %shift_right_arithmetic3A_392 = arith.shrsi %get3A_382, %shift_right_arithmetic3A_391 : vector<16xi32>
        %swap3A_393 = arith.constant 0 : i32
        %swap3A_394 = arith.index_cast %swap3A_393 : i32 to index
        %swap3A_395 = arith.constant 0 : index
        %swap3A_396 = tpu.vector_load %arg15[%swap3A_394, %swap3A_395] {strides = array<i32>} : memref<1x64xi32, #tpu.memory_space<vmem>>, vector<1x16xi32>,
        %swap3A_397 = vector.shape_cast %swap3A_396 : vector<1x16xi32> to vector<16xi32>
        %swap3A_398 = vector.shape_cast %shift_right_arithmetic3A_392 : vector<16xi32> to vector<1x16xi32>
        tpu.vector_store %arg15[%swap3A_394, %swap3A_395], %swap3A_398 {strides = array<i32>} : memref<1x64xi32, #tpu.memory_space<vmem>>, vector<1x16xi32>,
        %mul3A_399 = arith.constant 64 : i32
        %mul3A_400 = arith.muli %add3A_370, %mul3A_399 : i32
        %add3A_401 = arith.constant 16 : i32
        %add3A_402 = arith.addi %mul3A_400, %add3A_401 : i32
        %get3A_403 = arith.index_cast %add3A_402 : i32 to index
        %get3A_404 = tpu.vector_load %arg6[%get3A_403] {strides = array<i32>} : memref<10240xi32, #tpu.memory_space<vmem>>, vector<16xi32>,
        %get3A_405 = vector.shape_cast %get3A_404 : vector<16xi32> to vector<16xi32>
        %and3A_406 = arith.constant 16383 : i32
        %and3A_407 = vector.broadcast %and3A_406 : i32 to vector<16xi32>
        %and3A_408 = arith.andi %get3A_405, %and3A_407 : vector<16xi32>
        %swap3A_409 = arith.constant 16 : index
        %swap3A_410 = tpu.vector_load %arg11[%swap3A_409] {strides = array<i32>} : memref<64xi32, #tpu.memory_space<vmem>>, vector<16xi32>,
        %swap3A_411 = vector.shape_cast %swap3A_410 : vector<16xi32> to vector<16xi32>
        %swap3A_412 = vector.shape_cast %and3A_408 : vector<16xi32> to vector<16xi32>
        tpu.vector_store %arg11[%swap3A_409], %swap3A_412 {strides = array<i32>} : memref<64xi32, #tpu.memory_space<vmem>>, vector<16xi32>,
        %shift_right_arithmetic3A_413 = arith.constant 14 : i32
        %shift_right_arithmetic3A_414 = vector.broadcast %shift_right_arithmetic3A_413 : i32 to vector<16xi32>
        %shift_right_arithmetic3A_415 = arith.shrsi %get3A_405, %shift_right_arithmetic3A_414 : vector<16xi32>
        %swap3A_416 = arith.constant 0 : i32
        %swap3A_417 = arith.index_cast %swap3A_416 : i32 to index
        %swap3A_418 = arith.constant 16 : index
        %swap3A_419 = tpu.vector_load %arg15[%swap3A_417, %swap3A_418] {strides = array<i32>} : memref<1x64xi32, #tpu.memory_space<vmem>>, vector<1x16xi32>,
        %swap3A_420 = vector.shape_cast %swap3A_419 : vector<1x16xi32> to vector<16xi32>
        %swap3A_421 = vector.shape_cast %shift_right_arithmetic3A_415 : vector<16xi32> to vector<1x16xi32>
        tpu.vector_store %arg15[%swap3A_417, %swap3A_418], %swap3A_421 {strides = array<i32>} : memref<1x64xi32, #tpu.memory_space<vmem>>, vector<1x16xi32>,
        %mul3A_422 = arith.constant 64 : i32
        %mul3A_423 = arith.muli %add3A_370, %mul3A_422 : i32
        %add3A_424 = arith.constant 32 : i32
        %add3A_425 = arith.addi %mul3A_423, %add3A_424 : i32
        %get3A_426 = arith.index_cast %add3A_425 : i32 to index
        %get3A_427 = tpu.vector_load %arg6[%get3A_426] {strides = array<i32>} : memref<10240xi32, #tpu.memory_space<vmem>>, vector<16xi32>,
        %get3A_428 = vector.shape_cast %get3A_427 : vector<16xi32> to vector<16xi32>
        %and3A_429 = arith.constant 16383 : i32
        %and3A_430 = vector.broadcast %and3A_429 : i32 to vector<16xi32>
        %and3A_431 = arith.andi %get3A_428, %and3A_430 : vector<16xi32>
        %swap3A_432 = arith.constant 32 : index
        %swap3A_433 = tpu.vector_load %arg11[%swap3A_432] {strides = array<i32>} : memref<64xi32, #tpu.memory_space<vmem>>, vector<16xi32>,
        %swap3A_434 = vector.shape_cast %swap3A_433 : vector<16xi32> to vector<16xi32>
        %swap3A_435 = vector.shape_cast %and3A_431 : vector<16xi32> to vector<16xi32>
        tpu.vector_store %arg11[%swap3A_432], %swap3A_435 {strides = array<i32>} : memref<64xi32, #tpu.memory_space<vmem>>, vector<16xi32>,
        %shift_right_arithmetic3A_436 = arith.constant 14 : i32
        %shift_right_arithmetic3A_437 = vector.broadcast %shift_right_arithmetic3A_436 : i32 to vector<16xi32>
        %shift_right_arithmetic3A_438 = arith.shrsi %get3A_428, %shift_right_arithmetic3A_437 : vector<16xi32>
        %swap3A_439 = arith.constant 0 : i32
        %swap3A_440 = arith.index_cast %swap3A_439 : i32 to index
        %swap3A_441 = arith.constant 32 : index
        %swap3A_442 = tpu.vector_load %arg15[%swap3A_440, %swap3A_441] {strides = array<i32>} : memref<1x64xi32, #tpu.memory_space<vmem>>, vector<1x16xi32>,
        %swap3A_443 = vector.shape_cast %swap3A_442 : vector<1x16xi32> to vector<16xi32>
        %swap3A_444 = vector.shape_cast %shift_right_arithmetic3A_438 : vector<16xi32> to vector<1x16xi32>
        tpu.vector_store %arg15[%swap3A_440, %swap3A_441], %swap3A_444 {strides = array<i32>} : memref<1x64xi32, #tpu.memory_space<vmem>>, vector<1x16xi32>,
        %mul3A_445 = arith.constant 64 : i32
        %mul3A_446 = arith.muli %add3A_370, %mul3A_445 : i32
        %add3A_447 = arith.constant 48 : i32
        %add3A_448 = arith.addi %mul3A_446, %add3A_447 : i32
        %get3A_449 = arith.index_cast %add3A_448 : i32 to index
        %get3A_450 = tpu.vector_load %arg6[%get3A_449] {strides = array<i32>} : memref<10240xi32, #tpu.memory_space<vmem>>, vector<16xi32>,
        %get3A_451 = vector.shape_cast %get3A_450 : vector<16xi32> to vector<16xi32>
        %and3A_452 = arith.constant 16383 : i32
        %and3A_453 = vector.broadcast %and3A_452 : i32 to vector<16xi32>
        %and3A_454 = arith.andi %get3A_451, %and3A_453 : vector<16xi32>
        %swap3A_455 = arith.constant 48 : index
        %swap3A_456 = tpu.vector_load %arg11[%swap3A_455] {strides = array<i32>} : memref<64xi32, #tpu.memory_space<vmem>>, vector<16xi32>,
        %swap3A_457 = vector.shape_cast %swap3A_456 : vector<16xi32> to vector<16xi32>
        %swap3A_458 = vector.shape_cast %and3A_454 : vector<16xi32> to vector<16xi32>
        tpu.vector_store %arg11[%swap3A_455], %swap3A_458 {strides = array<i32>} : memref<64xi32, #tpu.memory_space<vmem>>, vector<16xi32>,
        %shift_right_arithmetic3A_459 = arith.constant 14 : i32
        %shift_right_arithmetic3A_460 = vector.broadcast %shift_right_arithmetic3A_459 : i32 to vector<16xi32>
        %shift_right_arithmetic3A_461 = arith.shrsi %get3A_451, %shift_right_arithmetic3A_460 : vector<16xi32>
        %swap3A_462 = arith.constant 0 : i32
        %swap3A_463 = arith.index_cast %swap3A_462 : i32 to index
        %swap3A_464 = arith.constant 48 : index
        %swap3A_465 = tpu.vector_load %arg15[%swap3A_463, %swap3A_464] {strides = array<i32>} : memref<1x64xi32, #tpu.memory_space<vmem>>, vector<1x16xi32>,
        %swap3A_466 = vector.shape_cast %swap3A_465 : vector<1x16xi32> to vector<16xi32>
        %swap3A_467 = vector.shape_cast %shift_right_arithmetic3A_461 : vector<16xi32> to vector<1x16xi32>
        tpu.vector_store %arg15[%swap3A_463, %swap3A_464], %swap3A_467 {strides = array<i32>} : memref<1x64xi32, #tpu.memory_space<vmem>>, vector<1x16xi32>,
        %dma_start3A_468 = arith.constant 0 : i32
        %dma_start3A_469 = arith.constant 0 : i32
        %dma_start3A_470 = tpu.memref_slice %arg2[%dma_start3A_468, %dma_start3A_469] : memref<10240x128xf32, #tpu.memory_space<hbm>> -> memref<10240x128xf32, #tpu.memory_space<hbm>>
        tpu.enqueue_indirect_dma source(%dma_start3A_470 : memref<10240x128xf32, #tpu.memory_space<hbm>>) target(%arg19 : memref<64x128xf32, #tpu.memory_space<vmem>>) offsets(%arg11 : memref<64xi32, #tpu.memory_space<vmem>>) semaphore(%arg23 : memref<!tpu.dma_semaphore, #tpu.memory_space<semaphore_mem>>)
      } else {
      }
    }
    %scan3A_318 = arith.constant 40 : i32
    %barrier3A_319 = arith.constant 0 : index
    tpu.barrier barrier_id(%barrier3A_319)
    "tpu.region"() ({
      %run_scoped3A = tpu.sem_alloc : memref<!tpu.dma_semaphore, #tpu.memory_space<semaphore_mem>>
      %dma_start3A_320 = arith.constant 0 : i32
      %dma_start3A_321 = tpu.memref_slice %arg5[%arg0, %mul3A_2, %dma_start3A_320] : memref<2x10240x128xf32, #tpu.memory_space<hbm>> -> memref<1x640x128xf32, #tpu.memory_space<hbm>>
      %dma_start3A_322 = tpu.memref_squeeze %dma_start3A_321 : memref<1x640x128xf32, #tpu.memory_space<hbm>> -> memref<640x128xf32, #tpu.memory_space<hbm>>
      %dma_start3A_323 = arith.constant 0 : i32
      %dma_start3A_324 = tpu.memref_slice %arg7[%mul3A_2, %dma_start3A_323] : memref<10240x128xf32, #tpu.memory_space<vmem_shared>> -> memref<640x128xf32, #tpu.memory_space<vmem_shared>>
      tpu.enqueue_dma source(%dma_start3A_324 : memref<640x128xf32, #tpu.memory_space<vmem_shared>>) target(%dma_start3A_322 : memref<640x128xf32, #tpu.memory_space<hbm>>) target_semaphore(%run_scoped3A : memref<!tpu.dma_semaphore, #tpu.memory_space<semaphore_mem>>)
      %dma_wait3A = arith.constant 0 : i32
      %dma_wait3A_325 = tpu.memref_slice %arg5[%arg0, %mul3A_2, %dma_wait3A] : memref<2x10240x128xf32, #tpu.memory_space<hbm>> -> memref<1x640x128xf32, #tpu.memory_space<hbm>>
      %dma_wait3A_326 = tpu.memref_squeeze %dma_wait3A_325 : memref<1x640x128xf32, #tpu.memory_space<hbm>> -> memref<640x128xf32, #tpu.memory_space<hbm>>
      %dma_wait3A_327 = arith.constant 0 : i32
      %dma_wait3A_328 = tpu.memref_slice %arg7[%mul3A_2, %dma_wait3A_327] : memref<10240x128xf32, #tpu.memory_space<vmem_shared>> -> memref<640x128xf32, #tpu.memory_space<vmem_shared>>
      tpu.wait_dma2 semaphore(%run_scoped3A : memref<!tpu.dma_semaphore, #tpu.memory_space<semaphore_mem>>) src(%dma_wait3A_328 : memref<640x128xf32, #tpu.memory_space<vmem_shared>>) dst(%dma_wait3A_326 : memref<640x128xf32, #tpu.memory_space<hbm>>)
      tpu.yield
    }) : () -> ()
    return
  }
}

#map = affine_map<(d0, d1) -> (0, 0)>
#map1 = affine_map<(d0, d1) -> (0, 0, 0)>
module attributes {stable_mosaic.version = 14 : i64} {
  func.func @_sc_agg_body(%arg0: i32, %arg1: i32, %arg2: memref<10240x128xf32, #tpu.memory_space<hbm>>, %arg3: memref<32x10240xi32, #tpu.memory_space<hbm>>, %arg4: memref<640x128xf32, #tpu.memory_space<hbm>>, %arg5: memref<2x10240x128xf32, #tpu.memory_space<hbm>>, %arg6: memref<10240xi32, #tpu.memory_space<vmem>>, %arg7: memref<10240x128xf32, #tpu.memory_space<vmem_shared>>, %arg8: memref<64xi32, #tpu.memory_space<vmem>>, %arg9: memref<64xi32, #tpu.memory_space<vmem>>, %arg10: memref<64xi32, #tpu.memory_space<vmem>>, %arg11: memref<64xi32, #tpu.memory_space<vmem>>, %arg12: memref<1x64xi32, #tpu.memory_space<vmem>>, %arg13: memref<1x64xi32, #tpu.memory_space<vmem>>, %arg14: memref<1x64xi32, #tpu.memory_space<vmem>>, %arg15: memref<1x64xi32, #tpu.memory_space<vmem>>, %arg16: memref<64x128xf32, #tpu.memory_space<vmem>>, %arg17: memref<64x128xf32, #tpu.memory_space<vmem>>, %arg18: memref<64x128xf32, #tpu.memory_space<vmem>>, %arg19: memref<64x128xf32, #tpu.memory_space<vmem>>, %arg20: memref<!tpu.dma_semaphore, #tpu.memory_space<semaphore_mem>>, %arg21: memref<!tpu.dma_semaphore, #tpu.memory_space<semaphore_mem>>, %arg22: memref<!tpu.dma_semaphore, #tpu.memory_space<semaphore_mem>>, %arg23: memref<!tpu.dma_semaphore, #tpu.memory_space<semaphore_mem>>) attributes {dimension_semantics = [#tpu.dimension_semantics<core_parallel>, #tpu.dimension_semantics<subcore_parallel>], iteration_bounds = array<i64: 2, 16>, scalar_prefetch = 0 : i64, scratch_operands = 18 : i64, tpu.core_type = #tpu.core_type<sc_vector_subcore>, window_params = [{transform_indices = #map}, {transform_indices = #map}, {transform_indices = #map}, {transform_indices = #map1}]} {
    %mul3A = arith.constant 16 : i32
    %mul3A_0 = arith.muli %arg0, %mul3A : i32
    %add3A = arith.addi %mul3A_0, %arg1 : i32
    %mul3A_1 = arith.constant 640 : i32
    %mul3A_2 = arith.muli %arg1, %mul3A_1 : i32
    "tpu.region"() ({
      %run_scoped3A = tpu.sem_alloc : memref<!tpu.dma_semaphore, #tpu.memory_space<semaphore_mem>>
      %dma_start3A_320 = arith.constant 0 : i32
      %dma_start3A_321 = tpu.memref_slice %arg7[%mul3A_2, %dma_start3A_320] : memref<10240x128xf32, #tpu.memory_space<vmem_shared>> -> memref<640x128xf32, #tpu.memory_space<vmem_shared>>
      tpu.enqueue_dma source(%arg4 : memref<640x128xf32, #tpu.memory_space<hbm>>) target(%dma_start3A_321 : memref<640x128xf32, #tpu.memory_space<vmem_shared>>) target_semaphore(%run_scoped3A : memref<!tpu.dma_semaphore, #tpu.memory_space<semaphore_mem>>)
      %dma_wait3A = arith.constant 0 : i32
      %dma_wait3A_322 = tpu.memref_slice %arg7[%mul3A_2, %dma_wait3A] : memref<10240x128xf32, #tpu.memory_space<vmem_shared>> -> memref<640x128xf32, #tpu.memory_space<vmem_shared>>
      tpu.wait_dma2 semaphore(%run_scoped3A : memref<!tpu.dma_semaphore, #tpu.memory_space<semaphore_mem>>) src(%arg4 : memref<640x128xf32, #tpu.memory_space<hbm>>) dst(%dma_wait3A_322 : memref<640x128xf32, #tpu.memory_space<vmem_shared>>)
      tpu.yield
    }) : () -> ()
    "tpu.region"() ({
      %run_scoped3A = tpu.sem_alloc : memref<!tpu.dma_semaphore, #tpu.memory_space<semaphore_mem>>
      %dma_start3A_320 = arith.constant 0 : i32
      %dma_start3A_321 = tpu.memref_slice %arg3[%add3A, %dma_start3A_320] : memref<32x10240xi32, #tpu.memory_space<hbm>> -> memref<1x10240xi32, #tpu.memory_space<hbm>>
      %dma_start3A_322 = tpu.memref_squeeze %dma_start3A_321 : memref<1x10240xi32, #tpu.memory_space<hbm>> -> memref<10240xi32, #tpu.memory_space<hbm>>
      %dma_start3A_323 = arith.constant 0 : i32
      %dma_start3A_324 = tpu.memref_slice %arg3[%add3A, %dma_start3A_323] : memref<32x10240xi32, #tpu.memory_space<hbm>> -> memref<1x10240xi32, #tpu.memory_space<hbm>>
      %dma_start3A_325 = tpu.memref_squeeze %dma_start3A_324 : memref<1x10240xi32, #tpu.memory_space<hbm>> -> memref<10240xi32, #tpu.memory_space<hbm>>
      tpu.enqueue_dma source(%dma_start3A_325 : memref<10240xi32, #tpu.memory_space<hbm>>) target(%arg6 : memref<10240xi32, #tpu.memory_space<vmem>>) target_semaphore(%run_scoped3A : memref<!tpu.dma_semaphore, #tpu.memory_space<semaphore_mem>>)
      %dma_wait3A = arith.constant 0 : i32
      %dma_wait3A_326 = tpu.memref_slice %arg3[%add3A, %dma_wait3A] : memref<32x10240xi32, #tpu.memory_space<hbm>> -> memref<1x10240xi32, #tpu.memory_space<hbm>>
      %dma_wait3A_327 = tpu.memref_squeeze %dma_wait3A_326 : memref<1x10240xi32, #tpu.memory_space<hbm>> -> memref<10240xi32, #tpu.memory_space<hbm>>
      %dma_wait3A_328 = arith.constant 0 : i32
      %dma_wait3A_329 = tpu.memref_slice %arg3[%add3A, %dma_wait3A_328] : memref<32x10240xi32, #tpu.memory_space<hbm>> -> memref<1x10240xi32, #tpu.memory_space<hbm>>
      %dma_wait3A_330 = tpu.memref_squeeze %dma_wait3A_329 : memref<1x10240xi32, #tpu.memory_space<hbm>> -> memref<10240xi32, #tpu.memory_space<hbm>>
      tpu.wait_dma2 semaphore(%run_scoped3A : memref<!tpu.dma_semaphore, #tpu.memory_space<semaphore_mem>>) src(%dma_wait3A_330 : memref<10240xi32, #tpu.memory_space<hbm>>) dst(%arg6 : memref<10240xi32, #tpu.memory_space<vmem>>)
      tpu.yield
    }) : () -> ()
    %get3A = arith.constant 0 : index
    %get3A_3 = tpu.vector_load %arg6[%get3A] {strides = array<i32>} : memref<10240xi32, #tpu.memory_space<vmem>>, vector<16xi32>,
    %get3A_4 = vector.shape_cast %get3A_3 : vector<16xi32> to vector<16xi32>
    %and3A = arith.constant 16383 : i32
    %and3A_5 = vector.broadcast %and3A : i32 to vector<16xi32>
    %and3A_6 = arith.andi %get3A_4, %and3A_5 : vector<16xi32>
    %swap3A = arith.constant 0 : index
    %swap3A_7 = tpu.vector_load %arg8[%swap3A] {strides = array<i32>} : memref<64xi32, #tpu.memory_space<vmem>>, vector<16xi32>,
    %swap3A_8 = vector.shape_cast %swap3A_7 : vector<16xi32> to vector<16xi32>
    %swap3A_9 = vector.shape_cast %and3A_6 : vector<16xi32> to vector<16xi32>
    tpu.vector_store %arg8[%swap3A], %swap3A_9 {strides = array<i32>} : memref<64xi32, #tpu.memory_space<vmem>>, vector<16xi32>,
    %shift_right_arithmetic3A = arith.constant 14 : i32
    %shift_right_arithmetic3A_10 = vector.broadcast %shift_right_arithmetic3A : i32 to vector<16xi32>
    %shift_right_arithmetic3A_11 = arith.shrsi %get3A_4, %shift_right_arithmetic3A_10 : vector<16xi32>
    %swap3A_12 = arith.constant 0 : i32
    %swap3A_13 = arith.index_cast %swap3A_12 : i32 to index
    %swap3A_14 = arith.constant 0 : index
    %swap3A_15 = tpu.vector_load %arg12[%swap3A_13, %swap3A_14] {strides = array<i32>} : memref<1x64xi32, #tpu.memory_space<vmem>>, vector<1x16xi32>,
    %swap3A_16 = vector.shape_cast %swap3A_15 : vector<1x16xi32> to vector<16xi32>
    %swap3A_17 = vector.shape_cast %shift_right_arithmetic3A_11 : vector<16xi32> to vector<1x16xi32>
    tpu.vector_store %arg12[%swap3A_13, %swap3A_14], %swap3A_17 {strides = array<i32>} : memref<1x64xi32, #tpu.memory_space<vmem>>, vector<1x16xi32>,
    %get3A_18 = arith.constant 16 : index
    %get3A_19 = tpu.vector_load %arg6[%get3A_18] {strides = array<i32>} : memref<10240xi32, #tpu.memory_space<vmem>>, vector<16xi32>,
    %get3A_20 = vector.shape_cast %get3A_19 : vector<16xi32> to vector<16xi32>
    %and3A_21 = arith.constant 16383 : i32
    %and3A_22 = vector.broadcast %and3A_21 : i32 to vector<16xi32>
    %and3A_23 = arith.andi %get3A_20, %and3A_22 : vector<16xi32>
    %swap3A_24 = arith.constant 16 : index
    %swap3A_25 = tpu.vector_load %arg8[%swap3A_24] {strides = array<i32>} : memref<64xi32, #tpu.memory_space<vmem>>, vector<16xi32>,
    %swap3A_26 = vector.shape_cast %swap3A_25 : vector<16xi32> to vector<16xi32>
    %swap3A_27 = vector.shape_cast %and3A_23 : vector<16xi32> to vector<16xi32>
    tpu.vector_store %arg8[%swap3A_24], %swap3A_27 {strides = array<i32>} : memref<64xi32, #tpu.memory_space<vmem>>, vector<16xi32>,
    %shift_right_arithmetic3A_28 = arith.constant 14 : i32
    %shift_right_arithmetic3A_29 = vector.broadcast %shift_right_arithmetic3A_28 : i32 to vector<16xi32>
    %shift_right_arithmetic3A_30 = arith.shrsi %get3A_20, %shift_right_arithmetic3A_29 : vector<16xi32>
    %swap3A_31 = arith.constant 0 : i32
    %swap3A_32 = arith.index_cast %swap3A_31 : i32 to index
    %swap3A_33 = arith.constant 16 : index
    %swap3A_34 = tpu.vector_load %arg12[%swap3A_32, %swap3A_33] {strides = array<i32>} : memref<1x64xi32, #tpu.memory_space<vmem>>, vector<1x16xi32>,
    %swap3A_35 = vector.shape_cast %swap3A_34 : vector<1x16xi32> to vector<16xi32>
    %swap3A_36 = vector.shape_cast %shift_right_arithmetic3A_30 : vector<16xi32> to vector<1x16xi32>
    tpu.vector_store %arg12[%swap3A_32, %swap3A_33], %swap3A_36 {strides = array<i32>} : memref<1x64xi32, #tpu.memory_space<vmem>>, vector<1x16xi32>,
    %get3A_37 = arith.constant 32 : index
    %get3A_38 = tpu.vector_load %arg6[%get3A_37] {strides = array<i32>} : memref<10240xi32, #tpu.memory_space<vmem>>, vector<16xi32>,
    %get3A_39 = vector.shape_cast %get3A_38 : vector<16xi32> to vector<16xi32>
    %and3A_40 = arith.constant 16383 : i32
    %and3A_41 = vector.broadcast %and3A_40 : i32 to vector<16xi32>
    %and3A_42 = arith.andi %get3A_39, %and3A_41 : vector<16xi32>
    %swap3A_43 = arith.constant 32 : index
    %swap3A_44 = tpu.vector_load %arg8[%swap3A_43] {strides = array<i32>} : memref<64xi32, #tpu.memory_space<vmem>>, vector<16xi32>,
    %swap3A_45 = vector.shape_cast %swap3A_44 : vector<16xi32> to vector<16xi32>
    %swap3A_46 = vector.shape_cast %and3A_42 : vector<16xi32> to vector<16xi32>
    tpu.vector_store %arg8[%swap3A_43], %swap3A_46 {strides = array<i32>} : memref<64xi32, #tpu.memory_space<vmem>>, vector<16xi32>,
    %shift_right_arithmetic3A_47 = arith.constant 14 : i32
    %shift_right_arithmetic3A_48 = vector.broadcast %shift_right_arithmetic3A_47 : i32 to vector<16xi32>
    %shift_right_arithmetic3A_49 = arith.shrsi %get3A_39, %shift_right_arithmetic3A_48 : vector<16xi32>
    %swap3A_50 = arith.constant 0 : i32
    %swap3A_51 = arith.index_cast %swap3A_50 : i32 to index
    %swap3A_52 = arith.constant 32 : index
    %swap3A_53 = tpu.vector_load %arg12[%swap3A_51, %swap3A_52] {strides = array<i32>} : memref<1x64xi32, #tpu.memory_space<vmem>>, vector<1x16xi32>,
    %swap3A_54 = vector.shape_cast %swap3A_53 : vector<1x16xi32> to vector<16xi32>
    %swap3A_55 = vector.shape_cast %shift_right_arithmetic3A_49 : vector<16xi32> to vector<1x16xi32>
    tpu.vector_store %arg12[%swap3A_51, %swap3A_52], %swap3A_55 {strides = array<i32>} : memref<1x64xi32, #tpu.memory_space<vmem>>, vector<1x16xi32>,
    %get3A_56 = arith.constant 48 : index
    %get3A_57 = tpu.vector_load %arg6[%get3A_56] {strides = array<i32>} : memref<10240xi32, #tpu.memory_space<vmem>>, vector<16xi32>,
    %get3A_58 = vector.shape_cast %get3A_57 : vector<16xi32> to vector<16xi32>
    %and3A_59 = arith.constant 16383 : i32
    %and3A_60 = vector.broadcast %and3A_59 : i32 to vector<16xi32>
    %and3A_61 = arith.andi %get3A_58, %and3A_60 : vector<16xi32>
    %swap3A_62 = arith.constant 48 : index
    %swap3A_63 = tpu.vector_load %arg8[%swap3A_62] {strides = array<i32>} : memref<64xi32, #tpu.memory_space<vmem>>, vector<16xi32>,
    %swap3A_64 = vector.shape_cast %swap3A_63 : vector<16xi32> to vector<16xi32>
    %swap3A_65 = vector.shape_cast %and3A_61 : vector<16xi32> to vector<16xi32>
    tpu.vector_store %arg8[%swap3A_62], %swap3A_65 {strides = array<i32>} : memref<64xi32, #tpu.memory_space<vmem>>, vector<16xi32>,
    %shift_right_arithmetic3A_66 = arith.constant 14 : i32
    %shift_right_arithmetic3A_67 = vector.broadcast %shift_right_arithmetic3A_66 : i32 to vector<16xi32>
    %shift_right_arithmetic3A_68 = arith.shrsi %get3A_58, %shift_right_arithmetic3A_67 : vector<16xi32>
    %swap3A_69 = arith.constant 0 : i32
    %swap3A_70 = arith.index_cast %swap3A_69 : i32 to index
    %swap3A_71 = arith.constant 48 : index
    %swap3A_72 = tpu.vector_load %arg12[%swap3A_70, %swap3A_71] {strides = array<i32>} : memref<1x64xi32, #tpu.memory_space<vmem>>, vector<1x16xi32>,
    %swap3A_73 = vector.shape_cast %swap3A_72 : vector<1x16xi32> to vector<16xi32>
    %swap3A_74 = vector.shape_cast %shift_right_arithmetic3A_68 : vector<16xi32> to vector<1x16xi32>
    tpu.vector_store %arg12[%swap3A_70, %swap3A_71], %swap3A_74 {strides = array<i32>} : memref<1x64xi32, #tpu.memory_space<vmem>>, vector<1x16xi32>,
    %dma_start3A = arith.constant 0 : i32
    %dma_start3A_75 = arith.constant 0 : i32
    %dma_start3A_76 = tpu.memref_slice %arg2[%dma_start3A, %dma_start3A_75] : memref<10240x128xf32, #tpu.memory_space<hbm>> -> memref<10240x128xf32, #tpu.memory_space<hbm>>
    tpu.enqueue_indirect_dma source(%dma_start3A_76 : memref<10240x128xf32, #tpu.memory_space<hbm>>) target(%arg16 : memref<64x128xf32, #tpu.memory_space<vmem>>) offsets(%arg8 : memref<64xi32, #tpu.memory_space<vmem>>) semaphore(%arg20 : memref<!tpu.dma_semaphore, #tpu.memory_space<semaphore_mem>>)
    %get3A_77 = arith.constant 64 : index
    %get3A_78 = tpu.vector_load %arg6[%get3A_77] {strides = array<i32>} : memref<10240xi32, #tpu.memory_space<vmem>>, vector<16xi32>,
    %get3A_79 = vector.shape_cast %get3A_78 : vector<16xi32> to vector<16xi32>
    %and3A_80 = arith.constant 16383 : i32
    %and3A_81 = vector.broadcast %and3A_80 : i32 to vector<16xi32>
    %and3A_82 = arith.andi %get3A_79, %and3A_81 : vector<16xi32>
    %swap3A_83 = arith.constant 0 : index
    %swap3A_84 = tpu.vector_load %arg9[%swap3A_83] {strides = array<i32>} : memref<64xi32, #tpu.memory_space<vmem>>, vector<16xi32>,
    %swap3A_85 = vector.shape_cast %swap3A_84 : vector<16xi32> to vector<16xi32>
    %swap3A_86 = vector.shape_cast %and3A_82 : vector<16xi32> to vector<16xi32>
    tpu.vector_store %arg9[%swap3A_83], %swap3A_86 {strides = array<i32>} : memref<64xi32, #tpu.memory_space<vmem>>, vector<16xi32>,
    %shift_right_arithmetic3A_87 = arith.constant 14 : i32
    %shift_right_arithmetic3A_88 = vector.broadcast %shift_right_arithmetic3A_87 : i32 to vector<16xi32>
    %shift_right_arithmetic3A_89 = arith.shrsi %get3A_79, %shift_right_arithmetic3A_88 : vector<16xi32>
    %swap3A_90 = arith.constant 0 : i32
    %swap3A_91 = arith.index_cast %swap3A_90 : i32 to index
    %swap3A_92 = arith.constant 0 : index
    %swap3A_93 = tpu.vector_load %arg13[%swap3A_91, %swap3A_92] {strides = array<i32>} : memref<1x64xi32, #tpu.memory_space<vmem>>, vector<1x16xi32>,
    %swap3A_94 = vector.shape_cast %swap3A_93 : vector<1x16xi32> to vector<16xi32>
    %swap3A_95 = vector.shape_cast %shift_right_arithmetic3A_89 : vector<16xi32> to vector<1x16xi32>
    tpu.vector_store %arg13[%swap3A_91, %swap3A_92], %swap3A_95 {strides = array<i32>} : memref<1x64xi32, #tpu.memory_space<vmem>>, vector<1x16xi32>,
    %get3A_96 = arith.constant 80 : index
    %get3A_97 = tpu.vector_load %arg6[%get3A_96] {strides = array<i32>} : memref<10240xi32, #tpu.memory_space<vmem>>, vector<16xi32>,
    %get3A_98 = vector.shape_cast %get3A_97 : vector<16xi32> to vector<16xi32>
    %and3A_99 = arith.constant 16383 : i32
    %and3A_100 = vector.broadcast %and3A_99 : i32 to vector<16xi32>
    %and3A_101 = arith.andi %get3A_98, %and3A_100 : vector<16xi32>
    %swap3A_102 = arith.constant 16 : index
    %swap3A_103 = tpu.vector_load %arg9[%swap3A_102] {strides = array<i32>} : memref<64xi32, #tpu.memory_space<vmem>>, vector<16xi32>,
    %swap3A_104 = vector.shape_cast %swap3A_103 : vector<16xi32> to vector<16xi32>
    %swap3A_105 = vector.shape_cast %and3A_101 : vector<16xi32> to vector<16xi32>
    tpu.vector_store %arg9[%swap3A_102], %swap3A_105 {strides = array<i32>} : memref<64xi32, #tpu.memory_space<vmem>>, vector<16xi32>,
    %shift_right_arithmetic3A_106 = arith.constant 14 : i32
    %shift_right_arithmetic3A_107 = vector.broadcast %shift_right_arithmetic3A_106 : i32 to vector<16xi32>
    %shift_right_arithmetic3A_108 = arith.shrsi %get3A_98, %shift_right_arithmetic3A_107 : vector<16xi32>
    %swap3A_109 = arith.constant 0 : i32
    %swap3A_110 = arith.index_cast %swap3A_109 : i32 to index
    %swap3A_111 = arith.constant 16 : index
    %swap3A_112 = tpu.vector_load %arg13[%swap3A_110, %swap3A_111] {strides = array<i32>} : memref<1x64xi32, #tpu.memory_space<vmem>>, vector<1x16xi32>,
    %swap3A_113 = vector.shape_cast %swap3A_112 : vector<1x16xi32> to vector<16xi32>
    %swap3A_114 = vector.shape_cast %shift_right_arithmetic3A_108 : vector<16xi32> to vector<1x16xi32>
    tpu.vector_store %arg13[%swap3A_110, %swap3A_111], %swap3A_114 {strides = array<i32>} : memref<1x64xi32, #tpu.memory_space<vmem>>, vector<1x16xi32>,
    %get3A_115 = arith.constant 96 : index
    %get3A_116 = tpu.vector_load %arg6[%get3A_115] {strides = array<i32>} : memref<10240xi32, #tpu.memory_space<vmem>>, vector<16xi32>,
    %get3A_117 = vector.shape_cast %get3A_116 : vector<16xi32> to vector<16xi32>
    %and3A_118 = arith.constant 16383 : i32
    %and3A_119 = vector.broadcast %and3A_118 : i32 to vector<16xi32>
    %and3A_120 = arith.andi %get3A_117, %and3A_119 : vector<16xi32>
    %swap3A_121 = arith.constant 32 : index
    %swap3A_122 = tpu.vector_load %arg9[%swap3A_121] {strides = array<i32>} : memref<64xi32, #tpu.memory_space<vmem>>, vector<16xi32>,
    %swap3A_123 = vector.shape_cast %swap3A_122 : vector<16xi32> to vector<16xi32>
    %swap3A_124 = vector.shape_cast %and3A_120 : vector<16xi32> to vector<16xi32>
    tpu.vector_store %arg9[%swap3A_121], %swap3A_124 {strides = array<i32>} : memref<64xi32, #tpu.memory_space<vmem>>, vector<16xi32>,
    %shift_right_arithmetic3A_125 = arith.constant 14 : i32
    %shift_right_arithmetic3A_126 = vector.broadcast %shift_right_arithmetic3A_125 : i32 to vector<16xi32>
    %shift_right_arithmetic3A_127 = arith.shrsi %get3A_117, %shift_right_arithmetic3A_126 : vector<16xi32>
    %swap3A_128 = arith.constant 0 : i32
    %swap3A_129 = arith.index_cast %swap3A_128 : i32 to index
    %swap3A_130 = arith.constant 32 : index
    %swap3A_131 = tpu.vector_load %arg13[%swap3A_129, %swap3A_130] {strides = array<i32>} : memref<1x64xi32, #tpu.memory_space<vmem>>, vector<1x16xi32>,
    %swap3A_132 = vector.shape_cast %swap3A_131 : vector<1x16xi32> to vector<16xi32>
    %swap3A_133 = vector.shape_cast %shift_right_arithmetic3A_127 : vector<16xi32> to vector<1x16xi32>
    tpu.vector_store %arg13[%swap3A_129, %swap3A_130], %swap3A_133 {strides = array<i32>} : memref<1x64xi32, #tpu.memory_space<vmem>>, vector<1x16xi32>,
    %get3A_134 = arith.constant 112 : index
    %get3A_135 = tpu.vector_load %arg6[%get3A_134] {strides = array<i32>} : memref<10240xi32, #tpu.memory_space<vmem>>, vector<16xi32>,
    %get3A_136 = vector.shape_cast %get3A_135 : vector<16xi32> to vector<16xi32>
    %and3A_137 = arith.constant 16383 : i32
    %and3A_138 = vector.broadcast %and3A_137 : i32 to vector<16xi32>
    %and3A_139 = arith.andi %get3A_136, %and3A_138 : vector<16xi32>
    %swap3A_140 = arith.constant 48 : index
    %swap3A_141 = tpu.vector_load %arg9[%swap3A_140] {strides = array<i32>} : memref<64xi32, #tpu.memory_space<vmem>>, vector<16xi32>,
    %swap3A_142 = vector.shape_cast %swap3A_141 : vector<16xi32> to vector<16xi32>
    %swap3A_143 = vector.shape_cast %and3A_139 : vector<16xi32> to vector<16xi32>
    tpu.vector_store %arg9[%swap3A_140], %swap3A_143 {strides = array<i32>} : memref<64xi32, #tpu.memory_space<vmem>>, vector<16xi32>,
    %shift_right_arithmetic3A_144 = arith.constant 14 : i32
    %shift_right_arithmetic3A_145 = vector.broadcast %shift_right_arithmetic3A_144 : i32 to vector<16xi32>
    %shift_right_arithmetic3A_146 = arith.shrsi %get3A_136, %shift_right_arithmetic3A_145 : vector<16xi32>
    %swap3A_147 = arith.constant 0 : i32
    %swap3A_148 = arith.index_cast %swap3A_147 : i32 to index
    %swap3A_149 = arith.constant 48 : index
    %swap3A_150 = tpu.vector_load %arg13[%swap3A_148, %swap3A_149] {strides = array<i32>} : memref<1x64xi32, #tpu.memory_space<vmem>>, vector<1x16xi32>,
    %swap3A_151 = vector.shape_cast %swap3A_150 : vector<1x16xi32> to vector<16xi32>
    %swap3A_152 = vector.shape_cast %shift_right_arithmetic3A_146 : vector<16xi32> to vector<1x16xi32>
    tpu.vector_store %arg13[%swap3A_148, %swap3A_149], %swap3A_152 {strides = array<i32>} : memref<1x64xi32, #tpu.memory_space<vmem>>, vector<1x16xi32>,
    %dma_start3A_153 = arith.constant 0 : i32
    %dma_start3A_154 = arith.constant 0 : i32
    %dma_start3A_155 = tpu.memref_slice %arg2[%dma_start3A_153, %dma_start3A_154] : memref<10240x128xf32, #tpu.memory_space<hbm>> -> memref<10240x128xf32, #tpu.memory_space<hbm>>
    tpu.enqueue_indirect_dma source(%dma_start3A_155 : memref<10240x128xf32, #tpu.memory_space<hbm>>) target(%arg17 : memref<64x128xf32, #tpu.memory_space<vmem>>) offsets(%arg9 : memref<64xi32, #tpu.memory_space<vmem>>) semaphore(%arg21 : memref<!tpu.dma_semaphore, #tpu.memory_space<semaphore_mem>>)
    %get3A_156 = arith.constant 128 : index
    %get3A_157 = tpu.vector_load %arg6[%get3A_156] {strides = array<i32>} : memref<10240xi32, #tpu.memory_space<vmem>>, vector<16xi32>,
    %get3A_158 = vector.shape_cast %get3A_157 : vector<16xi32> to vector<16xi32>
    %and3A_159 = arith.constant 16383 : i32
    %and3A_160 = vector.broadcast %and3A_159 : i32 to vector<16xi32>
    %and3A_161 = arith.andi %get3A_158, %and3A_160 : vector<16xi32>
    %swap3A_162 = arith.constant 0 : index
    %swap3A_163 = tpu.vector_load %arg10[%swap3A_162] {strides = array<i32>} : memref<64xi32, #tpu.memory_space<vmem>>, vector<16xi32>,
    %swap3A_164 = vector.shape_cast %swap3A_163 : vector<16xi32> to vector<16xi32>
    %swap3A_165 = vector.shape_cast %and3A_161 : vector<16xi32> to vector<16xi32>
    tpu.vector_store %arg10[%swap3A_162], %swap3A_165 {strides = array<i32>} : memref<64xi32, #tpu.memory_space<vmem>>, vector<16xi32>,
    %shift_right_arithmetic3A_166 = arith.constant 14 : i32
    %shift_right_arithmetic3A_167 = vector.broadcast %shift_right_arithmetic3A_166 : i32 to vector<16xi32>
    %shift_right_arithmetic3A_168 = arith.shrsi %get3A_158, %shift_right_arithmetic3A_167 : vector<16xi32>
    %swap3A_169 = arith.constant 0 : i32
    %swap3A_170 = arith.index_cast %swap3A_169 : i32 to index
    %swap3A_171 = arith.constant 0 : index
    %swap3A_172 = tpu.vector_load %arg14[%swap3A_170, %swap3A_171] {strides = array<i32>} : memref<1x64xi32, #tpu.memory_space<vmem>>, vector<1x16xi32>,
    %swap3A_173 = vector.shape_cast %swap3A_172 : vector<1x16xi32> to vector<16xi32>
    %swap3A_174 = vector.shape_cast %shift_right_arithmetic3A_168 : vector<16xi32> to vector<1x16xi32>
    tpu.vector_store %arg14[%swap3A_170, %swap3A_171], %swap3A_174 {strides = array<i32>} : memref<1x64xi32, #tpu.memory_space<vmem>>, vector<1x16xi32>,
    %get3A_175 = arith.constant 144 : index
    %get3A_176 = tpu.vector_load %arg6[%get3A_175] {strides = array<i32>} : memref<10240xi32, #tpu.memory_space<vmem>>, vector<16xi32>,
    %get3A_177 = vector.shape_cast %get3A_176 : vector<16xi32> to vector<16xi32>
    %and3A_178 = arith.constant 16383 : i32
    %and3A_179 = vector.broadcast %and3A_178 : i32 to vector<16xi32>
    %and3A_180 = arith.andi %get3A_177, %and3A_179 : vector<16xi32>
    %swap3A_181 = arith.constant 16 : index
    %swap3A_182 = tpu.vector_load %arg10[%swap3A_181] {strides = array<i32>} : memref<64xi32, #tpu.memory_space<vmem>>, vector<16xi32>,
    %swap3A_183 = vector.shape_cast %swap3A_182 : vector<16xi32> to vector<16xi32>
    %swap3A_184 = vector.shape_cast %and3A_180 : vector<16xi32> to vector<16xi32>
    tpu.vector_store %arg10[%swap3A_181], %swap3A_184 {strides = array<i32>} : memref<64xi32, #tpu.memory_space<vmem>>, vector<16xi32>,
    %shift_right_arithmetic3A_185 = arith.constant 14 : i32
    %shift_right_arithmetic3A_186 = vector.broadcast %shift_right_arithmetic3A_185 : i32 to vector<16xi32>
    %shift_right_arithmetic3A_187 = arith.shrsi %get3A_177, %shift_right_arithmetic3A_186 : vector<16xi32>
    %swap3A_188 = arith.constant 0 : i32
    %swap3A_189 = arith.index_cast %swap3A_188 : i32 to index
    %swap3A_190 = arith.constant 16 : index
    %swap3A_191 = tpu.vector_load %arg14[%swap3A_189, %swap3A_190] {strides = array<i32>} : memref<1x64xi32, #tpu.memory_space<vmem>>, vector<1x16xi32>,
    %swap3A_192 = vector.shape_cast %swap3A_191 : vector<1x16xi32> to vector<16xi32>
    %swap3A_193 = vector.shape_cast %shift_right_arithmetic3A_187 : vector<16xi32> to vector<1x16xi32>
    tpu.vector_store %arg14[%swap3A_189, %swap3A_190], %swap3A_193 {strides = array<i32>} : memref<1x64xi32, #tpu.memory_space<vmem>>, vector<1x16xi32>,
    %get3A_194 = arith.constant 160 : index
    %get3A_195 = tpu.vector_load %arg6[%get3A_194] {strides = array<i32>} : memref<10240xi32, #tpu.memory_space<vmem>>, vector<16xi32>,
    %get3A_196 = vector.shape_cast %get3A_195 : vector<16xi32> to vector<16xi32>
    %and3A_197 = arith.constant 16383 : i32
    %and3A_198 = vector.broadcast %and3A_197 : i32 to vector<16xi32>
    %and3A_199 = arith.andi %get3A_196, %and3A_198 : vector<16xi32>
    %swap3A_200 = arith.constant 32 : index
    %swap3A_201 = tpu.vector_load %arg10[%swap3A_200] {strides = array<i32>} : memref<64xi32, #tpu.memory_space<vmem>>, vector<16xi32>,
    %swap3A_202 = vector.shape_cast %swap3A_201 : vector<16xi32> to vector<16xi32>
    %swap3A_203 = vector.shape_cast %and3A_199 : vector<16xi32> to vector<16xi32>
    tpu.vector_store %arg10[%swap3A_200], %swap3A_203 {strides = array<i32>} : memref<64xi32, #tpu.memory_space<vmem>>, vector<16xi32>,
    %shift_right_arithmetic3A_204 = arith.constant 14 : i32
    %shift_right_arithmetic3A_205 = vector.broadcast %shift_right_arithmetic3A_204 : i32 to vector<16xi32>
    %shift_right_arithmetic3A_206 = arith.shrsi %get3A_196, %shift_right_arithmetic3A_205 : vector<16xi32>
    %swap3A_207 = arith.constant 0 : i32
    %swap3A_208 = arith.index_cast %swap3A_207 : i32 to index
    %swap3A_209 = arith.constant 32 : index
    %swap3A_210 = tpu.vector_load %arg14[%swap3A_208, %swap3A_209] {strides = array<i32>} : memref<1x64xi32, #tpu.memory_space<vmem>>, vector<1x16xi32>,
    %swap3A_211 = vector.shape_cast %swap3A_210 : vector<1x16xi32> to vector<16xi32>
    %swap3A_212 = vector.shape_cast %shift_right_arithmetic3A_206 : vector<16xi32> to vector<1x16xi32>
    tpu.vector_store %arg14[%swap3A_208, %swap3A_209], %swap3A_212 {strides = array<i32>} : memref<1x64xi32, #tpu.memory_space<vmem>>, vector<1x16xi32>,
    %get3A_213 = arith.constant 176 : index
    %get3A_214 = tpu.vector_load %arg6[%get3A_213] {strides = array<i32>} : memref<10240xi32, #tpu.memory_space<vmem>>, vector<16xi32>,
    %get3A_215 = vector.shape_cast %get3A_214 : vector<16xi32> to vector<16xi32>
    %and3A_216 = arith.constant 16383 : i32
    %and3A_217 = vector.broadcast %and3A_216 : i32 to vector<16xi32>
    %and3A_218 = arith.andi %get3A_215, %and3A_217 : vector<16xi32>
    %swap3A_219 = arith.constant 48 : index
    %swap3A_220 = tpu.vector_load %arg10[%swap3A_219] {strides = array<i32>} : memref<64xi32, #tpu.memory_space<vmem>>, vector<16xi32>,
    %swap3A_221 = vector.shape_cast %swap3A_220 : vector<16xi32> to vector<16xi32>
    %swap3A_222 = vector.shape_cast %and3A_218 : vector<16xi32> to vector<16xi32>
    tpu.vector_store %arg10[%swap3A_219], %swap3A_222 {strides = array<i32>} : memref<64xi32, #tpu.memory_space<vmem>>, vector<16xi32>,
    %shift_right_arithmetic3A_223 = arith.constant 14 : i32
    %shift_right_arithmetic3A_224 = vector.broadcast %shift_right_arithmetic3A_223 : i32 to vector<16xi32>
    %shift_right_arithmetic3A_225 = arith.shrsi %get3A_215, %shift_right_arithmetic3A_224 : vector<16xi32>
    %swap3A_226 = arith.constant 0 : i32
    %swap3A_227 = arith.index_cast %swap3A_226 : i32 to index
    %swap3A_228 = arith.constant 48 : index
    %swap3A_229 = tpu.vector_load %arg14[%swap3A_227, %swap3A_228] {strides = array<i32>} : memref<1x64xi32, #tpu.memory_space<vmem>>, vector<1x16xi32>,
    %swap3A_230 = vector.shape_cast %swap3A_229 : vector<1x16xi32> to vector<16xi32>
    %swap3A_231 = vector.shape_cast %shift_right_arithmetic3A_225 : vector<16xi32> to vector<1x16xi32>
    tpu.vector_store %arg14[%swap3A_227, %swap3A_228], %swap3A_231 {strides = array<i32>} : memref<1x64xi32, #tpu.memory_space<vmem>>, vector<1x16xi32>,
    %dma_start3A_232 = arith.constant 0 : i32
    %dma_start3A_233 = arith.constant 0 : i32
    %dma_start3A_234 = tpu.memref_slice %arg2[%dma_start3A_232, %dma_start3A_233] : memref<10240x128xf32, #tpu.memory_space<hbm>> -> memref<10240x128xf32, #tpu.memory_space<hbm>>
    tpu.enqueue_indirect_dma source(%dma_start3A_234 : memref<10240x128xf32, #tpu.memory_space<hbm>>) target(%arg18 : memref<64x128xf32, #tpu.memory_space<vmem>>) offsets(%arg10 : memref<64xi32, #tpu.memory_space<vmem>>) semaphore(%arg22 : memref<!tpu.dma_semaphore, #tpu.memory_space<semaphore_mem>>)
    %get3A_235 = arith.constant 192 : index
    %get3A_236 = tpu.vector_load %arg6[%get3A_235] {strides = array<i32>} : memref<10240xi32, #tpu.memory_space<vmem>>, vector<16xi32>,
    %get3A_237 = vector.shape_cast %get3A_236 : vector<16xi32> to vector<16xi32>
    %and3A_238 = arith.constant 16383 : i32
    %and3A_239 = vector.broadcast %and3A_238 : i32 to vector<16xi32>
    %and3A_240 = arith.andi %get3A_237, %and3A_239 : vector<16xi32>
    %swap3A_241 = arith.constant 0 : index
    %swap3A_242 = tpu.vector_load %arg11[%swap3A_241] {strides = array<i32>} : memref<64xi32, #tpu.memory_space<vmem>>, vector<16xi32>,
    %swap3A_243 = vector.shape_cast %swap3A_242 : vector<16xi32> to vector<16xi32>
    %swap3A_244 = vector.shape_cast %and3A_240 : vector<16xi32> to vector<16xi32>
    tpu.vector_store %arg11[%swap3A_241], %swap3A_244 {strides = array<i32>} : memref<64xi32, #tpu.memory_space<vmem>>, vector<16xi32>,
    %shift_right_arithmetic3A_245 = arith.constant 14 : i32
    %shift_right_arithmetic3A_246 = vector.broadcast %shift_right_arithmetic3A_245 : i32 to vector<16xi32>
    %shift_right_arithmetic3A_247 = arith.shrsi %get3A_237, %shift_right_arithmetic3A_246 : vector<16xi32>
    %swap3A_248 = arith.constant 0 : i32
    %swap3A_249 = arith.index_cast %swap3A_248 : i32 to index
    %swap3A_250 = arith.constant 0 : index
    %swap3A_251 = tpu.vector_load %arg15[%swap3A_249, %swap3A_250] {strides = array<i32>} : memref<1x64xi32, #tpu.memory_space<vmem>>, vector<1x16xi32>,
    %swap3A_252 = vector.shape_cast %swap3A_251 : vector<1x16xi32> to vector<16xi32>
    %swap3A_253 = vector.shape_cast %shift_right_arithmetic3A_247 : vector<16xi32> to vector<1x16xi32>
    tpu.vector_store %arg15[%swap3A_249, %swap3A_250], %swap3A_253 {strides = array<i32>} : memref<1x64xi32, #tpu.memory_space<vmem>>, vector<1x16xi32>,
    %get3A_254 = arith.constant 208 : index
    %get3A_255 = tpu.vector_load %arg6[%get3A_254] {strides = array<i32>} : memref<10240xi32, #tpu.memory_space<vmem>>, vector<16xi32>,
    %get3A_256 = vector.shape_cast %get3A_255 : vector<16xi32> to vector<16xi32>
    %and3A_257 = arith.constant 16383 : i32
    %and3A_258 = vector.broadcast %and3A_257 : i32 to vector<16xi32>
    %and3A_259 = arith.andi %get3A_256, %and3A_258 : vector<16xi32>
    %swap3A_260 = arith.constant 16 : index
    %swap3A_261 = tpu.vector_load %arg11[%swap3A_260] {strides = array<i32>} : memref<64xi32, #tpu.memory_space<vmem>>, vector<16xi32>,
    %swap3A_262 = vector.shape_cast %swap3A_261 : vector<16xi32> to vector<16xi32>
    %swap3A_263 = vector.shape_cast %and3A_259 : vector<16xi32> to vector<16xi32>
    tpu.vector_store %arg11[%swap3A_260], %swap3A_263 {strides = array<i32>} : memref<64xi32, #tpu.memory_space<vmem>>, vector<16xi32>,
    %shift_right_arithmetic3A_264 = arith.constant 14 : i32
    %shift_right_arithmetic3A_265 = vector.broadcast %shift_right_arithmetic3A_264 : i32 to vector<16xi32>
    %shift_right_arithmetic3A_266 = arith.shrsi %get3A_256, %shift_right_arithmetic3A_265 : vector<16xi32>
    %swap3A_267 = arith.constant 0 : i32
    %swap3A_268 = arith.index_cast %swap3A_267 : i32 to index
    %swap3A_269 = arith.constant 16 : index
    %swap3A_270 = tpu.vector_load %arg15[%swap3A_268, %swap3A_269] {strides = array<i32>} : memref<1x64xi32, #tpu.memory_space<vmem>>, vector<1x16xi32>,
    %swap3A_271 = vector.shape_cast %swap3A_270 : vector<1x16xi32> to vector<16xi32>
    %swap3A_272 = vector.shape_cast %shift_right_arithmetic3A_266 : vector<16xi32> to vector<1x16xi32>
    tpu.vector_store %arg15[%swap3A_268, %swap3A_269], %swap3A_272 {strides = array<i32>} : memref<1x64xi32, #tpu.memory_space<vmem>>, vector<1x16xi32>,
    %get3A_273 = arith.constant 224 : index
    %get3A_274 = tpu.vector_load %arg6[%get3A_273] {strides = array<i32>} : memref<10240xi32, #tpu.memory_space<vmem>>, vector<16xi32>,
    %get3A_275 = vector.shape_cast %get3A_274 : vector<16xi32> to vector<16xi32>
    %and3A_276 = arith.constant 16383 : i32
    %and3A_277 = vector.broadcast %and3A_276 : i32 to vector<16xi32>
    %and3A_278 = arith.andi %get3A_275, %and3A_277 : vector<16xi32>
    %swap3A_279 = arith.constant 32 : index
    %swap3A_280 = tpu.vector_load %arg11[%swap3A_279] {strides = array<i32>} : memref<64xi32, #tpu.memory_space<vmem>>, vector<16xi32>,
    %swap3A_281 = vector.shape_cast %swap3A_280 : vector<16xi32> to vector<16xi32>
    %swap3A_282 = vector.shape_cast %and3A_278 : vector<16xi32> to vector<16xi32>
    tpu.vector_store %arg11[%swap3A_279], %swap3A_282 {strides = array<i32>} : memref<64xi32, #tpu.memory_space<vmem>>, vector<16xi32>,
    %shift_right_arithmetic3A_283 = arith.constant 14 : i32
    %shift_right_arithmetic3A_284 = vector.broadcast %shift_right_arithmetic3A_283 : i32 to vector<16xi32>
    %shift_right_arithmetic3A_285 = arith.shrsi %get3A_275, %shift_right_arithmetic3A_284 : vector<16xi32>
    %swap3A_286 = arith.constant 0 : i32
    %swap3A_287 = arith.index_cast %swap3A_286 : i32 to index
    %swap3A_288 = arith.constant 32 : index
    %swap3A_289 = tpu.vector_load %arg15[%swap3A_287, %swap3A_288] {strides = array<i32>} : memref<1x64xi32, #tpu.memory_space<vmem>>, vector<1x16xi32>,
    %swap3A_290 = vector.shape_cast %swap3A_289 : vector<1x16xi32> to vector<16xi32>
    %swap3A_291 = vector.shape_cast %shift_right_arithmetic3A_285 : vector<16xi32> to vector<1x16xi32>
    tpu.vector_store %arg15[%swap3A_287, %swap3A_288], %swap3A_291 {strides = array<i32>} : memref<1x64xi32, #tpu.memory_space<vmem>>, vector<1x16xi32>,
    %get3A_292 = arith.constant 240 : index
    %get3A_293 = tpu.vector_load %arg6[%get3A_292] {strides = array<i32>} : memref<10240xi32, #tpu.memory_space<vmem>>, vector<16xi32>,
    %get3A_294 = vector.shape_cast %get3A_293 : vector<16xi32> to vector<16xi32>
    %and3A_295 = arith.constant 16383 : i32
    %and3A_296 = vector.broadcast %and3A_295 : i32 to vector<16xi32>
    %and3A_297 = arith.andi %get3A_294, %and3A_296 : vector<16xi32>
    %swap3A_298 = arith.constant 48 : index
    %swap3A_299 = tpu.vector_load %arg11[%swap3A_298] {strides = array<i32>} : memref<64xi32, #tpu.memory_space<vmem>>, vector<16xi32>,
    %swap3A_300 = vector.shape_cast %swap3A_299 : vector<16xi32> to vector<16xi32>
    %swap3A_301 = vector.shape_cast %and3A_297 : vector<16xi32> to vector<16xi32>
    tpu.vector_store %arg11[%swap3A_298], %swap3A_301 {strides = array<i32>} : memref<64xi32, #tpu.memory_space<vmem>>, vector<16xi32>,
    %shift_right_arithmetic3A_302 = arith.constant 14 : i32
    %shift_right_arithmetic3A_303 = vector.broadcast %shift_right_arithmetic3A_302 : i32 to vector<16xi32>
    %shift_right_arithmetic3A_304 = arith.shrsi %get3A_294, %shift_right_arithmetic3A_303 : vector<16xi32>
    %swap3A_305 = arith.constant 0 : i32
    %swap3A_306 = arith.index_cast %swap3A_305 : i32 to index
    %swap3A_307 = arith.constant 48 : index
    %swap3A_308 = tpu.vector_load %arg15[%swap3A_306, %swap3A_307] {strides = array<i32>} : memref<1x64xi32, #tpu.memory_space<vmem>>, vector<1x16xi32>,
    %swap3A_309 = vector.shape_cast %swap3A_308 : vector<1x16xi32> to vector<16xi32>
    %swap3A_310 = vector.shape_cast %shift_right_arithmetic3A_304 : vector<16xi32> to vector<1x16xi32>
    tpu.vector_store %arg15[%swap3A_306, %swap3A_307], %swap3A_310 {strides = array<i32>} : memref<1x64xi32, #tpu.memory_space<vmem>>, vector<1x16xi32>,
    %dma_start3A_311 = arith.constant 0 : i32
    %dma_start3A_312 = arith.constant 0 : i32
    %dma_start3A_313 = tpu.memref_slice %arg2[%dma_start3A_311, %dma_start3A_312] : memref<10240x128xf32, #tpu.memory_space<hbm>> -> memref<10240x128xf32, #tpu.memory_space<hbm>>
    tpu.enqueue_indirect_dma source(%dma_start3A_313 : memref<10240x128xf32, #tpu.memory_space<hbm>>) target(%arg19 : memref<64x128xf32, #tpu.memory_space<vmem>>) offsets(%arg11 : memref<64xi32, #tpu.memory_space<vmem>>) semaphore(%arg23 : memref<!tpu.dma_semaphore, #tpu.memory_space<semaphore_mem>>)
    %barrier3A = arith.constant 0 : index
    tpu.barrier barrier_id(%barrier3A)
    %scan3A = arith.constant 0 : i32
    %scan3A_314 = arith.constant 0 : i32
    %scan3A_315 = arith.constant 40 : i32
    %scan3A_316 = arith.addi %scan3A_314, %scan3A_315 : i32
    %scan3A_317 = arith.constant 1 : i32
    scf.for %scan3A_320 = %scan3A_314 to %scan3A_316 step %scan3A_317  : i32 {
      %mul3A_321 = arith.constant 4 : i32
      %mul3A_322 = arith.muli %mul3A_321, %scan3A_320 : i32
      %add3A_323 = arith.constant 0 : i32
      %add3A_324 = arith.addi %mul3A_322, %add3A_323 : i32
      %dma_wait3A = arith.constant 0 : i32
      %dma_wait3A_325 = arith.constant 0 : i32
      %dma_wait3A_326 = tpu.memref_slice %arg2[%dma_wait3A, %dma_wait3A_325] : memref<10240x128xf32, #tpu.memory_space<hbm>> -> memref<10240x128xf32, #tpu.memory_space<hbm>>
      tpu.wait_indirect_dma semaphore(%arg20 : memref<!tpu.dma_semaphore, #tpu.memory_space<semaphore_mem>>) src(%dma_wait3A_326 : memref<10240x128xf32, #tpu.memory_space<hbm>>) dst(%arg16 : memref<64x128xf32, #tpu.memory_space<vmem>>)
      %run_scoped3A = arith.constant 0 : i32
      "tpu.region"() ({
        %run_scoped3A_376 = tpu.sem_alloc : memref<!tpu.dma_semaphore, #tpu.memory_space<semaphore_mem>>
        %dma_start3A_377 = arith.constant 0 : i32
        %dma_start3A_378 = tpu.memref_slice %arg12[%run_scoped3A, %dma_start3A_377] : memref<1x64xi32, #tpu.memory_space<vmem>> -> memref<1x64xi32, #tpu.memory_space<vmem>>
        %dma_start3A_379 = tpu.memref_squeeze %dma_start3A_378 : memref<1x64xi32, #tpu.memory_space<vmem>> -> memref<64xi32, #tpu.memory_space<vmem>>
        %dma_start3A_380 = arith.constant 0 : i32
        %dma_start3A_381 = arith.constant 0 : i32
        %dma_start3A_382 = tpu.memref_slice %arg7[%dma_start3A_380, %dma_start3A_381] : memref<10240x128xf32, #tpu.memory_space<vmem_shared>> -> memref<10240x128xf32, #tpu.memory_space<vmem_shared>>
        tpu.enqueue_indirect_dma source(%arg16 : memref<64x128xf32, #tpu.memory_space<vmem>>) target(%dma_start3A_382 : memref<10240x128xf32, #tpu.memory_space<vmem_shared>>) offsets(%dma_start3A_379 : memref<64xi32, #tpu.memory_space<vmem>>) semaphore(%run_scoped3A_376 : memref<!tpu.dma_semaphore, #tpu.memory_space<semaphore_mem>>) {add = true}
        %dma_wait3A_383 = arith.constant 0 : i32
        %dma_wait3A_384 = tpu.memref_slice %arg12[%run_scoped3A, %dma_wait3A_383] : memref<1x64xi32, #tpu.memory_space<vmem>> -> memref<1x64xi32, #tpu.memory_space<vmem>>
        %dma_wait3A_385 = tpu.memref_squeeze %dma_wait3A_384 : memref<1x64xi32, #tpu.memory_space<vmem>> -> memref<64xi32, #tpu.memory_space<vmem>>
        %dma_wait3A_386 = arith.constant 0 : i32
        %dma_wait3A_387 = arith.constant 0 : i32
        %dma_wait3A_388 = tpu.memref_slice %arg7[%dma_wait3A_386, %dma_wait3A_387] : memref<10240x128xf32, #tpu.memory_space<vmem_shared>> -> memref<10240x128xf32, #tpu.memory_space<vmem_shared>>
        tpu.wait_indirect_dma semaphore(%run_scoped3A_376 : memref<!tpu.dma_semaphore, #tpu.memory_space<semaphore_mem>>) src(%arg16 : memref<64x128xf32, #tpu.memory_space<vmem>>) dst(%dma_wait3A_388 : memref<10240x128xf32, #tpu.memory_space<vmem_shared>>)
        tpu.yield
      }) : () -> ()
      %add3A_327 = arith.constant 4 : i32
      %add3A_328 = arith.addi %add3A_324, %add3A_327 : i32
      %lt3A = arith.constant 160 : i32
      %lt3A_329 = arith.cmpi slt, %add3A_328, %lt3A : i32
      %convert_element_type3A = arith.extui %lt3A_329 : i1 to i32
      %cond3A = arith.constant 0 : i32
      %cond3A_330 = arith.cmpi ne, %convert_element_type3A, %cond3A : i32
      scf.if %cond3A_330 {
        %mul3A_376 = arith.constant 64 : i32
        %mul3A_377 = arith.muli %add3A_328, %mul3A_376 : i32
        %add3A_378 = arith.constant 0 : i32
        %add3A_379 = arith.addi %mul3A_377, %add3A_378 : i32
        %get3A_380 = arith.index_cast %add3A_379 : i32 to index
        %get3A_381 = tpu.vector_load %arg6[%get3A_380] {strides = array<i32>} : memref<10240xi32, #tpu.memory_space<vmem>>, vector<16xi32>,
        %get3A_382 = vector.shape_cast %get3A_381 : vector<16xi32> to vector<16xi32>
        %and3A_383 = arith.constant 16383 : i32
        %and3A_384 = vector.broadcast %and3A_383 : i32 to vector<16xi32>
        %and3A_385 = arith.andi %get3A_382, %and3A_384 : vector<16xi32>
        %swap3A_386 = arith.constant 0 : index
        %swap3A_387 = tpu.vector_load %arg8[%swap3A_386] {strides = array<i32>} : memref<64xi32, #tpu.memory_space<vmem>>, vector<16xi32>,
        %swap3A_388 = vector.shape_cast %swap3A_387 : vector<16xi32> to vector<16xi32>
        %swap3A_389 = vector.shape_cast %and3A_385 : vector<16xi32> to vector<16xi32>
        tpu.vector_store %arg8[%swap3A_386], %swap3A_389 {strides = array<i32>} : memref<64xi32, #tpu.memory_space<vmem>>, vector<16xi32>,
        %shift_right_arithmetic3A_390 = arith.constant 14 : i32
        %shift_right_arithmetic3A_391 = vector.broadcast %shift_right_arithmetic3A_390 : i32 to vector<16xi32>
        %shift_right_arithmetic3A_392 = arith.shrsi %get3A_382, %shift_right_arithmetic3A_391 : vector<16xi32>
        %swap3A_393 = arith.constant 0 : i32
        %swap3A_394 = arith.index_cast %swap3A_393 : i32 to index
        %swap3A_395 = arith.constant 0 : index
        %swap3A_396 = tpu.vector_load %arg12[%swap3A_394, %swap3A_395] {strides = array<i32>} : memref<1x64xi32, #tpu.memory_space<vmem>>, vector<1x16xi32>,
        %swap3A_397 = vector.shape_cast %swap3A_396 : vector<1x16xi32> to vector<16xi32>
        %swap3A_398 = vector.shape_cast %shift_right_arithmetic3A_392 : vector<16xi32> to vector<1x16xi32>
        tpu.vector_store %arg12[%swap3A_394, %swap3A_395], %swap3A_398 {strides = array<i32>} : memref<1x64xi32, #tpu.memory_space<vmem>>, vector<1x16xi32>,
        %mul3A_399 = arith.constant 64 : i32
        %mul3A_400 = arith.muli %add3A_328, %mul3A_399 : i32
        %add3A_401 = arith.constant 16 : i32
        %add3A_402 = arith.addi %mul3A_400, %add3A_401 : i32
        %get3A_403 = arith.index_cast %add3A_402 : i32 to index
        %get3A_404 = tpu.vector_load %arg6[%get3A_403] {strides = array<i32>} : memref<10240xi32, #tpu.memory_space<vmem>>, vector<16xi32>,
        %get3A_405 = vector.shape_cast %get3A_404 : vector<16xi32> to vector<16xi32>
        %and3A_406 = arith.constant 16383 : i32
        %and3A_407 = vector.broadcast %and3A_406 : i32 to vector<16xi32>
        %and3A_408 = arith.andi %get3A_405, %and3A_407 : vector<16xi32>
        %swap3A_409 = arith.constant 16 : index
        %swap3A_410 = tpu.vector_load %arg8[%swap3A_409] {strides = array<i32>} : memref<64xi32, #tpu.memory_space<vmem>>, vector<16xi32>,
        %swap3A_411 = vector.shape_cast %swap3A_410 : vector<16xi32> to vector<16xi32>
        %swap3A_412 = vector.shape_cast %and3A_408 : vector<16xi32> to vector<16xi32>
        tpu.vector_store %arg8[%swap3A_409], %swap3A_412 {strides = array<i32>} : memref<64xi32, #tpu.memory_space<vmem>>, vector<16xi32>,
        %shift_right_arithmetic3A_413 = arith.constant 14 : i32
        %shift_right_arithmetic3A_414 = vector.broadcast %shift_right_arithmetic3A_413 : i32 to vector<16xi32>
        %shift_right_arithmetic3A_415 = arith.shrsi %get3A_405, %shift_right_arithmetic3A_414 : vector<16xi32>
        %swap3A_416 = arith.constant 0 : i32
        %swap3A_417 = arith.index_cast %swap3A_416 : i32 to index
        %swap3A_418 = arith.constant 16 : index
        %swap3A_419 = tpu.vector_load %arg12[%swap3A_417, %swap3A_418] {strides = array<i32>} : memref<1x64xi32, #tpu.memory_space<vmem>>, vector<1x16xi32>,
        %swap3A_420 = vector.shape_cast %swap3A_419 : vector<1x16xi32> to vector<16xi32>
        %swap3A_421 = vector.shape_cast %shift_right_arithmetic3A_415 : vector<16xi32> to vector<1x16xi32>
        tpu.vector_store %arg12[%swap3A_417, %swap3A_418], %swap3A_421 {strides = array<i32>} : memref<1x64xi32, #tpu.memory_space<vmem>>, vector<1x16xi32>,
        %mul3A_422 = arith.constant 64 : i32
        %mul3A_423 = arith.muli %add3A_328, %mul3A_422 : i32
        %add3A_424 = arith.constant 32 : i32
        %add3A_425 = arith.addi %mul3A_423, %add3A_424 : i32
        %get3A_426 = arith.index_cast %add3A_425 : i32 to index
        %get3A_427 = tpu.vector_load %arg6[%get3A_426] {strides = array<i32>} : memref<10240xi32, #tpu.memory_space<vmem>>, vector<16xi32>,
        %get3A_428 = vector.shape_cast %get3A_427 : vector<16xi32> to vector<16xi32>
        %and3A_429 = arith.constant 16383 : i32
        %and3A_430 = vector.broadcast %and3A_429 : i32 to vector<16xi32>
        %and3A_431 = arith.andi %get3A_428, %and3A_430 : vector<16xi32>
        %swap3A_432 = arith.constant 32 : index
        %swap3A_433 = tpu.vector_load %arg8[%swap3A_432] {strides = array<i32>} : memref<64xi32, #tpu.memory_space<vmem>>, vector<16xi32>,
        %swap3A_434 = vector.shape_cast %swap3A_433 : vector<16xi32> to vector<16xi32>
        %swap3A_435 = vector.shape_cast %and3A_431 : vector<16xi32> to vector<16xi32>
        tpu.vector_store %arg8[%swap3A_432], %swap3A_435 {strides = array<i32>} : memref<64xi32, #tpu.memory_space<vmem>>, vector<16xi32>,
        %shift_right_arithmetic3A_436 = arith.constant 14 : i32
        %shift_right_arithmetic3A_437 = vector.broadcast %shift_right_arithmetic3A_436 : i32 to vector<16xi32>
        %shift_right_arithmetic3A_438 = arith.shrsi %get3A_428, %shift_right_arithmetic3A_437 : vector<16xi32>
        %swap3A_439 = arith.constant 0 : i32
        %swap3A_440 = arith.index_cast %swap3A_439 : i32 to index
        %swap3A_441 = arith.constant 32 : index
        %swap3A_442 = tpu.vector_load %arg12[%swap3A_440, %swap3A_441] {strides = array<i32>} : memref<1x64xi32, #tpu.memory_space<vmem>>, vector<1x16xi32>,
        %swap3A_443 = vector.shape_cast %swap3A_442 : vector<1x16xi32> to vector<16xi32>
        %swap3A_444 = vector.shape_cast %shift_right_arithmetic3A_438 : vector<16xi32> to vector<1x16xi32>
        tpu.vector_store %arg12[%swap3A_440, %swap3A_441], %swap3A_444 {strides = array<i32>} : memref<1x64xi32, #tpu.memory_space<vmem>>, vector<1x16xi32>,
        %mul3A_445 = arith.constant 64 : i32
        %mul3A_446 = arith.muli %add3A_328, %mul3A_445 : i32
        %add3A_447 = arith.constant 48 : i32
        %add3A_448 = arith.addi %mul3A_446, %add3A_447 : i32
        %get3A_449 = arith.index_cast %add3A_448 : i32 to index
        %get3A_450 = tpu.vector_load %arg6[%get3A_449] {strides = array<i32>} : memref<10240xi32, #tpu.memory_space<vmem>>, vector<16xi32>,
        %get3A_451 = vector.shape_cast %get3A_450 : vector<16xi32> to vector<16xi32>
        %and3A_452 = arith.constant 16383 : i32
        %and3A_453 = vector.broadcast %and3A_452 : i32 to vector<16xi32>
        %and3A_454 = arith.andi %get3A_451, %and3A_453 : vector<16xi32>
        %swap3A_455 = arith.constant 48 : index
        %swap3A_456 = tpu.vector_load %arg8[%swap3A_455] {strides = array<i32>} : memref<64xi32, #tpu.memory_space<vmem>>, vector<16xi32>,
        %swap3A_457 = vector.shape_cast %swap3A_456 : vector<16xi32> to vector<16xi32>
        %swap3A_458 = vector.shape_cast %and3A_454 : vector<16xi32> to vector<16xi32>
        tpu.vector_store %arg8[%swap3A_455], %swap3A_458 {strides = array<i32>} : memref<64xi32, #tpu.memory_space<vmem>>, vector<16xi32>,
        %shift_right_arithmetic3A_459 = arith.constant 14 : i32
        %shift_right_arithmetic3A_460 = vector.broadcast %shift_right_arithmetic3A_459 : i32 to vector<16xi32>
        %shift_right_arithmetic3A_461 = arith.shrsi %get3A_451, %shift_right_arithmetic3A_460 : vector<16xi32>
        %swap3A_462 = arith.constant 0 : i32
        %swap3A_463 = arith.index_cast %swap3A_462 : i32 to index
        %swap3A_464 = arith.constant 48 : index
        %swap3A_465 = tpu.vector_load %arg12[%swap3A_463, %swap3A_464] {strides = array<i32>} : memref<1x64xi32, #tpu.memory_space<vmem>>, vector<1x16xi32>,
        %swap3A_466 = vector.shape_cast %swap3A_465 : vector<1x16xi32> to vector<16xi32>
        %swap3A_467 = vector.shape_cast %shift_right_arithmetic3A_461 : vector<16xi32> to vector<1x16xi32>
        tpu.vector_store %arg12[%swap3A_463, %swap3A_464], %swap3A_467 {strides = array<i32>} : memref<1x64xi32, #tpu.memory_space<vmem>>, vector<1x16xi32>,
        %dma_start3A_468 = arith.constant 0 : i32
        %dma_start3A_469 = arith.constant 0 : i32
        %dma_start3A_470 = tpu.memref_slice %arg2[%dma_start3A_468, %dma_start3A_469] : memref<10240x128xf32, #tpu.memory_space<hbm>> -> memref<10240x128xf32, #tpu.memory_space<hbm>>
        tpu.enqueue_indirect_dma source(%dma_start3A_470 : memref<10240x128xf32, #tpu.memory_space<hbm>>) target(%arg16 : memref<64x128xf32, #tpu.memory_space<vmem>>) offsets(%arg8 : memref<64xi32, #tpu.memory_space<vmem>>) semaphore(%arg20 : memref<!tpu.dma_semaphore, #tpu.memory_space<semaphore_mem>>)
      } else {
      }
      %mul3A_331 = arith.constant 4 : i32
      %mul3A_332 = arith.muli %mul3A_331, %scan3A_320 : i32
      %add3A_333 = arith.constant 1 : i32
      %add3A_334 = arith.addi %mul3A_332, %add3A_333 : i32
      %dma_wait3A_335 = arith.constant 0 : i32
      %dma_wait3A_336 = arith.constant 0 : i32
      %dma_wait3A_337 = tpu.memref_slice %arg2[%dma_wait3A_335, %dma_wait3A_336] : memref<10240x128xf32, #tpu.memory_space<hbm>> -> memref<10240x128xf32, #tpu.memory_space<hbm>>
      tpu.wait_indirect_dma semaphore(%arg21 : memref<!tpu.dma_semaphore, #tpu.memory_space<semaphore_mem>>) src(%dma_wait3A_337 : memref<10240x128xf32, #tpu.memory_space<hbm>>) dst(%arg17 : memref<64x128xf32, #tpu.memory_space<vmem>>)
      %run_scoped3A_338 = arith.constant 0 : i32
      "tpu.region"() ({
        %run_scoped3A_376 = tpu.sem_alloc : memref<!tpu.dma_semaphore, #tpu.memory_space<semaphore_mem>>
        %dma_start3A_377 = arith.constant 0 : i32
        %dma_start3A_378 = tpu.memref_slice %arg13[%run_scoped3A_338, %dma_start3A_377] : memref<1x64xi32, #tpu.memory_space<vmem>> -> memref<1x64xi32, #tpu.memory_space<vmem>>
        %dma_start3A_379 = tpu.memref_squeeze %dma_start3A_378 : memref<1x64xi32, #tpu.memory_space<vmem>> -> memref<64xi32, #tpu.memory_space<vmem>>
        %dma_start3A_380 = arith.constant 0 : i32
        %dma_start3A_381 = arith.constant 0 : i32
        %dma_start3A_382 = tpu.memref_slice %arg7[%dma_start3A_380, %dma_start3A_381] : memref<10240x128xf32, #tpu.memory_space<vmem_shared>> -> memref<10240x128xf32, #tpu.memory_space<vmem_shared>>
        tpu.enqueue_indirect_dma source(%arg17 : memref<64x128xf32, #tpu.memory_space<vmem>>) target(%dma_start3A_382 : memref<10240x128xf32, #tpu.memory_space<vmem_shared>>) offsets(%dma_start3A_379 : memref<64xi32, #tpu.memory_space<vmem>>) semaphore(%run_scoped3A_376 : memref<!tpu.dma_semaphore, #tpu.memory_space<semaphore_mem>>) {add = true}
        %dma_wait3A_383 = arith.constant 0 : i32
        %dma_wait3A_384 = tpu.memref_slice %arg13[%run_scoped3A_338, %dma_wait3A_383] : memref<1x64xi32, #tpu.memory_space<vmem>> -> memref<1x64xi32, #tpu.memory_space<vmem>>
        %dma_wait3A_385 = tpu.memref_squeeze %dma_wait3A_384 : memref<1x64xi32, #tpu.memory_space<vmem>> -> memref<64xi32, #tpu.memory_space<vmem>>
        %dma_wait3A_386 = arith.constant 0 : i32
        %dma_wait3A_387 = arith.constant 0 : i32
        %dma_wait3A_388 = tpu.memref_slice %arg7[%dma_wait3A_386, %dma_wait3A_387] : memref<10240x128xf32, #tpu.memory_space<vmem_shared>> -> memref<10240x128xf32, #tpu.memory_space<vmem_shared>>
        tpu.wait_indirect_dma semaphore(%run_scoped3A_376 : memref<!tpu.dma_semaphore, #tpu.memory_space<semaphore_mem>>) src(%arg17 : memref<64x128xf32, #tpu.memory_space<vmem>>) dst(%dma_wait3A_388 : memref<10240x128xf32, #tpu.memory_space<vmem_shared>>)
        tpu.yield
      }) : () -> ()
      %add3A_339 = arith.constant 4 : i32
      %add3A_340 = arith.addi %add3A_334, %add3A_339 : i32
      %lt3A_341 = arith.constant 160 : i32
      %lt3A_342 = arith.cmpi slt, %add3A_340, %lt3A_341 : i32
      %convert_element_type3A_343 = arith.extui %lt3A_342 : i1 to i32
      %cond3A_344 = arith.constant 0 : i32
      %cond3A_345 = arith.cmpi ne, %convert_element_type3A_343, %cond3A_344 : i32
      scf.if %cond3A_345 {
        %mul3A_376 = arith.constant 64 : i32
        %mul3A_377 = arith.muli %add3A_340, %mul3A_376 : i32
        %add3A_378 = arith.constant 0 : i32
        %add3A_379 = arith.addi %mul3A_377, %add3A_378 : i32
        %get3A_380 = arith.index_cast %add3A_379 : i32 to index
        %get3A_381 = tpu.vector_load %arg6[%get3A_380] {strides = array<i32>} : memref<10240xi32, #tpu.memory_space<vmem>>, vector<16xi32>,
        %get3A_382 = vector.shape_cast %get3A_381 : vector<16xi32> to vector<16xi32>
        %and3A_383 = arith.constant 16383 : i32
        %and3A_384 = vector.broadcast %and3A_383 : i32 to vector<16xi32>
        %and3A_385 = arith.andi %get3A_382, %and3A_384 : vector<16xi32>
        %swap3A_386 = arith.constant 0 : index
        %swap3A_387 = tpu.vector_load %arg9[%swap3A_386] {strides = array<i32>} : memref<64xi32, #tpu.memory_space<vmem>>, vector<16xi32>,
        %swap3A_388 = vector.shape_cast %swap3A_387 : vector<16xi32> to vector<16xi32>
        %swap3A_389 = vector.shape_cast %and3A_385 : vector<16xi32> to vector<16xi32>
        tpu.vector_store %arg9[%swap3A_386], %swap3A_389 {strides = array<i32>} : memref<64xi32, #tpu.memory_space<vmem>>, vector<16xi32>,
        %shift_right_arithmetic3A_390 = arith.constant 14 : i32
        %shift_right_arithmetic3A_391 = vector.broadcast %shift_right_arithmetic3A_390 : i32 to vector<16xi32>
        %shift_right_arithmetic3A_392 = arith.shrsi %get3A_382, %shift_right_arithmetic3A_391 : vector<16xi32>
        %swap3A_393 = arith.constant 0 : i32
        %swap3A_394 = arith.index_cast %swap3A_393 : i32 to index
        %swap3A_395 = arith.constant 0 : index
        %swap3A_396 = tpu.vector_load %arg13[%swap3A_394, %swap3A_395] {strides = array<i32>} : memref<1x64xi32, #tpu.memory_space<vmem>>, vector<1x16xi32>,
        %swap3A_397 = vector.shape_cast %swap3A_396 : vector<1x16xi32> to vector<16xi32>
        %swap3A_398 = vector.shape_cast %shift_right_arithmetic3A_392 : vector<16xi32> to vector<1x16xi32>
        tpu.vector_store %arg13[%swap3A_394, %swap3A_395], %swap3A_398 {strides = array<i32>} : memref<1x64xi32, #tpu.memory_space<vmem>>, vector<1x16xi32>,
        %mul3A_399 = arith.constant 64 : i32
        %mul3A_400 = arith.muli %add3A_340, %mul3A_399 : i32
        %add3A_401 = arith.constant 16 : i32
        %add3A_402 = arith.addi %mul3A_400, %add3A_401 : i32
        %get3A_403 = arith.index_cast %add3A_402 : i32 to index
        %get3A_404 = tpu.vector_load %arg6[%get3A_403] {strides = array<i32>} : memref<10240xi32, #tpu.memory_space<vmem>>, vector<16xi32>,
        %get3A_405 = vector.shape_cast %get3A_404 : vector<16xi32> to vector<16xi32>
        %and3A_406 = arith.constant 16383 : i32
        %and3A_407 = vector.broadcast %and3A_406 : i32 to vector<16xi32>
        %and3A_408 = arith.andi %get3A_405, %and3A_407 : vector<16xi32>
        %swap3A_409 = arith.constant 16 : index
        %swap3A_410 = tpu.vector_load %arg9[%swap3A_409] {strides = array<i32>} : memref<64xi32, #tpu.memory_space<vmem>>, vector<16xi32>,
        %swap3A_411 = vector.shape_cast %swap3A_410 : vector<16xi32> to vector<16xi32>
        %swap3A_412 = vector.shape_cast %and3A_408 : vector<16xi32> to vector<16xi32>
        tpu.vector_store %arg9[%swap3A_409], %swap3A_412 {strides = array<i32>} : memref<64xi32, #tpu.memory_space<vmem>>, vector<16xi32>,
        %shift_right_arithmetic3A_413 = arith.constant 14 : i32
        %shift_right_arithmetic3A_414 = vector.broadcast %shift_right_arithmetic3A_413 : i32 to vector<16xi32>
        %shift_right_arithmetic3A_415 = arith.shrsi %get3A_405, %shift_right_arithmetic3A_414 : vector<16xi32>
        %swap3A_416 = arith.constant 0 : i32
        %swap3A_417 = arith.index_cast %swap3A_416 : i32 to index
        %swap3A_418 = arith.constant 16 : index
        %swap3A_419 = tpu.vector_load %arg13[%swap3A_417, %swap3A_418] {strides = array<i32>} : memref<1x64xi32, #tpu.memory_space<vmem>>, vector<1x16xi32>,
        %swap3A_420 = vector.shape_cast %swap3A_419 : vector<1x16xi32> to vector<16xi32>
        %swap3A_421 = vector.shape_cast %shift_right_arithmetic3A_415 : vector<16xi32> to vector<1x16xi32>
        tpu.vector_store %arg13[%swap3A_417, %swap3A_418], %swap3A_421 {strides = array<i32>} : memref<1x64xi32, #tpu.memory_space<vmem>>, vector<1x16xi32>,
        %mul3A_422 = arith.constant 64 : i32
        %mul3A_423 = arith.muli %add3A_340, %mul3A_422 : i32
        %add3A_424 = arith.constant 32 : i32
        %add3A_425 = arith.addi %mul3A_423, %add3A_424 : i32
        %get3A_426 = arith.index_cast %add3A_425 : i32 to index
        %get3A_427 = tpu.vector_load %arg6[%get3A_426] {strides = array<i32>} : memref<10240xi32, #tpu.memory_space<vmem>>, vector<16xi32>,
        %get3A_428 = vector.shape_cast %get3A_427 : vector<16xi32> to vector<16xi32>
        %and3A_429 = arith.constant 16383 : i32
        %and3A_430 = vector.broadcast %and3A_429 : i32 to vector<16xi32>
        %and3A_431 = arith.andi %get3A_428, %and3A_430 : vector<16xi32>
        %swap3A_432 = arith.constant 32 : index
        %swap3A_433 = tpu.vector_load %arg9[%swap3A_432] {strides = array<i32>} : memref<64xi32, #tpu.memory_space<vmem>>, vector<16xi32>,
        %swap3A_434 = vector.shape_cast %swap3A_433 : vector<16xi32> to vector<16xi32>
        %swap3A_435 = vector.shape_cast %and3A_431 : vector<16xi32> to vector<16xi32>
        tpu.vector_store %arg9[%swap3A_432], %swap3A_435 {strides = array<i32>} : memref<64xi32, #tpu.memory_space<vmem>>, vector<16xi32>,
        %shift_right_arithmetic3A_436 = arith.constant 14 : i32
        %shift_right_arithmetic3A_437 = vector.broadcast %shift_right_arithmetic3A_436 : i32 to vector<16xi32>
        %shift_right_arithmetic3A_438 = arith.shrsi %get3A_428, %shift_right_arithmetic3A_437 : vector<16xi32>
        %swap3A_439 = arith.constant 0 : i32
        %swap3A_440 = arith.index_cast %swap3A_439 : i32 to index
        %swap3A_441 = arith.constant 32 : index
        %swap3A_442 = tpu.vector_load %arg13[%swap3A_440, %swap3A_441] {strides = array<i32>} : memref<1x64xi32, #tpu.memory_space<vmem>>, vector<1x16xi32>,
        %swap3A_443 = vector.shape_cast %swap3A_442 : vector<1x16xi32> to vector<16xi32>
        %swap3A_444 = vector.shape_cast %shift_right_arithmetic3A_438 : vector<16xi32> to vector<1x16xi32>
        tpu.vector_store %arg13[%swap3A_440, %swap3A_441], %swap3A_444 {strides = array<i32>} : memref<1x64xi32, #tpu.memory_space<vmem>>, vector<1x16xi32>,
        %mul3A_445 = arith.constant 64 : i32
        %mul3A_446 = arith.muli %add3A_340, %mul3A_445 : i32
        %add3A_447 = arith.constant 48 : i32
        %add3A_448 = arith.addi %mul3A_446, %add3A_447 : i32
        %get3A_449 = arith.index_cast %add3A_448 : i32 to index
        %get3A_450 = tpu.vector_load %arg6[%get3A_449] {strides = array<i32>} : memref<10240xi32, #tpu.memory_space<vmem>>, vector<16xi32>,
        %get3A_451 = vector.shape_cast %get3A_450 : vector<16xi32> to vector<16xi32>
        %and3A_452 = arith.constant 16383 : i32
        %and3A_453 = vector.broadcast %and3A_452 : i32 to vector<16xi32>
        %and3A_454 = arith.andi %get3A_451, %and3A_453 : vector<16xi32>
        %swap3A_455 = arith.constant 48 : index
        %swap3A_456 = tpu.vector_load %arg9[%swap3A_455] {strides = array<i32>} : memref<64xi32, #tpu.memory_space<vmem>>, vector<16xi32>,
        %swap3A_457 = vector.shape_cast %swap3A_456 : vector<16xi32> to vector<16xi32>
        %swap3A_458 = vector.shape_cast %and3A_454 : vector<16xi32> to vector<16xi32>
        tpu.vector_store %arg9[%swap3A_455], %swap3A_458 {strides = array<i32>} : memref<64xi32, #tpu.memory_space<vmem>>, vector<16xi32>,
        %shift_right_arithmetic3A_459 = arith.constant 14 : i32
        %shift_right_arithmetic3A_460 = vector.broadcast %shift_right_arithmetic3A_459 : i32 to vector<16xi32>
        %shift_right_arithmetic3A_461 = arith.shrsi %get3A_451, %shift_right_arithmetic3A_460 : vector<16xi32>
        %swap3A_462 = arith.constant 0 : i32
        %swap3A_463 = arith.index_cast %swap3A_462 : i32 to index
        %swap3A_464 = arith.constant 48 : index
        %swap3A_465 = tpu.vector_load %arg13[%swap3A_463, %swap3A_464] {strides = array<i32>} : memref<1x64xi32, #tpu.memory_space<vmem>>, vector<1x16xi32>,
        %swap3A_466 = vector.shape_cast %swap3A_465 : vector<1x16xi32> to vector<16xi32>
        %swap3A_467 = vector.shape_cast %shift_right_arithmetic3A_461 : vector<16xi32> to vector<1x16xi32>
        tpu.vector_store %arg13[%swap3A_463, %swap3A_464], %swap3A_467 {strides = array<i32>} : memref<1x64xi32, #tpu.memory_space<vmem>>, vector<1x16xi32>,
        %dma_start3A_468 = arith.constant 0 : i32
        %dma_start3A_469 = arith.constant 0 : i32
        %dma_start3A_470 = tpu.memref_slice %arg2[%dma_start3A_468, %dma_start3A_469] : memref<10240x128xf32, #tpu.memory_space<hbm>> -> memref<10240x128xf32, #tpu.memory_space<hbm>>
        tpu.enqueue_indirect_dma source(%dma_start3A_470 : memref<10240x128xf32, #tpu.memory_space<hbm>>) target(%arg17 : memref<64x128xf32, #tpu.memory_space<vmem>>) offsets(%arg9 : memref<64xi32, #tpu.memory_space<vmem>>) semaphore(%arg21 : memref<!tpu.dma_semaphore, #tpu.memory_space<semaphore_mem>>)
      } else {
      }
      %mul3A_346 = arith.constant 4 : i32
      %mul3A_347 = arith.muli %mul3A_346, %scan3A_320 : i32
      %add3A_348 = arith.constant 2 : i32
      %add3A_349 = arith.addi %mul3A_347, %add3A_348 : i32
      %dma_wait3A_350 = arith.constant 0 : i32
      %dma_wait3A_351 = arith.constant 0 : i32
      %dma_wait3A_352 = tpu.memref_slice %arg2[%dma_wait3A_350, %dma_wait3A_351] : memref<10240x128xf32, #tpu.memory_space<hbm>> -> memref<10240x128xf32, #tpu.memory_space<hbm>>
      tpu.wait_indirect_dma semaphore(%arg22 : memref<!tpu.dma_semaphore, #tpu.memory_space<semaphore_mem>>) src(%dma_wait3A_352 : memref<10240x128xf32, #tpu.memory_space<hbm>>) dst(%arg18 : memref<64x128xf32, #tpu.memory_space<vmem>>)
      %run_scoped3A_353 = arith.constant 0 : i32
      "tpu.region"() ({
        %run_scoped3A_376 = tpu.sem_alloc : memref<!tpu.dma_semaphore, #tpu.memory_space<semaphore_mem>>
        %dma_start3A_377 = arith.constant 0 : i32
        %dma_start3A_378 = tpu.memref_slice %arg14[%run_scoped3A_353, %dma_start3A_377] : memref<1x64xi32, #tpu.memory_space<vmem>> -> memref<1x64xi32, #tpu.memory_space<vmem>>
        %dma_start3A_379 = tpu.memref_squeeze %dma_start3A_378 : memref<1x64xi32, #tpu.memory_space<vmem>> -> memref<64xi32, #tpu.memory_space<vmem>>
        %dma_start3A_380 = arith.constant 0 : i32
        %dma_start3A_381 = arith.constant 0 : i32
        %dma_start3A_382 = tpu.memref_slice %arg7[%dma_start3A_380, %dma_start3A_381] : memref<10240x128xf32, #tpu.memory_space<vmem_shared>> -> memref<10240x128xf32, #tpu.memory_space<vmem_shared>>
        tpu.enqueue_indirect_dma source(%arg18 : memref<64x128xf32, #tpu.memory_space<vmem>>) target(%dma_start3A_382 : memref<10240x128xf32, #tpu.memory_space<vmem_shared>>) offsets(%dma_start3A_379 : memref<64xi32, #tpu.memory_space<vmem>>) semaphore(%run_scoped3A_376 : memref<!tpu.dma_semaphore, #tpu.memory_space<semaphore_mem>>) {add = true}
        %dma_wait3A_383 = arith.constant 0 : i32
        %dma_wait3A_384 = tpu.memref_slice %arg14[%run_scoped3A_353, %dma_wait3A_383] : memref<1x64xi32, #tpu.memory_space<vmem>> -> memref<1x64xi32, #tpu.memory_space<vmem>>
        %dma_wait3A_385 = tpu.memref_squeeze %dma_wait3A_384 : memref<1x64xi32, #tpu.memory_space<vmem>> -> memref<64xi32, #tpu.memory_space<vmem>>
        %dma_wait3A_386 = arith.constant 0 : i32
        %dma_wait3A_387 = arith.constant 0 : i32
        %dma_wait3A_388 = tpu.memref_slice %arg7[%dma_wait3A_386, %dma_wait3A_387] : memref<10240x128xf32, #tpu.memory_space<vmem_shared>> -> memref<10240x128xf32, #tpu.memory_space<vmem_shared>>
        tpu.wait_indirect_dma semaphore(%run_scoped3A_376 : memref<!tpu.dma_semaphore, #tpu.memory_space<semaphore_mem>>) src(%arg18 : memref<64x128xf32, #tpu.memory_space<vmem>>) dst(%dma_wait3A_388 : memref<10240x128xf32, #tpu.memory_space<vmem_shared>>)
        tpu.yield
      }) : () -> ()
      %add3A_354 = arith.constant 4 : i32
      %add3A_355 = arith.addi %add3A_349, %add3A_354 : i32
      %lt3A_356 = arith.constant 160 : i32
      %lt3A_357 = arith.cmpi slt, %add3A_355, %lt3A_356 : i32
      %convert_element_type3A_358 = arith.extui %lt3A_357 : i1 to i32
      %cond3A_359 = arith.constant 0 : i32
      %cond3A_360 = arith.cmpi ne, %convert_element_type3A_358, %cond3A_359 : i32
      scf.if %cond3A_360 {
        %mul3A_376 = arith.constant 64 : i32
        %mul3A_377 = arith.muli %add3A_355, %mul3A_376 : i32
        %add3A_378 = arith.constant 0 : i32
        %add3A_379 = arith.addi %mul3A_377, %add3A_378 : i32
        %get3A_380 = arith.index_cast %add3A_379 : i32 to index
        %get3A_381 = tpu.vector_load %arg6[%get3A_380] {strides = array<i32>} : memref<10240xi32, #tpu.memory_space<vmem>>, vector<16xi32>,
        %get3A_382 = vector.shape_cast %get3A_381 : vector<16xi32> to vector<16xi32>
        %and3A_383 = arith.constant 16383 : i32
        %and3A_384 = vector.broadcast %and3A_383 : i32 to vector<16xi32>
        %and3A_385 = arith.andi %get3A_382, %and3A_384 : vector<16xi32>
        %swap3A_386 = arith.constant 0 : index
        %swap3A_387 = tpu.vector_load %arg10[%swap3A_386] {strides = array<i32>} : memref<64xi32, #tpu.memory_space<vmem>>, vector<16xi32>,
        %swap3A_388 = vector.shape_cast %swap3A_387 : vector<16xi32> to vector<16xi32>
        %swap3A_389 = vector.shape_cast %and3A_385 : vector<16xi32> to vector<16xi32>
        tpu.vector_store %arg10[%swap3A_386], %swap3A_389 {strides = array<i32>} : memref<64xi32, #tpu.memory_space<vmem>>, vector<16xi32>,
        %shift_right_arithmetic3A_390 = arith.constant 14 : i32
        %shift_right_arithmetic3A_391 = vector.broadcast %shift_right_arithmetic3A_390 : i32 to vector<16xi32>
        %shift_right_arithmetic3A_392 = arith.shrsi %get3A_382, %shift_right_arithmetic3A_391 : vector<16xi32>
        %swap3A_393 = arith.constant 0 : i32
        %swap3A_394 = arith.index_cast %swap3A_393 : i32 to index
        %swap3A_395 = arith.constant 0 : index
        %swap3A_396 = tpu.vector_load %arg14[%swap3A_394, %swap3A_395] {strides = array<i32>} : memref<1x64xi32, #tpu.memory_space<vmem>>, vector<1x16xi32>,
        %swap3A_397 = vector.shape_cast %swap3A_396 : vector<1x16xi32> to vector<16xi32>
        %swap3A_398 = vector.shape_cast %shift_right_arithmetic3A_392 : vector<16xi32> to vector<1x16xi32>
        tpu.vector_store %arg14[%swap3A_394, %swap3A_395], %swap3A_398 {strides = array<i32>} : memref<1x64xi32, #tpu.memory_space<vmem>>, vector<1x16xi32>,
        %mul3A_399 = arith.constant 64 : i32
        %mul3A_400 = arith.muli %add3A_355, %mul3A_399 : i32
        %add3A_401 = arith.constant 16 : i32
        %add3A_402 = arith.addi %mul3A_400, %add3A_401 : i32
        %get3A_403 = arith.index_cast %add3A_402 : i32 to index
        %get3A_404 = tpu.vector_load %arg6[%get3A_403] {strides = array<i32>} : memref<10240xi32, #tpu.memory_space<vmem>>, vector<16xi32>,
        %get3A_405 = vector.shape_cast %get3A_404 : vector<16xi32> to vector<16xi32>
        %and3A_406 = arith.constant 16383 : i32
        %and3A_407 = vector.broadcast %and3A_406 : i32 to vector<16xi32>
        %and3A_408 = arith.andi %get3A_405, %and3A_407 : vector<16xi32>
        %swap3A_409 = arith.constant 16 : index
        %swap3A_410 = tpu.vector_load %arg10[%swap3A_409] {strides = array<i32>} : memref<64xi32, #tpu.memory_space<vmem>>, vector<16xi32>,
        %swap3A_411 = vector.shape_cast %swap3A_410 : vector<16xi32> to vector<16xi32>
        %swap3A_412 = vector.shape_cast %and3A_408 : vector<16xi32> to vector<16xi32>
        tpu.vector_store %arg10[%swap3A_409], %swap3A_412 {strides = array<i32>} : memref<64xi32, #tpu.memory_space<vmem>>, vector<16xi32>,
        %shift_right_arithmetic3A_413 = arith.constant 14 : i32
        %shift_right_arithmetic3A_414 = vector.broadcast %shift_right_arithmetic3A_413 : i32 to vector<16xi32>
        %shift_right_arithmetic3A_415 = arith.shrsi %get3A_405, %shift_right_arithmetic3A_414 : vector<16xi32>
        %swap3A_416 = arith.constant 0 : i32
        %swap3A_417 = arith.index_cast %swap3A_416 : i32 to index
        %swap3A_418 = arith.constant 16 : index
        %swap3A_419 = tpu.vector_load %arg14[%swap3A_417, %swap3A_418] {strides = array<i32>} : memref<1x64xi32, #tpu.memory_space<vmem>>, vector<1x16xi32>,
        %swap3A_420 = vector.shape_cast %swap3A_419 : vector<1x16xi32> to vector<16xi32>
        %swap3A_421 = vector.shape_cast %shift_right_arithmetic3A_415 : vector<16xi32> to vector<1x16xi32>
        tpu.vector_store %arg14[%swap3A_417, %swap3A_418], %swap3A_421 {strides = array<i32>} : memref<1x64xi32, #tpu.memory_space<vmem>>, vector<1x16xi32>,
        %mul3A_422 = arith.constant 64 : i32
        %mul3A_423 = arith.muli %add3A_355, %mul3A_422 : i32
        %add3A_424 = arith.constant 32 : i32
        %add3A_425 = arith.addi %mul3A_423, %add3A_424 : i32
        %get3A_426 = arith.index_cast %add3A_425 : i32 to index
        %get3A_427 = tpu.vector_load %arg6[%get3A_426] {strides = array<i32>} : memref<10240xi32, #tpu.memory_space<vmem>>, vector<16xi32>,
        %get3A_428 = vector.shape_cast %get3A_427 : vector<16xi32> to vector<16xi32>
        %and3A_429 = arith.constant 16383 : i32
        %and3A_430 = vector.broadcast %and3A_429 : i32 to vector<16xi32>
        %and3A_431 = arith.andi %get3A_428, %and3A_430 : vector<16xi32>
        %swap3A_432 = arith.constant 32 : index
        %swap3A_433 = tpu.vector_load %arg10[%swap3A_432] {strides = array<i32>} : memref<64xi32, #tpu.memory_space<vmem>>, vector<16xi32>,
        %swap3A_434 = vector.shape_cast %swap3A_433 : vector<16xi32> to vector<16xi32>
        %swap3A_435 = vector.shape_cast %and3A_431 : vector<16xi32> to vector<16xi32>
        tpu.vector_store %arg10[%swap3A_432], %swap3A_435 {strides = array<i32>} : memref<64xi32, #tpu.memory_space<vmem>>, vector<16xi32>,
        %shift_right_arithmetic3A_436 = arith.constant 14 : i32
        %shift_right_arithmetic3A_437 = vector.broadcast %shift_right_arithmetic3A_436 : i32 to vector<16xi32>
        %shift_right_arithmetic3A_438 = arith.shrsi %get3A_428, %shift_right_arithmetic3A_437 : vector<16xi32>
        %swap3A_439 = arith.constant 0 : i32
        %swap3A_440 = arith.index_cast %swap3A_439 : i32 to index
        %swap3A_441 = arith.constant 32 : index
        %swap3A_442 = tpu.vector_load %arg14[%swap3A_440, %swap3A_441] {strides = array<i32>} : memref<1x64xi32, #tpu.memory_space<vmem>>, vector<1x16xi32>,
        %swap3A_443 = vector.shape_cast %swap3A_442 : vector<1x16xi32> to vector<16xi32>
        %swap3A_444 = vector.shape_cast %shift_right_arithmetic3A_438 : vector<16xi32> to vector<1x16xi32>
        tpu.vector_store %arg14[%swap3A_440, %swap3A_441], %swap3A_444 {strides = array<i32>} : memref<1x64xi32, #tpu.memory_space<vmem>>, vector<1x16xi32>,
        %mul3A_445 = arith.constant 64 : i32
        %mul3A_446 = arith.muli %add3A_355, %mul3A_445 : i32
        %add3A_447 = arith.constant 48 : i32
        %add3A_448 = arith.addi %mul3A_446, %add3A_447 : i32
        %get3A_449 = arith.index_cast %add3A_448 : i32 to index
        %get3A_450 = tpu.vector_load %arg6[%get3A_449] {strides = array<i32>} : memref<10240xi32, #tpu.memory_space<vmem>>, vector<16xi32>,
        %get3A_451 = vector.shape_cast %get3A_450 : vector<16xi32> to vector<16xi32>
        %and3A_452 = arith.constant 16383 : i32
        %and3A_453 = vector.broadcast %and3A_452 : i32 to vector<16xi32>
        %and3A_454 = arith.andi %get3A_451, %and3A_453 : vector<16xi32>
        %swap3A_455 = arith.constant 48 : index
        %swap3A_456 = tpu.vector_load %arg10[%swap3A_455] {strides = array<i32>} : memref<64xi32, #tpu.memory_space<vmem>>, vector<16xi32>,
        %swap3A_457 = vector.shape_cast %swap3A_456 : vector<16xi32> to vector<16xi32>
        %swap3A_458 = vector.shape_cast %and3A_454 : vector<16xi32> to vector<16xi32>
        tpu.vector_store %arg10[%swap3A_455], %swap3A_458 {strides = array<i32>} : memref<64xi32, #tpu.memory_space<vmem>>, vector<16xi32>,
        %shift_right_arithmetic3A_459 = arith.constant 14 : i32
        %shift_right_arithmetic3A_460 = vector.broadcast %shift_right_arithmetic3A_459 : i32 to vector<16xi32>
        %shift_right_arithmetic3A_461 = arith.shrsi %get3A_451, %shift_right_arithmetic3A_460 : vector<16xi32>
        %swap3A_462 = arith.constant 0 : i32
        %swap3A_463 = arith.index_cast %swap3A_462 : i32 to index
        %swap3A_464 = arith.constant 48 : index
        %swap3A_465 = tpu.vector_load %arg14[%swap3A_463, %swap3A_464] {strides = array<i32>} : memref<1x64xi32, #tpu.memory_space<vmem>>, vector<1x16xi32>,
        %swap3A_466 = vector.shape_cast %swap3A_465 : vector<1x16xi32> to vector<16xi32>
        %swap3A_467 = vector.shape_cast %shift_right_arithmetic3A_461 : vector<16xi32> to vector<1x16xi32>
        tpu.vector_store %arg14[%swap3A_463, %swap3A_464], %swap3A_467 {strides = array<i32>} : memref<1x64xi32, #tpu.memory_space<vmem>>, vector<1x16xi32>,
        %dma_start3A_468 = arith.constant 0 : i32
        %dma_start3A_469 = arith.constant 0 : i32
        %dma_start3A_470 = tpu.memref_slice %arg2[%dma_start3A_468, %dma_start3A_469] : memref<10240x128xf32, #tpu.memory_space<hbm>> -> memref<10240x128xf32, #tpu.memory_space<hbm>>
        tpu.enqueue_indirect_dma source(%dma_start3A_470 : memref<10240x128xf32, #tpu.memory_space<hbm>>) target(%arg18 : memref<64x128xf32, #tpu.memory_space<vmem>>) offsets(%arg10 : memref<64xi32, #tpu.memory_space<vmem>>) semaphore(%arg22 : memref<!tpu.dma_semaphore, #tpu.memory_space<semaphore_mem>>)
      } else {
      }
      %mul3A_361 = arith.constant 4 : i32
      %mul3A_362 = arith.muli %mul3A_361, %scan3A_320 : i32
      %add3A_363 = arith.constant 3 : i32
      %add3A_364 = arith.addi %mul3A_362, %add3A_363 : i32
      %dma_wait3A_365 = arith.constant 0 : i32
      %dma_wait3A_366 = arith.constant 0 : i32
      %dma_wait3A_367 = tpu.memref_slice %arg2[%dma_wait3A_365, %dma_wait3A_366] : memref<10240x128xf32, #tpu.memory_space<hbm>> -> memref<10240x128xf32, #tpu.memory_space<hbm>>
      tpu.wait_indirect_dma semaphore(%arg23 : memref<!tpu.dma_semaphore, #tpu.memory_space<semaphore_mem>>) src(%dma_wait3A_367 : memref<10240x128xf32, #tpu.memory_space<hbm>>) dst(%arg19 : memref<64x128xf32, #tpu.memory_space<vmem>>)
      %run_scoped3A_368 = arith.constant 0 : i32
      "tpu.region"() ({
        %run_scoped3A_376 = tpu.sem_alloc : memref<!tpu.dma_semaphore, #tpu.memory_space<semaphore_mem>>
        %dma_start3A_377 = arith.constant 0 : i32
        %dma_start3A_378 = tpu.memref_slice %arg15[%run_scoped3A_368, %dma_start3A_377] : memref<1x64xi32, #tpu.memory_space<vmem>> -> memref<1x64xi32, #tpu.memory_space<vmem>>
        %dma_start3A_379 = tpu.memref_squeeze %dma_start3A_378 : memref<1x64xi32, #tpu.memory_space<vmem>> -> memref<64xi32, #tpu.memory_space<vmem>>
        %dma_start3A_380 = arith.constant 0 : i32
        %dma_start3A_381 = arith.constant 0 : i32
        %dma_start3A_382 = tpu.memref_slice %arg7[%dma_start3A_380, %dma_start3A_381] : memref<10240x128xf32, #tpu.memory_space<vmem_shared>> -> memref<10240x128xf32, #tpu.memory_space<vmem_shared>>
        tpu.enqueue_indirect_dma source(%arg19 : memref<64x128xf32, #tpu.memory_space<vmem>>) target(%dma_start3A_382 : memref<10240x128xf32, #tpu.memory_space<vmem_shared>>) offsets(%dma_start3A_379 : memref<64xi32, #tpu.memory_space<vmem>>) semaphore(%run_scoped3A_376 : memref<!tpu.dma_semaphore, #tpu.memory_space<semaphore_mem>>) {add = true}
        %dma_wait3A_383 = arith.constant 0 : i32
        %dma_wait3A_384 = tpu.memref_slice %arg15[%run_scoped3A_368, %dma_wait3A_383] : memref<1x64xi32, #tpu.memory_space<vmem>> -> memref<1x64xi32, #tpu.memory_space<vmem>>
        %dma_wait3A_385 = tpu.memref_squeeze %dma_wait3A_384 : memref<1x64xi32, #tpu.memory_space<vmem>> -> memref<64xi32, #tpu.memory_space<vmem>>
        %dma_wait3A_386 = arith.constant 0 : i32
        %dma_wait3A_387 = arith.constant 0 : i32
        %dma_wait3A_388 = tpu.memref_slice %arg7[%dma_wait3A_386, %dma_wait3A_387] : memref<10240x128xf32, #tpu.memory_space<vmem_shared>> -> memref<10240x128xf32, #tpu.memory_space<vmem_shared>>
        tpu.wait_indirect_dma semaphore(%run_scoped3A_376 : memref<!tpu.dma_semaphore, #tpu.memory_space<semaphore_mem>>) src(%arg19 : memref<64x128xf32, #tpu.memory_space<vmem>>) dst(%dma_wait3A_388 : memref<10240x128xf32, #tpu.memory_space<vmem_shared>>)
        tpu.yield
      }) : () -> ()
      %add3A_369 = arith.constant 4 : i32
      %add3A_370 = arith.addi %add3A_364, %add3A_369 : i32
      %lt3A_371 = arith.constant 160 : i32
      %lt3A_372 = arith.cmpi slt, %add3A_370, %lt3A_371 : i32
      %convert_element_type3A_373 = arith.extui %lt3A_372 : i1 to i32
      %cond3A_374 = arith.constant 0 : i32
      %cond3A_375 = arith.cmpi ne, %convert_element_type3A_373, %cond3A_374 : i32
      scf.if %cond3A_375 {
        %mul3A_376 = arith.constant 64 : i32
        %mul3A_377 = arith.muli %add3A_370, %mul3A_376 : i32
        %add3A_378 = arith.constant 0 : i32
        %add3A_379 = arith.addi %mul3A_377, %add3A_378 : i32
        %get3A_380 = arith.index_cast %add3A_379 : i32 to index
        %get3A_381 = tpu.vector_load %arg6[%get3A_380] {strides = array<i32>} : memref<10240xi32, #tpu.memory_space<vmem>>, vector<16xi32>,
        %get3A_382 = vector.shape_cast %get3A_381 : vector<16xi32> to vector<16xi32>
        %and3A_383 = arith.constant 16383 : i32
        %and3A_384 = vector.broadcast %and3A_383 : i32 to vector<16xi32>
        %and3A_385 = arith.andi %get3A_382, %and3A_384 : vector<16xi32>
        %swap3A_386 = arith.constant 0 : index
        %swap3A_387 = tpu.vector_load %arg11[%swap3A_386] {strides = array<i32>} : memref<64xi32, #tpu.memory_space<vmem>>, vector<16xi32>,
        %swap3A_388 = vector.shape_cast %swap3A_387 : vector<16xi32> to vector<16xi32>
        %swap3A_389 = vector.shape_cast %and3A_385 : vector<16xi32> to vector<16xi32>
        tpu.vector_store %arg11[%swap3A_386], %swap3A_389 {strides = array<i32>} : memref<64xi32, #tpu.memory_space<vmem>>, vector<16xi32>,
        %shift_right_arithmetic3A_390 = arith.constant 14 : i32
        %shift_right_arithmetic3A_391 = vector.broadcast %shift_right_arithmetic3A_390 : i32 to vector<16xi32>
        %shift_right_arithmetic3A_392 = arith.shrsi %get3A_382, %shift_right_arithmetic3A_391 : vector<16xi32>
        %swap3A_393 = arith.constant 0 : i32
        %swap3A_394 = arith.index_cast %swap3A_393 : i32 to index
        %swap3A_395 = arith.constant 0 : index
        %swap3A_396 = tpu.vector_load %arg15[%swap3A_394, %swap3A_395] {strides = array<i32>} : memref<1x64xi32, #tpu.memory_space<vmem>>, vector<1x16xi32>,
        %swap3A_397 = vector.shape_cast %swap3A_396 : vector<1x16xi32> to vector<16xi32>
        %swap3A_398 = vector.shape_cast %shift_right_arithmetic3A_392 : vector<16xi32> to vector<1x16xi32>
        tpu.vector_store %arg15[%swap3A_394, %swap3A_395], %swap3A_398 {strides = array<i32>} : memref<1x64xi32, #tpu.memory_space<vmem>>, vector<1x16xi32>,
        %mul3A_399 = arith.constant 64 : i32
        %mul3A_400 = arith.muli %add3A_370, %mul3A_399 : i32
        %add3A_401 = arith.constant 16 : i32
        %add3A_402 = arith.addi %mul3A_400, %add3A_401 : i32
        %get3A_403 = arith.index_cast %add3A_402 : i32 to index
        %get3A_404 = tpu.vector_load %arg6[%get3A_403] {strides = array<i32>} : memref<10240xi32, #tpu.memory_space<vmem>>, vector<16xi32>,
        %get3A_405 = vector.shape_cast %get3A_404 : vector<16xi32> to vector<16xi32>
        %and3A_406 = arith.constant 16383 : i32
        %and3A_407 = vector.broadcast %and3A_406 : i32 to vector<16xi32>
        %and3A_408 = arith.andi %get3A_405, %and3A_407 : vector<16xi32>
        %swap3A_409 = arith.constant 16 : index
        %swap3A_410 = tpu.vector_load %arg11[%swap3A_409] {strides = array<i32>} : memref<64xi32, #tpu.memory_space<vmem>>, vector<16xi32>,
        %swap3A_411 = vector.shape_cast %swap3A_410 : vector<16xi32> to vector<16xi32>
        %swap3A_412 = vector.shape_cast %and3A_408 : vector<16xi32> to vector<16xi32>
        tpu.vector_store %arg11[%swap3A_409], %swap3A_412 {strides = array<i32>} : memref<64xi32, #tpu.memory_space<vmem>>, vector<16xi32>,
        %shift_right_arithmetic3A_413 = arith.constant 14 : i32
        %shift_right_arithmetic3A_414 = vector.broadcast %shift_right_arithmetic3A_413 : i32 to vector<16xi32>
        %shift_right_arithmetic3A_415 = arith.shrsi %get3A_405, %shift_right_arithmetic3A_414 : vector<16xi32>
        %swap3A_416 = arith.constant 0 : i32
        %swap3A_417 = arith.index_cast %swap3A_416 : i32 to index
        %swap3A_418 = arith.constant 16 : index
        %swap3A_419 = tpu.vector_load %arg15[%swap3A_417, %swap3A_418] {strides = array<i32>} : memref<1x64xi32, #tpu.memory_space<vmem>>, vector<1x16xi32>,
        %swap3A_420 = vector.shape_cast %swap3A_419 : vector<1x16xi32> to vector<16xi32>
        %swap3A_421 = vector.shape_cast %shift_right_arithmetic3A_415 : vector<16xi32> to vector<1x16xi32>
        tpu.vector_store %arg15[%swap3A_417, %swap3A_418], %swap3A_421 {strides = array<i32>} : memref<1x64xi32, #tpu.memory_space<vmem>>, vector<1x16xi32>,
        %mul3A_422 = arith.constant 64 : i32
        %mul3A_423 = arith.muli %add3A_370, %mul3A_422 : i32
        %add3A_424 = arith.constant 32 : i32
        %add3A_425 = arith.addi %mul3A_423, %add3A_424 : i32
        %get3A_426 = arith.index_cast %add3A_425 : i32 to index
        %get3A_427 = tpu.vector_load %arg6[%get3A_426] {strides = array<i32>} : memref<10240xi32, #tpu.memory_space<vmem>>, vector<16xi32>,
        %get3A_428 = vector.shape_cast %get3A_427 : vector<16xi32> to vector<16xi32>
        %and3A_429 = arith.constant 16383 : i32
        %and3A_430 = vector.broadcast %and3A_429 : i32 to vector<16xi32>
        %and3A_431 = arith.andi %get3A_428, %and3A_430 : vector<16xi32>
        %swap3A_432 = arith.constant 32 : index
        %swap3A_433 = tpu.vector_load %arg11[%swap3A_432] {strides = array<i32>} : memref<64xi32, #tpu.memory_space<vmem>>, vector<16xi32>,
        %swap3A_434 = vector.shape_cast %swap3A_433 : vector<16xi32> to vector<16xi32>
        %swap3A_435 = vector.shape_cast %and3A_431 : vector<16xi32> to vector<16xi32>
        tpu.vector_store %arg11[%swap3A_432], %swap3A_435 {strides = array<i32>} : memref<64xi32, #tpu.memory_space<vmem>>, vector<16xi32>,
        %shift_right_arithmetic3A_436 = arith.constant 14 : i32
        %shift_right_arithmetic3A_437 = vector.broadcast %shift_right_arithmetic3A_436 : i32 to vector<16xi32>
        %shift_right_arithmetic3A_438 = arith.shrsi %get3A_428, %shift_right_arithmetic3A_437 : vector<16xi32>
        %swap3A_439 = arith.constant 0 : i32
        %swap3A_440 = arith.index_cast %swap3A_439 : i32 to index
        %swap3A_441 = arith.constant 32 : index
        %swap3A_442 = tpu.vector_load %arg15[%swap3A_440, %swap3A_441] {strides = array<i32>} : memref<1x64xi32, #tpu.memory_space<vmem>>, vector<1x16xi32>,
        %swap3A_443 = vector.shape_cast %swap3A_442 : vector<1x16xi32> to vector<16xi32>
        %swap3A_444 = vector.shape_cast %shift_right_arithmetic3A_438 : vector<16xi32> to vector<1x16xi32>
        tpu.vector_store %arg15[%swap3A_440, %swap3A_441], %swap3A_444 {strides = array<i32>} : memref<1x64xi32, #tpu.memory_space<vmem>>, vector<1x16xi32>,
        %mul3A_445 = arith.constant 64 : i32
        %mul3A_446 = arith.muli %add3A_370, %mul3A_445 : i32
        %add3A_447 = arith.constant 48 : i32
        %add3A_448 = arith.addi %mul3A_446, %add3A_447 : i32
        %get3A_449 = arith.index_cast %add3A_448 : i32 to index
        %get3A_450 = tpu.vector_load %arg6[%get3A_449] {strides = array<i32>} : memref<10240xi32, #tpu.memory_space<vmem>>, vector<16xi32>,
        %get3A_451 = vector.shape_cast %get3A_450 : vector<16xi32> to vector<16xi32>
        %and3A_452 = arith.constant 16383 : i32
        %and3A_453 = vector.broadcast %and3A_452 : i32 to vector<16xi32>
        %and3A_454 = arith.andi %get3A_451, %and3A_453 : vector<16xi32>
        %swap3A_455 = arith.constant 48 : index
        %swap3A_456 = tpu.vector_load %arg11[%swap3A_455] {strides = array<i32>} : memref<64xi32, #tpu.memory_space<vmem>>, vector<16xi32>,
        %swap3A_457 = vector.shape_cast %swap3A_456 : vector<16xi32> to vector<16xi32>
        %swap3A_458 = vector.shape_cast %and3A_454 : vector<16xi32> to vector<16xi32>
        tpu.vector_store %arg11[%swap3A_455], %swap3A_458 {strides = array<i32>} : memref<64xi32, #tpu.memory_space<vmem>>, vector<16xi32>,
        %shift_right_arithmetic3A_459 = arith.constant 14 : i32
        %shift_right_arithmetic3A_460 = vector.broadcast %shift_right_arithmetic3A_459 : i32 to vector<16xi32>
        %shift_right_arithmetic3A_461 = arith.shrsi %get3A_451, %shift_right_arithmetic3A_460 : vector<16xi32>
        %swap3A_462 = arith.constant 0 : i32
        %swap3A_463 = arith.index_cast %swap3A_462 : i32 to index
        %swap3A_464 = arith.constant 48 : index
        %swap3A_465 = tpu.vector_load %arg15[%swap3A_463, %swap3A_464] {strides = array<i32>} : memref<1x64xi32, #tpu.memory_space<vmem>>, vector<1x16xi32>,
        %swap3A_466 = vector.shape_cast %swap3A_465 : vector<1x16xi32> to vector<16xi32>
        %swap3A_467 = vector.shape_cast %shift_right_arithmetic3A_461 : vector<16xi32> to vector<1x16xi32>
        tpu.vector_store %arg15[%swap3A_463, %swap3A_464], %swap3A_467 {strides = array<i32>} : memref<1x64xi32, #tpu.memory_space<vmem>>, vector<1x16xi32>,
        %dma_start3A_468 = arith.constant 0 : i32
        %dma_start3A_469 = arith.constant 0 : i32
        %dma_start3A_470 = tpu.memref_slice %arg2[%dma_start3A_468, %dma_start3A_469] : memref<10240x128xf32, #tpu.memory_space<hbm>> -> memref<10240x128xf32, #tpu.memory_space<hbm>>
        tpu.enqueue_indirect_dma source(%dma_start3A_470 : memref<10240x128xf32, #tpu.memory_space<hbm>>) target(%arg19 : memref<64x128xf32, #tpu.memory_space<vmem>>) offsets(%arg11 : memref<64xi32, #tpu.memory_space<vmem>>) semaphore(%arg23 : memref<!tpu.dma_semaphore, #tpu.memory_space<semaphore_mem>>)
      } else {
      }
    }
    %scan3A_318 = arith.constant 40 : i32
    %barrier3A_319 = arith.constant 0 : index
    tpu.barrier barrier_id(%barrier3A_319)
    "tpu.region"() ({
      %run_scoped3A = tpu.sem_alloc : memref<!tpu.dma_semaphore, #tpu.memory_space<semaphore_mem>>
      %dma_start3A_320 = arith.constant 0 : i32
      %dma_start3A_321 = tpu.memref_slice %arg5[%arg0, %mul3A_2, %dma_start3A_320] : memref<2x10240x128xf32, #tpu.memory_space<hbm>> -> memref<1x640x128xf32, #tpu.memory_space<hbm>>
      %dma_start3A_322 = tpu.memref_squeeze %dma_start3A_321 : memref<1x640x128xf32, #tpu.memory_space<hbm>> -> memref<640x128xf32, #tpu.memory_space<hbm>>
      %dma_start3A_323 = arith.constant 0 : i32
      %dma_start3A_324 = tpu.memref_slice %arg7[%mul3A_2, %dma_start3A_323] : memref<10240x128xf32, #tpu.memory_space<vmem_shared>> -> memref<640x128xf32, #tpu.memory_space<vmem_shared>>
      tpu.enqueue_dma source(%dma_start3A_324 : memref<640x128xf32, #tpu.memory_space<vmem_shared>>) target(%dma_start3A_322 : memref<640x128xf32, #tpu.memory_space<hbm>>) target_semaphore(%run_scoped3A : memref<!tpu.dma_semaphore, #tpu.memory_space<semaphore_mem>>)
      %dma_wait3A = arith.constant 0 : i32
      %dma_wait3A_325 = tpu.memref_slice %arg5[%arg0, %mul3A_2, %dma_wait3A] : memref<2x10240x128xf32, #tpu.memory_space<hbm>> -> memref<1x640x128xf32, #tpu.memory_space<hbm>>
      %dma_wait3A_326 = tpu.memref_squeeze %dma_wait3A_325 : memref<1x640x128xf32, #tpu.memory_space<hbm>> -> memref<640x128xf32, #tpu.memory_space<hbm>>
      %dma_wait3A_327 = arith.constant 0 : i32
      %dma_wait3A_328 = tpu.memref_slice %arg7[%mul3A_2, %dma_wait3A_327] : memref<10240x128xf32, #tpu.memory_space<vmem_shared>> -> memref<640x128xf32, #tpu.memory_space<vmem_shared>>
      tpu.wait_dma2 semaphore(%run_scoped3A : memref<!tpu.dma_semaphore, #tpu.memory_space<semaphore_mem>>) src(%dma_wait3A_328 : memref<640x128xf32, #tpu.memory_space<vmem_shared>>) dst(%dma_wait3A_326 : memref<640x128xf32, #tpu.memory_space<hbm>>)
      tpu.yield
    }) : () -> ()
    return
  }
}

module attributes {stable_mosaic.version = 14 : i64} {
  func.func @_tc_pre_body(%arg0: i32, %arg1: memref<1024x128xf32, #tpu.memory_space<vmem>>, %arg2: memref<128x128xf32, #tpu.memory_space<vmem>>, %arg3: memref<128x128xf32, #tpu.memory_space<vmem>>, %arg4: memref<1x128xf32, #tpu.memory_space<vmem>>, %arg5: memref<1024x128xf32, #tpu.memory_space<vmem>>, %arg6: memref<1024x128xf32, #tpu.memory_space<vmem>>) attributes {dimension_semantics = [#tpu.dimension_semantics<arbitrary>], iteration_bounds = array<i64: 10>, scalar_prefetch = 0 : i64, scratch_operands = 0 : i64, tpu.core_type = #tpu.core_type<tc>, window_params = [{transform_indices = @transform_0, window_bounds = array<i64: 1024, 128>}, {pipeline_mode = #tpu.pipeline_mode<synchronous>, transform_indices = @transform_1, window_bounds = array<i64: 128, 128>}, {pipeline_mode = #tpu.pipeline_mode<synchronous>, transform_indices = @transform_2, window_bounds = array<i64: 128, 128>}, {pipeline_mode = #tpu.pipeline_mode<synchronous>, transform_indices = @transform_3, window_bounds = array<i64: 1, 128>}, {transform_indices = @transform_4, window_bounds = array<i64: 1024, 128>}, {transform_indices = @transform_5, window_bounds = array<i64: 1024, 128>}]} {
    %get3A = arith.constant 0 : index
    %get3A_0 = arith.constant 0 : index
    %get3A_1 = vector.load %arg1[%get3A, %get3A_0] : memref<1024x128xf32, #tpu.memory_space<vmem>>, vector<1024x128xf32>
    %get3A_2 = arith.constant 0 : index
    %get3A_3 = arith.constant 0 : index
    %get3A_4 = vector.load %arg2[%get3A_2, %get3A_3] : memref<128x128xf32, #tpu.memory_space<vmem>>, vector<128x128xf32>
    %dot_general3A = arith.constant dense<0.000000e+00> : vector<1024x128xf32>
    %dot_general3A_5 = tpu.matmul %get3A_1, %get3A_4, %dot_general3A {dimension_numbers = #tpu.dot_dimension_numbers<[1], [0], [0], [1], [0, 0, 1, 1], [], []>, transpose_lhs_hint = false} : vector<1024x128xf32>, vector<128x128xf32>, vector<1024x128xf32> -> vector<1024x128xf32>
    %swap3A = arith.constant 0 : index
    %swap3A_6 = arith.constant 0 : index
    %swap3A_7 = vector.load %arg5[%swap3A, %swap3A_6] : memref<1024x128xf32, #tpu.memory_space<vmem>>, vector<1024x128xf32>
    tpu.vector_store %arg5[%swap3A, %swap3A_6], %dot_general3A_5 {strides = array<i32>} : memref<1024x128xf32, #tpu.memory_space<vmem>>, vector<1024x128xf32>,
    %get3A_8 = arith.constant 0 : index
    %get3A_9 = arith.constant 0 : index
    %get3A_10 = vector.load %arg3[%get3A_8, %get3A_9] : memref<128x128xf32, #tpu.memory_space<vmem>>, vector<128x128xf32>
    %dot_general3A_11 = arith.constant dense<0.000000e+00> : vector<1024x128xf32>
    %dot_general3A_12 = tpu.matmul %get3A_1, %get3A_10, %dot_general3A_11 {dimension_numbers = #tpu.dot_dimension_numbers<[1], [0], [0], [1], [0, 0, 1, 1], [], []>, transpose_lhs_hint = false} : vector<1024x128xf32>, vector<128x128xf32>, vector<1024x128xf32> -> vector<1024x128xf32>
    %get3A_13 = arith.constant 0 : index
    %get3A_14 = arith.constant 0 : index
    %get3A_15 = vector.load %arg4[%get3A_13, %get3A_14] : memref<1x128xf32, #tpu.memory_space<vmem>>, vector<1x128xf32>
    %add3A = vector.broadcast %get3A_15 : vector<1x128xf32> to vector<1024x128xf32>
    %add3A_16 = arith.addf %dot_general3A_12, %add3A : vector<1024x128xf32>
    %swap3A_17 = arith.constant 0 : index
    %swap3A_18 = arith.constant 0 : index
    %swap3A_19 = vector.load %arg6[%swap3A_17, %swap3A_18] : memref<1024x128xf32, #tpu.memory_space<vmem>>, vector<1024x128xf32>
    tpu.vector_store %arg6[%swap3A_17, %swap3A_18], %add3A_16 {strides = array<i32>} : memref<1024x128xf32, #tpu.memory_space<vmem>>, vector<1024x128xf32>,
    return
  }
  func.func @transform_0(%arg0: i32) -> (i32, i32) {
    %c0_i32 = arith.constant 0 : i32
    %c0_i32_0 = arith.constant 0 : i32
    return %arg0, %c0_i32 : i32, i32
  }
  func.func @transform_1(%arg0: i32) -> (i32, i32) {
    %c0_i32 = arith.constant 0 : i32
    %c0_i32_0 = arith.constant 0 : i32
    %c0_i32_1 = arith.constant 0 : i32
    return %c0_i32, %c0_i32_0 : i32, i32
  }
  func.func @transform_2(%arg0: i32) -> (i32, i32) {
    %c0_i32 = arith.constant 0 : i32
    %c0_i32_0 = arith.constant 0 : i32
    %c0_i32_1 = arith.constant 0 : i32
    return %c0_i32, %c0_i32_0 : i32, i32
  }
  func.func @transform_3(%arg0: i32) -> (i32, i32) {
    %c0_i32 = arith.constant 0 : i32
    %c0_i32_0 = arith.constant 0 : i32
    %c0_i32_1 = arith.constant 0 : i32
    return %c0_i32, %c0_i32_0 : i32, i32
  }
  func.func @transform_4(%arg0: i32) -> (i32, i32) {
    %c0_i32 = arith.constant 0 : i32
    %c0_i32_0 = arith.constant 0 : i32
    return %arg0, %c0_i32 : i32, i32
  }
  func.func @transform_5(%arg0: i32) -> (i32, i32) {
    %c0_i32 = arith.constant 0 : i32
    %c0_i32_0 = arith.constant 0 : i32
    return %arg0, %c0_i32 : i32, i32
  }
}

module attributes {stable_mosaic.version = 14 : i64} {
  func.func @_tc_mid_body(%arg0: i32, %arg1: memref<2x1024x128xf32, #tpu.memory_space<vmem>>, %arg2: memref<2x1024xf32, #tpu.memory_space<vmem>>, %arg3: memref<1024x128xf32, #tpu.memory_space<vmem>>, %arg4: memref<128x128xf32, #tpu.memory_space<vmem>>, %arg5: memref<128x128xf32, #tpu.memory_space<vmem>>, %arg6: memref<1x128xf32, #tpu.memory_space<vmem>>, %arg7: memref<1024x128xf32, #tpu.memory_space<vmem>>, %arg8: memref<1024x128xf32, #tpu.memory_space<vmem>>) attributes {dimension_semantics = [#tpu.dimension_semantics<arbitrary>], iteration_bounds = array<i64: 10>, scalar_prefetch = 0 : i64, scratch_operands = 0 : i64, tpu.core_type = #tpu.core_type<tc>, window_params = [{transform_indices = @transform_0, window_bounds = array<i64: 2, 1024, 128>}, {transform_indices = @transform_1, window_bounds = array<i64: 2, 1024>}, {transform_indices = @transform_2, window_bounds = array<i64: 1024, 128>}, {pipeline_mode = #tpu.pipeline_mode<synchronous>, transform_indices = @transform_3, window_bounds = array<i64: 128, 128>}, {pipeline_mode = #tpu.pipeline_mode<synchronous>, transform_indices = @transform_4, window_bounds = array<i64: 128, 128>}, {pipeline_mode = #tpu.pipeline_mode<synchronous>, transform_indices = @transform_5, window_bounds = array<i64: 1, 128>}, {transform_indices = @transform_6, window_bounds = array<i64: 1024, 128>}, {transform_indices = @transform_7, window_bounds = array<i64: 1024, 128>}]} {
    %get3A = arith.constant 0 : index
    %get3A_0 = arith.constant 0 : index
    %get3A_1 = arith.constant 0 : index
    %get3A_2 = vector.load %arg1[%get3A, %get3A_0, %get3A_1] : memref<2x1024x128xf32, #tpu.memory_space<vmem>>, vector<1x1024x128xf32>
    %get3A_3 = vector.shape_cast %get3A_2 : vector<1x1024x128xf32> to vector<1024x128xf32>
    %get3A_4 = arith.constant 1 : index
    %get3A_5 = arith.constant 0 : index
    %get3A_6 = arith.constant 0 : index
    %get3A_7 = vector.load %arg1[%get3A_4, %get3A_5, %get3A_6] : memref<2x1024x128xf32, #tpu.memory_space<vmem>>, vector<1x1024x128xf32>
    %get3A_8 = vector.shape_cast %get3A_7 : vector<1x1024x128xf32> to vector<1024x128xf32>
    %add3A = arith.addf %get3A_3, %get3A_8 : vector<1024x128xf32>
    %get3A_9 = arith.constant 0 : index
    %get3A_10 = arith.constant 0 : index
    %get3A_11 = vector.load %arg2[%get3A_9, %get3A_10] : memref<2x1024xf32, #tpu.memory_space<vmem>>, vector<1x1024xf32>
    %get3A_12 = vector.shape_cast %get3A_11 : vector<1x1024xf32> to vector<1024xf32>
    %get3A_13 = arith.constant 1 : index
    %get3A_14 = arith.constant 0 : index
    %get3A_15 = vector.load %arg2[%get3A_13, %get3A_14] : memref<2x1024xf32, #tpu.memory_space<vmem>>, vector<1x1024xf32>
    %get3A_16 = vector.shape_cast %get3A_15 : vector<1x1024xf32> to vector<1024xf32>
    %add3A_17 = arith.addf %get3A_12, %get3A_16 : vector<1024xf32>
    %max3A = arith.constant 1.000000e+00 : f32
    %max3A_18 = vector.broadcast %max3A : f32 to vector<1024xf32>
    %max3A_19 = arith.maximumf %add3A_17, %max3A_18 : vector<1024xf32>
    %div3A = arith.constant 1.000000e+00 : f32
    %div3A_20 = vector.broadcast %div3A : f32 to vector<1024xf32>
    %div3A_21 = arith.divf %div3A_20, %max3A_19 : vector<1024xf32>
    %broadcast_in_dim3A = vector.shape_cast %div3A_21 : vector<1024xf32> to vector<1024x1xf32>
    %mul3A = vector.broadcast %broadcast_in_dim3A : vector<1024x1xf32> to vector<1024x128xf32>
    %mul3A_22 = arith.mulf %add3A, %mul3A : vector<1024x128xf32>
    %get3A_23 = arith.constant 0 : index
    %get3A_24 = arith.constant 0 : index
    %get3A_25 = vector.load %arg3[%get3A_23, %get3A_24] : memref<1024x128xf32, #tpu.memory_space<vmem>>, vector<1024x128xf32>
    %add3A_26 = arith.addf %mul3A_22, %get3A_25 : vector<1024x128xf32>
    %max3A_27 = arith.constant 0.000000e+00 : f32
    %max3A_28 = vector.broadcast %max3A_27 : f32 to vector<1024x128xf32>
    %max3A_29 = arith.maximumf %add3A_26, %max3A_28 : vector<1024x128xf32>
    %get3A_30 = arith.constant 0 : index
    %get3A_31 = arith.constant 0 : index
    %get3A_32 = vector.load %arg4[%get3A_30, %get3A_31] : memref<128x128xf32, #tpu.memory_space<vmem>>, vector<128x128xf32>
    %dot_general3A = arith.constant dense<0.000000e+00> : vector<1024x128xf32>
    %dot_general3A_33 = tpu.matmul %max3A_29, %get3A_32, %dot_general3A {dimension_numbers = #tpu.dot_dimension_numbers<[1], [0], [0], [1], [0, 0, 1, 1], [], []>, transpose_lhs_hint = false} : vector<1024x128xf32>, vector<128x128xf32>, vector<1024x128xf32> -> vector<1024x128xf32>
    %swap3A = arith.constant 0 : index
    %swap3A_34 = arith.constant 0 : index
    %swap3A_35 = vector.load %arg7[%swap3A, %swap3A_34] : memref<1024x128xf32, #tpu.memory_space<vmem>>, vector<1024x128xf32>
    tpu.vector_store %arg7[%swap3A, %swap3A_34], %dot_general3A_33 {strides = array<i32>} : memref<1024x128xf32, #tpu.memory_space<vmem>>, vector<1024x128xf32>,
    %get3A_36 = arith.constant 0 : index
    %get3A_37 = arith.constant 0 : index
    %get3A_38 = vector.load %arg5[%get3A_36, %get3A_37] : memref<128x128xf32, #tpu.memory_space<vmem>>, vector<128x128xf32>
    %dot_general3A_39 = arith.constant dense<0.000000e+00> : vector<1024x128xf32>
    %dot_general3A_40 = tpu.matmul %max3A_29, %get3A_38, %dot_general3A_39 {dimension_numbers = #tpu.dot_dimension_numbers<[1], [0], [0], [1], [0, 0, 1, 1], [], []>, transpose_lhs_hint = false} : vector<1024x128xf32>, vector<128x128xf32>, vector<1024x128xf32> -> vector<1024x128xf32>
    %get3A_41 = arith.constant 0 : index
    %get3A_42 = arith.constant 0 : index
    %get3A_43 = vector.load %arg6[%get3A_41, %get3A_42] : memref<1x128xf32, #tpu.memory_space<vmem>>, vector<1x128xf32>
    %add3A_44 = vector.broadcast %get3A_43 : vector<1x128xf32> to vector<1024x128xf32>
    %add3A_45 = arith.addf %dot_general3A_40, %add3A_44 : vector<1024x128xf32>
    %swap3A_46 = arith.constant 0 : index
    %swap3A_47 = arith.constant 0 : index
    %swap3A_48 = vector.load %arg8[%swap3A_46, %swap3A_47] : memref<1024x128xf32, #tpu.memory_space<vmem>>, vector<1024x128xf32>
    tpu.vector_store %arg8[%swap3A_46, %swap3A_47], %add3A_45 {strides = array<i32>} : memref<1024x128xf32, #tpu.memory_space<vmem>>, vector<1024x128xf32>,
    return
  }
  func.func @transform_0(%arg0: i32) -> (i32, i32, i32) {
    %c0_i32 = arith.constant 0 : i32
    %c0_i32_0 = arith.constant 0 : i32
    %c0_i32_1 = arith.constant 0 : i32
    return %c0_i32, %arg0, %c0_i32_0 : i32, i32, i32
  }
  func.func @transform_1(%arg0: i32) -> (i32, i32) {
    %c0_i32 = arith.constant 0 : i32
    %c0_i32_0 = arith.constant 0 : i32
    return %c0_i32, %arg0 : i32, i32
  }
  func.func @transform_2(%arg0: i32) -> (i32, i32) {
    %c0_i32 = arith.constant 0 : i32
    %c0_i32_0 = arith.constant 0 : i32
    return %arg0, %c0_i32 : i32, i32
  }
  func.func @transform_3(%arg0: i32) -> (i32, i32) {
    %c0_i32 = arith.constant 0 : i32
    %c0_i32_0 = arith.constant 0 : i32
    %c0_i32_1 = arith.constant 0 : i32
    return %c0_i32, %c0_i32_0 : i32, i32
  }
  func.func @transform_4(%arg0: i32) -> (i32, i32) {
    %c0_i32 = arith.constant 0 : i32
    %c0_i32_0 = arith.constant 0 : i32
    %c0_i32_1 = arith.constant 0 : i32
    return %c0_i32, %c0_i32_0 : i32, i32
  }
  func.func @transform_5(%arg0: i32) -> (i32, i32) {
    %c0_i32 = arith.constant 0 : i32
    %c0_i32_0 = arith.constant 0 : i32
    %c0_i32_1 = arith.constant 0 : i32
    return %c0_i32, %c0_i32_0 : i32, i32
  }
  func.func @transform_6(%arg0: i32) -> (i32, i32) {
    %c0_i32 = arith.constant 0 : i32
    %c0_i32_0 = arith.constant 0 : i32
    return %arg0, %c0_i32 : i32, i32
  }
  func.func @transform_7(%arg0: i32) -> (i32, i32) {
    %c0_i32 = arith.constant 0 : i32
    %c0_i32_0 = arith.constant 0 : i32
    return %arg0, %c0_i32 : i32, i32
  }
}

module attributes {stable_mosaic.version = 14 : i64} {
  func.func @_tc_fin_body(%arg0: i32, %arg1: memref<2x1024x128xf32, #tpu.memory_space<vmem>>, %arg2: memref<2x1024xf32, #tpu.memory_space<vmem>>, %arg3: memref<1024x128xf32, #tpu.memory_space<vmem>>, %arg4: memref<128x128xf32, #tpu.memory_space<vmem>>, %arg5: memref<1x128xf32, #tpu.memory_space<vmem>>, %arg6: memref<1024x128xf32, #tpu.memory_space<vmem>>) attributes {dimension_semantics = [#tpu.dimension_semantics<arbitrary>], iteration_bounds = array<i64: 10>, scalar_prefetch = 0 : i64, scratch_operands = 0 : i64, tpu.core_type = #tpu.core_type<tc>, window_params = [{transform_indices = @transform_0, window_bounds = array<i64: 2, 1024, 128>}, {transform_indices = @transform_1, window_bounds = array<i64: 2, 1024>}, {transform_indices = @transform_2, window_bounds = array<i64: 1024, 128>}, {pipeline_mode = #tpu.pipeline_mode<synchronous>, transform_indices = @transform_3, window_bounds = array<i64: 128, 128>}, {pipeline_mode = #tpu.pipeline_mode<synchronous>, transform_indices = @transform_4, window_bounds = array<i64: 1, 128>}, {transform_indices = @transform_5, window_bounds = array<i64: 1024, 128>}]} {
    %get3A = arith.constant 0 : index
    %get3A_0 = arith.constant 0 : index
    %get3A_1 = arith.constant 0 : index
    %get3A_2 = vector.load %arg1[%get3A, %get3A_0, %get3A_1] : memref<2x1024x128xf32, #tpu.memory_space<vmem>>, vector<1x1024x128xf32>
    %get3A_3 = vector.shape_cast %get3A_2 : vector<1x1024x128xf32> to vector<1024x128xf32>
    %get3A_4 = arith.constant 1 : index
    %get3A_5 = arith.constant 0 : index
    %get3A_6 = arith.constant 0 : index
    %get3A_7 = vector.load %arg1[%get3A_4, %get3A_5, %get3A_6] : memref<2x1024x128xf32, #tpu.memory_space<vmem>>, vector<1x1024x128xf32>
    %get3A_8 = vector.shape_cast %get3A_7 : vector<1x1024x128xf32> to vector<1024x128xf32>
    %add3A = arith.addf %get3A_3, %get3A_8 : vector<1024x128xf32>
    %get3A_9 = arith.constant 0 : index
    %get3A_10 = arith.constant 0 : index
    %get3A_11 = vector.load %arg2[%get3A_9, %get3A_10] : memref<2x1024xf32, #tpu.memory_space<vmem>>, vector<1x1024xf32>
    %get3A_12 = vector.shape_cast %get3A_11 : vector<1x1024xf32> to vector<1024xf32>
    %get3A_13 = arith.constant 1 : index
    %get3A_14 = arith.constant 0 : index
    %get3A_15 = vector.load %arg2[%get3A_13, %get3A_14] : memref<2x1024xf32, #tpu.memory_space<vmem>>, vector<1x1024xf32>
    %get3A_16 = vector.shape_cast %get3A_15 : vector<1x1024xf32> to vector<1024xf32>
    %add3A_17 = arith.addf %get3A_12, %get3A_16 : vector<1024xf32>
    %max3A = arith.constant 1.000000e+00 : f32
    %max3A_18 = vector.broadcast %max3A : f32 to vector<1024xf32>
    %max3A_19 = arith.maximumf %add3A_17, %max3A_18 : vector<1024xf32>
    %div3A = arith.constant 1.000000e+00 : f32
    %div3A_20 = vector.broadcast %div3A : f32 to vector<1024xf32>
    %div3A_21 = arith.divf %div3A_20, %max3A_19 : vector<1024xf32>
    %broadcast_in_dim3A = vector.shape_cast %div3A_21 : vector<1024xf32> to vector<1024x1xf32>
    %mul3A = vector.broadcast %broadcast_in_dim3A : vector<1024x1xf32> to vector<1024x128xf32>
    %mul3A_22 = arith.mulf %add3A, %mul3A : vector<1024x128xf32>
    %get3A_23 = arith.constant 0 : index
    %get3A_24 = arith.constant 0 : index
    %get3A_25 = vector.load %arg3[%get3A_23, %get3A_24] : memref<1024x128xf32, #tpu.memory_space<vmem>>, vector<1024x128xf32>
    %add3A_26 = arith.addf %mul3A_22, %get3A_25 : vector<1024x128xf32>
    %max3A_27 = arith.constant 0.000000e+00 : f32
    %max3A_28 = vector.broadcast %max3A_27 : f32 to vector<1024x128xf32>
    %max3A_29 = arith.maximumf %add3A_26, %max3A_28 : vector<1024x128xf32>
    %get3A_30 = arith.constant 0 : index
    %get3A_31 = arith.constant 0 : index
    %get3A_32 = vector.load %arg4[%get3A_30, %get3A_31] : memref<128x128xf32, #tpu.memory_space<vmem>>, vector<128x128xf32>
    %dot_general3A = arith.constant dense<0.000000e+00> : vector<1024x128xf32>
    %dot_general3A_33 = tpu.matmul %max3A_29, %get3A_32, %dot_general3A {dimension_numbers = #tpu.dot_dimension_numbers<[1], [0], [0], [1], [0, 0, 1, 1], [], []>, transpose_lhs_hint = false} : vector<1024x128xf32>, vector<128x128xf32>, vector<1024x128xf32> -> vector<1024x128xf32>
    %get3A_34 = arith.constant 0 : index
    %get3A_35 = arith.constant 0 : index
    %get3A_36 = vector.load %arg5[%get3A_34, %get3A_35] : memref<1x128xf32, #tpu.memory_space<vmem>>, vector<1x128xf32>
    %add3A_37 = vector.broadcast %get3A_36 : vector<1x128xf32> to vector<1024x128xf32>
    %add3A_38 = arith.addf %dot_general3A_33, %add3A_37 : vector<1024x128xf32>
    %swap3A = arith.constant 0 : index
    %swap3A_39 = arith.constant 0 : index
    %swap3A_40 = vector.load %arg6[%swap3A, %swap3A_39] : memref<1024x128xf32, #tpu.memory_space<vmem>>, vector<1024x128xf32>
    tpu.vector_store %arg6[%swap3A, %swap3A_39], %add3A_38 {strides = array<i32>} : memref<1024x128xf32, #tpu.memory_space<vmem>>, vector<1024x128xf32>,
    return
  }
  func.func @transform_0(%arg0: i32) -> (i32, i32, i32) {
    %c0_i32 = arith.constant 0 : i32
    %c0_i32_0 = arith.constant 0 : i32
    %c0_i32_1 = arith.constant 0 : i32
    return %c0_i32, %arg0, %c0_i32_0 : i32, i32, i32
  }
  func.func @transform_1(%arg0: i32) -> (i32, i32) {
    %c0_i32 = arith.constant 0 : i32
    %c0_i32_0 = arith.constant 0 : i32
    return %c0_i32, %arg0 : i32, i32
  }
  func.func @transform_2(%arg0: i32) -> (i32, i32) {
    %c0_i32 = arith.constant 0 : i32
    %c0_i32_0 = arith.constant 0 : i32
    return %arg0, %c0_i32 : i32, i32
  }
  func.func @transform_3(%arg0: i32) -> (i32, i32) {
    %c0_i32 = arith.constant 0 : i32
    %c0_i32_0 = arith.constant 0 : i32
    %c0_i32_1 = arith.constant 0 : i32
    return %c0_i32, %c0_i32_0 : i32, i32
  }
  func.func @transform_4(%arg0: i32) -> (i32, i32) {
    %c0_i32 = arith.constant 0 : i32
    %c0_i32_0 = arith.constant 0 : i32
    %c0_i32_1 = arith.constant 0 : i32
    return %c0_i32, %c0_i32_0 : i32, i32
  }
  func.func @transform_5(%arg0: i32) -> (i32, i32) {
    %c0_i32 = arith.constant 0 : i32
    %c0_i32_0 = arith.constant 0 : i32
    return %arg0, %c0_i32 : i32, i32
  }
}

</mosaic_0001>

<sc_bundles>
// kernel: kernel.10.cloned.1.call-start
scs
__scs_entry_jumppad:
0x0: {  	(pc) =	sbr.rel $0x88, $3  }
0x1: {  	(tag) =	ssettag $0x0;
	lr =	simm.s32 $0x1  }
0x2: {  	[smem:$0x3F94] =	sst lr;
	_ =	strace $0xD0000000  }
0x3: {  	_ = 	snop  }
0x4: {  	_ = 	snop  }
0x5: {  	_ = 	snop  }
0x6: {  	_ = 	snop  }
0x7: {  	_ = 	snop  }
__scs_overlays_trampoline_lowered:
0x8: {  	[smem:$0x3FA3] =	sst s0  }
0x9: {  	[smem:$0x3FA4] =	sst s1  }
0xa: {  	[smem:$0x3FA5] =	sst s2  }
0xb: {  	[smem:$0x3FA6] =	sst s3  }
0xc: {  	[smem:$0x3FA7] =	sst s4  }
0xd: {  	[smem:$0x3FA8] =	sst s5  }
0xe: {  	[smem:$0x3FA9] =	sst s6  }
0xf: {  	[smem:$0x3FAA] =	sst s7  }
0x10: {  	[smem:$0x3FAB] =	sst s8  }
0x11: {  	[smem:$0x3FAC] =	sst s9;
	s0 =	simm.s32 @!p0 $0x0  }
0x12: {  	s1 =	sld [smem:$0x3F92];
	s0 =	simm.s32 @p0 $0x1  }
0x13: {  	[smem:$0x3FAD] =	sst s0;
	s0 =	simm.s32 @!p1 $0x0  }
0x14: {  	s2 =	sld [smem:$0x3F91];
	s0 =	simm.s32 @p1 $0x1  }
0x15: {  	[smem:$0x3FAE] =	sst s0;
	s0 =	simm.s32 @!p2 $0x0  }
0x16: {  	s3 =	sld [smem:$0x3FDB];
	s0 =	simm.s32 @p2 $0x1  }
0x17: {  	s4 =	simm.s32 $0x1BF5;
	[smem:$0x3FB0] =	sst s0  }
0x18: {  	s0 =	sld [smem:$0x3F93];
	_ =	swait.ge [sflag:s4], $0x0  }
0x19: {  	s7 =	sld [smem:$0x3F94]  }
0x1a: {  	s8 =	sadd.s32 $0xFFFFE003, lr  }
0x1b: {  	s9 =	sadd.s32 $0xFFFFFEF7, lr;
	s5 =	simm.s32 $0xFFFFFFFF;
	p2 =	slt.u32 s8, $0xFFFFF086  }
0x1c: {  	p1 =	slt.u32 s9, $0xF7A;
	s5 =	simm.s32 @!p2 $0x0  }
0x1d: {  	s5 =	simm.s32 @p1 $0x1;
	p0 =	seq.s32 s7, s2  }
0x1e: {  	s7 =	smul.u32 @!p0 $0xF7A, s2;
	p2 =	seq.s32 @!p0 s5, $0x0  }
0x1f: {  	s9 =	smul.u32 $0xF7A, s1;
	s8 =	simm.s32 @!p0 $0x1BF5;
	p2 =	por !p2, p0  }
0x20: {  	[sflag:s8] =	ssyncset.s32 @!p0 $0xFFFFF086;
	s6 =	sadd.s32 @!p0 s3, s7;
	s7 =	simm.s32 @!p0 $0x108  }
0x21: {  	s3 =	sadd.s32 s3, s9;
	s6 =	sadd.s32 @!p0 $0x88, s6;
	s7 =	simm.s32 @p2 $0x1082  }
0x22: {  	[simem:s7], [sflag:s8] =	dma.local @!p0 [hbm:s6], $0xF7A  }
0x23: {  	s9 =	sor.u32 $0xD0000000, s2;
	s6 =	simm.s32 $0x108;
	_ =	swait.ge @!p0 [sflag:s8], $0x0  }
0x24: {  	s3 =	sadd.s32 $0x88, s3;
	s6 =	simm.s32 @!p1 $0x1082;
	[sflag:s4] =	ssyncset.s32 $0xFFFFF086  }
0x25: {  	[simem:s6], [sflag:s4] =	dma.local [hbm:s3], $0xF7A  }
0x26: {  	[smem:$0x3F94] =	sst s1;
	(tag) =	ssettag s2;
	_ =	strace s9  }
0x27: {  	s1 =	sld [smem:$0x3FA4]  }
0x28: {  	s2 =	sld [smem:$0x3FA5]  }
0x29: {  	s4 =	sld [smem:$0x3FA7]  }
0x2a: {  	p0 =	seq.s32 s5, $0x0;
	s5 =	sld [smem:$0x3FA8]  }
0x2b: {  	s6 =	sld [smem:$0x3FA9]  }
0x2c: {  	s7 =	sld [smem:$0x3FAA]  }
0x2d: {  	s3 =	simm.s32 $0x108;
	s8 =	sld [smem:$0x3FAB]  }
0x2e: {  	s3 =	simm.s32 @!p0 $0x1082;
	s9 =	sld [smem:$0x3FAC]  }
0x2f: {  	lr =	sadd.s32 s0, s3;
	s0 =	sld [smem:$0x3FA3]  }
0x30: {  	s3 =	sld [smem:$0x3FA6]  }
0x31: {  	[smem:$0x3FAF] =	sst s10  }
0x32: {  	s10 =	sld [smem:$0x3FAD];
	_ =	sdelay $0x3  }
0x33: {  	p0 =	seq.s32 s10, $0x1;
	s10 =	sld [smem:$0x3FAF];
	_ =	sdelay $0x3  }
0x34: {  	[smem:$0x3FAF] =	sst s10  }
0x35: {  	s10 =	sld [smem:$0x3FAE];
	_ =	sdelay $0x3  }
0x36: {  	p1 =	seq.s32 s10, $0x1;
	s10 =	sld [smem:$0x3FAF];
	_ =	sdelay $0x3  }
0x37: {  	[smem:$0x3FAF] =	sst s10  }
0x38: {  	s10 =	sld [smem:$0x3FB0]  }
0x39: {  	_ = 	snop;
	(pc) =	sbr.ind lr, $3  }
0x3a: {  	_ = 	snop  }
0x3b: {  	_ = 	snop  }
0x3c: {  	p2 =	seq.s32 s10, $0x1;
	s10 =	sld [smem:$0x3FAF]  }
0x3d: {  	_ =	shalt  }
0x3e: {  	_ =	shalt  }
0x3f: {  	_ =	shalt  }
0x40: {  	_ =	shalt  }
0x41: {  	_ =	shalt  }
0x42: {  	_ =	shalt  }
0x43: {  	_ =	shalt  }
0x44: {  	_ =	shalt  }
0x45: {  	_ =	shalt  }
0x46: {  	_ =	shalt  }
0x47: {  	_ =	shalt  }
0x48: {  	_ =	shalt  }
0x49: {  	_ =	shalt  }
0x4a: {  	_ =	shalt  }
0x4b: {  	_ =	shalt  }
0x4c: {  	_ =	shalt  }
0x4d: {  	_ =	shalt  }
0x4e: {  	_ =	shalt  }
0x4f: {  	_ =	shalt  }
0x50: {  	_ =	shalt  }
0x51: {  	_ =	shalt  }
0x52: {  	_ =	shalt  }
0x53: {  	_ =	shalt  }
0x54: {  	_ =	shalt  }
0x55: {  	_ =	shalt  }
0x56: {  	_ =	shalt  }
0x57: {  	_ =	shalt  }
0x58: {  	_ =	shalt  }
0x59: {  	_ =	shalt  }
0x5a: {  	_ =	shalt  }
0x5b: {  	_ =	shalt  }
0x5c: {  	_ =	shalt  }
0x5d: {  	_ =	shalt  }
0x5e: {  	_ =	shalt  }
0x5f: {  	_ =	shalt  }
0x60: {  	_ =	shalt  }
0x61: {  	_ =	shalt  }
0x62: {  	_ =	shalt  }
0x63: {  	_ =	shalt  }
0x64: {  	_ =	shalt  }
0x65: {  	_ =	shalt  }
0x66: {  	_ =	shalt  }
0x67: {  	_ =	shalt  }
0x68: {  	_ =	shalt  }
0x69: {  	_ =	shalt  }
0x6a: {  	_ =	shalt  }
0x6b: {  	_ =	shalt  }
0x6c: {  	_ =	shalt  }
0x6d: {  	_ =	shalt  }
0x6e: {  	_ =	shalt  }
0x6f: {  	_ =	shalt  }
0x70: {  	_ =	shalt  }
0x71: {  	_ =	shalt  }
0x72: {  	_ =	shalt  }
0x73: {  	_ =	shalt  }
0x74: {  	_ =	shalt  }
0x75: {  	_ =	shalt  }
0x76: {  	_ =	shalt  }
0x77: {  	_ =	shalt  }
0x78: {  	_ =	shalt  }
0x79: {  	_ =	shalt  }
0x7a: {  	_ =	shalt  }
0x7b: {  	_ =	shalt  }
0x7c: {  	_ =	shalt  }
0x7d: {  	_ =	shalt  }
0x7e: {  	_ =	shalt  }
0x7f: {  	_ =	shalt  }
0x80: {  	_ =	shalt  }
0x81: {  	_ =	shalt  }
0x82: {  	_ =	shalt  }
0x83: {  	_ =	shalt  }
0x84: {  	_ =	shalt  }
0x85: {  	_ =	shalt  }
0x86: {  	_ =	shalt  }
0x87: {  	_ =	shalt  }
.Lfunc_end0:
.L_simem_size_0:
called_computation_lowered:
.L_overlay_start_0:
0x88: {  	s2 =	sld [smem:$0x3FD9]  }
0x89: {  	s3 =	sld [smem:$0x3FFE];
	_ =	sdelay $0x1  }
0x8a: {  	s1 =	srdreg.scid  }
0x8b: {  	s0 =	sand.u32 $0x1, s1  }
0x8c: {  	s17 =	sshll.u32 s0, $0xA;
	s2 =	sadd.s32 s3, s2  }
0x8d: {  	s2 =	sadd.s32 s2, s17  }
0x8e: {  	[smem:$0x3FBB] =	sst s2  }
0x8f: {  	_ = 	snop  }
0x90: {  	s2 =	sld [smem:$0x3FD0];
	(tm) =	ssettm $0x1  }
0x91: {  	s18 =	sld [smem:$0x3FFB];
	_ =	sdelay $0x3  }
0x92: {  	_ =	strace s18  }
0x93: {  	s3 =	sld [smem:$0x3FFC];
	_ =	sdelay $0x3  }
0x94: {  	_ =	strace s3  }
0x95: {  	s3 =	sld [smem:$0x3FFD];
	_ =	sdelay $0x3  }
0x96: {  	_ =	strace s3  }
0x97: {  	_ =	strace $0x8FFFFFFF  }
0x98: {  	s19 =	sld [smem:$0x3FDB];
	_ =	sdelay $0x1  }
0x99: {  	s4 =	simm.s32 $_scs_section_size  }
0x9a: {  	s5 =	simm.s32 $_size__tile_overlayer_lowered;
	s6 =	simm.s32 $_tile_overlayer_lowered  }
0x9b: {  	s22 =	simm.s32 $0x1BFF;
	s21 =	sshll.u32 s6, $0x1;
	s3 =	sadd.s32 s4, s19  }
0x9c: {  	s7 =	simm.s32 $0x0;
	s20 =	sshll.u32 s5, $0x1;
	s5 =	sadd.s32 s21, s3  }
0x9d: {  	[timem:s7], [sflag:s22] =	dma.local [hbm:s5], s20  }
0x9e: {  	_ =	swait.ge [sflag:s22], s20  }
0x9f: {  	s4 =	ssub.s32 $0x0, s20;
	[sflag:s22] =	ssyncset.done $0x0  }
0xa0: {  	[sflag:s22] =	ssyncadd.s32 s4;
	_ =	sdelay $0x1  }
0xa1: {  	s23 =	simm.s32 $0x1B8B  }
0xa2: {  	_ =	swait.ge [sflag:s23], $0x1  }
0xa3: {  	[sflag:s23] =	ssyncset.done $0x0  }
0xa4: {  	s25 =	simm.s32 $0x1B8E;
	s24 =	sld [smem:$0x3FFE];
	[sflag:s23] =	ssyncadd.s32 $0xFFFFFFFF  }
0xa5: {  	s26 =	simm.s32 $execute0_lowered;
	[smem:$0x3FD2] =	sst s25  }
0xa6: {  	s5 =	sshll.u32 s26, $0x1;
	_ =	strace $0x80000046;
	[dreg:$0x1] =	wrdreg $0xFFFFFFFF  }
0xa7: {  	s28 =	simm.s32 $_size_execute0_lowered;
	s3 =	sadd.s32 s3, s5;
	[dreg:$0x0] =	wrdreg $0x0  }
0xa8: {  	s5 =	sshll.u32 s28, $0x1;
	[dreg:$0x2] =	wrdreg s3  }
0xa9: {  	[dreg:$0x3] =	wrdreg s5  }
0xaa: {  	[dreg:$0x4] =	wrdreg $0xC0  }
0xab: {  	_ =	task [dreg:s7], $0x5FFFF  }
0xac: {  	[dreg:$0x1] =	wrdreg $0xFFFFFFFF  }
0xad: {  	[dreg:$0x0] =	wrdreg $0x60  }
0xae: {  	[dreg:$0x2] =	wrdreg s2  }
0xaf: {  	[dreg:$0x3] =	wrdreg s24  }
0xb0: {  	[dreg:$0x4] =	wrdreg $0x90000  }
0xb1: {  	[dreg:$0x5] =	wrdreg $0x9  }
0xb2: {  	_ =	task.clear_ibuf [dreg:s7], $0x6FFFF;
	_ =	strace $0x90000046  }
0xb3: {  	s29 =	simm.s32 $0x9;
	_ =	strace $0x80000048  }
0xb4: {  	_ =	swait.ge [sflag:s29], $0x1  }
0xb5: {  	[sflag:s29] =	ssyncadd.s32 $0xFFFFFFFF  }
0xb6: {  	_ =	strace $0x90000048  }
0xb7: {  	_ =	sfence  }
0xb8: {  	s30 =	sld [smem:$0x0];
	_ =	sdelay $0x2  }
0xb9: {  	s31 =	sshll.u32 s1, $0xD;
	s1 =	sshrl.u32 s1, $0x2  }
0xba: {  	s3 =	sand.u32 $0x4000, s31;
	s1 =	sadd.s32 s1, s30  }
0xbb: {  	s0 =	sor.u32 s3, s0;
	s1 =	sshll.u32 s1, $0x11  }
0xbc: {  	s0 =	sor.u32 s1, s0  }
0xbd: {  	s0 =	sadd.s32 $0x8F2B, s0  }
0xbe: {  	[sflag:s0] =	ssyncadd.remote.s32 $0x1  }
0xbf: {  	_ =	sfence.sel $0xFFFF  }
0xc0: {  	[dreg:$0x0] =	wrdreg $0xFFFFFFFF;
	(pc) =	sbr.abs _section_cstart, $3  }
0xc1: {  	[dreg:$0x1] =	wrdreg $0xFFFFFFFF  }
0xc2: {  	_ =	task.clear_ibuf [dreg:s7], $0x2FFFF;
	_ =	strace $0x9FFFFFFF  }
0xc3: {  	(tm) =	ssettm $0x7FFFFFFF  }
tec
execute0_lowered:
.L_overlay_start_1:
0x0: {  	(tag) =	ssettag $0x1  }
0x1: {  	s7 =	rddreg [dreg:$0x0]  }
0x2: {  	s6 =	rddreg [dreg:$0x1]  }
0x3: {  	s1 =	rddreg [dreg:$0x2]  }
0x4: {  	s2 =	srdreg.scid;
	s0 =	rddreg [dreg:$0x3];
	s3 =	simm.s32 $0x0  }
0x5: {  	s14 =	simm.s32 $0x5000;
	s8 =	sand.u32 $0x1, s2;
	s2 =	stileid.u32  }
0x6: {  	s15 =	simm.s32 $0x0;
	[smem:$0x7FF] =	sst s3;
	s5 =	smul.u32 $0x140000, s8  }
0x7: {  	s4 =	sadd.s32 $0x3400, s6;
	s9 =	smul.u32 $0x14000, s2;
	_ =	strace $0x80000047  }
0x8: {  	s10 =	sshll.u32 s8, $0x4;
	s8 =	ssub.s32 $0x2, s8;
	s11 =	smul.u32 $0x50000, s2  }
0x9: {  	s13 =	sshll.u32 s2, $0x7;
	s29 =	sshll.u32 s2, $0x6;
	s10 =	sor.u32 s2, s10  }
0xa: {  	s12 =	sshrl.u32 s8, $0x1;
	s26 =	sand.u32 $0x380, s13;
	s13 =	simm.s32 $0x400  }
0xb: {  	s9 =	sadd.s32 s9, s5;
	s5 =	sadd.s32 $0x5C00, s6;
	s10 =	sshrl.u32 s10, $0x3  }
0xc: {  	s12 =	ssub.s32 s8, s12;
	s28 =	sshrl.u32 s11, $0x2;
	s10 =	smul.u32 $0x14000, s10  }
0xd: {  	s11 =	simm.s32 $0x1;
	s9 =	sshrl.u32 s9, $0x3;
	s30 =	sadd.s32 s28, s1  }
0xe: {  	s9 =	sadd.s32 s9, s6;
	s6 =	sor.u32 $0x1C01, s29;
	s10 =	sor.u32 s26, s10  }
0xf: {  	s8 =	sadd.s32 $0x6400, s9;
	s9 =	smax.u32 s12, $0x1;
	s31 =	sshrl.u32 s10, $0x3  }
0x10: {  	s12 =	simm.s32 $0x80;
	s10 =	sshrl.u32 s30, $0x3;
	s7 =	sadd.s32 s7, s31  }
.LBB2_1:
0x11: {  	[spmem:s10], [sflag:s6] =	dma.local [hbm:s4], $0x2800  }
0x12: {  	_ =	swait.ge [sflag:s11], $0x2800  }
0x13: {  	[sflag:s11] =	ssyncset.done $0x0  }
0x14: {  	[sflag:s11] =	ssyncadd.s32 $0xFFFFD800  }
0x15: {  	[tilespmem:s3], [sflag:$0x1] =	stream.strided.gather [hbm4b:s7+s12], $0x2800, s13, s12, $0x38;
	[tilespmem:$0x1D000] =	vst v63  }
0x16: {  	_ =	swait.ge [sflag:s11], $0x2800  }
0x17: {  	[sflag:s11] =	ssyncset.done $0x0  }
0x18: {  	[sflag:s11] =	ssyncadd.s32 $0xFFFFD800  }
0x19: {  	[tilespmem:s14], [sflag:$0x1] =	stream.linear.gather [hbm4b:s5+s3], $0x4000, $0x38;
	[tilespmem:$0x1D000] =	vst v63  }
0x1a: {  	_ =	swait.ge [sflag:s11], $0x4000  }
0x1b: {  	[sflag:s11] =	ssyncset.done $0x0  }
0x1c: {  	s17 =	simm.s32 $0x0;
	[sflag:s11] =	ssyncadd.s32 $0xFFFFC000  }
0x1d: {  	v1 =	vld [tilespmem:s17+$0x70]  }
0x1e: {  	v4 =	vld [tilespmem:s17+$0x0]  }
0x1f: {  	v5 =	vld [tilespmem:s17+$0x10]  }
0x20: {  	v3 =	vld [tilespmem:s17+$0x20]  }
0x21: {  	v2 =	vld [tilespmem:s17+$0x30]  }
0x22: {  	v0 =	vld [tilespmem:s17+$0x40];
	v6 =	vshra.s32 v1, $0xE  }
0x23: {  	v1 =	vld [tilespmem:s17+$0x50];
	v4 =	vshra.s32 v4, $0xE;
	[tilespmem:s17+$0x2870] =	vst v6  }
0x24: {  	s16 =	simm.s32 $0x80;
	s18 =	simm.s32 $0x400;
	v5 =	vshra.s32 v5, $0xE;
	[tilespmem:s17+$0x2800] =	vst v4;
	v4 =	vld [tilespmem:s17+$0x60]  }
.LBB2_2:
0x25: {  	p0 =	sne.s32 s18, $0x9E00;
	v6 =	vld [tilespmem:s16+$0x70];
	[tilespmem:s17+$0x2810] =	vst v5;
	v3 =	vshra.s32 v3, $0xE  }
0x26: {  	v5 =	vld [tilespmem:s16+$0x0];
	[tilespmem:s17+$0x2820] =	vst v3;
	v2 =	vshra.s32 v2, $0xE  }
0x27: {  	v7 =	vld [tilespmem:s16+$0x10];
	[tilespmem:s17+$0x2830] =	vst v2;
	v0 =	vshra.s32 v0, $0xE  }
.Ltmp0:
0x28: {  	v3 =	vld [tilespmem:s16+$0x20];
	[tilespmem:s17+$0x2840] =	vst v0;
	v0 =	vshra.s32 v1, $0xE;
	(pc) =	sbr.rel @p0 .LBB2_2-.Ltmp0, $4  }
0x29: {  	v2 =	vld [tilespmem:s16+$0x30];
	[tilespmem:s17+$0x2850] =	vst v0;
	v1 =	vshra.s32 v4, $0xE  }
0x2a: {  	v0 =	vld [tilespmem:s16+$0x40];
	v4 =	vshra.s32 v6, $0xE;
	[tilespmem:s17+$0x2860] =	vst v1;
	s17 =	smov.u32 s16  }
0x2b: {  	v5 =	vshra.s32 v5, $0xE;
	v1 =	vld [tilespmem:s17+$0x50];
	[tilespmem:s17+$0x2870] =	vst v4  }
0x2c: {  	s16 =	sshra.s32 s18, $0x2;
	s18 =	sadd.s32 $0x200, s18;
	[tilespmem:s17+$0x2800] =	vst v5;
	v5 =	vshra.s32 v7, $0xE;
	v4 =	vld [tilespmem:s17+$0x60]  }
0x2d: {  	v6 =	vld [tilespmem:s16+$0x70];
	[tilespmem:s17+$0x2810] =	vst v5;
	v3 =	vshra.s32 v3, $0xE  }
0x2e: {  	v5 =	vld [tilespmem:s16+$0x0];
	[tilespmem:s17+$0x2820] =	vst v3;
	v2 =	vshra.s32 v2, $0xE  }
0x2f: {  	v3 =	vld [tilespmem:s16+$0x10];
	[tilespmem:s17+$0x2830] =	vst v2;
	v0 =	vshra.s32 v0, $0xE  }
0x30: {  	v2 =	vld [tilespmem:s16+$0x20];
	[tilespmem:s17+$0x2840] =	vst v0;
	v51 =	vshra.s32 v1, $0xE  }
0x31: {  	v52 =	vld [tilespmem:s16+$0x30];
	[tilespmem:s17+$0x2850] =	vst v51;
	v53 =	vshra.s32 v4, $0xE  }
0x32: {  	v54 =	vld [tilespmem:s16+$0x40];
	[tilespmem:s17+$0x2860] =	vst v53;
	v55 =	vshra.s32 v6, $0xE  }
0x33: {  	v56 =	vld [tilespmem:s16+$0x50];
	v5 =	vshra.s32 v5, $0xE;
	[tilespmem:s16+$0x2870] =	vst v55  }
0x34: {  	v58 =	vld [tilespmem:s16+$0x60];
	[tilespmem:s16+$0x2800] =	vst v5;
	v57 =	vshra.s32 v3, $0xE  }
0x35: {  	[tilespmem:s16+$0x2810] =	vst v57;
	v59 =	vshra.s32 v2, $0xE  }
0x36: {  	[tilespmem:s16+$0x2820] =	vst v59;
	v60 =	vshra.s32 v52, $0xE  }
0x37: {  	[tilespmem:s16+$0x2830] =	vst v60;
	v61 =	vshra.s32 v54, $0xE  }
0x38: {  	[tilespmem:s16+$0x2840] =	vst v61;
	v62 =	vshra.s32 v56, $0xE  }
0x39: {  	v63 =	vshra.s32 v58, $0xE;
	[tilespmem:s16+$0x2850] =	vst v62  }
0x3a: {  	[tilespmem:s16+$0x2860] =	vst v63  }
0x3b: {  	s31 =	simm.s32 $0x2800;
	[bflag:$0x0] =	sbarrier.arrive $0xFFFF  }
0x3c: {  	[spmem:s1] =	stream.indirect.scatter.add.f32 [tilespmem:s14], [sflag:$0x1], $0x80, s31, s12, $0xb8;
	[tilespmem:$0x1D000] =	vst v63  }
0x3d: {  	s16 =	simm.s32 $0x200;
	_ =	swait.ge [sflag:s11], $0x4000  }
.LBB2_4:
0x3e: {  	s17 =	sshra.s32 s16, $0x2;
	[sflag:s11] =	ssyncset.done $0x0;
	p0 =	sne.s32 s16, $0x9E00  }
.Ltmp1:
0x3f: {  	s17 =	sadd.s32 $0x2800, s17;
	[sflag:s11] =	ssyncadd.s32 $0xFFFFC000;
	(pc) =	sbr.rel @p0 .LBB2_4-.Ltmp1, $3  }
0x40: {  	[spmem:s1] =	stream.indirect.scatter.add.f32 [tilespmem:s14], [sflag:$0x1], $0x80, s17, s12, $0xb8;
	[tilespmem:$0x1D000] =	vst v63  }
0x41: {  	s16 =	sadd.s32 $0x200, s16;
	_ =	sdelay $0x1  }
0x42: {  	_ =	swait.ge [sflag:s11], $0x4000  }
0x43: {  	[sflag:s11] =	ssyncset.done $0x0;
	s15 =	sadd.s32 $0x1, s15  }
0x44: {  	[sflag:s11] =	ssyncadd.s32 $0xFFFFC000;
	p0 =	sne.s32 s15, s9  }
.Ltmp2:
0x45: {  	[bflag:$0x0] =	sbarrier.arrive $0xFFFF;
	(pc) =	sbr.rel @p0 .LBB2_1-.Ltmp2, $4  }
0x46: {  	[hbm:s8], [sflag:s6] =	dma.local [spmem:s10], $0x2800  }
0x47: {  	_ =	swait.ge [sflag:s11], $0x2800  }
0x48: {  	[sflag:s11] =	ssyncset.done $0x0  }
0x49: {  	[sflag:s11] =	ssyncadd.s32 $0xFFFFD800  }
0x4a: {  	_ =	sfence.sel $0x180000  }
0x4b: {  	[bflag:$0x0] =	sbarrier.arrive $0xFFFF  }
0x4c: {  	p0 =	sne.s32 s2, $0x0;
	_ =	strace $0x90000047  }
0x4d: {  	s0 =	sadd.s32 @!p0 $0x100000, s0;
	[bflag:$0x2] =	sbarrier.arrive $0xFFFF  }
0x4e: {  	[sflag:s0] =	ssyncadd.tile.s32 @!p0 $0x1;
	_ =	shalt  }
.Lfunc_end2:
_tile_overlayer_lowered:
.L_overlay_start_2:
0x4f: {  	(tag) =	ssettag $0x2  }
0x50: {  	s0 =	rddreg [dreg:$0x0];
	s2 =	stileid.u32  }
0x51: {  	s1 =	rddreg [dreg:$0x1];
	p0 =	sne.s32 s2, $0x0  }
0x52: {  	s3 =	rddreg [dreg:$0x2];
	[bflag:$0x3] =	sbarrier.arrive $0xFFFF;
	s2 =	simm.s32 @!p0 $0x1C01  }
0x53: {  	[timem:s3], [sflag:s2] =	dma.local @!p0 [hbm:s0], s1  }
0x54: {  	s0 =	simm.s32 @!p0 $0x1  }
0x55: {  	_ =	swait.ge @!p0 [sflag:s0], s1  }
0x56: {  	s1 =	ssub.s32 @!p0 $0x0, s1;
	[sflag:s0] =	ssyncset.done @!p0 $0x0  }
0x57: {  	[sflag:s0] =	ssyncadd.s32 @!p0 s1  }
0x58: {  	[bflag:$0x3] =	sbarrier.arrive $0xFFFF  }
0x59: {  	_ =	shalt  }

// kernel: kernel.13.cloned.1.call-start
scs
__scs_entry_jumppad:
0x0: {  	(pc) =	sbr.rel $0x88, $3  }
0x1: {  	(tag) =	ssettag $0x0;
	lr =	simm.s32 $0x1  }
0x2: {  	[smem:$0x3F94] =	sst lr;
	_ =	strace $0xD0000000  }
0x3: {  	_ = 	snop  }
0x4: {  	_ = 	snop  }
0x5: {  	_ = 	snop  }
0x6: {  	_ = 	snop  }
0x7: {  	_ = 	snop  }
__scs_overlays_trampoline_lowered:
0x8: {  	[smem:$0x3FA3] =	sst s0  }
0x9: {  	[smem:$0x3FA4] =	sst s1  }
0xa: {  	[smem:$0x3FA5] =	sst s2  }
0xb: {  	[smem:$0x3FA6] =	sst s3  }
0xc: {  	[smem:$0x3FA7] =	sst s4  }
0xd: {  	[smem:$0x3FA8] =	sst s5  }
0xe: {  	[smem:$0x3FA9] =	sst s6  }
0xf: {  	[smem:$0x3FAA] =	sst s7  }
0x10: {  	[smem:$0x3FAB] =	sst s8  }
0x11: {  	[smem:$0x3FAC] =	sst s9;
	s0 =	simm.s32 @!p0 $0x0  }
0x12: {  	s1 =	sld [smem:$0x3F92];
	s0 =	simm.s32 @p0 $0x1  }
0x13: {  	[smem:$0x3FAD] =	sst s0;
	s0 =	simm.s32 @!p1 $0x0  }
0x14: {  	s2 =	sld [smem:$0x3F91];
	s0 =	simm.s32 @p1 $0x1  }
0x15: {  	[smem:$0x3FAE] =	sst s0;
	s0 =	simm.s32 @!p2 $0x0  }
0x16: {  	s3 =	sld [smem:$0x3FDB];
	s0 =	simm.s32 @p2 $0x1  }
0x17: {  	s4 =	simm.s32 $0x1BF5;
	[smem:$0x3FB0] =	sst s0  }
0x18: {  	s0 =	sld [smem:$0x3F93];
	_ =	swait.ge [sflag:s4], $0x0  }
0x19: {  	s7 =	sld [smem:$0x3F94]  }
0x1a: {  	s8 =	sadd.s32 $0xFFFFE003, lr  }
0x1b: {  	s9 =	sadd.s32 $0xFFFFFEF7, lr;
	s5 =	simm.s32 $0xFFFFFFFF;
	p2 =	slt.u32 s8, $0xFFFFF086  }
0x1c: {  	p1 =	slt.u32 s9, $0xF7A;
	s5 =	simm.s32 @!p2 $0x0  }
0x1d: {  	s5 =	simm.s32 @p1 $0x1;
	p0 =	seq.s32 s7, s2  }
0x1e: {  	s7 =	smul.u32 @!p0 $0xF7A, s2;
	p2 =	seq.s32 @!p0 s5, $0x0  }
0x1f: {  	s9 =	smul.u32 $0xF7A, s1;
	s8 =	simm.s32 @!p0 $0x1BF5;
	p2 =	por !p2, p0  }
0x20: {  	[sflag:s8] =	ssyncset.s32 @!p0 $0xFFFFF086;
	s6 =	sadd.s32 @!p0 s3, s7;
	s7 =	simm.s32 @!p0 $0x108  }
0x21: {  	s3 =	sadd.s32 s3, s9;
	s6 =	sadd.s32 @!p0 $0x88, s6;
	s7 =	simm.s32 @p2 $0x1082  }
0x22: {  	[simem:s7], [sflag:s8] =	dma.local @!p0 [hbm:s6], $0xF7A  }
0x23: {  	s9 =	sor.u32 $0xD0000000, s2;
	s6 =	simm.s32 $0x108;
	_ =	swait.ge @!p0 [sflag:s8], $0x0  }
0x24: {  	s3 =	sadd.s32 $0x88, s3;
	s6 =	simm.s32 @!p1 $0x1082;
	[sflag:s4] =	ssyncset.s32 $0xFFFFF086  }
0x25: {  	[simem:s6], [sflag:s4] =	dma.local [hbm:s3], $0xF7A  }
0x26: {  	[smem:$0x3F94] =	sst s1;
	(tag) =	ssettag s2;
	_ =	strace s9  }
0x27: {  	s1 =	sld [smem:$0x3FA4]  }
0x28: {  	s2 =	sld [smem:$0x3FA5]  }
0x29: {  	s4 =	sld [smem:$0x3FA7]  }
0x2a: {  	p0 =	seq.s32 s5, $0x0;
	s5 =	sld [smem:$0x3FA8]  }
0x2b: {  	s6 =	sld [smem:$0x3FA9]  }
0x2c: {  	s7 =	sld [smem:$0x3FAA]  }
0x2d: {  	s3 =	simm.s32 $0x108;
	s8 =	sld [smem:$0x3FAB]  }
0x2e: {  	s3 =	simm.s32 @!p0 $0x1082;
	s9 =	sld [smem:$0x3FAC]  }
0x2f: {  	lr =	sadd.s32 s0, s3;
	s0 =	sld [smem:$0x3FA3]  }
0x30: {  	s3 =	sld [smem:$0x3FA6]  }
0x31: {  	[smem:$0x3FAF] =	sst s10  }
0x32: {  	s10 =	sld [smem:$0x3FAD];
	_ =	sdelay $0x3  }
0x33: {  	p0 =	seq.s32 s10, $0x1;
	s10 =	sld [smem:$0x3FAF];
	_ =	sdelay $0x3  }
0x34: {  	[smem:$0x3FAF] =	sst s10  }
0x35: {  	s10 =	sld [smem:$0x3FAE];
	_ =	sdelay $0x3  }
0x36: {  	p1 =	seq.s32 s10, $0x1;
	s10 =	sld [smem:$0x3FAF];
	_ =	sdelay $0x3  }
0x37: {  	[smem:$0x3FAF] =	sst s10  }
0x38: {  	s10 =	sld [smem:$0x3FB0]  }
0x39: {  	_ = 	snop;
	(pc) =	sbr.ind lr, $3  }
0x3a: {  	_ = 	snop  }
0x3b: {  	_ = 	snop  }
0x3c: {  	p2 =	seq.s32 s10, $0x1;
	s10 =	sld [smem:$0x3FAF]  }
0x3d: {  	_ =	shalt  }
0x3e: {  	_ =	shalt  }
0x3f: {  	_ =	shalt  }
0x40: {  	_ =	shalt  }
0x41: {  	_ =	shalt  }
0x42: {  	_ =	shalt  }
0x43: {  	_ =	shalt  }
0x44: {  	_ =	shalt  }
0x45: {  	_ =	shalt  }
0x46: {  	_ =	shalt  }
0x47: {  	_ =	shalt  }
0x48: {  	_ =	shalt  }
0x49: {  	_ =	shalt  }
0x4a: {  	_ =	shalt  }
0x4b: {  	_ =	shalt  }
0x4c: {  	_ =	shalt  }
0x4d: {  	_ =	shalt  }
0x4e: {  	_ =	shalt  }
0x4f: {  	_ =	shalt  }
0x50: {  	_ =	shalt  }
0x51: {  	_ =	shalt  }
0x52: {  	_ =	shalt  }
0x53: {  	_ =	shalt  }
0x54: {  	_ =	shalt  }
0x55: {  	_ =	shalt  }
0x56: {  	_ =	shalt  }
0x57: {  	_ =	shalt  }
0x58: {  	_ =	shalt  }
0x59: {  	_ =	shalt  }
0x5a: {  	_ =	shalt  }
0x5b: {  	_ =	shalt  }
0x5c: {  	_ =	shalt  }
0x5d: {  	_ =	shalt  }
0x5e: {  	_ =	shalt  }
0x5f: {  	_ =	shalt  }
0x60: {  	_ =	shalt  }
0x61: {  	_ =	shalt  }
0x62: {  	_ =	shalt  }
0x63: {  	_ =	shalt  }
0x64: {  	_ =	shalt  }
0x65: {  	_ =	shalt  }
0x66: {  	_ =	shalt  }
0x67: {  	_ =	shalt  }
0x68: {  	_ =	shalt  }
0x69: {  	_ =	shalt  }
0x6a: {  	_ =	shalt  }
0x6b: {  	_ =	shalt  }
0x6c: {  	_ =	shalt  }
0x6d: {  	_ =	shalt  }
0x6e: {  	_ =	shalt  }
0x6f: {  	_ =	shalt  }
0x70: {  	_ =	shalt  }
0x71: {  	_ =	shalt  }
0x72: {  	_ =	shalt  }
0x73: {  	_ =	shalt  }
0x74: {  	_ =	shalt  }
0x75: {  	_ =	shalt  }
0x76: {  	_ =	shalt  }
0x77: {  	_ =	shalt  }
0x78: {  	_ =	shalt  }
0x79: {  	_ =	shalt  }
0x7a: {  	_ =	shalt  }
0x7b: {  	_ =	shalt  }
0x7c: {  	_ =	shalt  }
0x7d: {  	_ =	shalt  }
0x7e: {  	_ =	shalt  }
0x7f: {  	_ =	shalt  }
0x80: {  	_ =	shalt  }
0x81: {  	_ =	shalt  }
0x82: {  	_ =	shalt  }
0x83: {  	_ =	shalt  }
0x84: {  	_ =	shalt  }
0x85: {  	_ =	shalt  }
0x86: {  	_ =	shalt  }
0x87: {  	_ =	shalt  }
.Lfunc_end0:
.L_simem_size_0:
called_computation.1_lowered:
.L_overlay_start_0:
0x88: {  	s2 =	sld [smem:$0x3FD9]  }
0x89: {  	s3 =	sld [smem:$0x3FFE];
	_ =	sdelay $0x1  }
0x8a: {  	s1 =	srdreg.scid  }
0x8b: {  	s0 =	sand.u32 $0x1, s1  }
0x8c: {  	s17 =	sshll.u32 s0, $0xA;
	s2 =	sadd.s32 s3, s2  }
0x8d: {  	s2 =	sadd.s32 s2, s17  }
0x8e: {  	[smem:$0x3FBB] =	sst s2  }
0x8f: {  	_ = 	snop  }
0x90: {  	s18 =	sld [smem:$0x3FD0];
	(tm) =	ssettm $0x1  }
0x91: {  	s19 =	sld [smem:$0x3FFB];
	_ =	sdelay $0x3  }
0x92: {  	_ =	strace s19  }
0x93: {  	s2 =	sld [smem:$0x3FFC];
	_ =	sdelay $0x3  }
0x94: {  	_ =	strace s2  }
0x95: {  	s2 =	sld [smem:$0x3FFD];
	_ =	sdelay $0x3  }
0x96: {  	_ =	strace s2  }
0x97: {  	_ =	strace $0x8FFFFFFF  }
0x98: {  	s20 =	sld [smem:$0x3FDB];
	_ =	sdelay $0x1  }
0x99: {  	s4 =	simm.s32 $_scs_section_size  }
0x9a: {  	s5 =	simm.s32 $_size__tile_overlayer_lowered;
	s6 =	simm.s32 $_tile_overlayer_lowered  }
0x9b: {  	s7 =	simm.s32 $0x1BFF;
	s21 =	sshll.u32 s6, $0x1;
	s4 =	sadd.s32 s4, s20  }
0x9c: {  	s22 =	simm.s32 $0x0;
	s5 =	sshll.u32 s5, $0x1;
	s6 =	sadd.s32 s21, s4  }
0x9d: {  	[timem:s22], [sflag:s7] =	dma.local [hbm:s6], s5  }
0x9e: {  	_ =	swait.ge [sflag:s7], s5  }
0x9f: {  	s5 =	ssub.s32 $0x0, s5;
	[sflag:s7] =	ssyncset.done $0x0  }
0xa0: {  	[sflag:s7] =	ssyncadd.s32 s5;
	_ =	sdelay $0x1  }
0xa1: {  	s23 =	simm.s32 $0x1B8B  }
0xa2: {  	_ =	swait.ge [sflag:s23], $0x1  }
0xa3: {  	[sflag:s23] =	ssyncset.done $0x0  }
0xa4: {  	[sflag:s23] =	ssyncadd.s32 $0xFFFFFFFF  }
0xa5: {  	s5 =	sld [smem:$0x0]  }
0xa6: {  	s6 =	sand.u32 $0xFFFFFFFE, s1  }
0xa7: {  	p0 =	sne.s32 s1, s6  }
0xa8: {  	s6 =	sshll.u32 @p0 s6, $0xE  }
0xa9: {  	s6 =	sadd.s32 @p0 $0x11B8D, s6;
	s7 =	sshll.u32 @p0 s5, $0x11  }
0xaa: {  	s6 =	sor.u32 @p0 s7, s6  }
0xab: {  	[sflag:s6] =	ssyncadd.remote.s32 @p0 $0x1;
	_ =	sdelay $0x1  }
0xac: {  	s6 =	simm.s32 @p0 $0x1B8D  }
0xad: {  	_ =	swait.eq @p0 [sflag:s6], $0x1  }
0xae: {  	[sflag:s6] =	ssyncadd.s32 @p0 $0xFFFFFFFF  }
0xaf: {  	s7 =	sshll.u32 @!p0 s1, $0xE  }
0xb0: {  	s7 =	sor.u32 @!p0 $0x4000, s7;
	s6 =	simm.s32 @!p0 $0x1B8D  }
0xb1: {  	s5 =	sshll.u32 @!p0 s5, $0x11;
	s7 =	sadd.s32 @!p0 $0x11B8D, s7;
	_ =	swait.eq @!p0 [sflag:s6], $0x1  }
0xb2: {  	s5 =	sor.u32 @!p0 s5, s7;
	[sflag:s6] =	ssyncadd.s32 @!p0 $0xFFFFFFFF  }
0xb3: {  	s25 =	simm.s32 $0x1B8E;
	s24 =	sld [smem:$0x3FFE];
	[sflag:s5] =	ssyncadd.remote.s32 @!p0 $0x1  }
0xb4: {  	s26 =	simm.s32 $execute0_lowered;
	[smem:$0x3FD2] =	sst s25  }
0xb5: {  	s6 =	sshll.u32 s26, $0x1;
	_ =	strace $0x80000049;
	[dreg:$0x1] =	wrdreg $0xFFFFFFFF  }
0xb6: {  	s28 =	simm.s32 $_size_execute0_lowered;
	s4 =	sadd.s32 s4, s6;
	[dreg:$0x0] =	wrdreg $0x0  }
0xb7: {  	s6 =	sshll.u32 s28, $0x1;
	[dreg:$0x2] =	wrdreg s4  }
0xb8: {  	[dreg:$0x3] =	wrdreg s6  }
0xb9: {  	[dreg:$0x4] =	wrdreg $0xC0  }
0xba: {  	_ =	task [dreg:s22], $0x5FFFF  }
0xbb: {  	[dreg:$0x1] =	wrdreg $0xFFFFFFFF  }
0xbc: {  	[dreg:$0x0] =	wrdreg $0x60  }
0xbd: {  	[dreg:$0x2] =	wrdreg s24  }
0xbe: {  	[dreg:$0x3] =	wrdreg s18  }
0xbf: {  	[dreg:$0x4] =	wrdreg $0x28000  }
0xc0: {  	[dreg:$0x5] =	wrdreg $0xA  }
0xc1: {  	_ =	task.clear_ibuf [dreg:s22], $0x6FFFF;
	_ =	strace $0x90000049  }
0xc2: {  	s29 =	simm.s32 $0xA;
	_ =	strace $0x8000004B  }
0xc3: {  	_ =	swait.ge [sflag:s29], $0x1  }
0xc4: {  	[sflag:s29] =	ssyncadd.s32 $0xFFFFFFFF  }
0xc5: {  	_ =	strace $0x9000004B  }
0xc6: {  	_ =	sfence  }
0xc7: {  	s30 =	sld [smem:$0x0];
	_ =	sdelay $0x2  }
0xc8: {  	s31 =	sshll.u32 s1, $0xD;
	s1 =	sshrl.u32 s1, $0x2  }
0xc9: {  	s4 =	sand.u32 $0x4000, s31;
	s1 =	sadd.s32 s1, s30  }
0xca: {  	s0 =	sor.u32 s4, s0;
	s1 =	sshll.u32 s1, $0x11  }
0xcb: {  	s0 =	sor.u32 s1, s0  }
0xcc: {  	s0 =	sadd.s32 $0x8F2B, s0  }
0xcd: {  	[sflag:s0] =	ssyncadd.remote.s32 $0x1  }
0xce: {  	_ =	sfence.sel $0xFFFF  }
0xcf: {  	[dreg:$0x0] =	wrdreg $0xFFFFFFFF;
	(pc) =	sbr.abs _section_cstart, $3  }
0xd0: {  	[dreg:$0x1] =	wrdreg $0xFFFFFFFF  }
0xd1: {  	_ =	task.clear_ibuf [dreg:s22], $0x2FFFF;
	_ =	strace $0x9FFFFFFF  }
0xd2: {  	(tm) =	ssettm $0x7FFFFFFF  }
0xd3: {  	_ =	shalt  }
tec
execute0_lowered:
.L_overlay_start_1:
0x0: {  	(tag) =	ssettag $0x1  }
0x1: {  	s0 =	rddreg [dreg:$0x0]  }
0x2: {  	s7 =	rddreg [dreg:$0x1]  }
0x3: {  	s1 =	rddreg [dreg:$0x2]  }
0x4: {  	s2 =	srdreg.scid;
	s3 =	simm.s32 $0x0;
	s21 =	stileid.u32  }
0x5: {  	s14 =	simm.s32 $0x40;
	s15 =	simm.s32 $0x16800;
	s16 =	simm.s32 $0x16C00  }
0x6: {  	s17 =	simm.s32 $0x16880;
	s18 =	simm.s32 $0x18C00;
	s19 =	simm.s32 $0x16900  }
0x7: {  	s20 =	simm.s32 $0x1AC00;
	s28 =	simm.s32 $0x4;
	s29 =	simm.s32 $0x16B80  }
0x8: {  	s30 =	simm.s32 $0x0;
	s6 =	sand.u32 $0x1, s2;
	[smem:$0x7FF] =	sst s3  }
0x9: {  	s9 =	smul.u32 $0x14000, s21;
	s4 =	sadd.s32 $0x56400, s0;
	s5 =	sadd.s32 $0x3400, s0  }
0xa: {  	s23 =	smul.u32 $0x50000, s21;
	s11 =	sshll.u32 s21, $0x7;
	s31 =	sshll.u32 s21, $0x6  }
0xb: {  	s8 =	smul.u32 $0x140000, s6;
	_ =	strace $0x8000004A;
	s10 =	sshll.u32 s6, $0x4  }
0xc: {  	s6 =	ssub.s32 $0x2, s6;
	s11 =	sand.u32 $0x380, s11;
	s22 =	sor.u32 s21, s10  }
0xd: {  	s24 =	sshrl.u32 s6, $0x1;
	s25 =	sshrl.u32 s23, $0x2;
	s21 =	simm.s32 $0x16980  }
0xe: {  	s23 =	simm.s32 $0x1;
	s8 =	sadd.s32 s9, s8;
	s9 =	sshrl.u32 s22, $0x3  }
0xf: {  	s12 =	ssub.s32 s6, s24;
	s10 =	sadd.s32 s25, s1;
	s9 =	smul.u32 $0x14000, s9  }
.Ltmp0:
0x10: {  	s6 =	sor.u32 $0x1C05, s31;
	s22 =	simm.s32 $0x1CC00;
	(pc) =	sbr.rel .LBB2_1-.Ltmp0, $4  }
0x11: {  	s24 =	simm.s32 $0x16A00;
	s25 =	simm.s32 $0x3;
	s8 =	sshrl.u32 s8, $0x3  }
0x12: {  	s10 =	sshrl.u32 s10, $0x3;
	s0 =	sadd.s32 s8, s0;
	s26 =	sor.u32 s11, s9  }
0x13: {  	s9 =	smax.u32 s12, $0x1;
	s11 =	simm.s32 $0x5;
	s8 =	sshrl.u32 s26, $0x3  }
0x14: {  	s26 =	simm.s32 $0x16B00;
	s7 =	sadd.s32 s7, s8;
	s8 =	sadd.s32 $0x7E400, s0  }
.LBB2_4:
0x15: {  	_ =	swait.ge [sflag:s28], $0x2000  }
0x16: {  	[sflag:s28] =	ssyncset.done $0x0  }
0x17: {  	[sflag:s28] =	ssyncadd.s32 $0xFFFFE000  }
0x18: {  	[spmem:s1] =	stream.indirect.scatter.add.f32 [tilespmem:s22], [sflag:$0x5], $0x80, s29, s14, $0xb8;
	[tilespmem:$0x1EC00] =	vst v63  }
0x19: {  	_ =	swait.ge [sflag:s11], $0x2000  }
0x1a: {  	s30 =	sadd.s32 $0x1, s30;
	[sflag:s11] =	ssyncset.done $0x0  }
0x1b: {  	p0 =	sne.s32 s30, s9;
	[sflag:s11] =	ssyncadd.s32 $0xFFFFE000  }
.Ltmp1:
0x1c: {  	[bflag:$0x0] =	sbarrier.arrive $0xFFFF;
	(pc) =	sbr.rel @!p0 .LBB2_5-.Ltmp1, $4  }
0x1d: {  	[hbm:s8], [sflag:s6] =	dma.local [spmem:s10], $0x2800  }
0x1e: {  	_ =	swait.ge [sflag:s11], $0x2800  }
0x1f: {  	[sflag:s11] =	ssyncset.done $0x0  }
0x20: {  	[sflag:s11] =	ssyncadd.s32 $0xFFFFD800  }
.LBB2_1:
0x21: {  	[spmem:s10], [sflag:s6] =	dma.local [hbm:s5], $0x2800  }
0x22: {  	_ =	swait.ge [sflag:s11], $0x2800  }
0x23: {  	s0 =	simm.s32 $0x0;
	[sflag:s11] =	ssyncset.done $0x0  }
0x24: {  	s2 =	simm.s32 $0x80;
	s3 =	simm.s32 $0x400;
	[sflag:s11] =	ssyncadd.s32 $0xFFFFD800  }
0x25: {  	[tilespmem:s0], [sflag:$0x5] =	stream.strided.gather [hbm4b:s7+s2], $0x2800, s3, s2, $0x38;
	[tilespmem:$0x1EC00] =	vst v63  }
0x26: {  	_ =	swait.ge [sflag:s11], $0x2800  }
0x27: {  	[sflag:s11] =	ssyncset.done $0x0  }
0x28: {  	[sflag:s11] =	ssyncadd.s32 $0xFFFFD800  }
0x29: {  	v0 =	vld [tilespmem:$0x0];
	_ =	sdelay $0x1  }
0x2a: {  	v1 =	vld [tilespmem:$0x10];
	_ =	sdelay $0x1  }
0x2b: {  	v2 =	vld [tilespmem:$0x20]  }
0x2c: {  	v3 =	vand.u32 $0x3FFF, v0  }
0x2d: {  	v24 =	vld [tilespmem:$0x30];
	v0 =	vshra.s32 v0, $0xE;
	[tilespmem:$0x16800] =	vst v3  }
0x2e: {  	v25 =	vand.u32 $0x3FFF, v1;
	[tilespmem:$0x16A00] =	vst v0  }
0x2f: {  	v26 =	vshra.s32 v1, $0xE;
	[tilespmem:$0x16810] =	vst v25  }
0x30: {  	v27 =	vand.u32 $0x3FFF, v2;
	[tilespmem:$0x16A10] =	vst v26  }
0x31: {  	v28 =	vshra.s32 v2, $0xE;
	[tilespmem:$0x16820] =	vst v27  }
0x32: {  	v29 =	vand.u32 $0x3FFF, v24;
	[tilespmem:$0x16A20] =	vst v28  }
0x33: {  	v30 =	vshra.s32 v24, $0xE;
	[tilespmem:$0x16830] =	vst v29  }
0x34: {  	[tilespmem:$0x16A30] =	vst v30  }
0x35: {  	[tilespmem:s16], [sflag:$0x1] =	stream.indirect.gather [hbm4b:s4+s14], $0x80, s15, s14, $0xb8;
	[tilespmem:$0x1EC00] =	vst v63  }
0x36: {  	v31 =	vld [tilespmem:$0x40];
	_ =	sdelay $0x1  }
0x37: {  	v32 =	vld [tilespmem:$0x50];
	_ =	sdelay $0x1  }
0x38: {  	v33 =	vld [tilespmem:$0x60]  }
0x39: {  	v34 =	vand.u32 $0x3FFF, v31  }
0x3a: {  	v35 =	vld [tilespmem:$0x70];
	v0 =	vshra.s32 v31, $0xE;
	[tilespmem:$0x16880] =	vst v34  }
0x3b: {  	v36 =	vand.u32 $0x3FFF, v32;
	[tilespmem:$0x16A80] =	vst v0  }
0x3c: {  	v37 =	vshra.s32 v32, $0xE;
	[tilespmem:$0x16890] =	vst v36  }
0x3d: {  	v38 =	vand.u32 $0x3FFF, v33;
	[tilespmem:$0x16A90] =	vst v37  }
0x3e: {  	v39 =	vshra.s32 v33, $0xE;
	[tilespmem:$0x168A0] =	vst v38  }
0x3f: {  	v40 =	vand.u32 $0x3FFF, v35;
	[tilespmem:$0x16AA0] =	vst v39  }
0x40: {  	v41 =	vshra.s32 v35, $0xE;
	[tilespmem:$0x168B0] =	vst v40  }
0x41: {  	[tilespmem:$0x16AB0] =	vst v41  }
0x42: {  	[tilespmem:s18], [sflag:$0x2] =	stream.indirect.gather [hbm4b:s4+s14], $0x80, s17, s14, $0xb8;
	[tilespmem:$0x1EC00] =	vst v63  }
0x43: {  	v42 =	vld [tilespmem:$0x80];
	_ =	sdelay $0x1  }
0x44: {  	v43 =	vld [tilespmem:$0x90];
	_ =	sdelay $0x1  }
0x45: {  	v44 =	vld [tilespmem:$0xA0]  }
0x46: {  	v45 =	vand.u32 $0x3FFF, v42  }
0x47: {  	v46 =	vld [tilespmem:$0xB0];
	v0 =	vshra.s32 v42, $0xE;
	[tilespmem:$0x16900] =	vst v45  }
0x48: {  	v47 =	vand.u32 $0x3FFF, v43;
	[tilespmem:$0x16B00] =	vst v0  }
0x49: {  	v48 =	vshra.s32 v43, $0xE;
	[tilespmem:$0x16910] =	vst v47  }
0x4a: {  	v49 =	vand.u32 $0x3FFF, v44;
	[tilespmem:$0x16B10] =	vst v48  }
0x4b: {  	v50 =	vshra.s32 v44, $0xE;
	[tilespmem:$0x16920] =	vst v49  }
0x4c: {  	v51 =	vand.u32 $0x3FFF, v46;
	[tilespmem:$0x16B20] =	vst v50  }
0x4d: {  	v52 =	vshra.s32 v46, $0xE;
	[tilespmem:$0x16930] =	vst v51  }
0x4e: {  	[tilespmem:$0x16B30] =	vst v52  }
0x4f: {  	[tilespmem:s20], [sflag:$0x3] =	stream.indirect.gather [hbm4b:s4+s14], $0x80, s19, s14, $0xb8;
	[tilespmem:$0x1EC00] =	vst v63  }
0x50: {  	v53 =	vld [tilespmem:$0xC0];
	_ =	sdelay $0x1  }
0x51: {  	v54 =	vld [tilespmem:$0xD0];
	_ =	sdelay $0x1  }
0x52: {  	v55 =	vld [tilespmem:$0xE0]  }
0x53: {  	v56 =	vand.u32 $0x3FFF, v53  }
0x54: {  	v57 =	vld [tilespmem:$0xF0];
	v0 =	vshra.s32 v53, $0xE;
	[tilespmem:$0x16980] =	vst v56  }
0x55: {  	v58 =	vand.u32 $0x3FFF, v54;
	[tilespmem:$0x16B80] =	vst v0  }
0x56: {  	v59 =	vshra.s32 v54, $0xE;
	[tilespmem:$0x16990] =	vst v58  }
0x57: {  	v60 =	vand.u32 $0x3FFF, v55;
	[tilespmem:$0x16B90] =	vst v59  }
0x58: {  	v61 =	vshra.s32 v55, $0xE;
	[tilespmem:$0x169A0] =	vst v60  }
0x59: {  	v62 =	vand.u32 $0x3FFF, v57;
	[tilespmem:$0x16BA0] =	vst v61  }
0x5a: {  	v63 =	vshra.s32 v57, $0xE;
	[tilespmem:$0x169B0] =	vst v62  }
0x5b: {  	[tilespmem:$0x16BB0] =	vst v63  }
0x5c: {  	[tilespmem:s22], [sflag:$0x4] =	stream.indirect.gather [hbm4b:s4+s14], $0x80, s21, s14, $0xb8;
	[tilespmem:$0x1EC00] =	vst v63  }
0x5d: {  	s31 =	simm.s32 $0x1C0;
	s0 =	simm.s32 $0x1C0;
	[bflag:$0x0] =	sbarrier.arrive $0xFFFF  }
.LBB2_2:
0x5e: {  	_ =	swait.ge [sflag:s23], $0x2000  }
0x5f: {  	[sflag:s23] =	ssyncset.done $0x0  }
0x60: {  	[sflag:s23] =	ssyncadd.s32 $0xFFFFE000  }
0x61: {  	[spmem:s1] =	stream.indirect.scatter.add.f32 [tilespmem:s16], [sflag:$0x5], $0x80, s24, s14, $0xb8;
	[tilespmem:$0x1EC00] =	vst v63  }
0x62: {  	_ =	swait.ge [sflag:s11], $0x2000  }
0x63: {  	p0 =	seq.s32 s0, $0x28C0;
	[sflag:s11] =	ssyncset.done $0x0  }
0x64: {  	s2 =	simm.s32 @p0 $0x2;
	[sflag:s11] =	ssyncadd.s32 $0xFFFFE000  }
0x65: {  	_ =	swait.ge @p0 [sflag:s2], $0x2000  }
0x66: {  	s3 =	simm.s32 @p0 $0x16A80;
	[sflag:s2] =	ssyncset.done @p0 $0x0  }
0x67: {  	s12 =	simm.s32 @p0 $0x18C00;
	[sflag:s2] =	ssyncadd.s32 @p0 $0xFFFFE000;
	s2 =	simm.s32 @p0 $0x40  }
0x68: {  	[spmem:s1] =	stream.indirect.scatter.add.f32 @p0 [tilespmem:s12], [sflag:$0x5], $0x80, s3, s2, $0xb8;
	[tilespmem:$0x1EC00] =	vst v63  }
0x69: {  	s2 =	simm.s32 @p0 $0x5  }
0x6a: {  	_ =	swait.ge @p0 [sflag:s2], $0x2000  }
0x6b: {  	[sflag:s2] =	ssyncset.done @p0 $0x0  }
0x6c: {  	[sflag:s2] =	ssyncadd.s32 @p0 $0xFFFFE000  }
0x6d: {  	v0 =	vld @!p0 [tilespmem:s31+$0xFFFFFF40];
	_ =	sdelay $0x4  }
0x6e: {  	v1 =	vand.u32 @!p0 $0x3FFF, v0  }
0x6f: {  	v0 =	vshra.s32 @!p0 v0, $0xE;
	[tilespmem:$0x16800] =	vst @!p0 v1  }
0x70: {  	[tilespmem:$0x16A00] =	vst @!p0 v0  }
0x71: {  	v0 =	vld @!p0 [tilespmem:s31+$0xFFFFFF50];
	_ =	sdelay $0x4  }
0x72: {  	v1 =	vand.u32 @!p0 $0x3FFF, v0  }
0x73: {  	v0 =	vshra.s32 @!p0 v0, $0xE;
	[tilespmem:$0x16810] =	vst @!p0 v1  }
0x74: {  	[tilespmem:$0x16A10] =	vst @!p0 v0  }
0x75: {  	v0 =	vld @!p0 [tilespmem:s31+$0xFFFFFF60];
	_ =	sdelay $0x4  }
0x76: {  	v1 =	vand.u32 @!p0 $0x3FFF, v0  }
0x77: {  	v0 =	vshra.s32 @!p0 v0, $0xE;
	[tilespmem:$0x16820] =	vst @!p0 v1  }
0x78: {  	[tilespmem:$0x16A20] =	vst @!p0 v0  }
0x79: {  	v0 =	vld @!p0 [tilespmem:s31+$0xFFFFFF70];
	_ =	sdelay $0x4  }
0x7a: {  	v1 =	vand.u32 @!p0 $0x3FFF, v0  }
0x7b: {  	v0 =	vshra.s32 @!p0 v0, $0xE;
	[tilespmem:$0x16830] =	vst @!p0 v1  }
0x7c: {  	s3 =	simm.s32 @!p0 $0x16800;
	s12 =	simm.s32 @!p0 $0x16C00;
	s2 =	simm.s32 @!p0 $0x40;
	[tilespmem:$0x16A30] =	vst @!p0 v0  }
0x7d: {  	[tilespmem:s12], [sflag:$0x1] =	stream.indirect.gather @!p0 [hbm4b:s4+s2], $0x80, s3, s2, $0xb8;
	[tilespmem:$0x1EC00] =	vst v63  }
0x7e: {  	s3 =	simm.s32 @!p0 $0x2  }
0x7f: {  	_ =	swait.ge @!p0 [sflag:s3], $0x2000  }
0x80: {  	[sflag:s3] =	ssyncset.done @!p0 $0x0  }
0x81: {  	s12 =	simm.s32 @!p0 $0x18C00;
	[sflag:s3] =	ssyncadd.s32 @!p0 $0xFFFFE000;
	s3 =	simm.s32 @!p0 $0x16A80  }
0x82: {  	[spmem:s1] =	stream.indirect.scatter.add.f32 @!p0 [tilespmem:s12], [sflag:$0x5], $0x80, s3, s2, $0xb8;
	[tilespmem:$0x1EC00] =	vst v63  }
0x83: {  	s3 =	simm.s32 @!p0 $0x5  }
0x84: {  	_ =	swait.ge @!p0 [sflag:s3], $0x2000  }
0x85: {  	[sflag:s3] =	ssyncset.done @!p0 $0x0  }
0x86: {  	[sflag:s3] =	ssyncadd.s32 @!p0 $0xFFFFE000  }
0x87: {  	v0 =	vld @!p0 [tilespmem:s31+$0xFFFFFF80];
	_ =	sdelay $0x4  }
0x88: {  	v1 =	vand.u32 @!p0 $0x3FFF, v0  }
0x89: {  	s3 =	sadd.s32 @!p0 $0xFFFFFF80, s0;
	v0 =	vshra.s32 @!p0 v0, $0xE;
	[tilespmem:$0x16880] =	vst @!p0 v1  }
0x8a: {  	s13 =	sor.u32 @!p0 $0x50, s3;
	[tilespmem:$0x16A80] =	vst @!p0 v0  }
0x8b: {  	v0 =	vld @!p0 [tilespmem:s13+$0x0];
	_ =	sdelay $0x4  }
0x8c: {  	v1 =	vand.u32 @!p0 $0x3FFF, v0  }
0x8d: {  	v0 =	vshra.s32 @!p0 v0, $0xE;
	[tilespmem:$0x16890] =	vst @!p0 v1  }
0x8e: {  	s13 =	sor.u32 @!p0 $0x60, s3;
	[tilespmem:$0x16A90] =	vst @!p0 v0  }
0x8f: {  	v0 =	vld @!p0 [tilespmem:s13+$0x0];
	_ =	sdelay $0x4  }
0x90: {  	v1 =	vand.u32 @!p0 $0x3FFF, v0  }
0x91: {  	v0 =	vshra.s32 @!p0 v0, $0xE;
	[tilespmem:$0x168A0] =	vst @!p0 v1  }
0x92: {  	s3 =	sor.u32 @!p0 $0x70, s3;
	[tilespmem:$0x16AA0] =	vst @!p0 v0  }
0x93: {  	v0 =	vld @!p0 [tilespmem:s3+$0x0];
	_ =	sdelay $0x4  }
0x94: {  	v1 =	vand.u32 @!p0 $0x3FFF, v0  }
0x95: {  	v0 =	vshra.s32 @!p0 v0, $0xE;
	[tilespmem:$0x168B0] =	vst @!p0 v1  }
0x96: {  	s3 =	simm.s32 @!p0 $0x16880;
	[tilespmem:$0x16AB0] =	vst @!p0 v0  }
0x97: {  	[tilespmem:s12], [sflag:$0x2] =	stream.indirect.gather @!p0 [hbm4b:s4+s2], $0x80, s3, s2, $0xb8;
	[tilespmem:$0x1EC00] =	vst v63  }
0x98: {  	_ =	swait.ge [sflag:s25], $0x2000  }
0x99: {  	[sflag:s25] =	ssyncset.done $0x0  }
.Ltmp2:
0x9a: {  	[sflag:s25] =	ssyncadd.s32 $0xFFFFE000;
	(pc) =	sbr.rel @p0 .LBB2_4-.Ltmp2, $4  }
0x9b: {  	[spmem:s1] =	stream.indirect.scatter.add.f32 [tilespmem:s20], [sflag:$0x5], $0x80, s26, s14, $0xb8;
	[tilespmem:$0x1EC00] =	vst v63  }
0x9c: {  	_ =	swait.ge [sflag:s11], $0x2000  }
0x9d: {  	[sflag:s11] =	ssyncset.done $0x0  }
0x9e: {  	[sflag:s11] =	ssyncadd.s32 $0xFFFFE000  }
0x9f: {  	v0 =	vld [tilespmem:s31+$0xFFFFFFC0];
	_ =	sdelay $0x4  }
0xa0: {  	v1 =	vand.u32 $0x3FFF, v0  }
0xa1: {  	v0 =	vshra.s32 v0, $0xE;
	[tilespmem:$0x16900] =	vst v1  }
0xa2: {  	[tilespmem:$0x16B00] =	vst v0  }
0xa3: {  	v0 =	vld [tilespmem:s31+$0xFFFFFFD0];
	_ =	sdelay $0x4  }
0xa4: {  	v56 =	vand.u32 $0x3FFF, v0  }
0xa5: {  	v0 =	vshra.s32 v0, $0xE;
	[tilespmem:$0x16910] =	vst v56  }
0xa6: {  	[tilespmem:$0x16B10] =	vst v0  }
0xa7: {  	v0 =	vld [tilespmem:s31+$0xFFFFFFE0];
	_ =	sdelay $0x4  }
0xa8: {  	v57 =	vand.u32 $0x3FFF, v0  }
0xa9: {  	v0 =	vshra.s32 v0, $0xE;
	[tilespmem:$0x16920] =	vst v57  }
0xaa: {  	[tilespmem:$0x16B20] =	vst v0  }
0xab: {  	v0 =	vld [tilespmem:s31+$0xFFFFFFF0];
	_ =	sdelay $0x4  }
0xac: {  	v58 =	vand.u32 $0x3FFF, v0  }
0xad: {  	v0 =	vshra.s32 v0, $0xE;
	[tilespmem:$0x16930] =	vst v58  }
0xae: {  	[tilespmem:$0x16B30] =	vst v0  }
0xaf: {  	[tilespmem:s20], [sflag:$0x3] =	stream.indirect.gather [hbm4b:s4+s14], $0x80, s19, s14, $0xb8;
	[tilespmem:$0x1EC00] =	vst v63  }
0xb0: {  	_ =	swait.ge [sflag:s28], $0x2000  }
0xb1: {  	[sflag:s28] =	ssyncset.done $0x0  }
0xb2: {  	[sflag:s28] =	ssyncadd.s32 $0xFFFFE000  }
0xb3: {  	[spmem:s1] =	stream.indirect.scatter.add.f32 [tilespmem:s22], [sflag:$0x5], $0x80, s29, s14, $0xb8;
	[tilespmem:$0x1EC00] =	vst v63  }
0xb4: {  	_ =	swait.ge [sflag:s11], $0x2000  }
0xb5: {  	[sflag:s11] =	ssyncset.done $0x0  }
0xb6: {  	[sflag:s11] =	ssyncadd.s32 $0xFFFFE000  }
0xb7: {  	v59 =	vld [tilespmem:s31+$0x0];
	_ =	sdelay $0x4  }
0xb8: {  	v60 =	vand.u32 $0x3FFF, v59  }
0xb9: {  	v0 =	vshra.s32 v59, $0xE;
	[tilespmem:$0x16980] =	vst v60  }
0xba: {  	s2 =	sor.u32 $0x50, s0;
	[tilespmem:$0x16B80] =	vst v0  }
0xbb: {  	v0 =	vld [tilespmem:s2+$0x0];
	_ =	sdelay $0x4  }
0xbc: {  	v61 =	vand.u32 $0x3FFF, v0  }
0xbd: {  	v0 =	vshra.s32 v0, $0xE;
	[tilespmem:$0x16990] =	vst v61  }
0xbe: {  	s12 =	sor.u32 $0x60, s0;
	[tilespmem:$0x16B90] =	vst v0  }
0xbf: {  	v0 =	vld [tilespmem:s12+$0x0];
	_ =	sdelay $0x4  }
0xc0: {  	v62 =	vand.u32 $0x3FFF, v0  }
0xc1: {  	v0 =	vshra.s32 v0, $0xE;
	[tilespmem:$0x169A0] =	vst v62  }
0xc2: {  	s13 =	sor.u32 $0x70, s0;
	[tilespmem:$0x16BA0] =	vst v0  }
0xc3: {  	v0 =	vld [tilespmem:s13+$0x0];
	_ =	sdelay $0x3  }
.Ltmp3:
0xc4: {  	_ = 	snop;
	(pc) =	sbr.rel .LBB2_2-.Ltmp3, $4  }
0xc5: {  	v63 =	vand.u32 $0x3FFF, v0  }
0xc6: {  	v0 =	vshra.s32 v0, $0xE;
	[tilespmem:$0x169B0] =	vst v63  }
0xc7: {  	s0 =	sadd.s32 $0x100, s0;
	s31 =	sadd.s32 $0x100, s31;
	[tilespmem:$0x16BB0] =	vst v0  }
0xc8: {  	[tilespmem:s22], [sflag:$0x4] =	stream.indirect.gather [hbm4b:s4+s14], $0x80, s21, s14, $0xb8;
	[tilespmem:$0x1EC00] =	vst v63  }
.LBB2_5:
0xc9: {  	_ =	sfence.sel $0x180000  }
0xca: {  	[bflag:$0x0] =	sbarrier.arrive $0xFFFF  }
0xcb: {  	_ =	strace $0x9000004A  }
0xcc: {  	s0 =	stileid.u32;
	[bflag:$0x2] =	sbarrier.arrive $0xFFFF  }
0xcd: {  	p0 =	sne.s32 s0, $0x0;
	s0 =	rddreg [dreg:$0x3]  }
0xce: {  	s0 =	sadd.s32 @!p0 $0x100000, s0  }
0xcf: {  	[sflag:s0] =	ssyncadd.tile.s32 @!p0 $0x1;
	_ =	shalt  }
.Lfunc_end2:
_tile_overlayer_lowered:
.L_overlay_start_2:
0xd0: {  	(tag) =	ssettag $0x2  }
0xd1: {  	s0 =	rddreg [dreg:$0x0];
	s2 =	stileid.u32  }
0xd2: {  	s1 =	rddreg [dreg:$0x1];
	p0 =	sne.s32 s2, $0x0  }
0xd3: {  	s3 =	rddreg [dreg:$0x2];
	[bflag:$0x3] =	sbarrier.arrive $0xFFFF;
	s2 =	simm.s32 @!p0 $0x1C05  }
0xd4: {  	[timem:s3], [sflag:s2] =	dma.local @!p0 [hbm:s0], s1  }
0xd5: {  	s0 =	simm.s32 @!p0 $0x5  }
0xd6: {  	_ =	swait.ge @!p0 [sflag:s0], s1  }
0xd7: {  	s1 =	ssub.s32 @!p0 $0x0, s1;
	[sflag:s0] =	ssyncset.done @!p0 $0x0  }
0xd8: {  	[sflag:s0] =	ssyncadd.s32 @!p0 s1  }
0xd9: {  	[bflag:$0x3] =	sbarrier.arrive $0xFFFF  }
0xda: {  	_ =	shalt  }

// kernel: kernel.16.cloned.1.call-start
scs
__scs_entry_jumppad:
0x0: {  	(pc) =	sbr.rel $0x88, $3  }
0x1: {  	(tag) =	ssettag $0x0;
	lr =	simm.s32 $0x1  }
0x2: {  	[smem:$0x3F94] =	sst lr;
	_ =	strace $0xD0000000  }
0x3: {  	_ = 	snop  }
0x4: {  	_ = 	snop  }
0x5: {  	_ = 	snop  }
0x6: {  	_ = 	snop  }
0x7: {  	_ = 	snop  }
__scs_overlays_trampoline_lowered:
0x8: {  	[smem:$0x3FA3] =	sst s0  }
0x9: {  	[smem:$0x3FA4] =	sst s1  }
0xa: {  	[smem:$0x3FA5] =	sst s2  }
0xb: {  	[smem:$0x3FA6] =	sst s3  }
0xc: {  	[smem:$0x3FA7] =	sst s4  }
0xd: {  	[smem:$0x3FA8] =	sst s5  }
0xe: {  	[smem:$0x3FA9] =	sst s6  }
0xf: {  	[smem:$0x3FAA] =	sst s7  }
0x10: {  	[smem:$0x3FAB] =	sst s8  }
0x11: {  	[smem:$0x3FAC] =	sst s9;
	s0 =	simm.s32 @!p0 $0x0  }
0x12: {  	s1 =	sld [smem:$0x3F92];
	s0 =	simm.s32 @p0 $0x1  }
0x13: {  	[smem:$0x3FAD] =	sst s0;
	s0 =	simm.s32 @!p1 $0x0  }
0x14: {  	s2 =	sld [smem:$0x3F91];
	s0 =	simm.s32 @p1 $0x1  }
0x15: {  	[smem:$0x3FAE] =	sst s0;
	s0 =	simm.s32 @!p2 $0x0  }
0x16: {  	s3 =	sld [smem:$0x3FDB];
	s0 =	simm.s32 @p2 $0x1  }
0x17: {  	s4 =	simm.s32 $0x1BF5;
	[smem:$0x3FB0] =	sst s0  }
0x18: {  	s0 =	sld [smem:$0x3F93];
	_ =	swait.ge [sflag:s4], $0x0  }
0x19: {  	s7 =	sld [smem:$0x3F94]  }
0x1a: {  	s8 =	sadd.s32 $0xFFFFE003, lr  }
0x1b: {  	s9 =	sadd.s32 $0xFFFFFEF7, lr;
	s5 =	simm.s32 $0xFFFFFFFF;
	p2 =	slt.u32 s8, $0xFFFFF086  }
0x1c: {  	p1 =	slt.u32 s9, $0xF7A;
	s5 =	simm.s32 @!p2 $0x0  }
0x1d: {  	s5 =	simm.s32 @p1 $0x1;
	p0 =	seq.s32 s7, s2  }
0x1e: {  	s7 =	smul.u32 @!p0 $0xF7A, s2;
	p2 =	seq.s32 @!p0 s5, $0x0  }
0x1f: {  	s9 =	smul.u32 $0xF7A, s1;
	s8 =	simm.s32 @!p0 $0x1BF5;
	p2 =	por !p2, p0  }
0x20: {  	[sflag:s8] =	ssyncset.s32 @!p0 $0xFFFFF086;
	s6 =	sadd.s32 @!p0 s3, s7;
	s7 =	simm.s32 @!p0 $0x108  }
0x21: {  	s3 =	sadd.s32 s3, s9;
	s6 =	sadd.s32 @!p0 $0x88, s6;
	s7 =	simm.s32 @p2 $0x1082  }
0x22: {  	[simem:s7], [sflag:s8] =	dma.local @!p0 [hbm:s6], $0xF7A  }
0x23: {  	s9 =	sor.u32 $0xD0000000, s2;
	s6 =	simm.s32 $0x108;
	_ =	swait.ge @!p0 [sflag:s8], $0x0  }
0x24: {  	s3 =	sadd.s32 $0x88, s3;
	s6 =	simm.s32 @!p1 $0x1082;
	[sflag:s4] =	ssyncset.s32 $0xFFFFF086  }
0x25: {  	[simem:s6], [sflag:s4] =	dma.local [hbm:s3], $0xF7A  }
0x26: {  	[smem:$0x3F94] =	sst s1;
	(tag) =	ssettag s2;
	_ =	strace s9  }
0x27: {  	s1 =	sld [smem:$0x3FA4]  }
0x28: {  	s2 =	sld [smem:$0x3FA5]  }
0x29: {  	s4 =	sld [smem:$0x3FA7]  }
0x2a: {  	p0 =	seq.s32 s5, $0x0;
	s5 =	sld [smem:$0x3FA8]  }
0x2b: {  	s6 =	sld [smem:$0x3FA9]  }
0x2c: {  	s7 =	sld [smem:$0x3FAA]  }
0x2d: {  	s3 =	simm.s32 $0x108;
	s8 =	sld [smem:$0x3FAB]  }
0x2e: {  	s3 =	simm.s32 @!p0 $0x1082;
	s9 =	sld [smem:$0x3FAC]  }
0x2f: {  	lr =	sadd.s32 s0, s3;
	s0 =	sld [smem:$0x3FA3]  }
0x30: {  	s3 =	sld [smem:$0x3FA6]  }
0x31: {  	[smem:$0x3FAF] =	sst s10  }
0x32: {  	s10 =	sld [smem:$0x3FAD];
	_ =	sdelay $0x3  }
0x33: {  	p0 =	seq.s32 s10, $0x1;
	s10 =	sld [smem:$0x3FAF];
	_ =	sdelay $0x3  }
0x34: {  	[smem:$0x3FAF] =	sst s10  }
0x35: {  	s10 =	sld [smem:$0x3FAE];
	_ =	sdelay $0x3  }
0x36: {  	p1 =	seq.s32 s10, $0x1;
	s10 =	sld [smem:$0x3FAF];
	_ =	sdelay $0x3  }
0x37: {  	[smem:$0x3FAF] =	sst s10  }
0x38: {  	s10 =	sld [smem:$0x3FB0]  }
0x39: {  	_ = 	snop;
	(pc) =	sbr.ind lr, $3  }
0x3a: {  	_ = 	snop  }
0x3b: {  	_ = 	snop  }
0x3c: {  	p2 =	seq.s32 s10, $0x1;
	s10 =	sld [smem:$0x3FAF]  }
0x3d: {  	_ =	shalt  }
0x3e: {  	_ =	shalt  }
0x3f: {  	_ =	shalt  }
0x40: {  	_ =	shalt  }
0x41: {  	_ =	shalt  }
0x42: {  	_ =	shalt  }
0x43: {  	_ =	shalt  }
0x44: {  	_ =	shalt  }
0x45: {  	_ =	shalt  }
0x46: {  	_ =	shalt  }
0x47: {  	_ =	shalt  }
0x48: {  	_ =	shalt  }
0x49: {  	_ =	shalt  }
0x4a: {  	_ =	shalt  }
0x4b: {  	_ =	shalt  }
0x4c: {  	_ =	shalt  }
0x4d: {  	_ =	shalt  }
0x4e: {  	_ =	shalt  }
0x4f: {  	_ =	shalt  }
0x50: {  	_ =	shalt  }
0x51: {  	_ =	shalt  }
0x52: {  	_ =	shalt  }
0x53: {  	_ =	shalt  }
0x54: {  	_ =	shalt  }
0x55: {  	_ =	shalt  }
0x56: {  	_ =	shalt  }
0x57: {  	_ =	shalt  }
0x58: {  	_ =	shalt  }
0x59: {  	_ =	shalt  }
0x5a: {  	_ =	shalt  }
0x5b: {  	_ =	shalt  }
0x5c: {  	_ =	shalt  }
0x5d: {  	_ =	shalt  }
0x5e: {  	_ =	shalt  }
0x5f: {  	_ =	shalt  }
0x60: {  	_ =	shalt  }
0x61: {  	_ =	shalt  }
0x62: {  	_ =	shalt  }
0x63: {  	_ =	shalt  }
0x64: {  	_ =	shalt  }
0x65: {  	_ =	shalt  }
0x66: {  	_ =	shalt  }
0x67: {  	_ =	shalt  }
0x68: {  	_ =	shalt  }
0x69: {  	_ =	shalt  }
0x6a: {  	_ =	shalt  }
0x6b: {  	_ =	shalt  }
0x6c: {  	_ =	shalt  }
0x6d: {  	_ =	shalt  }
0x6e: {  	_ =	shalt  }
0x6f: {  	_ =	shalt  }
0x70: {  	_ =	shalt  }
0x71: {  	_ =	shalt  }
0x72: {  	_ =	shalt  }
0x73: {  	_ =	shalt  }
0x74: {  	_ =	shalt  }
0x75: {  	_ =	shalt  }
0x76: {  	_ =	shalt  }
0x77: {  	_ =	shalt  }
0x78: {  	_ =	shalt  }
0x79: {  	_ =	shalt  }
0x7a: {  	_ =	shalt  }
0x7b: {  	_ =	shalt  }
0x7c: {  	_ =	shalt  }
0x7d: {  	_ =	shalt  }
0x7e: {  	_ =	shalt  }
0x7f: {  	_ =	shalt  }
0x80: {  	_ =	shalt  }
0x81: {  	_ =	shalt  }
0x82: {  	_ =	shalt  }
0x83: {  	_ =	shalt  }
0x84: {  	_ =	shalt  }
0x85: {  	_ =	shalt  }
0x86: {  	_ =	shalt  }
0x87: {  	_ =	shalt  }
.Lfunc_end0:
.L_simem_size_0:
called_computation.2_lowered:
.L_overlay_start_0:
0x88: {  	s2 =	sld [smem:$0x3FD9]  }
0x89: {  	s3 =	sld [smem:$0x3FFE];
	_ =	sdelay $0x1  }
0x8a: {  	s1 =	srdreg.scid  }
0x8b: {  	s0 =	sand.u32 $0x1, s1  }
0x8c: {  	s17 =	sshll.u32 s0, $0xA;
	s2 =	sadd.s32 s3, s2  }
0x8d: {  	s2 =	sadd.s32 s2, s17  }
0x8e: {  	[smem:$0x3FBB] =	sst s2  }
0x8f: {  	_ = 	snop  }
0x90: {  	s2 =	sld [smem:$0x3FD0];
	(tm) =	ssettm $0x1  }
0x91: {  	s18 =	sld [smem:$0x3FFB];
	_ =	sdelay $0x3  }
0x92: {  	_ =	strace s18  }
0x93: {  	s3 =	sld [smem:$0x3FFC];
	_ =	sdelay $0x3  }
0x94: {  	_ =	strace s3  }
0x95: {  	s3 =	sld [smem:$0x3FFD];
	_ =	sdelay $0x3  }
0x96: {  	_ =	strace s3  }
0x97: {  	_ =	strace $0x8FFFFFFF  }
0x98: {  	s19 =	sld [smem:$0x3FDB];
	_ =	sdelay $0x1  }
0x99: {  	s4 =	simm.s32 $_scs_section_size  }
0x9a: {  	s5 =	simm.s32 $_size__tile_overlayer_lowered;
	s6 =	simm.s32 $_tile_overlayer_lowered  }
0x9b: {  	s22 =	simm.s32 $0x1BFF;
	s21 =	sshll.u32 s6, $0x1;
	s3 =	sadd.s32 s4, s19  }
0x9c: {  	s7 =	simm.s32 $0x0;
	s20 =	sshll.u32 s5, $0x1;
	s5 =	sadd.s32 s21, s3  }
0x9d: {  	[timem:s7], [sflag:s22] =	dma.local [hbm:s5], s20  }
0x9e: {  	_ =	swait.ge [sflag:s22], s20  }
0x9f: {  	s4 =	ssub.s32 $0x0, s20;
	[sflag:s22] =	ssyncset.done $0x0  }
0xa0: {  	[sflag:s22] =	ssyncadd.s32 s4;
	_ =	sdelay $0x1  }
0xa1: {  	s23 =	simm.s32 $0x1B8B  }
0xa2: {  	_ =	swait.ge [sflag:s23], $0x1  }
0xa3: {  	[sflag:s23] =	ssyncset.done $0x0  }
0xa4: {  	s25 =	simm.s32 $0x1B8E;
	s24 =	sld [smem:$0x3FFE];
	[sflag:s23] =	ssyncadd.s32 $0xFFFFFFFF  }
0xa5: {  	s26 =	simm.s32 $execute0_lowered;
	[smem:$0x3FD2] =	sst s25  }
0xa6: {  	s5 =	sshll.u32 s26, $0x1;
	_ =	strace $0x8000004C;
	[dreg:$0x1] =	wrdreg $0xFFFFFFFF  }
0xa7: {  	s28 =	simm.s32 $_size_execute0_lowered;
	s3 =	sadd.s32 s3, s5;
	[dreg:$0x0] =	wrdreg $0x0  }
0xa8: {  	s5 =	sshll.u32 s28, $0x1;
	[dreg:$0x2] =	wrdreg s3  }
0xa9: {  	[dreg:$0x3] =	wrdreg s5  }
0xaa: {  	[dreg:$0x4] =	wrdreg $0xC0  }
0xab: {  	_ =	task [dreg:s7], $0x5FFFF  }
0xac: {  	[dreg:$0x1] =	wrdreg $0xFFFFFFFF  }
0xad: {  	[dreg:$0x0] =	wrdreg $0x60  }
0xae: {  	[dreg:$0x2] =	wrdreg s24  }
0xaf: {  	[dreg:$0x3] =	wrdreg s2  }
0xb0: {  	[dreg:$0x4] =	wrdreg $0x28000  }
0xb1: {  	[dreg:$0x5] =	wrdreg $0x9  }
0xb2: {  	_ =	task.clear_ibuf [dreg:s7], $0x6FFFF;
	_ =	strace $0x9000004C  }
0xb3: {  	s29 =	simm.s32 $0x9;
	_ =	strace $0x8000004E  }
0xb4: {  	_ =	swait.ge [sflag:s29], $0x1  }
0xb5: {  	[sflag:s29] =	ssyncadd.s32 $0xFFFFFFFF  }
0xb6: {  	_ =	strace $0x9000004E  }
0xb7: {  	_ =	sfence  }
0xb8: {  	s30 =	sld [smem:$0x0];
	_ =	sdelay $0x2  }
0xb9: {  	s31 =	sshll.u32 s1, $0xD;
	s1 =	sshrl.u32 s1, $0x2  }
0xba: {  	s3 =	sand.u32 $0x4000, s31;
	s1 =	sadd.s32 s1, s30  }
0xbb: {  	s0 =	sor.u32 s3, s0;
	s1 =	sshll.u32 s1, $0x11  }
0xbc: {  	s0 =	sor.u32 s1, s0  }
0xbd: {  	s0 =	sadd.s32 $0x8F2B, s0  }
0xbe: {  	[sflag:s0] =	ssyncadd.remote.s32 $0x1  }
0xbf: {  	_ =	sfence.sel $0xFFFF  }
0xc0: {  	[dreg:$0x0] =	wrdreg $0xFFFFFFFF;
	(pc) =	sbr.abs _section_cstart, $3  }
0xc1: {  	[dreg:$0x1] =	wrdreg $0xFFFFFFFF  }
0xc2: {  	_ =	task.clear_ibuf [dreg:s7], $0x2FFFF;
	_ =	strace $0x9FFFFFFF  }
0xc3: {  	(tm) =	ssettm $0x7FFFFFFF  }
tec
execute0_lowered:
.L_overlay_start_1:
0x0: {  	(tag) =	ssettag $0x1  }
0x1: {  	s0 =	rddreg [dreg:$0x0]  }
0x2: {  	s7 =	rddreg [dreg:$0x1]  }
0x3: {  	s1 =	rddreg [dreg:$0x2]  }
0x4: {  	s2 =	srdreg.scid;
	s3 =	simm.s32 $0x0;
	s21 =	stileid.u32  }
0x5: {  	s14 =	simm.s32 $0x40;
	s15 =	simm.s32 $0x16800;
	s16 =	simm.s32 $0x16C00  }
0x6: {  	s17 =	simm.s32 $0x16880;
	s18 =	simm.s32 $0x18C00;
	s19 =	simm.s32 $0x16900  }
0x7: {  	s20 =	simm.s32 $0x1AC00;
	s28 =	simm.s32 $0x4;
	s29 =	simm.s32 $0x16B80  }
0x8: {  	s30 =	simm.s32 $0x0;
	s6 =	sand.u32 $0x1, s2;
	[smem:$0x7FF] =	sst s3  }
0x9: {  	s9 =	smul.u32 $0x14000, s21;
	s4 =	sadd.s32 $0x5C00, s0;
	s5 =	sadd.s32 $0x3400, s0  }
0xa: {  	s23 =	smul.u32 $0x50000, s21;
	s11 =	sshll.u32 s21, $0x7;
	s31 =	sshll.u32 s21, $0x6  }
0xb: {  	s8 =	smul.u32 $0x140000, s6;
	_ =	strace $0x8000004D;
	s10 =	sshll.u32 s6, $0x4  }
0xc: {  	s6 =	ssub.s32 $0x2, s6;
	s11 =	sand.u32 $0x380, s11;
	s22 =	sor.u32 s21, s10  }
0xd: {  	s24 =	sshrl.u32 s6, $0x1;
	s25 =	sshrl.u32 s23, $0x2;
	s21 =	simm.s32 $0x16980  }
0xe: {  	s23 =	simm.s32 $0x1;
	s8 =	sadd.s32 s9, s8;
	s9 =	sshrl.u32 s22, $0x3  }
0xf: {  	s12 =	ssub.s32 s6, s24;
	s10 =	sadd.s32 s25, s1;
	s9 =	smul.u32 $0x14000, s9  }
.Ltmp0:
0x10: {  	s6 =	sor.u32 $0x1C05, s31;
	s22 =	simm.s32 $0x1CC00;
	(pc) =	sbr.rel .LBB2_1-.Ltmp0, $4  }
0x11: {  	s24 =	simm.s32 $0x16A00;
	s25 =	simm.s32 $0x3;
	s8 =	sshrl.u32 s8, $0x3  }
0x12: {  	s10 =	sshrl.u32 s10, $0x3;
	s0 =	sadd.s32 s8, s0;
	s26 =	sor.u32 s11, s9  }
0x13: {  	s9 =	smax.u32 s12, $0x1;
	s11 =	simm.s32 $0x5;
	s8 =	sshrl.u32 s26, $0x3  }
0x14: {  	s26 =	simm.s32 $0x16B00;
	s7 =	sadd.s32 s7, s8;
	s8 =	sadd.s32 $0x2DC00, s0  }
.LBB2_4:
0x15: {  	_ =	swait.ge [sflag:s28], $0x2000  }
0x16: {  	[sflag:s28] =	ssyncset.done $0x0  }
0x17: {  	[sflag:s28] =	ssyncadd.s32 $0xFFFFE000  }
0x18: {  	[spmem:s1] =	stream.indirect.scatter.add.f32 [tilespmem:s22], [sflag:$0x5], $0x80, s29, s14, $0xb8;
	[tilespmem:$0x1EC00] =	vst v63  }
0x19: {  	_ =	swait.ge [sflag:s11], $0x2000  }
0x1a: {  	s30 =	sadd.s32 $0x1, s30;
	[sflag:s11] =	ssyncset.done $0x0  }
0x1b: {  	p0 =	sne.s32 s30, s9;
	[sflag:s11] =	ssyncadd.s32 $0xFFFFE000  }
.Ltmp1:
0x1c: {  	[bflag:$0x0] =	sbarrier.arrive $0xFFFF;
	(pc) =	sbr.rel @!p0 .LBB2_5-.Ltmp1, $4  }
0x1d: {  	[hbm:s8], [sflag:s6] =	dma.local [spmem:s10], $0x2800  }
0x1e: {  	_ =	swait.ge [sflag:s11], $0x2800  }
0x1f: {  	[sflag:s11] =	ssyncset.done $0x0  }
0x20: {  	[sflag:s11] =	ssyncadd.s32 $0xFFFFD800  }
.LBB2_1:
0x21: {  	[spmem:s10], [sflag:s6] =	dma.local [hbm:s5], $0x2800  }
0x22: {  	_ =	swait.ge [sflag:s11], $0x2800  }
0x23: {  	s0 =	simm.s32 $0x0;
	[sflag:s11] =	ssyncset.done $0x0  }
0x24: {  	s2 =	simm.s32 $0x80;
	s3 =	simm.s32 $0x400;
	[sflag:s11] =	ssyncadd.s32 $0xFFFFD800  }
0x25: {  	[tilespmem:s0], [sflag:$0x5] =	stream.strided.gather [hbm4b:s7+s2], $0x2800, s3, s2, $0x38;
	[tilespmem:$0x1EC00] =	vst v63  }
0x26: {  	_ =	swait.ge [sflag:s11], $0x2800  }
0x27: {  	[sflag:s11] =	ssyncset.done $0x0  }
0x28: {  	[sflag:s11] =	ssyncadd.s32 $0xFFFFD800  }
0x29: {  	v0 =	vld [tilespmem:$0x0];
	_ =	sdelay $0x1  }
0x2a: {  	v1 =	vld [tilespmem:$0x10];
	_ =	sdelay $0x1  }
0x2b: {  	v2 =	vld [tilespmem:$0x20]  }
0x2c: {  	v3 =	vand.u32 $0x3FFF, v0  }
0x2d: {  	v24 =	vld [tilespmem:$0x30];
	v0 =	vshra.s32 v0, $0xE;
	[tilespmem:$0x16800] =	vst v3  }
0x2e: {  	v25 =	vand.u32 $0x3FFF, v1;
	[tilespmem:$0x16A00] =	vst v0  }
0x2f: {  	v26 =	vshra.s32 v1, $0xE;
	[tilespmem:$0x16810] =	vst v25  }
0x30: {  	v27 =	vand.u32 $0x3FFF, v2;
	[tilespmem:$0x16A10] =	vst v26  }
0x31: {  	v28 =	vshra.s32 v2, $0xE;
	[tilespmem:$0x16820] =	vst v27  }
0x32: {  	v29 =	vand.u32 $0x3FFF, v24;
	[tilespmem:$0x16A20] =	vst v28  }
0x33: {  	v30 =	vshra.s32 v24, $0xE;
	[tilespmem:$0x16830] =	vst v29  }
0x34: {  	[tilespmem:$0x16A30] =	vst v30  }
0x35: {  	[tilespmem:s16], [sflag:$0x1] =	stream.indirect.gather [hbm4b:s4+s14], $0x80, s15, s14, $0xb8;
	[tilespmem:$0x1EC00] =	vst v63  }
0x36: {  	v31 =	vld [tilespmem:$0x40];
	_ =	sdelay $0x1  }
0x37: {  	v32 =	vld [tilespmem:$0x50];
	_ =	sdelay $0x1  }
0x38: {  	v33 =	vld [tilespmem:$0x60]  }
0x39: {  	v34 =	vand.u32 $0x3FFF, v31  }
0x3a: {  	v35 =	vld [tilespmem:$0x70];
	v0 =	vshra.s32 v31, $0xE;
	[tilespmem:$0x16880] =	vst v34  }
0x3b: {  	v36 =	vand.u32 $0x3FFF, v32;
	[tilespmem:$0x16A80] =	vst v0  }
0x3c: {  	v37 =	vshra.s32 v32, $0xE;
	[tilespmem:$0x16890] =	vst v36  }
0x3d: {  	v38 =	vand.u32 $0x3FFF, v33;
	[tilespmem:$0x16A90] =	vst v37  }
0x3e: {  	v39 =	vshra.s32 v33, $0xE;
	[tilespmem:$0x168A0] =	vst v38  }
0x3f: {  	v40 =	vand.u32 $0x3FFF, v35;
	[tilespmem:$0x16AA0] =	vst v39  }
0x40: {  	v41 =	vshra.s32 v35, $0xE;
	[tilespmem:$0x168B0] =	vst v40  }
0x41: {  	[tilespmem:$0x16AB0] =	vst v41  }
0x42: {  	[tilespmem:s18], [sflag:$0x2] =	stream.indirect.gather [hbm4b:s4+s14], $0x80, s17, s14, $0xb8;
	[tilespmem:$0x1EC00] =	vst v63  }
0x43: {  	v42 =	vld [tilespmem:$0x80];
	_ =	sdelay $0x1  }
0x44: {  	v43 =	vld [tilespmem:$0x90];
	_ =	sdelay $0x1  }
0x45: {  	v44 =	vld [tilespmem:$0xA0]  }
0x46: {  	v45 =	vand.u32 $0x3FFF, v42  }
0x47: {  	v46 =	vld [tilespmem:$0xB0];
	v0 =	vshra.s32 v42, $0xE;
	[tilespmem:$0x16900] =	vst v45  }
0x48: {  	v47 =	vand.u32 $0x3FFF, v43;
	[tilespmem:$0x16B00] =	vst v0  }
0x49: {  	v48 =	vshra.s32 v43, $0xE;
	[tilespmem:$0x16910] =	vst v47  }
0x4a: {  	v49 =	vand.u32 $0x3FFF, v44;
	[tilespmem:$0x16B10] =	vst v48  }
0x4b: {  	v50 =	vshra.s32 v44, $0xE;
	[tilespmem:$0x16920] =	vst v49  }
0x4c: {  	v51 =	vand.u32 $0x3FFF, v46;
	[tilespmem:$0x16B20] =	vst v50  }
0x4d: {  	v52 =	vshra.s32 v46, $0xE;
	[tilespmem:$0x16930] =	vst v51  }
0x4e: {  	[tilespmem:$0x16B30] =	vst v52  }
0x4f: {  	[tilespmem:s20], [sflag:$0x3] =	stream.indirect.gather [hbm4b:s4+s14], $0x80, s19, s14, $0xb8;
	[tilespmem:$0x1EC00] =	vst v63  }
0x50: {  	v53 =	vld [tilespmem:$0xC0];
	_ =	sdelay $0x1  }
0x51: {  	v54 =	vld [tilespmem:$0xD0];
	_ =	sdelay $0x1  }
0x52: {  	v55 =	vld [tilespmem:$0xE0]  }
0x53: {  	v56 =	vand.u32 $0x3FFF, v53  }
0x54: {  	v57 =	vld [tilespmem:$0xF0];
	v0 =	vshra.s32 v53, $0xE;
	[tilespmem:$0x16980] =	vst v56  }
0x55: {  	v58 =	vand.u32 $0x3FFF, v54;
	[tilespmem:$0x16B80] =	vst v0  }
0x56: {  	v59 =	vshra.s32 v54, $0xE;
	[tilespmem:$0x16990] =	vst v58  }
0x57: {  	v60 =	vand.u32 $0x3FFF, v55;
	[tilespmem:$0x16B90] =	vst v59  }
0x58: {  	v61 =	vshra.s32 v55, $0xE;
	[tilespmem:$0x169A0] =	vst v60  }
0x59: {  	v62 =	vand.u32 $0x3FFF, v57;
	[tilespmem:$0x16BA0] =	vst v61  }
0x5a: {  	v63 =	vshra.s32 v57, $0xE;
	[tilespmem:$0x169B0] =	vst v62  }
0x5b: {  	[tilespmem:$0x16BB0] =	vst v63  }
0x5c: {  	[tilespmem:s22], [sflag:$0x4] =	stream.indirect.gather [hbm4b:s4+s14], $0x80, s21, s14, $0xb8;
	[tilespmem:$0x1EC00] =	vst v63  }
0x5d: {  	s31 =	simm.s32 $0x1C0;
	s0 =	simm.s32 $0x1C0;
	[bflag:$0x0] =	sbarrier.arrive $0xFFFF  }
.LBB2_2:
0x5e: {  	_ =	swait.ge [sflag:s23], $0x2000  }
0x5f: {  	[sflag:s23] =	ssyncset.done $0x0  }
0x60: {  	[sflag:s23] =	ssyncadd.s32 $0xFFFFE000  }
0x61: {  	[spmem:s1] =	stream.indirect.scatter.add.f32 [tilespmem:s16], [sflag:$0x5], $0x80, s24, s14, $0xb8;
	[tilespmem:$0x1EC00] =	vst v63  }
0x62: {  	_ =	swait.ge [sflag:s11], $0x2000  }
0x63: {  	p0 =	seq.s32 s0, $0x28C0;
	[sflag:s11] =	ssyncset.done $0x0  }
0x64: {  	s2 =	simm.s32 @p0 $0x2;
	[sflag:s11] =	ssyncadd.s32 $0xFFFFE000  }
0x65: {  	_ =	swait.ge @p0 [sflag:s2], $0x2000  }
0x66: {  	s3 =	simm.s32 @p0 $0x16A80;
	[sflag:s2] =	ssyncset.done @p0 $0x0  }
0x67: {  	s12 =	simm.s32 @p0 $0x18C00;
	[sflag:s2] =	ssyncadd.s32 @p0 $0xFFFFE000;
	s2 =	simm.s32 @p0 $0x40  }
0x68: {  	[spmem:s1] =	stream.indirect.scatter.add.f32 @p0 [tilespmem:s12], [sflag:$0x5], $0x80, s3, s2, $0xb8;
	[tilespmem:$0x1EC00] =	vst v63  }
0x69: {  	s2 =	simm.s32 @p0 $0x5  }
0x6a: {  	_ =	swait.ge @p0 [sflag:s2], $0x2000  }
0x6b: {  	[sflag:s2] =	ssyncset.done @p0 $0x0  }
0x6c: {  	[sflag:s2] =	ssyncadd.s32 @p0 $0xFFFFE000  }
0x6d: {  	v0 =	vld @!p0 [tilespmem:s31+$0xFFFFFF40];
	_ =	sdelay $0x4  }
0x6e: {  	v1 =	vand.u32 @!p0 $0x3FFF, v0  }
0x6f: {  	v0 =	vshra.s32 @!p0 v0, $0xE;
	[tilespmem:$0x16800] =	vst @!p0 v1  }
0x70: {  	[tilespmem:$0x16A00] =	vst @!p0 v0  }
0x71: {  	v0 =	vld @!p0 [tilespmem:s31+$0xFFFFFF50];
	_ =	sdelay $0x4  }
0x72: {  	v1 =	vand.u32 @!p0 $0x3FFF, v0  }
0x73: {  	v0 =	vshra.s32 @!p0 v0, $0xE;
	[tilespmem:$0x16810] =	vst @!p0 v1  }
0x74: {  	[tilespmem:$0x16A10] =	vst @!p0 v0  }
0x75: {  	v0 =	vld @!p0 [tilespmem:s31+$0xFFFFFF60];
	_ =	sdelay $0x4  }
0x76: {  	v1 =	vand.u32 @!p0 $0x3FFF, v0  }
0x77: {  	v0 =	vshra.s32 @!p0 v0, $0xE;
	[tilespmem:$0x16820] =	vst @!p0 v1  }
0x78: {  	[tilespmem:$0x16A20] =	vst @!p0 v0  }
0x79: {  	v0 =	vld @!p0 [tilespmem:s31+$0xFFFFFF70];
	_ =	sdelay $0x4  }
0x7a: {  	v1 =	vand.u32 @!p0 $0x3FFF, v0  }
0x7b: {  	v0 =	vshra.s32 @!p0 v0, $0xE;
	[tilespmem:$0x16830] =	vst @!p0 v1  }
0x7c: {  	s3 =	simm.s32 @!p0 $0x16800;
	s12 =	simm.s32 @!p0 $0x16C00;
	s2 =	simm.s32 @!p0 $0x40;
	[tilespmem:$0x16A30] =	vst @!p0 v0  }
0x7d: {  	[tilespmem:s12], [sflag:$0x1] =	stream.indirect.gather @!p0 [hbm4b:s4+s2], $0x80, s3, s2, $0xb8;
	[tilespmem:$0x1EC00] =	vst v63  }
0x7e: {  	s3 =	simm.s32 @!p0 $0x2  }
0x7f: {  	_ =	swait.ge @!p0 [sflag:s3], $0x2000  }
0x80: {  	[sflag:s3] =	ssyncset.done @!p0 $0x0  }
0x81: {  	s12 =	simm.s32 @!p0 $0x18C00;
	[sflag:s3] =	ssyncadd.s32 @!p0 $0xFFFFE000;
	s3 =	simm.s32 @!p0 $0x16A80  }
0x82: {  	[spmem:s1] =	stream.indirect.scatter.add.f32 @!p0 [tilespmem:s12], [sflag:$0x5], $0x80, s3, s2, $0xb8;
	[tilespmem:$0x1EC00] =	vst v63  }
0x83: {  	s3 =	simm.s32 @!p0 $0x5  }
0x84: {  	_ =	swait.ge @!p0 [sflag:s3], $0x2000  }
0x85: {  	[sflag:s3] =	ssyncset.done @!p0 $0x0  }
0x86: {  	[sflag:s3] =	ssyncadd.s32 @!p0 $0xFFFFE000  }
0x87: {  	v0 =	vld @!p0 [tilespmem:s31+$0xFFFFFF80];
	_ =	sdelay $0x4  }
0x88: {  	v1 =	vand.u32 @!p0 $0x3FFF, v0  }
0x89: {  	s3 =	sadd.s32 @!p0 $0xFFFFFF80, s0;
	v0 =	vshra.s32 @!p0 v0, $0xE;
	[tilespmem:$0x16880] =	vst @!p0 v1  }
0x8a: {  	s13 =	sor.u32 @!p0 $0x50, s3;
	[tilespmem:$0x16A80] =	vst @!p0 v0  }
0x8b: {  	v0 =	vld @!p0 [tilespmem:s13+$0x0];
	_ =	sdelay $0x4  }
0x8c: {  	v1 =	vand.u32 @!p0 $0x3FFF, v0  }
0x8d: {  	v0 =	vshra.s32 @!p0 v0, $0xE;
	[tilespmem:$0x16890] =	vst @!p0 v1  }
0x8e: {  	s13 =	sor.u32 @!p0 $0x60, s3;
	[tilespmem:$0x16A90] =	vst @!p0 v0  }
0x8f: {  	v0 =	vld @!p0 [tilespmem:s13+$0x0];
	_ =	sdelay $0x4  }
0x90: {  	v1 =	vand.u32 @!p0 $0x3FFF, v0  }
0x91: {  	v0 =	vshra.s32 @!p0 v0, $0xE;
	[tilespmem:$0x168A0] =	vst @!p0 v1  }
0x92: {  	s3 =	sor.u32 @!p0 $0x70, s3;
	[tilespmem:$0x16AA0] =	vst @!p0 v0  }
0x93: {  	v0 =	vld @!p0 [tilespmem:s3+$0x0];
	_ =	sdelay $0x4  }
0x94: {  	v1 =	vand.u32 @!p0 $0x3FFF, v0  }
0x95: {  	v0 =	vshra.s32 @!p0 v0, $0xE;
	[tilespmem:$0x168B0] =	vst @!p0 v1  }
0x96: {  	s3 =	simm.s32 @!p0 $0x16880;
	[tilespmem:$0x16AB0] =	vst @!p0 v0  }
0x97: {  	[tilespmem:s12], [sflag:$0x2] =	stream.indirect.gather @!p0 [hbm4b:s4+s2], $0x80, s3, s2, $0xb8;
	[tilespmem:$0x1EC00] =	vst v63  }
0x98: {  	_ =	swait.ge [sflag:s25], $0x2000  }
0x99: {  	[sflag:s25] =	ssyncset.done $0x0  }
.Ltmp2:
0x9a: {  	[sflag:s25] =	ssyncadd.s32 $0xFFFFE000;
	(pc) =	sbr.rel @p0 .LBB2_4-.Ltmp2, $4  }
0x9b: {  	[spmem:s1] =	stream.indirect.scatter.add.f32 [tilespmem:s20], [sflag:$0x5], $0x80, s26, s14, $0xb8;
	[tilespmem:$0x1EC00] =	vst v63  }
0x9c: {  	_ =	swait.ge [sflag:s11], $0x2000  }
0x9d: {  	[sflag:s11] =	ssyncset.done $0x0  }
0x9e: {  	[sflag:s11] =	ssyncadd.s32 $0xFFFFE000  }
0x9f: {  	v0 =	vld [tilespmem:s31+$0xFFFFFFC0];
	_ =	sdelay $0x4  }
0xa0: {  	v1 =	vand.u32 $0x3FFF, v0  }
0xa1: {  	v0 =	vshra.s32 v0, $0xE;
	[tilespmem:$0x16900] =	vst v1  }
0xa2: {  	[tilespmem:$0x16B00] =	vst v0  }
0xa3: {  	v0 =	vld [tilespmem:s31+$0xFFFFFFD0];
	_ =	sdelay $0x4  }
0xa4: {  	v56 =	vand.u32 $0x3FFF, v0  }
0xa5: {  	v0 =	vshra.s32 v0, $0xE;
	[tilespmem:$0x16910] =	vst v56  }
0xa6: {  	[tilespmem:$0x16B10] =	vst v0  }
0xa7: {  	v0 =	vld [tilespmem:s31+$0xFFFFFFE0];
	_ =	sdelay $0x4  }
0xa8: {  	v57 =	vand.u32 $0x3FFF, v0  }
0xa9: {  	v0 =	vshra.s32 v0, $0xE;
	[tilespmem:$0x16920] =	vst v57  }
0xaa: {  	[tilespmem:$0x16B20] =	vst v0  }
0xab: {  	v0 =	vld [tilespmem:s31+$0xFFFFFFF0];
	_ =	sdelay $0x4  }
0xac: {  	v58 =	vand.u32 $0x3FFF, v0  }
0xad: {  	v0 =	vshra.s32 v0, $0xE;
	[tilespmem:$0x16930] =	vst v58  }
0xae: {  	[tilespmem:$0x16B30] =	vst v0  }
0xaf: {  	[tilespmem:s20], [sflag:$0x3] =	stream.indirect.gather [hbm4b:s4+s14], $0x80, s19, s14, $0xb8;
	[tilespmem:$0x1EC00] =	vst v63  }
0xb0: {  	_ =	swait.ge [sflag:s28], $0x2000  }
0xb1: {  	[sflag:s28] =	ssyncset.done $0x0  }
0xb2: {  	[sflag:s28] =	ssyncadd.s32 $0xFFFFE000  }
0xb3: {  	[spmem:s1] =	stream.indirect.scatter.add.f32 [tilespmem:s22], [sflag:$0x5], $0x80, s29, s14, $0xb8;
	[tilespmem:$0x1EC00] =	vst v63  }
0xb4: {  	_ =	swait.ge [sflag:s11], $0x2000  }
0xb5: {  	[sflag:s11] =	ssyncset.done $0x0  }
0xb6: {  	[sflag:s11] =	ssyncadd.s32 $0xFFFFE000  }
0xb7: {  	v59 =	vld [tilespmem:s31+$0x0];
	_ =	sdelay $0x4  }
0xb8: {  	v60 =	vand.u32 $0x3FFF, v59  }
0xb9: {  	v0 =	vshra.s32 v59, $0xE;
	[tilespmem:$0x16980] =	vst v60  }
0xba: {  	s2 =	sor.u32 $0x50, s0;
	[tilespmem:$0x16B80] =	vst v0  }
0xbb: {  	v0 =	vld [tilespmem:s2+$0x0];
	_ =	sdelay $0x4  }
0xbc: {  	v61 =	vand.u32 $0x3FFF, v0  }
0xbd: {  	v0 =	vshra.s32 v0, $0xE;
	[tilespmem:$0x16990] =	vst v61  }
0xbe: {  	s12 =	sor.u32 $0x60, s0;
	[tilespmem:$0x16B90] =	vst v0  }
0xbf: {  	v0 =	vld [tilespmem:s12+$0x0];
	_ =	sdelay $0x4  }
0xc0: {  	v62 =	vand.u32 $0x3FFF, v0  }
0xc1: {  	v0 =	vshra.s32 v0, $0xE;
	[tilespmem:$0x169A0] =	vst v62  }
0xc2: {  	s13 =	sor.u32 $0x70, s0;
	[tilespmem:$0x16BA0] =	vst v0  }
0xc3: {  	v0 =	vld [tilespmem:s13+$0x0];
	_ =	sdelay $0x3  }
.Ltmp3:
0xc4: {  	_ = 	snop;
	(pc) =	sbr.rel .LBB2_2-.Ltmp3, $4  }
0xc5: {  	v63 =	vand.u32 $0x3FFF, v0  }
0xc6: {  	v0 =	vshra.s32 v0, $0xE;
	[tilespmem:$0x169B0] =	vst v63  }
0xc7: {  	s0 =	sadd.s32 $0x100, s0;
	s31 =	sadd.s32 $0x100, s31;
	[tilespmem:$0x16BB0] =	vst v0  }
0xc8: {  	[tilespmem:s22], [sflag:$0x4] =	stream.indirect.gather [hbm4b:s4+s14], $0x80, s21, s14, $0xb8;
	[tilespmem:$0x1EC00] =	vst v63  }
.LBB2_5:
0xc9: {  	_ =	sfence.sel $0x180000  }
0xca: {  	[bflag:$0x0] =	sbarrier.arrive $0xFFFF  }
0xcb: {  	_ =	strace $0x9000004D  }
0xcc: {  	s0 =	stileid.u32;
	[bflag:$0x2] =	sbarrier.arrive $0xFFFF  }
0xcd: {  	p0 =	sne.s32 s0, $0x0;
	s0 =	rddreg [dreg:$0x3]  }
0xce: {  	s0 =	sadd.s32 @!p0 $0x100000, s0  }
0xcf: {  	[sflag:s0] =	ssyncadd.tile.s32 @!p0 $0x1;
	_ =	shalt  }
.Lfunc_end2:
_tile_overlayer_lowered:
.L_overlay_start_2:
0xd0: {  	(tag) =	ssettag $0x2  }
0xd1: {  	s0 =	rddreg [dreg:$0x0];
	s2 =	stileid.u32  }
0xd2: {  	s1 =	rddreg [dreg:$0x1];
	p0 =	sne.s32 s2, $0x0  }
0xd3: {  	s3 =	rddreg [dreg:$0x2];
	[bflag:$0x3] =	sbarrier.arrive $0xFFFF;
	s2 =	simm.s32 @!p0 $0x1C05  }
0xd4: {  	[timem:s3], [sflag:s2] =	dma.local @!p0 [hbm:s0], s1  }
0xd5: {  	s0 =	simm.s32 @!p0 $0x5  }
0xd6: {  	_ =	swait.ge @!p0 [sflag:s0], s1  }
0xd7: {  	s1 =	ssub.s32 @!p0 $0x0, s1;
	[sflag:s0] =	ssyncset.done @!p0 $0x0  }
0xd8: {  	[sflag:s0] =	ssyncadd.s32 @!p0 s1  }
0xd9: {  	[bflag:$0x3] =	sbarrier.arrive $0xFFFF  }
0xda: {  	_ =	shalt  }

// kernel: kernel.19.cloned.1.call-start
scs
__scs_entry_jumppad:
0x0: {  	(pc) =	sbr.rel $0x88, $3  }
0x1: {  	(tag) =	ssettag $0x0;
	lr =	simm.s32 $0x1  }
0x2: {  	[smem:$0x3F94] =	sst lr;
	_ =	strace $0xD0000000  }
0x3: {  	_ = 	snop  }
0x4: {  	_ = 	snop  }
0x5: {  	_ = 	snop  }
0x6: {  	_ = 	snop  }
0x7: {  	_ = 	snop  }
__scs_overlays_trampoline_lowered:
0x8: {  	[smem:$0x3FA3] =	sst s0  }
0x9: {  	[smem:$0x3FA4] =	sst s1  }
0xa: {  	[smem:$0x3FA5] =	sst s2  }
0xb: {  	[smem:$0x3FA6] =	sst s3  }
0xc: {  	[smem:$0x3FA7] =	sst s4  }
0xd: {  	[smem:$0x3FA8] =	sst s5  }
0xe: {  	[smem:$0x3FA9] =	sst s6  }
0xf: {  	[smem:$0x3FAA] =	sst s7  }
0x10: {  	[smem:$0x3FAB] =	sst s8  }
0x11: {  	[smem:$0x3FAC] =	sst s9;
	s0 =	simm.s32 @!p0 $0x0  }
0x12: {  	s1 =	sld [smem:$0x3F92];
	s0 =	simm.s32 @p0 $0x1  }
0x13: {  	[smem:$0x3FAD] =	sst s0;
	s0 =	simm.s32 @!p1 $0x0  }
0x14: {  	s2 =	sld [smem:$0x3F91];
	s0 =	simm.s32 @p1 $0x1  }
0x15: {  	[smem:$0x3FAE] =	sst s0;
	s0 =	simm.s32 @!p2 $0x0  }
0x16: {  	s3 =	sld [smem:$0x3FDB];
	s0 =	simm.s32 @p2 $0x1  }
0x17: {  	s4 =	simm.s32 $0x1BF5;
	[smem:$0x3FB0] =	sst s0  }
0x18: {  	s0 =	sld [smem:$0x3F93];
	_ =	swait.ge [sflag:s4], $0x0  }
0x19: {  	s7 =	sld [smem:$0x3F94]  }
0x1a: {  	s8 =	sadd.s32 $0xFFFFE003, lr  }
0x1b: {  	s9 =	sadd.s32 $0xFFFFFEF7, lr;
	s5 =	simm.s32 $0xFFFFFFFF;
	p2 =	slt.u32 s8, $0xFFFFF086  }
0x1c: {  	p1 =	slt.u32 s9, $0xF7A;
	s5 =	simm.s32 @!p2 $0x0  }
0x1d: {  	s5 =	simm.s32 @p1 $0x1;
	p0 =	seq.s32 s7, s2  }
0x1e: {  	s7 =	smul.u32 @!p0 $0xF7A, s2;
	p2 =	seq.s32 @!p0 s5, $0x0  }
0x1f: {  	s9 =	smul.u32 $0xF7A, s1;
	s8 =	simm.s32 @!p0 $0x1BF5;
	p2 =	por !p2, p0  }
0x20: {  	[sflag:s8] =	ssyncset.s32 @!p0 $0xFFFFF086;
	s6 =	sadd.s32 @!p0 s3, s7;
	s7 =	simm.s32 @!p0 $0x108  }
0x21: {  	s3 =	sadd.s32 s3, s9;
	s6 =	sadd.s32 @!p0 $0x88, s6;
	s7 =	simm.s32 @p2 $0x1082  }
0x22: {  	[simem:s7], [sflag:s8] =	dma.local @!p0 [hbm:s6], $0xF7A  }
0x23: {  	s9 =	sor.u32 $0xD0000000, s2;
	s6 =	simm.s32 $0x108;
	_ =	swait.ge @!p0 [sflag:s8], $0x0  }
0x24: {  	s3 =	sadd.s32 $0x88, s3;
	s6 =	simm.s32 @!p1 $0x1082;
	[sflag:s4] =	ssyncset.s32 $0xFFFFF086  }
0x25: {  	[simem:s6], [sflag:s4] =	dma.local [hbm:s3], $0xF7A  }
0x26: {  	[smem:$0x3F94] =	sst s1;
	(tag) =	ssettag s2;
	_ =	strace s9  }
0x27: {  	s1 =	sld [smem:$0x3FA4]  }
0x28: {  	s2 =	sld [smem:$0x3FA5]  }
0x29: {  	s4 =	sld [smem:$0x3FA7]  }
0x2a: {  	p0 =	seq.s32 s5, $0x0;
	s5 =	sld [smem:$0x3FA8]  }
0x2b: {  	s6 =	sld [smem:$0x3FA9]  }
0x2c: {  	s7 =	sld [smem:$0x3FAA]  }
0x2d: {  	s3 =	simm.s32 $0x108;
	s8 =	sld [smem:$0x3FAB]  }
0x2e: {  	s3 =	simm.s32 @!p0 $0x1082;
	s9 =	sld [smem:$0x3FAC]  }
0x2f: {  	lr =	sadd.s32 s0, s3;
	s0 =	sld [smem:$0x3FA3]  }
0x30: {  	s3 =	sld [smem:$0x3FA6]  }
0x31: {  	[smem:$0x3FAF] =	sst s10  }
0x32: {  	s10 =	sld [smem:$0x3FAD];
	_ =	sdelay $0x3  }
0x33: {  	p0 =	seq.s32 s10, $0x1;
	s10 =	sld [smem:$0x3FAF];
	_ =	sdelay $0x3  }
0x34: {  	[smem:$0x3FAF] =	sst s10  }
0x35: {  	s10 =	sld [smem:$0x3FAE];
	_ =	sdelay $0x3  }
0x36: {  	p1 =	seq.s32 s10, $0x1;
	s10 =	sld [smem:$0x3FAF];
	_ =	sdelay $0x3  }
0x37: {  	[smem:$0x3FAF] =	sst s10  }
0x38: {  	s10 =	sld [smem:$0x3FB0]  }
0x39: {  	_ = 	snop;
	(pc) =	sbr.ind lr, $3  }
0x3a: {  	_ = 	snop  }
0x3b: {  	_ = 	snop  }
0x3c: {  	p2 =	seq.s32 s10, $0x1;
	s10 =	sld [smem:$0x3FAF]  }
0x3d: {  	_ =	shalt  }
0x3e: {  	_ =	shalt  }
0x3f: {  	_ =	shalt  }
0x40: {  	_ =	shalt  }
0x41: {  	_ =	shalt  }
0x42: {  	_ =	shalt  }
0x43: {  	_ =	shalt  }
0x44: {  	_ =	shalt  }
0x45: {  	_ =	shalt  }
0x46: {  	_ =	shalt  }
0x47: {  	_ =	shalt  }
0x48: {  	_ =	shalt  }
0x49: {  	_ =	shalt  }
0x4a: {  	_ =	shalt  }
0x4b: {  	_ =	shalt  }
0x4c: {  	_ =	shalt  }
0x4d: {  	_ =	shalt  }
0x4e: {  	_ =	shalt  }
0x4f: {  	_ =	shalt  }
0x50: {  	_ =	shalt  }
0x51: {  	_ =	shalt  }
0x52: {  	_ =	shalt  }
0x53: {  	_ =	shalt  }
0x54: {  	_ =	shalt  }
0x55: {  	_ =	shalt  }
0x56: {  	_ =	shalt  }
0x57: {  	_ =	shalt  }
0x58: {  	_ =	shalt  }
0x59: {  	_ =	shalt  }
0x5a: {  	_ =	shalt  }
0x5b: {  	_ =	shalt  }
0x5c: {  	_ =	shalt  }
0x5d: {  	_ =	shalt  }
0x5e: {  	_ =	shalt  }
0x5f: {  	_ =	shalt  }
0x60: {  	_ =	shalt  }
0x61: {  	_ =	shalt  }
0x62: {  	_ =	shalt  }
0x63: {  	_ =	shalt  }
0x64: {  	_ =	shalt  }
0x65: {  	_ =	shalt  }
0x66: {  	_ =	shalt  }
0x67: {  	_ =	shalt  }
0x68: {  	_ =	shalt  }
0x69: {  	_ =	shalt  }
0x6a: {  	_ =	shalt  }
0x6b: {  	_ =	shalt  }
0x6c: {  	_ =	shalt  }
0x6d: {  	_ =	shalt  }
0x6e: {  	_ =	shalt  }
0x6f: {  	_ =	shalt  }
0x70: {  	_ =	shalt  }
0x71: {  	_ =	shalt  }
0x72: {  	_ =	shalt  }
0x73: {  	_ =	shalt  }
0x74: {  	_ =	shalt  }
0x75: {  	_ =	shalt  }
0x76: {  	_ =	shalt  }
0x77: {  	_ =	shalt  }
0x78: {  	_ =	shalt  }
0x79: {  	_ =	shalt  }
0x7a: {  	_ =	shalt  }
0x7b: {  	_ =	shalt  }
0x7c: {  	_ =	shalt  }
0x7d: {  	_ =	shalt  }
0x7e: {  	_ =	shalt  }
0x7f: {  	_ =	shalt  }
0x80: {  	_ =	shalt  }
0x81: {  	_ =	shalt  }
0x82: {  	_ =	shalt  }
0x83: {  	_ =	shalt  }
0x84: {  	_ =	shalt  }
0x85: {  	_ =	shalt  }
0x86: {  	_ =	shalt  }
0x87: {  	_ =	shalt  }
.Lfunc_end0:
.L_simem_size_0:
called_computation.3_lowered:
.L_overlay_start_0:
0x88: {  	s2 =	sld [smem:$0x3FD9]  }
0x89: {  	s3 =	sld [smem:$0x3FFE];
	_ =	sdelay $0x1  }
0x8a: {  	s1 =	srdreg.scid  }
0x8b: {  	s0 =	sand.u32 $0x1, s1  }
0x8c: {  	s17 =	sshll.u32 s0, $0xA;
	s2 =	sadd.s32 s3, s2  }
0x8d: {  	s2 =	sadd.s32 s2, s17  }
0x8e: {  	[smem:$0x3FBB] =	sst s2  }
0x8f: {  	_ = 	snop  }
0x90: {  	s2 =	sld [smem:$0x3FD0];
	(tm) =	ssettm $0x1  }
0x91: {  	s18 =	sld [smem:$0x3FFB];
	_ =	sdelay $0x3  }
0x92: {  	_ =	strace s18  }
0x93: {  	s3 =	sld [smem:$0x3FFC];
	_ =	sdelay $0x3  }
0x94: {  	_ =	strace s3  }
0x95: {  	s3 =	sld [smem:$0x3FFD];
	_ =	sdelay $0x3  }
0x96: {  	_ =	strace s3  }
0x97: {  	_ =	strace $0x8FFFFFFF  }
0x98: {  	s19 =	sld [smem:$0x3FDB];
	_ =	sdelay $0x1  }
0x99: {  	s4 =	simm.s32 $_scs_section_size  }
0x9a: {  	s5 =	simm.s32 $_size__tile_overlayer_lowered;
	s6 =	simm.s32 $_tile_overlayer_lowered  }
0x9b: {  	s22 =	simm.s32 $0x1BFF;
	s21 =	sshll.u32 s6, $0x1;
	s3 =	sadd.s32 s4, s19  }
0x9c: {  	s7 =	simm.s32 $0x0;
	s20 =	sshll.u32 s5, $0x1;
	s5 =	sadd.s32 s21, s3  }
0x9d: {  	[timem:s7], [sflag:s22] =	dma.local [hbm:s5], s20  }
0x9e: {  	_ =	swait.ge [sflag:s22], s20  }
0x9f: {  	s4 =	ssub.s32 $0x0, s20;
	[sflag:s22] =	ssyncset.done $0x0  }
0xa0: {  	[sflag:s22] =	ssyncadd.s32 s4;
	_ =	sdelay $0x1  }
0xa1: {  	s23 =	simm.s32 $0x1B8B  }
0xa2: {  	_ =	swait.ge [sflag:s23], $0x1  }
0xa3: {  	[sflag:s23] =	ssyncset.done $0x0  }
0xa4: {  	s25 =	simm.s32 $0x1B8E;
	s24 =	sld [smem:$0x3FFE];
	[sflag:s23] =	ssyncadd.s32 $0xFFFFFFFF  }
0xa5: {  	s26 =	simm.s32 $execute0_lowered;
	[smem:$0x3FD2] =	sst s25  }
0xa6: {  	s5 =	sshll.u32 s26, $0x1;
	_ =	strace $0x8000004F;
	[dreg:$0x1] =	wrdreg $0xFFFFFFFF  }
0xa7: {  	s28 =	simm.s32 $_size_execute0_lowered;
	s3 =	sadd.s32 s3, s5;
	[dreg:$0x0] =	wrdreg $0x0  }
0xa8: {  	s5 =	sshll.u32 s28, $0x1;
	[dreg:$0x2] =	wrdreg s3  }
0xa9: {  	[dreg:$0x3] =	wrdreg s5  }
0xaa: {  	[dreg:$0x4] =	wrdreg $0xC0  }
0xab: {  	_ =	task [dreg:s7], $0x5FFFF  }
0xac: {  	[dreg:$0x1] =	wrdreg $0xFFFFFFFF  }
0xad: {  	[dreg:$0x0] =	wrdreg $0x60  }
0xae: {  	[dreg:$0x2] =	wrdreg s24  }
0xaf: {  	[dreg:$0x3] =	wrdreg s2  }
0xb0: {  	[dreg:$0x4] =	wrdreg $0x28000  }
0xb1: {  	[dreg:$0x5] =	wrdreg $0x9  }
0xb2: {  	_ =	task.clear_ibuf [dreg:s7], $0x6FFFF;
	_ =	strace $0x9000004F  }
0xb3: {  	s29 =	simm.s32 $0x9;
	_ =	strace $0x80000051  }
0xb4: {  	_ =	swait.ge [sflag:s29], $0x1  }
0xb5: {  	[sflag:s29] =	ssyncadd.s32 $0xFFFFFFFF  }
0xb6: {  	_ =	strace $0x90000051  }
0xb7: {  	_ =	sfence  }
0xb8: {  	s30 =	sld [smem:$0x0];
	_ =	sdelay $0x2  }
0xb9: {  	s31 =	sshll.u32 s1, $0xD;
	s1 =	sshrl.u32 s1, $0x2  }
0xba: {  	s3 =	sand.u32 $0x4000, s31;
	s1 =	sadd.s32 s1, s30  }
0xbb: {  	s0 =	sor.u32 s3, s0;
	s1 =	sshll.u32 s1, $0x11  }
0xbc: {  	s0 =	sor.u32 s1, s0  }
0xbd: {  	s0 =	sadd.s32 $0x8F2B, s0  }
0xbe: {  	[sflag:s0] =	ssyncadd.remote.s32 $0x1  }
0xbf: {  	_ =	sfence.sel $0xFFFF  }
0xc0: {  	[dreg:$0x0] =	wrdreg $0xFFFFFFFF;
	(pc) =	sbr.abs _section_cstart, $3  }
0xc1: {  	[dreg:$0x1] =	wrdreg $0xFFFFFFFF  }
0xc2: {  	_ =	task.clear_ibuf [dreg:s7], $0x2FFFF;
	_ =	strace $0x9FFFFFFF  }
0xc3: {  	(tm) =	ssettm $0x7FFFFFFF  }
tec
execute0_lowered:
.L_overlay_start_1:
0x0: {  	(tag) =	ssettag $0x1  }
0x1: {  	s0 =	rddreg [dreg:$0x0]  }
0x2: {  	s7 =	rddreg [dreg:$0x1]  }
0x3: {  	s1 =	rddreg [dreg:$0x2]  }
0x4: {  	s2 =	srdreg.scid;
	s3 =	simm.s32 $0x0;
	s21 =	stileid.u32  }
0x5: {  	s14 =	simm.s32 $0x40;
	s15 =	simm.s32 $0x16800;
	s16 =	simm.s32 $0x16C00  }
0x6: {  	s17 =	simm.s32 $0x16880;
	s18 =	simm.s32 $0x18C00;
	s19 =	simm.s32 $0x16900  }
0x7: {  	s20 =	simm.s32 $0x1AC00;
	s28 =	simm.s32 $0x4;
	s29 =	simm.s32 $0x16B80  }
0x8: {  	s30 =	simm.s32 $0x0;
	s6 =	sand.u32 $0x1, s2;
	[smem:$0x7FF] =	sst s3  }
0x9: {  	s9 =	smul.u32 $0x14000, s21;
	s4 =	sadd.s32 $0x5C00, s0;
	s5 =	sadd.s32 $0x3400, s0  }
0xa: {  	s23 =	smul.u32 $0x50000, s21;
	s11 =	sshll.u32 s21, $0x7;
	s31 =	sshll.u32 s21, $0x6  }
0xb: {  	s8 =	smul.u32 $0x140000, s6;
	_ =	strace $0x80000050;
	s10 =	sshll.u32 s6, $0x4  }
0xc: {  	s6 =	ssub.s32 $0x2, s6;
	s11 =	sand.u32 $0x380, s11;
	s22 =	sor.u32 s21, s10  }
0xd: {  	s24 =	sshrl.u32 s6, $0x1;
	s25 =	sshrl.u32 s23, $0x2;
	s21 =	simm.s32 $0x16980  }
0xe: {  	s23 =	simm.s32 $0x1;
	s8 =	sadd.s32 s9, s8;
	s9 =	sshrl.u32 s22, $0x3  }
0xf: {  	s12 =	ssub.s32 s6, s24;
	s10 =	sadd.s32 s25, s1;
	s9 =	smul.u32 $0x14000, s9  }
.Ltmp0:
0x10: {  	s6 =	sor.u32 $0x1C05, s31;
	s22 =	simm.s32 $0x1CC00;
	(pc) =	sbr.rel .LBB2_1-.Ltmp0, $4  }
0x11: {  	s24 =	simm.s32 $0x16A00;
	s25 =	simm.s32 $0x3;
	s8 =	sshrl.u32 s8, $0x3  }
0x12: {  	s10 =	sshrl.u32 s10, $0x3;
	s0 =	sadd.s32 s8, s0;
	s26 =	sor.u32 s11, s9  }
0x13: {  	s9 =	smax.u32 s12, $0x1;
	s11 =	simm.s32 $0x5;
	s8 =	sshrl.u32 s26, $0x3  }
0x14: {  	s26 =	simm.s32 $0x16B00;
	s7 =	sadd.s32 s7, s8;
	s8 =	sadd.s32 $0x2DC00, s0  }
.LBB2_4:
0x15: {  	_ =	swait.ge [sflag:s28], $0x2000  }
0x16: {  	[sflag:s28] =	ssyncset.done $0x0  }
0x17: {  	[sflag:s28] =	ssyncadd.s32 $0xFFFFE000  }
0x18: {  	[spmem:s1] =	stream.indirect.scatter.add.f32 [tilespmem:s22], [sflag:$0x5], $0x80, s29, s14, $0xb8;
	[tilespmem:$0x1EC00] =	vst v63  }
0x19: {  	_ =	swait.ge [sflag:s11], $0x2000  }
0x1a: {  	s30 =	sadd.s32 $0x1, s30;
	[sflag:s11] =	ssyncset.done $0x0  }
0x1b: {  	p0 =	sne.s32 s30, s9;
	[sflag:s11] =	ssyncadd.s32 $0xFFFFE000  }
.Ltmp1:
0x1c: {  	[bflag:$0x0] =	sbarrier.arrive $0xFFFF;
	(pc) =	sbr.rel @!p0 .LBB2_5-.Ltmp1, $4  }
0x1d: {  	[hbm:s8], [sflag:s6] =	dma.local [spmem:s10], $0x2800  }
0x1e: {  	_ =	swait.ge [sflag:s11], $0x2800  }
0x1f: {  	[sflag:s11] =	ssyncset.done $0x0  }
0x20: {  	[sflag:s11] =	ssyncadd.s32 $0xFFFFD800  }
.LBB2_1:
0x21: {  	[spmem:s10], [sflag:s6] =	dma.local [hbm:s5], $0x2800  }
0x22: {  	_ =	swait.ge [sflag:s11], $0x2800  }
0x23: {  	s0 =	simm.s32 $0x0;
	[sflag:s11] =	ssyncset.done $0x0  }
0x24: {  	s2 =	simm.s32 $0x80;
	s3 =	simm.s32 $0x400;
	[sflag:s11] =	ssyncadd.s32 $0xFFFFD800  }
0x25: {  	[tilespmem:s0], [sflag:$0x5] =	stream.strided.gather [hbm4b:s7+s2], $0x2800, s3, s2, $0x38;
	[tilespmem:$0x1EC00] =	vst v63  }
0x26: {  	_ =	swait.ge [sflag:s11], $0x2800  }
0x27: {  	[sflag:s11] =	ssyncset.done $0x0  }
0x28: {  	[sflag:s11] =	ssyncadd.s32 $0xFFFFD800  }
0x29: {  	v0 =	vld [tilespmem:$0x0];
	_ =	sdelay $0x1  }
0x2a: {  	v1 =	vld [tilespmem:$0x10];
	_ =	sdelay $0x1  }
0x2b: {  	v2 =	vld [tilespmem:$0x20]  }
0x2c: {  	v3 =	vand.u32 $0x3FFF, v0  }
0x2d: {  	v24 =	vld [tilespmem:$0x30];
	v0 =	vshra.s32 v0, $0xE;
	[tilespmem:$0x16800] =	vst v3  }
0x2e: {  	v25 =	vand.u32 $0x3FFF, v1;
	[tilespmem:$0x16A00] =	vst v0  }
0x2f: {  	v26 =	vshra.s32 v1, $0xE;
	[tilespmem:$0x16810] =	vst v25  }
0x30: {  	v27 =	vand.u32 $0x3FFF, v2;
	[tilespmem:$0x16A10] =	vst v26  }
0x31: {  	v28 =	vshra.s32 v2, $0xE;
	[tilespmem:$0x16820] =	vst v27  }
0x32: {  	v29 =	vand.u32 $0x3FFF, v24;
	[tilespmem:$0x16A20] =	vst v28  }
0x33: {  	v30 =	vshra.s32 v24, $0xE;
	[tilespmem:$0x16830] =	vst v29  }
0x34: {  	[tilespmem:$0x16A30] =	vst v30  }
0x35: {  	[tilespmem:s16], [sflag:$0x1] =	stream.indirect.gather [hbm4b:s4+s14], $0x80, s15, s14, $0xb8;
	[tilespmem:$0x1EC00] =	vst v63  }
0x36: {  	v31 =	vld [tilespmem:$0x40];
	_ =	sdelay $0x1  }
0x37: {  	v32 =	vld [tilespmem:$0x50];
	_ =	sdelay $0x1  }
0x38: {  	v33 =	vld [tilespmem:$0x60]  }
0x39: {  	v34 =	vand.u32 $0x3FFF, v31  }
0x3a: {  	v35 =	vld [tilespmem:$0x70];
	v0 =	vshra.s32 v31, $0xE;
	[tilespmem:$0x16880] =	vst v34  }
0x3b: {  	v36 =	vand.u32 $0x3FFF, v32;
	[tilespmem:$0x16A80] =	vst v0  }
0x3c: {  	v37 =	vshra.s32 v32, $0xE;
	[tilespmem:$0x16890] =	vst v36  }
0x3d: {  	v38 =	vand.u32 $0x3FFF, v33;
	[tilespmem:$0x16A90] =	vst v37  }
0x3e: {  	v39 =	vshra.s32 v33, $0xE;
	[tilespmem:$0x168A0] =	vst v38  }
0x3f: {  	v40 =	vand.u32 $0x3FFF, v35;
	[tilespmem:$0x16AA0] =	vst v39  }
0x40: {  	v41 =	vshra.s32 v35, $0xE;
	[tilespmem:$0x168B0] =	vst v40  }
0x41: {  	[tilespmem:$0x16AB0] =	vst v41  }
0x42: {  	[tilespmem:s18], [sflag:$0x2] =	stream.indirect.gather [hbm4b:s4+s14], $0x80, s17, s14, $0xb8;
	[tilespmem:$0x1EC00] =	vst v63  }
0x43: {  	v42 =	vld [tilespmem:$0x80];
	_ =	sdelay $0x1  }
0x44: {  	v43 =	vld [tilespmem:$0x90];
	_ =	sdelay $0x1  }
0x45: {  	v44 =	vld [tilespmem:$0xA0]  }
0x46: {  	v45 =	vand.u32 $0x3FFF, v42  }
0x47: {  	v46 =	vld [tilespmem:$0xB0];
	v0 =	vshra.s32 v42, $0xE;
	[tilespmem:$0x16900] =	vst v45  }
0x48: {  	v47 =	vand.u32 $0x3FFF, v43;
	[tilespmem:$0x16B00] =	vst v0  }
0x49: {  	v48 =	vshra.s32 v43, $0xE;
	[tilespmem:$0x16910] =	vst v47  }
0x4a: {  	v49 =	vand.u32 $0x3FFF, v44;
	[tilespmem:$0x16B10] =	vst v48  }
0x4b: {  	v50 =	vshra.s32 v44, $0xE;
	[tilespmem:$0x16920] =	vst v49  }
0x4c: {  	v51 =	vand.u32 $0x3FFF, v46;
	[tilespmem:$0x16B20] =	vst v50  }
0x4d: {  	v52 =	vshra.s32 v46, $0xE;
	[tilespmem:$0x16930] =	vst v51  }
0x4e: {  	[tilespmem:$0x16B30] =	vst v52  }
0x4f: {  	[tilespmem:s20], [sflag:$0x3] =	stream.indirect.gather [hbm4b:s4+s14], $0x80, s19, s14, $0xb8;
	[tilespmem:$0x1EC00] =	vst v63  }
0x50: {  	v53 =	vld [tilespmem:$0xC0];
	_ =	sdelay $0x1  }
0x51: {  	v54 =	vld [tilespmem:$0xD0];
	_ =	sdelay $0x1  }
0x52: {  	v55 =	vld [tilespmem:$0xE0]  }
0x53: {  	v56 =	vand.u32 $0x3FFF, v53  }
0x54: {  	v57 =	vld [tilespmem:$0xF0];
	v0 =	vshra.s32 v53, $0xE;
	[tilespmem:$0x16980] =	vst v56  }
0x55: {  	v58 =	vand.u32 $0x3FFF, v54;
	[tilespmem:$0x16B80] =	vst v0  }
0x56: {  	v59 =	vshra.s32 v54, $0xE;
	[tilespmem:$0x16990] =	vst v58  }
0x57: {  	v60 =	vand.u32 $0x3FFF, v55;
	[tilespmem:$0x16B90] =	vst v59  }
0x58: {  	v61 =	vshra.s32 v55, $0xE;
	[tilespmem:$0x169A0] =	vst v60  }
0x59: {  	v62 =	vand.u32 $0x3FFF, v57;
	[tilespmem:$0x16BA0] =	vst v61  }
0x5a: {  	v63 =	vshra.s32 v57, $0xE;
	[tilespmem:$0x169B0] =	vst v62  }
0x5b: {  	[tilespmem:$0x16BB0] =	vst v63  }
0x5c: {  	[tilespmem:s22], [sflag:$0x4] =	stream.indirect.gather [hbm4b:s4+s14], $0x80, s21, s14, $0xb8;
	[tilespmem:$0x1EC00] =	vst v63  }
0x5d: {  	s31 =	simm.s32 $0x1C0;
	s0 =	simm.s32 $0x1C0;
	[bflag:$0x0] =	sbarrier.arrive $0xFFFF  }
.LBB2_2:
0x5e: {  	_ =	swait.ge [sflag:s23], $0x2000  }
0x5f: {  	[sflag:s23] =	ssyncset.done $0x0  }
0x60: {  	[sflag:s23] =	ssyncadd.s32 $0xFFFFE000  }
0x61: {  	[spmem:s1] =	stream.indirect.scatter.add.f32 [tilespmem:s16], [sflag:$0x5], $0x80, s24, s14, $0xb8;
	[tilespmem:$0x1EC00] =	vst v63  }
0x62: {  	_ =	swait.ge [sflag:s11], $0x2000  }
0x63: {  	p0 =	seq.s32 s0, $0x28C0;
	[sflag:s11] =	ssyncset.done $0x0  }
0x64: {  	s2 =	simm.s32 @p0 $0x2;
	[sflag:s11] =	ssyncadd.s32 $0xFFFFE000  }
0x65: {  	_ =	swait.ge @p0 [sflag:s2], $0x2000  }
0x66: {  	s3 =	simm.s32 @p0 $0x16A80;
	[sflag:s2] =	ssyncset.done @p0 $0x0  }
0x67: {  	s12 =	simm.s32 @p0 $0x18C00;
	[sflag:s2] =	ssyncadd.s32 @p0 $0xFFFFE000;
	s2 =	simm.s32 @p0 $0x40  }
0x68: {  	[spmem:s1] =	stream.indirect.scatter.add.f32 @p0 [tilespmem:s12], [sflag:$0x5], $0x80, s3, s2, $0xb8;
	[tilespmem:$0x1EC00] =	vst v63  }
0x69: {  	s2 =	simm.s32 @p0 $0x5  }
0x6a: {  	_ =	swait.ge @p0 [sflag:s2], $0x2000  }
0x6b: {  	[sflag:s2] =	ssyncset.done @p0 $0x0  }
0x6c: {  	[sflag:s2] =	ssyncadd.s32 @p0 $0xFFFFE000  }
0x6d: {  	v0 =	vld @!p0 [tilespmem:s31+$0xFFFFFF40];
	_ =	sdelay $0x4  }
0x6e: {  	v1 =	vand.u32 @!p0 $0x3FFF, v0  }
0x6f: {  	v0 =	vshra.s32 @!p0 v0, $0xE;
	[tilespmem:$0x16800] =	vst @!p0 v1  }
0x70: {  	[tilespmem:$0x16A00] =	vst @!p0 v0  }
0x71: {  	v0 =	vld @!p0 [tilespmem:s31+$0xFFFFFF50];
	_ =	sdelay $0x4  }
0x72: {  	v1 =	vand.u32 @!p0 $0x3FFF, v0  }
0x73: {  	v0 =	vshra.s32 @!p0 v0, $0xE;
	[tilespmem:$0x16810] =	vst @!p0 v1  }
0x74: {  	[tilespmem:$0x16A10] =	vst @!p0 v0  }
0x75: {  	v0 =	vld @!p0 [tilespmem:s31+$0xFFFFFF60];
	_ =	sdelay $0x4  }
0x76: {  	v1 =	vand.u32 @!p0 $0x3FFF, v0  }
0x77: {  	v0 =	vshra.s32 @!p0 v0, $0xE;
	[tilespmem:$0x16820] =	vst @!p0 v1  }
0x78: {  	[tilespmem:$0x16A20] =	vst @!p0 v0  }
0x79: {  	v0 =	vld @!p0 [tilespmem:s31+$0xFFFFFF70];
	_ =	sdelay $0x4  }
0x7a: {  	v1 =	vand.u32 @!p0 $0x3FFF, v0  }
0x7b: {  	v0 =	vshra.s32 @!p0 v0, $0xE;
	[tilespmem:$0x16830] =	vst @!p0 v1  }
0x7c: {  	s3 =	simm.s32 @!p0 $0x16800;
	s12 =	simm.s32 @!p0 $0x16C00;
	s2 =	simm.s32 @!p0 $0x40;
	[tilespmem:$0x16A30] =	vst @!p0 v0  }
0x7d: {  	[tilespmem:s12], [sflag:$0x1] =	stream.indirect.gather @!p0 [hbm4b:s4+s2], $0x80, s3, s2, $0xb8;
	[tilespmem:$0x1EC00] =	vst v63  }
0x7e: {  	s3 =	simm.s32 @!p0 $0x2  }
0x7f: {  	_ =	swait.ge @!p0 [sflag:s3], $0x2000  }
0x80: {  	[sflag:s3] =	ssyncset.done @!p0 $0x0  }
0x81: {  	s12 =	simm.s32 @!p0 $0x18C00;
	[sflag:s3] =	ssyncadd.s32 @!p0 $0xFFFFE000;
	s3 =	simm.s32 @!p0 $0x16A80  }
0x82: {  	[spmem:s1] =	stream.indirect.scatter.add.f32 @!p0 [tilespmem:s12], [sflag:$0x5], $0x80, s3, s2, $0xb8;
	[tilespmem:$0x1EC00] =	vst v63  }
0x83: {  	s3 =	simm.s32 @!p0 $0x5  }
0x84: {  	_ =	swait.ge @!p0 [sflag:s3], $0x2000  }
0x85: {  	[sflag:s3] =	ssyncset.done @!p0 $0x0  }
0x86: {  	[sflag:s3] =	ssyncadd.s32 @!p0 $0xFFFFE000  }
0x87: {  	v0 =	vld @!p0 [tilespmem:s31+$0xFFFFFF80];
	_ =	sdelay $0x4  }
0x88: {  	v1 =	vand.u32 @!p0 $0x3FFF, v0  }
0x89: {  	s3 =	sadd.s32 @!p0 $0xFFFFFF80, s0;
	v0 =	vshra.s32 @!p0 v0, $0xE;
	[tilespmem:$0x16880] =	vst @!p0 v1  }
0x8a: {  	s13 =	sor.u32 @!p0 $0x50, s3;
	[tilespmem:$0x16A80] =	vst @!p0 v0  }
0x8b: {  	v0 =	vld @!p0 [tilespmem:s13+$0x0];
	_ =	sdelay $0x4  }
0x8c: {  	v1 =	vand.u32 @!p0 $0x3FFF, v0  }
0x8d: {  	v0 =	vshra.s32 @!p0 v0, $0xE;
	[tilespmem:$0x16890] =	vst @!p0 v1  }
0x8e: {  	s13 =	sor.u32 @!p0 $0x60, s3;
	[tilespmem:$0x16A90] =	vst @!p0 v0  }
0x8f: {  	v0 =	vld @!p0 [tilespmem:s13+$0x0];
	_ =	sdelay $0x4  }
0x90: {  	v1 =	vand.u32 @!p0 $0x3FFF, v0  }
0x91: {  	v0 =	vshra.s32 @!p0 v0, $0xE;
	[tilespmem:$0x168A0] =	vst @!p0 v1  }
0x92: {  	s3 =	sor.u32 @!p0 $0x70, s3;
	[tilespmem:$0x16AA0] =	vst @!p0 v0  }
0x93: {  	v0 =	vld @!p0 [tilespmem:s3+$0x0];
	_ =	sdelay $0x4  }
0x94: {  	v1 =	vand.u32 @!p0 $0x3FFF, v0  }
0x95: {  	v0 =	vshra.s32 @!p0 v0, $0xE;
	[tilespmem:$0x168B0] =	vst @!p0 v1  }
0x96: {  	s3 =	simm.s32 @!p0 $0x16880;
	[tilespmem:$0x16AB0] =	vst @!p0 v0  }
0x97: {  	[tilespmem:s12], [sflag:$0x2] =	stream.indirect.gather @!p0 [hbm4b:s4+s2], $0x80, s3, s2, $0xb8;
	[tilespmem:$0x1EC00] =	vst v63  }
0x98: {  	_ =	swait.ge [sflag:s25], $0x2000  }
0x99: {  	[sflag:s25] =	ssyncset.done $0x0  }
.Ltmp2:
0x9a: {  	[sflag:s25] =	ssyncadd.s32 $0xFFFFE000;
	(pc) =	sbr.rel @p0 .LBB2_4-.Ltmp2, $4  }
0x9b: {  	[spmem:s1] =	stream.indirect.scatter.add.f32 [tilespmem:s20], [sflag:$0x5], $0x80, s26, s14, $0xb8;
	[tilespmem:$0x1EC00] =	vst v63  }
0x9c: {  	_ =	swait.ge [sflag:s11], $0x2000  }
0x9d: {  	[sflag:s11] =	ssyncset.done $0x0  }
0x9e: {  	[sflag:s11] =	ssyncadd.s32 $0xFFFFE000  }
0x9f: {  	v0 =	vld [tilespmem:s31+$0xFFFFFFC0];
	_ =	sdelay $0x4  }
0xa0: {  	v1 =	vand.u32 $0x3FFF, v0  }
0xa1: {  	v0 =	vshra.s32 v0, $0xE;
	[tilespmem:$0x16900] =	vst v1  }
0xa2: {  	[tilespmem:$0x16B00] =	vst v0  }
0xa3: {  	v0 =	vld [tilespmem:s31+$0xFFFFFFD0];
	_ =	sdelay $0x4  }
0xa4: {  	v56 =	vand.u32 $0x3FFF, v0  }
0xa5: {  	v0 =	vshra.s32 v0, $0xE;
	[tilespmem:$0x16910] =	vst v56  }
0xa6: {  	[tilespmem:$0x16B10] =	vst v0  }
0xa7: {  	v0 =	vld [tilespmem:s31+$0xFFFFFFE0];
	_ =	sdelay $0x4  }
0xa8: {  	v57 =	vand.u32 $0x3FFF, v0  }
0xa9: {  	v0 =	vshra.s32 v0, $0xE;
	[tilespmem:$0x16920] =	vst v57  }
0xaa: {  	[tilespmem:$0x16B20] =	vst v0  }
0xab: {  	v0 =	vld [tilespmem:s31+$0xFFFFFFF0];
	_ =	sdelay $0x4  }
0xac: {  	v58 =	vand.u32 $0x3FFF, v0  }
0xad: {  	v0 =	vshra.s32 v0, $0xE;
	[tilespmem:$0x16930] =	vst v58  }
0xae: {  	[tilespmem:$0x16B30] =	vst v0  }
0xaf: {  	[tilespmem:s20], [sflag:$0x3] =	stream.indirect.gather [hbm4b:s4+s14], $0x80, s19, s14, $0xb8;
	[tilespmem:$0x1EC00] =	vst v63  }
0xb0: {  	_ =	swait.ge [sflag:s28], $0x2000  }
0xb1: {  	[sflag:s28] =	ssyncset.done $0x0  }
0xb2: {  	[sflag:s28] =	ssyncadd.s32 $0xFFFFE000  }
0xb3: {  	[spmem:s1] =	stream.indirect.scatter.add.f32 [tilespmem:s22], [sflag:$0x5], $0x80, s29, s14, $0xb8;
	[tilespmem:$0x1EC00] =	vst v63  }
0xb4: {  	_ =	swait.ge [sflag:s11], $0x2000  }
0xb5: {  	[sflag:s11] =	ssyncset.done $0x0  }
0xb6: {  	[sflag:s11] =	ssyncadd.s32 $0xFFFFE000  }
0xb7: {  	v59 =	vld [tilespmem:s31+$0x0];
	_ =	sdelay $0x4  }
0xb8: {  	v60 =	vand.u32 $0x3FFF, v59  }
0xb9: {  	v0 =	vshra.s32 v59, $0xE;
	[tilespmem:$0x16980] =	vst v60  }
0xba: {  	s2 =	sor.u32 $0x50, s0;
	[tilespmem:$0x16B80] =	vst v0  }
0xbb: {  	v0 =	vld [tilespmem:s2+$0x0];
	_ =	sdelay $0x4  }
0xbc: {  	v61 =	vand.u32 $0x3FFF, v0  }
0xbd: {  	v0 =	vshra.s32 v0, $0xE;
	[tilespmem:$0x16990] =	vst v61  }
0xbe: {  	s12 =	sor.u32 $0x60, s0;
	[tilespmem:$0x16B90] =	vst v0  }
0xbf: {  	v0 =	vld [tilespmem:s12+$0x0];
	_ =	sdelay $0x4  }
0xc0: {  	v62 =	vand.u32 $0x3FFF, v0  }
0xc1: {  	v0 =	vshra.s32 v0, $0xE;
	[tilespmem:$0x169A0] =	vst v62  }
0xc2: {  	s13 =	sor.u32 $0x70, s0;
	[tilespmem:$0x16BA0] =	vst v0  }
0xc3: {  	v0 =	vld [tilespmem:s13+$0x0];
	_ =	sdelay $0x3  }
.Ltmp3:
0xc4: {  	_ = 	snop;
	(pc) =	sbr.rel .LBB2_2-.Ltmp3, $4  }
0xc5: {  	v63 =	vand.u32 $0x3FFF, v0  }
0xc6: {  	v0 =	vshra.s32 v0, $0xE;
	[tilespmem:$0x169B0] =	vst v63  }
0xc7: {  	s0 =	sadd.s32 $0x100, s0;
	s31 =	sadd.s32 $0x100, s31;
	[tilespmem:$0x16BB0] =	vst v0  }
0xc8: {  	[tilespmem:s22], [sflag:$0x4] =	stream.indirect.gather [hbm4b:s4+s14], $0x80, s21, s14, $0xb8;
	[tilespmem:$0x1EC00] =	vst v63  }
.LBB2_5:
0xc9: {  	_ =	sfence.sel $0x180000  }
0xca: {  	[bflag:$0x0] =	sbarrier.arrive $0xFFFF  }
0xcb: {  	_ =	strace $0x90000050  }
0xcc: {  	s0 =	stileid.u32;
	[bflag:$0x2] =	sbarrier.arrive $0xFFFF  }
0xcd: {  	p0 =	sne.s32 s0, $0x0;
	s0 =	rddreg [dreg:$0x3]  }
0xce: {  	s0 =	sadd.s32 @!p0 $0x100000, s0  }
0xcf: {  	[sflag:s0] =	ssyncadd.tile.s32 @!p0 $0x1;
	_ =	shalt  }
.Lfunc_end2:
_tile_overlayer_lowered:
.L_overlay_start_2:
0xd0: {  	(tag) =	ssettag $0x2  }
0xd1: {  	s0 =	rddreg [dreg:$0x0];
	s2 =	stileid.u32  }
0xd2: {  	s1 =	rddreg [dreg:$0x1];
	p0 =	sne.s32 s2, $0x0  }
0xd3: {  	s3 =	rddreg [dreg:$0x2];
	[bflag:$0x3] =	sbarrier.arrive $0xFFFF;
	s2 =	simm.s32 @!p0 $0x1C05  }
0xd4: {  	[timem:s3], [sflag:s2] =	dma.local @!p0 [hbm:s0], s1  }
0xd5: {  	s0 =	simm.s32 @!p0 $0x5  }
0xd6: {  	_ =	swait.ge @!p0 [sflag:s0], s1  }
0xd7: {  	s1 =	ssub.s32 @!p0 $0x0, s1;
	[sflag:s0] =	ssyncset.done @!p0 $0x0  }
0xd8: {  	[sflag:s0] =	ssyncadd.s32 @!p0 s1  }
0xd9: {  	[bflag:$0x3] =	sbarrier.arrive $0xFFFF  }
0xda: {  	_ =	shalt  }

</sc_bundles>
